<compile_context>
chip_gen: v7x
topology: tpu7x:2x2x1
jax: 0.10.2.dev20260603
libtpu: 0.0.44.dev20260713+nightly
codegen_flags: <defaults>
</compile_context>

<pallas_src>
import jax
import jax.numpy as jnp
from jax import lax
from jax.experimental import pallas as pl
from jax.experimental.pallas import tpu as pltpu
from jax.experimental.pallas import tpu_sc as plsc

B = 4096
L = 200
D = 64
N = B * L
NW = 32
CH = 100
ROWS_PER_W = N // NW
NCH = ROWS_PER_W // CH
K = 4
NG = NCH // K
NGH = NG // 2
LANES = 16
VECS_PER_ROW = D // LANES


def _body(x_hbm, tok_hbm, pos_hbm, out_hbm, idx_v, rows_v, pos_v,
          sg0, sg1, sw0, sw1):
    wid = lax.axis_index("s") * 2 + lax.axis_index("c")
    semg = (sg0, sg1)
    semw = (sw0, sw1)
    pltpu.sync_copy(x_hbm.at[pl.ds(wid * NCH, NCH)], idx_v)
    pltpu.sync_copy(pos_hbm, pos_v)

    def fire_gathers(g, p):
        for b in range(K):
            c = g * K + b
            pltpu.async_copy(tok_hbm.at[idx_v.at[c]], rows_v.at[p, b], semg[p])

    def drain_gathers(p):
        for b in range(K):
            pltpu.make_async_copy(
                tok_hbm.at[pl.ds(0, CH)], rows_v.at[p, b], semg[p]).wait()

    def add_pos(p, b):
        pbase = (b % 2) * (CH * D)

        def row(r, carry):
            for d in range(VECS_PER_ROW):
                pv = pos_v[pl.ds(pbase + r * D + d * LANES, LANES)]
                plsc.addupdate(rows_v.at[p, b, r, pl.ds(d * LANES, LANES)], pv)
            return carry

        lax.fori_loop(0, CH, row, 0, unroll=4)

    def process_group(g, p):
        base = wid * NCH + g * K
        for b in range(K):
            add_pos(p, b)
            pltpu.async_copy(rows_v.at[p, b], out_hbm.at[base + b], semw[p])

    def drain_writes(p):
        for b in range(K):
            pltpu.make_async_copy(
                rows_v.at[p, b], out_hbm.at[0], semw[p]).wait()

    fire_gathers(0, 0)

    def step(t, carry):
        @pl.when(t > 0)
        def _():
            drain_writes(1)

        fire_gathers(2 * t + 1, 1)
        drain_gathers(0)
        process_group(2 * t, 0)

        @pl.when(t < NGH - 1)
        def _():
            drain_writes(0)
            fire_gathers(2 * t + 2, 0)

        drain_gathers(1)
        process_group(2 * t + 1, 1)
        return carry

    lax.fori_loop(0, NGH, step, 0)
    drain_writes(0)
    drain_writes(1)


@jax.jit
def _embed(x2d, token_table, pos_flat):
    mesh = plsc.VectorSubcoreMesh(core_axis_name="c", subcore_axis_name="s")
    kfn = pl.kernel(
        _body,
        out_type=jax.ShapeDtypeStruct((N // CH, CH, D), jnp.float32),
        mesh=mesh,
        scratch_types=[
            pltpu.VMEM((NCH, CH), jnp.int32),
            pltpu.VMEM((2, K, CH, D), jnp.float32),
            pltpu.VMEM((L * D,), jnp.float32),
            pltpu.SemaphoreType.DMA,
            pltpu.SemaphoreType.DMA,
            pltpu.SemaphoreType.DMA,
            pltpu.SemaphoreType.DMA,
        ],
        compiler_params=pltpu.CompilerParams(use_tc_tiling_on_sc=False),
    )
    return kfn(x2d, token_table, pos_flat)


def kernel(x, token_table, pos_table):
    x2d = x.reshape(N // CH, CH).astype(jnp.int32)
    pos_flat = pos_table.reshape(L * D)
    out = _embed(x2d, token_table, pos_flat)
    return out.reshape(B, L, D)

# --- scband reference (transcript-rebuilt; emitter-appended) ---
"""Pipeline reference for scband-token-and-position-embedding-52587579572572 (READ-ONLY COPY).

The authoritative reference and input builder live on the scoring server;
editing this copy changes nothing except your own understanding.
"""

import jax, jax.numpy as jnp
import numpy as np

VOCAB = 1000000
MAXLEN = 200
EMBED_DIM = 64
BATCH = 4096

def setup_inputs(seed: int = 0) -> dict:
    key = jax.random.key(seed)
    k1, k2, k3 = jax.random.split(key, 3)
    x = jax.random.randint(k1, (BATCH, MAXLEN), 0, VOCAB, dtype=jnp.int64 if jax.config.jax_enable_x64 else jnp.int32)
    # nnx.Embed default init: normal(stddev=1) scaled variance; use normal scaled by 1/sqrt(dim) as a faithful stand-in for learned params
    token_table = jax.random.normal(k2, (VOCAB, EMBED_DIM), dtype=jnp.float32) * 0.02
    pos_table = jax.random.normal(k3, (MAXLEN, EMBED_DIM), dtype=jnp.float32) * 0.02
    return {"x": x, "token_table": token_table, "pos_table": pos_table}

def reference(x, token_table, pos_table):
    # token embedding: gather rows of token_table by x -> [B, L, D]
    tok = jnp.take(token_table, x, axis=0)
    # positional embedding: positions = arange(L)[None, :] -> gather -> [1, L, D]
    positions = jnp.arange(0, x.shape[1])[None, :]
    pos = jnp.take(pos_table, positions, axis=0)
    return tok + pos

if __name__ == "__main__":
    import jax
    _d = setup_inputs()
    print(jax.jit(kernel)(*tuple(_d.values())))

</pallas_src>

<mosaic_0001>
#map = affine_map<(d0, d1) -> (0, 0)>
#map1 = affine_map<(d0, d1) -> (0)>
#map2 = affine_map<(d0, d1) -> (0, 0, 0)>
module attributes {stable_mosaic.version = 14 : i64} {
  func.func @_body(%arg0: i32, %arg1: i32, %arg2: memref<8192x100xi32, #tpu.memory_space<hbm>>, %arg3: memref<1000000x64xf32, #tpu.memory_space<hbm>>, %arg4: memref<12800xf32, #tpu.memory_space<hbm>>, %arg5: memref<8192x100x64xf32, #tpu.memory_space<hbm>>, %arg6: memref<256x100xi32, #tpu.memory_space<vmem>>, %arg7: memref<2x4x100x64xf32, #tpu.memory_space<vmem>>, %arg8: memref<12800xf32, #tpu.memory_space<vmem>>, %arg9: memref<!tpu.dma_semaphore, #tpu.memory_space<semaphore_mem>>, %arg10: memref<!tpu.dma_semaphore, #tpu.memory_space<semaphore_mem>>, %arg11: memref<!tpu.dma_semaphore, #tpu.memory_space<semaphore_mem>>, %arg12: memref<!tpu.dma_semaphore, #tpu.memory_space<semaphore_mem>>) attributes {dimension_semantics = [#tpu.dimension_semantics<core_parallel>, #tpu.dimension_semantics<subcore_parallel>], iteration_bounds = array<i64: 2, 16>, scalar_prefetch = 0 : i64, scratch_operands = 7 : i64, tpu.core_type = #tpu.core_type<sc_vector_subcore>, window_params = [{transform_indices = #map}, {transform_indices = #map}, {transform_indices = #map1}, {transform_indices = #map2}]} {
    %mul3A = arith.constant 2 : i32
    %mul3A_0 = arith.muli %arg1, %mul3A : i32
    %add3A = arith.addi %mul3A_0, %arg0 : i32
    %mul3A_1 = arith.constant 256 : i32
    %mul3A_2 = arith.muli %add3A, %mul3A_1 : i32
    "tpu.region"() ({
      %run_scoped3A = tpu.sem_alloc : memref<!tpu.dma_semaphore, #tpu.memory_space<semaphore_mem>>
      %dma_start3A_210 = arith.constant 0 : i32
      %dma_start3A_211 = tpu.memref_slice %arg2[%mul3A_2, %dma_start3A_210] : memref<8192x100xi32, #tpu.memory_space<hbm>> -> memref<256x100xi32, #tpu.memory_space<hbm>>
      %dma_start3A_212 = arith.constant 0 : i32
      %dma_start3A_213 = tpu.memref_slice %arg2[%mul3A_2, %dma_start3A_212] : memref<8192x100xi32, #tpu.memory_space<hbm>> -> memref<256x100xi32, #tpu.memory_space<hbm>>
      tpu.enqueue_dma source(%dma_start3A_213 : memref<256x100xi32, #tpu.memory_space<hbm>>) target(%arg6 : memref<256x100xi32, #tpu.memory_space<vmem>>) target_semaphore(%run_scoped3A : memref<!tpu.dma_semaphore, #tpu.memory_space<semaphore_mem>>)
      %dma_wait3A_214 = arith.constant 0 : i32
      %dma_wait3A_215 = tpu.memref_slice %arg2[%mul3A_2, %dma_wait3A_214] : memref<8192x100xi32, #tpu.memory_space<hbm>> -> memref<256x100xi32, #tpu.memory_space<hbm>>
      %dma_wait3A_216 = arith.constant 0 : i32
      %dma_wait3A_217 = tpu.memref_slice %arg2[%mul3A_2, %dma_wait3A_216] : memref<8192x100xi32, #tpu.memory_space<hbm>> -> memref<256x100xi32, #tpu.memory_space<hbm>>
      tpu.wait_dma2 semaphore(%run_scoped3A : memref<!tpu.dma_semaphore, #tpu.memory_space<semaphore_mem>>) src(%dma_wait3A_217 : memref<256x100xi32, #tpu.memory_space<hbm>>) dst(%arg6 : memref<256x100xi32, #tpu.memory_space<vmem>>)
      tpu.yield
    }) : () -> ()
    "tpu.region"() ({
      %run_scoped3A = tpu.sem_alloc : memref<!tpu.dma_semaphore, #tpu.memory_space<semaphore_mem>>
      tpu.enqueue_dma source(%arg4 : memref<12800xf32, #tpu.memory_space<hbm>>) target(%arg8 : memref<12800xf32, #tpu.memory_space<vmem>>) target_semaphore(%run_scoped3A : memref<!tpu.dma_semaphore, #tpu.memory_space<semaphore_mem>>)
      tpu.wait_dma2 semaphore(%run_scoped3A : memref<!tpu.dma_semaphore, #tpu.memory_space<semaphore_mem>>) src(%arg4 : memref<12800xf32, #tpu.memory_space<hbm>>) dst(%arg8 : memref<12800xf32, #tpu.memory_space<vmem>>)
      tpu.yield
    }) : () -> ()
    %dma_start3A = arith.constant 0 : i32
    %dma_start3A_3 = arith.constant 0 : i32
    %dma_start3A_4 = arith.constant 0 : i32
    %dma_start3A_5 = arith.constant 0 : i32
    %dma_start3A_6 = arith.constant 0 : i32
    %dma_start3A_7 = tpu.memref_slice %arg7[%dma_start3A_3, %dma_start3A_4, %dma_start3A_5, %dma_start3A_6] : memref<2x4x100x64xf32, #tpu.memory_space<vmem>> -> memref<1x1x100x64xf32, #tpu.memory_space<vmem>>
    %dma_start3A_8 = tpu.memref_squeeze %dma_start3A_7 : memref<1x1x100x64xf32, #tpu.memory_space<vmem>> -> memref<100x64xf32, #tpu.memory_space<vmem>>
    %dma_start3A_9 = arith.constant 0 : i32
    %dma_start3A_10 = tpu.memref_slice %arg6[%dma_start3A, %dma_start3A_9] : memref<256x100xi32, #tpu.memory_space<vmem>> -> memref<1x100xi32, #tpu.memory_space<vmem>>
    %dma_start3A_11 = tpu.memref_squeeze %dma_start3A_10 : memref<1x100xi32, #tpu.memory_space<vmem>> -> memref<100xi32, #tpu.memory_space<vmem>>
    %dma_start3A_12 = arith.constant 0 : i32
    %dma_start3A_13 = arith.constant 0 : i32
    %dma_start3A_14 = tpu.memref_slice %arg3[%dma_start3A_12, %dma_start3A_13] : memref<1000000x64xf32, #tpu.memory_space<hbm>> -> memref<1000000x64xf32, #tpu.memory_space<hbm>>
    tpu.enqueue_indirect_dma source(%dma_start3A_14 : memref<1000000x64xf32, #tpu.memory_space<hbm>>) target(%dma_start3A_8 : memref<100x64xf32, #tpu.memory_space<vmem>>) offsets(%dma_start3A_11 : memref<100xi32, #tpu.memory_space<vmem>>) semaphore(%arg9 : memref<!tpu.dma_semaphore, #tpu.memory_space<semaphore_mem>>)
    %dma_start3A_15 = arith.constant 1 : i32
    %dma_start3A_16 = arith.constant 0 : i32
    %dma_start3A_17 = arith.constant 1 : i32
    %dma_start3A_18 = arith.constant 0 : i32
    %dma_start3A_19 = arith.constant 0 : i32
    %dma_start3A_20 = tpu.memref_slice %arg7[%dma_start3A_16, %dma_start3A_17, %dma_start3A_18, %dma_start3A_19] : memref<2x4x100x64xf32, #tpu.memory_space<vmem>> -> memref<1x1x100x64xf32, #tpu.memory_space<vmem>>
    %dma_start3A_21 = tpu.memref_squeeze %dma_start3A_20 : memref<1x1x100x64xf32, #tpu.memory_space<vmem>> -> memref<100x64xf32, #tpu.memory_space<vmem>>
    %dma_start3A_22 = arith.constant 0 : i32
    %dma_start3A_23 = tpu.memref_slice %arg6[%dma_start3A_15, %dma_start3A_22] : memref<256x100xi32, #tpu.memory_space<vmem>> -> memref<1x100xi32, #tpu.memory_space<vmem>>
    %dma_start3A_24 = tpu.memref_squeeze %dma_start3A_23 : memref<1x100xi32, #tpu.memory_space<vmem>> -> memref<100xi32, #tpu.memory_space<vmem>>
    %dma_start3A_25 = arith.constant 0 : i32
    %dma_start3A_26 = arith.constant 0 : i32
    %dma_start3A_27 = tpu.memref_slice %arg3[%dma_start3A_25, %dma_start3A_26] : memref<1000000x64xf32, #tpu.memory_space<hbm>> -> memref<1000000x64xf32, #tpu.memory_space<hbm>>
    tpu.enqueue_indirect_dma source(%dma_start3A_27 : memref<1000000x64xf32, #tpu.memory_space<hbm>>) target(%dma_start3A_21 : memref<100x64xf32, #tpu.memory_space<vmem>>) offsets(%dma_start3A_24 : memref<100xi32, #tpu.memory_space<vmem>>) semaphore(%arg9 : memref<!tpu.dma_semaphore, #tpu.memory_space<semaphore_mem>>)
    %dma_start3A_28 = arith.constant 2 : i32
    %dma_start3A_29 = arith.constant 0 : i32
    %dma_start3A_30 = arith.constant 2 : i32
    %dma_start3A_31 = arith.constant 0 : i32
    %dma_start3A_32 = arith.constant 0 : i32
    %dma_start3A_33 = tpu.memref_slice %arg7[%dma_start3A_29, %dma_start3A_30, %dma_start3A_31, %dma_start3A_32] : memref<2x4x100x64xf32, #tpu.memory_space<vmem>> -> memref<1x1x100x64xf32, #tpu.memory_space<vmem>>
    %dma_start3A_34 = tpu.memref_squeeze %dma_start3A_33 : memref<1x1x100x64xf32, #tpu.memory_space<vmem>> -> memref<100x64xf32, #tpu.memory_space<vmem>>
    %dma_start3A_35 = arith.constant 0 : i32
    %dma_start3A_36 = tpu.memref_slice %arg6[%dma_start3A_28, %dma_start3A_35] : memref<256x100xi32, #tpu.memory_space<vmem>> -> memref<1x100xi32, #tpu.memory_space<vmem>>
    %dma_start3A_37 = tpu.memref_squeeze %dma_start3A_36 : memref<1x100xi32, #tpu.memory_space<vmem>> -> memref<100xi32, #tpu.memory_space<vmem>>
    %dma_start3A_38 = arith.constant 0 : i32
    %dma_start3A_39 = arith.constant 0 : i32
    %dma_start3A_40 = tpu.memref_slice %arg3[%dma_start3A_38, %dma_start3A_39] : memref<1000000x64xf32, #tpu.memory_space<hbm>> -> memref<1000000x64xf32, #tpu.memory_space<hbm>>
    tpu.enqueue_indirect_dma source(%dma_start3A_40 : memref<1000000x64xf32, #tpu.memory_space<hbm>>) target(%dma_start3A_34 : memref<100x64xf32, #tpu.memory_space<vmem>>) offsets(%dma_start3A_37 : memref<100xi32, #tpu.memory_space<vmem>>) semaphore(%arg9 : memref<!tpu.dma_semaphore, #tpu.memory_space<semaphore_mem>>)
    %dma_start3A_41 = arith.constant 3 : i32
    %dma_start3A_42 = arith.constant 0 : i32
    %dma_start3A_43 = arith.constant 3 : i32
    %dma_start3A_44 = arith.constant 0 : i32
    %dma_start3A_45 = arith.constant 0 : i32
    %dma_start3A_46 = tpu.memref_slice %arg7[%dma_start3A_42, %dma_start3A_43, %dma_start3A_44, %dma_start3A_45] : memref<2x4x100x64xf32, #tpu.memory_space<vmem>> -> memref<1x1x100x64xf32, #tpu.memory_space<vmem>>
    %dma_start3A_47 = tpu.memref_squeeze %dma_start3A_46 : memref<1x1x100x64xf32, #tpu.memory_space<vmem>> -> memref<100x64xf32, #tpu.memory_space<vmem>>
    %dma_start3A_48 = arith.constant 0 : i32
    %dma_start3A_49 = tpu.memref_slice %arg6[%dma_start3A_41, %dma_start3A_48] : memref<256x100xi32, #tpu.memory_space<vmem>> -> memref<1x100xi32, #tpu.memory_space<vmem>>
    %dma_start3A_50 = tpu.memref_squeeze %dma_start3A_49 : memref<1x100xi32, #tpu.memory_space<vmem>> -> memref<100xi32, #tpu.memory_space<vmem>>
    %dma_start3A_51 = arith.constant 0 : i32
    %dma_start3A_52 = arith.constant 0 : i32
    %dma_start3A_53 = tpu.memref_slice %arg3[%dma_start3A_51, %dma_start3A_52] : memref<1000000x64xf32, #tpu.memory_space<hbm>> -> memref<1000000x64xf32, #tpu.memory_space<hbm>>
    tpu.enqueue_indirect_dma source(%dma_start3A_53 : memref<1000000x64xf32, #tpu.memory_space<hbm>>) target(%dma_start3A_47 : memref<100x64xf32, #tpu.memory_space<vmem>>) offsets(%dma_start3A_50 : memref<100xi32, #tpu.memory_space<vmem>>) semaphore(%arg9 : memref<!tpu.dma_semaphore, #tpu.memory_space<semaphore_mem>>)
    %scan3A = arith.constant 0 : i32
    %scan3A_54 = arith.constant 0 : i32
    %scan3A_55 = arith.constant 32 : i32
    %scan3A_56 = arith.addi %scan3A_54, %scan3A_55 : i32
    %scan3A_57 = arith.constant 1 : i32
    scf.for %scan3A_210 = %scan3A_54 to %scan3A_56 step %scan3A_57  : i32 {
      %gt3A = arith.constant 0 : i32
      %gt3A_211 = arith.cmpi sgt, %scan3A_210, %gt3A : i32
      %convert_element_type3A = arith.extui %gt3A_211 : i1 to i32
      %cond3A = arith.constant 0 : i32
      %cond3A_212 = arith.cmpi ne, %convert_element_type3A, %cond3A : i32
      scf.if %cond3A_212 {
        %dma_wait3A_637 = arith.constant 1 : i32
        %dma_wait3A_638 = arith.constant 0 : i32
        %dma_wait3A_639 = arith.constant 0 : i32
        %dma_wait3A_640 = arith.constant 0 : i32
        %dma_wait3A_641 = arith.constant 0 : i32
        %dma_wait3A_642 = tpu.memref_slice %arg7[%dma_wait3A_637, %dma_wait3A_638, %dma_wait3A_640, %dma_wait3A_641] : memref<2x4x100x64xf32, #tpu.memory_space<vmem>> -> memref<1x1x100x64xf32, #tpu.memory_space<vmem>>
        %dma_wait3A_643 = tpu.memref_squeeze %dma_wait3A_642 : memref<1x1x100x64xf32, #tpu.memory_space<vmem>> -> memref<100x64xf32, #tpu.memory_space<vmem>>
        %dma_wait3A_644 = arith.constant 0 : i32
        %dma_wait3A_645 = arith.constant 0 : i32
        %dma_wait3A_646 = tpu.memref_slice %arg5[%dma_wait3A_639, %dma_wait3A_644, %dma_wait3A_645] : memref<8192x100x64xf32, #tpu.memory_space<hbm>> -> memref<1x100x64xf32, #tpu.memory_space<hbm>>
        %dma_wait3A_647 = tpu.memref_squeeze %dma_wait3A_646 : memref<1x100x64xf32, #tpu.memory_space<hbm>> -> memref<100x64xf32, #tpu.memory_space<hbm>>
        %dma_wait3A_648 = arith.constant 0 : i32
        %dma_wait3A_649 = arith.constant 0 : i32
        %dma_wait3A_650 = tpu.memref_slice %arg5[%dma_wait3A_639, %dma_wait3A_648, %dma_wait3A_649] : memref<8192x100x64xf32, #tpu.memory_space<hbm>> -> memref<1x100x64xf32, #tpu.memory_space<hbm>>
        %dma_wait3A_651 = tpu.memref_squeeze %dma_wait3A_650 : memref<1x100x64xf32, #tpu.memory_space<hbm>> -> memref<100x64xf32, #tpu.memory_space<hbm>>
        %dma_wait3A_652 = arith.constant 0 : i32
        %dma_wait3A_653 = arith.constant 0 : i32
        %dma_wait3A_654 = tpu.memref_slice %arg7[%dma_wait3A_637, %dma_wait3A_638, %dma_wait3A_652, %dma_wait3A_653] : memref<2x4x100x64xf32, #tpu.memory_space<vmem>> -> memref<1x1x100x64xf32, #tpu.memory_space<vmem>>
        %dma_wait3A_655 = tpu.memref_squeeze %dma_wait3A_654 : memref<1x1x100x64xf32, #tpu.memory_space<vmem>> -> memref<100x64xf32, #tpu.memory_space<vmem>>
        tpu.wait_dma2 semaphore(%arg12 : memref<!tpu.dma_semaphore, #tpu.memory_space<semaphore_mem>>) src(%dma_wait3A_655 : memref<100x64xf32, #tpu.memory_space<vmem>>) dst(%dma_wait3A_651 : memref<100x64xf32, #tpu.memory_space<hbm>>)
        %dma_wait3A_656 = arith.constant 1 : i32
        %dma_wait3A_657 = arith.constant 1 : i32
        %dma_wait3A_658 = arith.constant 0 : i32
        %dma_wait3A_659 = arith.constant 0 : i32
        %dma_wait3A_660 = arith.constant 0 : i32
        %dma_wait3A_661 = tpu.memref_slice %arg7[%dma_wait3A_656, %dma_wait3A_657, %dma_wait3A_659, %dma_wait3A_660] : memref<2x4x100x64xf32, #tpu.memory_space<vmem>> -> memref<1x1x100x64xf32, #tpu.memory_space<vmem>>
        %dma_wait3A_662 = tpu.memref_squeeze %dma_wait3A_661 : memref<1x1x100x64xf32, #tpu.memory_space<vmem>> -> memref<100x64xf32, #tpu.memory_space<vmem>>
        %dma_wait3A_663 = arith.constant 0 : i32
        %dma_wait3A_664 = arith.constant 0 : i32
        %dma_wait3A_665 = tpu.memref_slice %arg5[%dma_wait3A_658, %dma_wait3A_663, %dma_wait3A_664] : memref<8192x100x64xf32, #tpu.memory_space<hbm>> -> memref<1x100x64xf32, #tpu.memory_space<hbm>>
        %dma_wait3A_666 = tpu.memref_squeeze %dma_wait3A_665 : memref<1x100x64xf32, #tpu.memory_space<hbm>> -> memref<100x64xf32, #tpu.memory_space<hbm>>
        %dma_wait3A_667 = arith.constant 0 : i32
        %dma_wait3A_668 = arith.constant 0 : i32
        %dma_wait3A_669 = tpu.memref_slice %arg5[%dma_wait3A_658, %dma_wait3A_667, %dma_wait3A_668] : memref<8192x100x64xf32, #tpu.memory_space<hbm>> -> memref<1x100x64xf32, #tpu.memory_space<hbm>>
        %dma_wait3A_670 = tpu.memref_squeeze %dma_wait3A_669 : memref<1x100x64xf32, #tpu.memory_space<hbm>> -> memref<100x64xf32, #tpu.memory_space<hbm>>
        %dma_wait3A_671 = arith.constant 0 : i32
        %dma_wait3A_672 = arith.constant 0 : i32
        %dma_wait3A_673 = tpu.memref_slice %arg7[%dma_wait3A_656, %dma_wait3A_657, %dma_wait3A_671, %dma_wait3A_672] : memref<2x4x100x64xf32, #tpu.memory_space<vmem>> -> memref<1x1x100x64xf32, #tpu.memory_space<vmem>>
        %dma_wait3A_674 = tpu.memref_squeeze %dma_wait3A_673 : memref<1x1x100x64xf32, #tpu.memory_space<vmem>> -> memref<100x64xf32, #tpu.memory_space<vmem>>
        tpu.wait_dma2 semaphore(%arg12 : memref<!tpu.dma_semaphore, #tpu.memory_space<semaphore_mem>>) src(%dma_wait3A_674 : memref<100x64xf32, #tpu.memory_space<vmem>>) dst(%dma_wait3A_670 : memref<100x64xf32, #tpu.memory_space<hbm>>)
        %dma_wait3A_675 = arith.constant 1 : i32
        %dma_wait3A_676 = arith.constant 2 : i32
        %dma_wait3A_677 = arith.constant 0 : i32
        %dma_wait3A_678 = arith.constant 0 : i32
        %dma_wait3A_679 = arith.constant 0 : i32
        %dma_wait3A_680 = tpu.memref_slice %arg7[%dma_wait3A_675, %dma_wait3A_676, %dma_wait3A_678, %dma_wait3A_679] : memref<2x4x100x64xf32, #tpu.memory_space<vmem>> -> memref<1x1x100x64xf32, #tpu.memory_space<vmem>>
        %dma_wait3A_681 = tpu.memref_squeeze %dma_wait3A_680 : memref<1x1x100x64xf32, #tpu.memory_space<vmem>> -> memref<100x64xf32, #tpu.memory_space<vmem>>
        %dma_wait3A_682 = arith.constant 0 : i32
        %dma_wait3A_683 = arith.constant 0 : i32
        %dma_wait3A_684 = tpu.memref_slice %arg5[%dma_wait3A_677, %dma_wait3A_682, %dma_wait3A_683] : memref<8192x100x64xf32, #tpu.memory_space<hbm>> -> memref<1x100x64xf32, #tpu.memory_space<hbm>>
        %dma_wait3A_685 = tpu.memref_squeeze %dma_wait3A_684 : memref<1x100x64xf32, #tpu.memory_space<hbm>> -> memref<100x64xf32, #tpu.memory_space<hbm>>
        %dma_wait3A_686 = arith.constant 0 : i32
        %dma_wait3A_687 = arith.constant 0 : i32
        %dma_wait3A_688 = tpu.memref_slice %arg5[%dma_wait3A_677, %dma_wait3A_686, %dma_wait3A_687] : memref<8192x100x64xf32, #tpu.memory_space<hbm>> -> memref<1x100x64xf32, #tpu.memory_space<hbm>>
        %dma_wait3A_689 = tpu.memref_squeeze %dma_wait3A_688 : memref<1x100x64xf32, #tpu.memory_space<hbm>> -> memref<100x64xf32, #tpu.memory_space<hbm>>
        %dma_wait3A_690 = arith.constant 0 : i32
        %dma_wait3A_691 = arith.constant 0 : i32
        %dma_wait3A_692 = tpu.memref_slice %arg7[%dma_wait3A_675, %dma_wait3A_676, %dma_wait3A_690, %dma_wait3A_691] : memref<2x4x100x64xf32, #tpu.memory_space<vmem>> -> memref<1x1x100x64xf32, #tpu.memory_space<vmem>>
        %dma_wait3A_693 = tpu.memref_squeeze %dma_wait3A_692 : memref<1x1x100x64xf32, #tpu.memory_space<vmem>> -> memref<100x64xf32, #tpu.memory_space<vmem>>
        tpu.wait_dma2 semaphore(%arg12 : memref<!tpu.dma_semaphore, #tpu.memory_space<semaphore_mem>>) src(%dma_wait3A_693 : memref<100x64xf32, #tpu.memory_space<vmem>>) dst(%dma_wait3A_689 : memref<100x64xf32, #tpu.memory_space<hbm>>)
        %dma_wait3A_694 = arith.constant 1 : i32
        %dma_wait3A_695 = arith.constant 3 : i32
        %dma_wait3A_696 = arith.constant 0 : i32
        %dma_wait3A_697 = arith.constant 0 : i32
        %dma_wait3A_698 = arith.constant 0 : i32
        %dma_wait3A_699 = tpu.memref_slice %arg7[%dma_wait3A_694, %dma_wait3A_695, %dma_wait3A_697, %dma_wait3A_698] : memref<2x4x100x64xf32, #tpu.memory_space<vmem>> -> memref<1x1x100x64xf32, #tpu.memory_space<vmem>>
        %dma_wait3A_700 = tpu.memref_squeeze %dma_wait3A_699 : memref<1x1x100x64xf32, #tpu.memory_space<vmem>> -> memref<100x64xf32, #tpu.memory_space<vmem>>
        %dma_wait3A_701 = arith.constant 0 : i32
        %dma_wait3A_702 = arith.constant 0 : i32
        %dma_wait3A_703 = tpu.memref_slice %arg5[%dma_wait3A_696, %dma_wait3A_701, %dma_wait3A_702] : memref<8192x100x64xf32, #tpu.memory_space<hbm>> -> memref<1x100x64xf32, #tpu.memory_space<hbm>>
        %dma_wait3A_704 = tpu.memref_squeeze %dma_wait3A_703 : memref<1x100x64xf32, #tpu.memory_space<hbm>> -> memref<100x64xf32, #tpu.memory_space<hbm>>
        %dma_wait3A_705 = arith.constant 0 : i32
        %dma_wait3A_706 = arith.constant 0 : i32
        %dma_wait3A_707 = tpu.memref_slice %arg5[%dma_wait3A_696, %dma_wait3A_705, %dma_wait3A_706] : memref<8192x100x64xf32, #tpu.memory_space<hbm>> -> memref<1x100x64xf32, #tpu.memory_space<hbm>>
        %dma_wait3A_708 = tpu.memref_squeeze %dma_wait3A_707 : memref<1x100x64xf32, #tpu.memory_space<hbm>> -> memref<100x64xf32, #tpu.memory_space<hbm>>
        %dma_wait3A_709 = arith.constant 0 : i32
        %dma_wait3A_710 = arith.constant 0 : i32
        %dma_wait3A_711 = tpu.memref_slice %arg7[%dma_wait3A_694, %dma_wait3A_695, %dma_wait3A_709, %dma_wait3A_710] : memref<2x4x100x64xf32, #tpu.memory_space<vmem>> -> memref<1x1x100x64xf32, #tpu.memory_space<vmem>>
        %dma_wait3A_712 = tpu.memref_squeeze %dma_wait3A_711 : memref<1x1x100x64xf32, #tpu.memory_space<vmem>> -> memref<100x64xf32, #tpu.memory_space<vmem>>
        tpu.wait_dma2 semaphore(%arg12 : memref<!tpu.dma_semaphore, #tpu.memory_space<semaphore_mem>>) src(%dma_wait3A_712 : memref<100x64xf32, #tpu.memory_space<vmem>>) dst(%dma_wait3A_708 : memref<100x64xf32, #tpu.memory_space<hbm>>)
      } else {
      }
      %mul3A_213 = arith.constant 2 : i32
      %mul3A_214 = arith.muli %mul3A_213, %scan3A_210 : i32
      %add3A_215 = arith.constant 1 : i32
      %add3A_216 = arith.addi %mul3A_214, %add3A_215 : i32
      %mul3A_217 = arith.constant 4 : i32
      %mul3A_218 = arith.muli %add3A_216, %mul3A_217 : i32
      %add3A_219 = arith.constant 0 : i32
      %add3A_220 = arith.addi %mul3A_218, %add3A_219 : i32
      %dma_start3A_221 = arith.constant 1 : i32
      %dma_start3A_222 = arith.constant 0 : i32
      %dma_start3A_223 = arith.constant 0 : i32
      %dma_start3A_224 = arith.constant 0 : i32
      %dma_start3A_225 = tpu.memref_slice %arg7[%dma_start3A_221, %dma_start3A_222, %dma_start3A_223, %dma_start3A_224] : memref<2x4x100x64xf32, #tpu.memory_space<vmem>> -> memref<1x1x100x64xf32, #tpu.memory_space<vmem>>
      %dma_start3A_226 = tpu.memref_squeeze %dma_start3A_225 : memref<1x1x100x64xf32, #tpu.memory_space<vmem>> -> memref<100x64xf32, #tpu.memory_space<vmem>>
      %dma_start3A_227 = arith.constant 0 : i32
      %dma_start3A_228 = tpu.memref_slice %arg6[%add3A_220, %dma_start3A_227] : memref<256x100xi32, #tpu.memory_space<vmem>> -> memref<1x100xi32, #tpu.memory_space<vmem>>
      %dma_start3A_229 = tpu.memref_squeeze %dma_start3A_228 : memref<1x100xi32, #tpu.memory_space<vmem>> -> memref<100xi32, #tpu.memory_space<vmem>>
      %dma_start3A_230 = arith.constant 0 : i32
      %dma_start3A_231 = arith.constant 0 : i32
      %dma_start3A_232 = tpu.memref_slice %arg3[%dma_start3A_230, %dma_start3A_231] : memref<1000000x64xf32, #tpu.memory_space<hbm>> -> memref<1000000x64xf32, #tpu.memory_space<hbm>>
      tpu.enqueue_indirect_dma source(%dma_start3A_232 : memref<1000000x64xf32, #tpu.memory_space<hbm>>) target(%dma_start3A_226 : memref<100x64xf32, #tpu.memory_space<vmem>>) offsets(%dma_start3A_229 : memref<100xi32, #tpu.memory_space<vmem>>) semaphore(%arg10 : memref<!tpu.dma_semaphore, #tpu.memory_space<semaphore_mem>>)
      %mul3A_233 = arith.constant 4 : i32
      %mul3A_234 = arith.muli %add3A_216, %mul3A_233 : i32
      %add3A_235 = arith.constant 1 : i32
      %add3A_236 = arith.addi %mul3A_234, %add3A_235 : i32
      %dma_start3A_237 = arith.constant 1 : i32
      %dma_start3A_238 = arith.constant 1 : i32
      %dma_start3A_239 = arith.constant 0 : i32
      %dma_start3A_240 = arith.constant 0 : i32
      %dma_start3A_241 = tpu.memref_slice %arg7[%dma_start3A_237, %dma_start3A_238, %dma_start3A_239, %dma_start3A_240] : memref<2x4x100x64xf32, #tpu.memory_space<vmem>> -> memref<1x1x100x64xf32, #tpu.memory_space<vmem>>
      %dma_start3A_242 = tpu.memref_squeeze %dma_start3A_241 : memref<1x1x100x64xf32, #tpu.memory_space<vmem>> -> memref<100x64xf32, #tpu.memory_space<vmem>>
      %dma_start3A_243 = arith.constant 0 : i32
      %dma_start3A_244 = tpu.memref_slice %arg6[%add3A_236, %dma_start3A_243] : memref<256x100xi32, #tpu.memory_space<vmem>> -> memref<1x100xi32, #tpu.memory_space<vmem>>
      %dma_start3A_245 = tpu.memref_squeeze %dma_start3A_244 : memref<1x100xi32, #tpu.memory_space<vmem>> -> memref<100xi32, #tpu.memory_space<vmem>>
      %dma_start3A_246 = arith.constant 0 : i32
      %dma_start3A_247 = arith.constant 0 : i32
      %dma_start3A_248 = tpu.memref_slice %arg3[%dma_start3A_246, %dma_start3A_247] : memref<1000000x64xf32, #tpu.memory_space<hbm>> -> memref<1000000x64xf32, #tpu.memory_space<hbm>>
      tpu.enqueue_indirect_dma source(%dma_start3A_248 : memref<1000000x64xf32, #tpu.memory_space<hbm>>) target(%dma_start3A_242 : memref<100x64xf32, #tpu.memory_space<vmem>>) offsets(%dma_start3A_245 : memref<100xi32, #tpu.memory_space<vmem>>) semaphore(%arg10 : memref<!tpu.dma_semaphore, #tpu.memory_space<semaphore_mem>>)
      %mul3A_249 = arith.constant 4 : i32
      %mul3A_250 = arith.muli %add3A_216, %mul3A_249 : i32
      %add3A_251 = arith.constant 2 : i32
      %add3A_252 = arith.addi %mul3A_250, %add3A_251 : i32
      %dma_start3A_253 = arith.constant 1 : i32
      %dma_start3A_254 = arith.constant 2 : i32
      %dma_start3A_255 = arith.constant 0 : i32
      %dma_start3A_256 = arith.constant 0 : i32
      %dma_start3A_257 = tpu.memref_slice %arg7[%dma_start3A_253, %dma_start3A_254, %dma_start3A_255, %dma_start3A_256] : memref<2x4x100x64xf32, #tpu.memory_space<vmem>> -> memref<1x1x100x64xf32, #tpu.memory_space<vmem>>
      %dma_start3A_258 = tpu.memref_squeeze %dma_start3A_257 : memref<1x1x100x64xf32, #tpu.memory_space<vmem>> -> memref<100x64xf32, #tpu.memory_space<vmem>>
      %dma_start3A_259 = arith.constant 0 : i32
      %dma_start3A_260 = tpu.memref_slice %arg6[%add3A_252, %dma_start3A_259] : memref<256x100xi32, #tpu.memory_space<vmem>> -> memref<1x100xi32, #tpu.memory_space<vmem>>
      %dma_start3A_261 = tpu.memref_squeeze %dma_start3A_260 : memref<1x100xi32, #tpu.memory_space<vmem>> -> memref<100xi32, #tpu.memory_space<vmem>>
      %dma_start3A_262 = arith.constant 0 : i32
      %dma_start3A_263 = arith.constant 0 : i32
      %dma_start3A_264 = tpu.memref_slice %arg3[%dma_start3A_262, %dma_start3A_263] : memref<1000000x64xf32, #tpu.memory_space<hbm>> -> memref<1000000x64xf32, #tpu.memory_space<hbm>>
      tpu.enqueue_indirect_dma source(%dma_start3A_264 : memref<1000000x64xf32, #tpu.memory_space<hbm>>) target(%dma_start3A_258 : memref<100x64xf32, #tpu.memory_space<vmem>>) offsets(%dma_start3A_261 : memref<100xi32, #tpu.memory_space<vmem>>) semaphore(%arg10 : memref<!tpu.dma_semaphore, #tpu.memory_space<semaphore_mem>>)
      %mul3A_265 = arith.constant 4 : i32
      %mul3A_266 = arith.muli %add3A_216, %mul3A_265 : i32
      %add3A_267 = arith.constant 3 : i32
      %add3A_268 = arith.addi %mul3A_266, %add3A_267 : i32
      %dma_start3A_269 = arith.constant 1 : i32
      %dma_start3A_270 = arith.constant 3 : i32
      %dma_start3A_271 = arith.constant 0 : i32
      %dma_start3A_272 = arith.constant 0 : i32
      %dma_start3A_273 = tpu.memref_slice %arg7[%dma_start3A_269, %dma_start3A_270, %dma_start3A_271, %dma_start3A_272] : memref<2x4x100x64xf32, #tpu.memory_space<vmem>> -> memref<1x1x100x64xf32, #tpu.memory_space<vmem>>
      %dma_start3A_274 = tpu.memref_squeeze %dma_start3A_273 : memref<1x1x100x64xf32, #tpu.memory_space<vmem>> -> memref<100x64xf32, #tpu.memory_space<vmem>>
      %dma_start3A_275 = arith.constant 0 : i32
      %dma_start3A_276 = tpu.memref_slice %arg6[%add3A_268, %dma_start3A_275] : memref<256x100xi32, #tpu.memory_space<vmem>> -> memref<1x100xi32, #tpu.memory_space<vmem>>
      %dma_start3A_277 = tpu.memref_squeeze %dma_start3A_276 : memref<1x100xi32, #tpu.memory_space<vmem>> -> memref<100xi32, #tpu.memory_space<vmem>>
      %dma_start3A_278 = arith.constant 0 : i32
      %dma_start3A_279 = arith.constant 0 : i32
      %dma_start3A_280 = tpu.memref_slice %arg3[%dma_start3A_278, %dma_start3A_279] : memref<1000000x64xf32, #tpu.memory_space<hbm>> -> memref<1000000x64xf32, #tpu.memory_space<hbm>>
      tpu.enqueue_indirect_dma source(%dma_start3A_280 : memref<1000000x64xf32, #tpu.memory_space<hbm>>) target(%dma_start3A_274 : memref<100x64xf32, #tpu.memory_space<vmem>>) offsets(%dma_start3A_277 : memref<100xi32, #tpu.memory_space<vmem>>) semaphore(%arg10 : memref<!tpu.dma_semaphore, #tpu.memory_space<semaphore_mem>>)
      %dma_wait3A_281 = arith.constant 0 : i32
      %dma_wait3A_282 = arith.constant 0 : i32
      %dma_wait3A_283 = arith.constant 0 : i32
      %dma_wait3A_284 = arith.constant 0 : i32
      %dma_wait3A_285 = tpu.memref_slice %arg7[%dma_wait3A_281, %dma_wait3A_282, %dma_wait3A_283, %dma_wait3A_284] : memref<2x4x100x64xf32, #tpu.memory_space<vmem>> -> memref<1x1x100x64xf32, #tpu.memory_space<vmem>>
      %dma_wait3A_286 = tpu.memref_squeeze %dma_wait3A_285 : memref<1x1x100x64xf32, #tpu.memory_space<vmem>> -> memref<100x64xf32, #tpu.memory_space<vmem>>
      %dma_wait3A_287 = arith.constant 0 : i32
      %dma_wait3A_288 = arith.constant 0 : i32
      %dma_wait3A_289 = tpu.memref_slice %arg3[%dma_wait3A_287, %dma_wait3A_288] : memref<1000000x64xf32, #tpu.memory_space<hbm>> -> memref<100x64xf32, #tpu.memory_space<hbm>>
      %dma_wait3A_290 = arith.constant 0 : i32
      %dma_wait3A_291 = arith.constant 0 : i32
      %dma_wait3A_292 = tpu.memref_slice %arg7[%dma_wait3A_281, %dma_wait3A_282, %dma_wait3A_290, %dma_wait3A_291] : memref<2x4x100x64xf32, #tpu.memory_space<vmem>> -> memref<1x1x100x64xf32, #tpu.memory_space<vmem>>
      %dma_wait3A_293 = tpu.memref_squeeze %dma_wait3A_292 : memref<1x1x100x64xf32, #tpu.memory_space<vmem>> -> memref<100x64xf32, #tpu.memory_space<vmem>>
      %dma_wait3A_294 = arith.constant 0 : i32
      %dma_wait3A_295 = arith.constant 0 : i32
      %dma_wait3A_296 = tpu.memref_slice %arg3[%dma_wait3A_294, %dma_wait3A_295] : memref<1000000x64xf32, #tpu.memory_space<hbm>> -> memref<100x64xf32, #tpu.memory_space<hbm>>
      tpu.wait_dma2 semaphore(%arg9 : memref<!tpu.dma_semaphore, #tpu.memory_space<semaphore_mem>>) src(%dma_wait3A_296 : memref<100x64xf32, #tpu.memory_space<hbm>>) dst(%dma_wait3A_293 : memref<100x64xf32, #tpu.memory_space<vmem>>)
      %dma_wait3A_297 = arith.constant 0 : i32
      %dma_wait3A_298 = arith.constant 1 : i32
      %dma_wait3A_299 = arith.constant 0 : i32
      %dma_wait3A_300 = arith.constant 0 : i32
      %dma_wait3A_301 = tpu.memref_slice %arg7[%dma_wait3A_297, %dma_wait3A_298, %dma_wait3A_299, %dma_wait3A_300] : memref<2x4x100x64xf32, #tpu.memory_space<vmem>> -> memref<1x1x100x64xf32, #tpu.memory_space<vmem>>
      %dma_wait3A_302 = tpu.memref_squeeze %dma_wait3A_301 : memref<1x1x100x64xf32, #tpu.memory_space<vmem>> -> memref<100x64xf32, #tpu.memory_space<vmem>>
      %dma_wait3A_303 = arith.constant 0 : i32
      %dma_wait3A_304 = arith.constant 0 : i32
      %dma_wait3A_305 = tpu.memref_slice %arg3[%dma_wait3A_303, %dma_wait3A_304] : memref<1000000x64xf32, #tpu.memory_space<hbm>> -> memref<100x64xf32, #tpu.memory_space<hbm>>
      %dma_wait3A_306 = arith.constant 0 : i32
      %dma_wait3A_307 = arith.constant 0 : i32
      %dma_wait3A_308 = tpu.memref_slice %arg7[%dma_wait3A_297, %dma_wait3A_298, %dma_wait3A_306, %dma_wait3A_307] : memref<2x4x100x64xf32, #tpu.memory_space<vmem>> -> memref<1x1x100x64xf32, #tpu.memory_space<vmem>>
      %dma_wait3A_309 = tpu.memref_squeeze %dma_wait3A_308 : memref<1x1x100x64xf32, #tpu.memory_space<vmem>> -> memref<100x64xf32, #tpu.memory_space<vmem>>
      %dma_wait3A_310 = arith.constant 0 : i32
      %dma_wait3A_311 = arith.constant 0 : i32
      %dma_wait3A_312 = tpu.memref_slice %arg3[%dma_wait3A_310, %dma_wait3A_311] : memref<1000000x64xf32, #tpu.memory_space<hbm>> -> memref<100x64xf32, #tpu.memory_space<hbm>>
      tpu.wait_dma2 semaphore(%arg9 : memref<!tpu.dma_semaphore, #tpu.memory_space<semaphore_mem>>) src(%dma_wait3A_312 : memref<100x64xf32, #tpu.memory_space<hbm>>) dst(%dma_wait3A_309 : memref<100x64xf32, #tpu.memory_space<vmem>>)
      %dma_wait3A_313 = arith.constant 0 : i32
      %dma_wait3A_314 = arith.constant 2 : i32
      %dma_wait3A_315 = arith.constant 0 : i32
      %dma_wait3A_316 = arith.constant 0 : i32
      %dma_wait3A_317 = tpu.memref_slice %arg7[%dma_wait3A_313, %dma_wait3A_314, %dma_wait3A_315, %dma_wait3A_316] : memref<2x4x100x64xf32, #tpu.memory_space<vmem>> -> memref<1x1x100x64xf32, #tpu.memory_space<vmem>>
      %dma_wait3A_318 = tpu.memref_squeeze %dma_wait3A_317 : memref<1x1x100x64xf32, #tpu.memory_space<vmem>> -> memref<100x64xf32, #tpu.memory_space<vmem>>
      %dma_wait3A_319 = arith.constant 0 : i32
      %dma_wait3A_320 = arith.constant 0 : i32
      %dma_wait3A_321 = tpu.memref_slice %arg3[%dma_wait3A_319, %dma_wait3A_320] : memref<1000000x64xf32, #tpu.memory_space<hbm>> -> memref<100x64xf32, #tpu.memory_space<hbm>>
      %dma_wait3A_322 = arith.constant 0 : i32
      %dma_wait3A_323 = arith.constant 0 : i32
      %dma_wait3A_324 = tpu.memref_slice %arg7[%dma_wait3A_313, %dma_wait3A_314, %dma_wait3A_322, %dma_wait3A_323] : memref<2x4x100x64xf32, #tpu.memory_space<vmem>> -> memref<1x1x100x64xf32, #tpu.memory_space<vmem>>
      %dma_wait3A_325 = tpu.memref_squeeze %dma_wait3A_324 : memref<1x1x100x64xf32, #tpu.memory_space<vmem>> -> memref<100x64xf32, #tpu.memory_space<vmem>>
      %dma_wait3A_326 = arith.constant 0 : i32
      %dma_wait3A_327 = arith.constant 0 : i32
      %dma_wait3A_328 = tpu.memref_slice %arg3[%dma_wait3A_326, %dma_wait3A_327] : memref<1000000x64xf32, #tpu.memory_space<hbm>> -> memref<100x64xf32, #tpu.memory_space<hbm>>
      tpu.wait_dma2 semaphore(%arg9 : memref<!tpu.dma_semaphore, #tpu.memory_space<semaphore_mem>>) src(%dma_wait3A_328 : memref<100x64xf32, #tpu.memory_space<hbm>>) dst(%dma_wait3A_325 : memref<100x64xf32, #tpu.memory_space<vmem>>)
      %dma_wait3A_329 = arith.constant 0 : i32
      %dma_wait3A_330 = arith.constant 3 : i32
      %dma_wait3A_331 = arith.constant 0 : i32
      %dma_wait3A_332 = arith.constant 0 : i32
      %dma_wait3A_333 = tpu.memref_slice %arg7[%dma_wait3A_329, %dma_wait3A_330, %dma_wait3A_331, %dma_wait3A_332] : memref<2x4x100x64xf32, #tpu.memory_space<vmem>> -> memref<1x1x100x64xf32, #tpu.memory_space<vmem>>
      %dma_wait3A_334 = tpu.memref_squeeze %dma_wait3A_333 : memref<1x1x100x64xf32, #tpu.memory_space<vmem>> -> memref<100x64xf32, #tpu.memory_space<vmem>>
      %dma_wait3A_335 = arith.constant 0 : i32
      %dma_wait3A_336 = arith.constant 0 : i32
      %dma_wait3A_337 = tpu.memref_slice %arg3[%dma_wait3A_335, %dma_wait3A_336] : memref<1000000x64xf32, #tpu.memory_space<hbm>> -> memref<100x64xf32, #tpu.memory_space<hbm>>
      %dma_wait3A_338 = arith.constant 0 : i32
      %dma_wait3A_339 = arith.constant 0 : i32
      %dma_wait3A_340 = tpu.memref_slice %arg7[%dma_wait3A_329, %dma_wait3A_330, %dma_wait3A_338, %dma_wait3A_339] : memref<2x4x100x64xf32, #tpu.memory_space<vmem>> -> memref<1x1x100x64xf32, #tpu.memory_space<vmem>>
      %dma_wait3A_341 = tpu.memref_squeeze %dma_wait3A_340 : memref<1x1x100x64xf32, #tpu.memory_space<vmem>> -> memref<100x64xf32, #tpu.memory_space<vmem>>
      %dma_wait3A_342 = arith.constant 0 : i32
      %dma_wait3A_343 = arith.constant 0 : i32
      %dma_wait3A_344 = tpu.memref_slice %arg3[%dma_wait3A_342, %dma_wait3A_343] : memref<1000000x64xf32, #tpu.memory_space<hbm>> -> memref<100x64xf32, #tpu.memory_space<hbm>>
      tpu.wait_dma2 semaphore(%arg9 : memref<!tpu.dma_semaphore, #tpu.memory_space<semaphore_mem>>) src(%dma_wait3A_344 : memref<100x64xf32, #tpu.memory_space<hbm>>) dst(%dma_wait3A_341 : memref<100x64xf32, #tpu.memory_space<vmem>>)
      %mul3A_345 = arith.constant 2 : i32
      %mul3A_346 = arith.muli %mul3A_345, %scan3A_210 : i32
      %mul3A_347 = arith.constant 256 : i32
      %mul3A_348 = arith.muli %add3A, %mul3A_347 : i32
      %mul3A_349 = arith.constant 4 : i32
      %mul3A_350 = arith.muli %mul3A_346, %mul3A_349 : i32
      %add3A_351 = arith.addi %mul3A_348, %mul3A_350 : i32
      %scan3A_352 = arith.constant 0 : i32
      %scan3A_353 = arith.constant 0 : i32
      %scan3A_354 = arith.constant 100 : i32
      %scan3A_355 = arith.addi %scan3A_353, %scan3A_354 : i32
      %scan3A_356 = arith.constant 4 : i32
      scf.for %scan3A_637 = %scan3A_353 to %scan3A_355 step %scan3A_356  : i32 {
        %mul3A_638 = arith.constant 64 : i32
        %mul3A_639 = arith.muli %scan3A_637, %mul3A_638 : i32
        %add3A_640 = arith.constant 0 : i32
        %add3A_641 = arith.addi %add3A_640, %mul3A_639 : i32
        %add3A_642 = arith.constant 0 : i32
        %add3A_643 = arith.addi %add3A_641, %add3A_642 : i32
        %get3A = arith.index_cast %add3A_643 : i32 to index
        %get3A_644 = tpu.vector_load %arg8[%get3A] {strides = array<i32>} : memref<12800xf32, #tpu.memory_space<vmem>>, vector<16xf32>,
        %get3A_645 = vector.shape_cast %get3A_644 : vector<16xf32> to vector<16xf32>
        %swap3A = arith.constant 0 : i32
        %swap3A_646 = arith.constant 0 : i32
        %swap3A_647 = arith.index_cast %swap3A : i32 to index
        %swap3A_648 = arith.index_cast %swap3A_646 : i32 to index
        %swap3A_649 = arith.index_cast %scan3A_637 : i32 to index
        %swap3A_650 = arith.constant 0 : index
        %swap3A_651 = tpu.vector_load %arg7[%swap3A_647, %swap3A_648, %swap3A_649, %swap3A_650] {strides = array<i32>} : memref<2x4x100x64xf32, #tpu.memory_space<vmem>>, vector<1x1x1x16xf32>,
        %swap3A_652 = vector.shape_cast %swap3A_651 : vector<1x1x1x16xf32> to vector<16xf32>
        %swap3A_653 = vector.shape_cast %get3A_645 : vector<16xf32> to vector<1x1x1x16xf32>
        tpu.vector_store %arg7[%swap3A_647, %swap3A_648, %swap3A_649, %swap3A_650], %swap3A_653 {add = true, strides = array<i32>} : memref<2x4x100x64xf32, #tpu.memory_space<vmem>>, vector<1x1x1x16xf32>,
        %mul3A_654 = arith.constant 64 : i32
        %mul3A_655 = arith.muli %scan3A_637, %mul3A_654 : i32
        %add3A_656 = arith.constant 0 : i32
        %add3A_657 = arith.addi %add3A_656, %mul3A_655 : i32
        %add3A_658 = arith.constant 16 : i32
        %add3A_659 = arith.addi %add3A_657, %add3A_658 : i32
        %get3A_660 = arith.index_cast %add3A_659 : i32 to index
        %get3A_661 = tpu.vector_load %arg8[%get3A_660] {strides = array<i32>} : memref<12800xf32, #tpu.memory_space<vmem>>, vector<16xf32>,
        %get3A_662 = vector.shape_cast %get3A_661 : vector<16xf32> to vector<16xf32>
        %swap3A_663 = arith.constant 0 : i32
        %swap3A_664 = arith.constant 0 : i32
        %swap3A_665 = arith.index_cast %swap3A_663 : i32 to index
        %swap3A_666 = arith.index_cast %swap3A_664 : i32 to index
        %swap3A_667 = arith.index_cast %scan3A_637 : i32 to index
        %swap3A_668 = arith.constant 16 : index
        %swap3A_669 = tpu.vector_load %arg7[%swap3A_665, %swap3A_666, %swap3A_667, %swap3A_668] {strides = array<i32>} : memref<2x4x100x64xf32, #tpu.memory_space<vmem>>, vector<1x1x1x16xf32>,
        %swap3A_670 = vector.shape_cast %swap3A_669 : vector<1x1x1x16xf32> to vector<16xf32>
        %swap3A_671 = vector.shape_cast %get3A_662 : vector<16xf32> to vector<1x1x1x16xf32>
        tpu.vector_store %arg7[%swap3A_665, %swap3A_666, %swap3A_667, %swap3A_668], %swap3A_671 {add = true, strides = array<i32>} : memref<2x4x100x64xf32, #tpu.memory_space<vmem>>, vector<1x1x1x16xf32>,
        %mul3A_672 = arith.constant 64 : i32
        %mul3A_673 = arith.muli %scan3A_637, %mul3A_672 : i32
        %add3A_674 = arith.constant 0 : i32
        %add3A_675 = arith.addi %add3A_674, %mul3A_673 : i32
        %add3A_676 = arith.constant 32 : i32
        %add3A_677 = arith.addi %add3A_675, %add3A_676 : i32
        %get3A_678 = arith.index_cast %add3A_677 : i32 to index
        %get3A_679 = tpu.vector_load %arg8[%get3A_678] {strides = array<i32>} : memref<12800xf32, #tpu.memory_space<vmem>>, vector<16xf32>,
        %get3A_680 = vector.shape_cast %get3A_679 : vector<16xf32> to vector<16xf32>
        %swap3A_681 = arith.constant 0 : i32
        %swap3A_682 = arith.constant 0 : i32
        %swap3A_683 = arith.index_cast %swap3A_681 : i32 to index
        %swap3A_684 = arith.index_cast %swap3A_682 : i32 to index
        %swap3A_685 = arith.index_cast %scan3A_637 : i32 to index
        %swap3A_686 = arith.constant 32 : index
        %swap3A_687 = tpu.vector_load %arg7[%swap3A_683, %swap3A_684, %swap3A_685, %swap3A_686] {strides = array<i32>} : memref<2x4x100x64xf32, #tpu.memory_space<vmem>>, vector<1x1x1x16xf32>,
        %swap3A_688 = vector.shape_cast %swap3A_687 : vector<1x1x1x16xf32> to vector<16xf32>
        %swap3A_689 = vector.shape_cast %get3A_680 : vector<16xf32> to vector<1x1x1x16xf32>
        tpu.vector_store %arg7[%swap3A_683, %swap3A_684, %swap3A_685, %swap3A_686], %swap3A_689 {add = true, strides = array<i32>} : memref<2x4x100x64xf32, #tpu.memory_space<vmem>>, vector<1x1x1x16xf32>,
        %mul3A_690 = arith.constant 64 : i32
        %mul3A_691 = arith.muli %scan3A_637, %mul3A_690 : i32
        %add3A_692 = arith.constant 0 : i32
        %add3A_693 = arith.addi %add3A_692, %mul3A_691 : i32
        %add3A_694 = arith.constant 48 : i32
        %add3A_695 = arith.addi %add3A_693, %add3A_694 : i32
        %get3A_696 = arith.index_cast %add3A_695 : i32 to index
        %get3A_697 = tpu.vector_load %arg8[%get3A_696] {strides = array<i32>} : memref<12800xf32, #tpu.memory_space<vmem>>, vector<16xf32>,
        %get3A_698 = vector.shape_cast %get3A_697 : vector<16xf32> to vector<16xf32>
        %swap3A_699 = arith.constant 0 : i32
        %swap3A_700 = arith.constant 0 : i32
        %swap3A_701 = arith.index_cast %swap3A_699 : i32 to index
        %swap3A_702 = arith.index_cast %swap3A_700 : i32 to index
        %swap3A_703 = arith.index_cast %scan3A_637 : i32 to index
        %swap3A_704 = arith.constant 48 : index
        %swap3A_705 = tpu.vector_load %arg7[%swap3A_701, %swap3A_702, %swap3A_703, %swap3A_704] {strides = array<i32>} : memref<2x4x100x64xf32, #tpu.memory_space<vmem>>, vector<1x1x1x16xf32>,
        %swap3A_706 = vector.shape_cast %swap3A_705 : vector<1x1x1x16xf32> to vector<16xf32>
        %swap3A_707 = vector.shape_cast %get3A_698 : vector<16xf32> to vector<1x1x1x16xf32>
        tpu.vector_store %arg7[%swap3A_701, %swap3A_702, %swap3A_703, %swap3A_704], %swap3A_707 {add = true, strides = array<i32>} : memref<2x4x100x64xf32, #tpu.memory_space<vmem>>, vector<1x1x1x16xf32>,
        %scan3A_708 = arith.constant 1 : i32
        %scan3A_709 = arith.addi %scan3A_637, %scan3A_708 : i32
        %mul3A_710 = arith.constant 64 : i32
        %mul3A_711 = arith.muli %scan3A_709, %mul3A_710 : i32
        %add3A_712 = arith.constant 0 : i32
        %add3A_713 = arith.addi %add3A_712, %mul3A_711 : i32
        %add3A_714 = arith.constant 0 : i32
        %add3A_715 = arith.addi %add3A_713, %add3A_714 : i32
        %get3A_716 = arith.index_cast %add3A_715 : i32 to index
        %get3A_717 = tpu.vector_load %arg8[%get3A_716] {strides = array<i32>} : memref<12800xf32, #tpu.memory_space<vmem>>, vector<16xf32>,
        %get3A_718 = vector.shape_cast %get3A_717 : vector<16xf32> to vector<16xf32>
        %swap3A_719 = arith.constant 0 : i32
        %swap3A_720 = arith.constant 0 : i32
        %swap3A_721 = arith.index_cast %swap3A_719 : i32 to index
        %swap3A_722 = arith.index_cast %swap3A_720 : i32 to index
        %swap3A_723 = arith.index_cast %scan3A_709 : i32 to index
        %swap3A_724 = arith.constant 0 : index
        %swap3A_725 = tpu.vector_load %arg7[%swap3A_721, %swap3A_722, %swap3A_723, %swap3A_724] {strides = array<i32>} : memref<2x4x100x64xf32, #tpu.memory_space<vmem>>, vector<1x1x1x16xf32>,
        %swap3A_726 = vector.shape_cast %swap3A_725 : vector<1x1x1x16xf32> to vector<16xf32>
        %swap3A_727 = vector.shape_cast %get3A_718 : vector<16xf32> to vector<1x1x1x16xf32>
        tpu.vector_store %arg7[%swap3A_721, %swap3A_722, %swap3A_723, %swap3A_724], %swap3A_727 {add = true, strides = array<i32>} : memref<2x4x100x64xf32, #tpu.memory_space<vmem>>, vector<1x1x1x16xf32>,
        %mul3A_728 = arith.constant 64 : i32
        %mul3A_729 = arith.muli %scan3A_709, %mul3A_728 : i32
        %add3A_730 = arith.constant 0 : i32
        %add3A_731 = arith.addi %add3A_730, %mul3A_729 : i32
        %add3A_732 = arith.constant 16 : i32
        %add3A_733 = arith.addi %add3A_731, %add3A_732 : i32
        %get3A_734 = arith.index_cast %add3A_733 : i32 to index
        %get3A_735 = tpu.vector_load %arg8[%get3A_734] {strides = array<i32>} : memref<12800xf32, #tpu.memory_space<vmem>>, vector<16xf32>,
        %get3A_736 = vector.shape_cast %get3A_735 : vector<16xf32> to vector<16xf32>
        %swap3A_737 = arith.constant 0 : i32
        %swap3A_738 = arith.constant 0 : i32
        %swap3A_739 = arith.index_cast %swap3A_737 : i32 to index
        %swap3A_740 = arith.index_cast %swap3A_738 : i32 to index
        %swap3A_741 = arith.index_cast %scan3A_709 : i32 to index
        %swap3A_742 = arith.constant 16 : index
        %swap3A_743 = tpu.vector_load %arg7[%swap3A_739, %swap3A_740, %swap3A_741, %swap3A_742] {strides = array<i32>} : memref<2x4x100x64xf32, #tpu.memory_space<vmem>>, vector<1x1x1x16xf32>,
        %swap3A_744 = vector.shape_cast %swap3A_743 : vector<1x1x1x16xf32> to vector<16xf32>
        %swap3A_745 = vector.shape_cast %get3A_736 : vector<16xf32> to vector<1x1x1x16xf32>
        tpu.vector_store %arg7[%swap3A_739, %swap3A_740, %swap3A_741, %swap3A_742], %swap3A_745 {add = true, strides = array<i32>} : memref<2x4x100x64xf32, #tpu.memory_space<vmem>>, vector<1x1x1x16xf32>,
        %mul3A_746 = arith.constant 64 : i32
        %mul3A_747 = arith.muli %scan3A_709, %mul3A_746 : i32
        %add3A_748 = arith.constant 0 : i32
        %add3A_749 = arith.addi %add3A_748, %mul3A_747 : i32
        %add3A_750 = arith.constant 32 : i32
        %add3A_751 = arith.addi %add3A_749, %add3A_750 : i32
        %get3A_752 = arith.index_cast %add3A_751 : i32 to index
        %get3A_753 = tpu.vector_load %arg8[%get3A_752] {strides = array<i32>} : memref<12800xf32, #tpu.memory_space<vmem>>, vector<16xf32>,
        %get3A_754 = vector.shape_cast %get3A_753 : vector<16xf32> to vector<16xf32>
        %swap3A_755 = arith.constant 0 : i32
        %swap3A_756 = arith.constant 0 : i32
        %swap3A_757 = arith.index_cast %swap3A_755 : i32 to index
        %swap3A_758 = arith.index_cast %swap3A_756 : i32 to index
        %swap3A_759 = arith.index_cast %scan3A_709 : i32 to index
        %swap3A_760 = arith.constant 32 : index
        %swap3A_761 = tpu.vector_load %arg7[%swap3A_757, %swap3A_758, %swap3A_759, %swap3A_760] {strides = array<i32>} : memref<2x4x100x64xf32, #tpu.memory_space<vmem>>, vector<1x1x1x16xf32>,
        %swap3A_762 = vector.shape_cast %swap3A_761 : vector<1x1x1x16xf32> to vector<16xf32>
        %swap3A_763 = vector.shape_cast %get3A_754 : vector<16xf32> to vector<1x1x1x16xf32>
        tpu.vector_store %arg7[%swap3A_757, %swap3A_758, %swap3A_759, %swap3A_760], %swap3A_763 {add = true, strides = array<i32>} : memref<2x4x100x64xf32, #tpu.memory_space<vmem>>, vector<1x1x1x16xf32>,
        %mul3A_764 = arith.constant 64 : i32
        %mul3A_765 = arith.muli %scan3A_709, %mul3A_764 : i32
        %add3A_766 = arith.constant 0 : i32
        %add3A_767 = arith.addi %add3A_766, %mul3A_765 : i32
        %add3A_768 = arith.constant 48 : i32
        %add3A_769 = arith.addi %add3A_767, %add3A_768 : i32
        %get3A_770 = arith.index_cast %add3A_769 : i32 to index
        %get3A_771 = tpu.vector_load %arg8[%get3A_770] {strides = array<i32>} : memref<12800xf32, #tpu.memory_space<vmem>>, vector<16xf32>,
        %get3A_772 = vector.shape_cast %get3A_771 : vector<16xf32> to vector<16xf32>
        %swap3A_773 = arith.constant 0 : i32
        %swap3A_774 = arith.constant 0 : i32
        %swap3A_775 = arith.index_cast %swap3A_773 : i32 to index
        %swap3A_776 = arith.index_cast %swap3A_774 : i32 to index
        %swap3A_777 = arith.index_cast %scan3A_709 : i32 to index
        %swap3A_778 = arith.constant 48 : index
        %swap3A_779 = tpu.vector_load %arg7[%swap3A_775, %swap3A_776, %swap3A_777, %swap3A_778] {strides = array<i32>} : memref<2x4x100x64xf32, #tpu.memory_space<vmem>>, vector<1x1x1x16xf32>,
        %swap3A_780 = vector.shape_cast %swap3A_779 : vector<1x1x1x16xf32> to vector<16xf32>
        %swap3A_781 = vector.shape_cast %get3A_772 : vector<16xf32> to vector<1x1x1x16xf32>
        tpu.vector_store %arg7[%swap3A_775, %swap3A_776, %swap3A_777, %swap3A_778], %swap3A_781 {add = true, strides = array<i32>} : memref<2x4x100x64xf32, #tpu.memory_space<vmem>>, vector<1x1x1x16xf32>,
        %scan3A_782 = arith.constant 2 : i32
        %scan3A_783 = arith.addi %scan3A_637, %scan3A_782 : i32
        %mul3A_784 = arith.constant 64 : i32
        %mul3A_785 = arith.muli %scan3A_783, %mul3A_784 : i32
        %add3A_786 = arith.constant 0 : i32
        %add3A_787 = arith.addi %add3A_786, %mul3A_785 : i32
        %add3A_788 = arith.constant 0 : i32
        %add3A_789 = arith.addi %add3A_787, %add3A_788 : i32
        %get3A_790 = arith.index_cast %add3A_789 : i32 to index
        %get3A_791 = tpu.vector_load %arg8[%get3A_790] {strides = array<i32>} : memref<12800xf32, #tpu.memory_space<vmem>>, vector<16xf32>,
        %get3A_792 = vector.shape_cast %get3A_791 : vector<16xf32> to vector<16xf32>
        %swap3A_793 = arith.constant 0 : i32
        %swap3A_794 = arith.constant 0 : i32
        %swap3A_795 = arith.index_cast %swap3A_793 : i32 to index
        %swap3A_796 = arith.index_cast %swap3A_794 : i32 to index
        %swap3A_797 = arith.index_cast %scan3A_783 : i32 to index
        %swap3A_798 = arith.constant 0 : index
        %swap3A_799 = tpu.vector_load %arg7[%swap3A_795, %swap3A_796, %swap3A_797, %swap3A_798] {strides = array<i32>} : memref<2x4x100x64xf32, #tpu.memory_space<vmem>>, vector<1x1x1x16xf32>,
        %swap3A_800 = vector.shape_cast %swap3A_799 : vector<1x1x1x16xf32> to vector<16xf32>
        %swap3A_801 = vector.shape_cast %get3A_792 : vector<16xf32> to vector<1x1x1x16xf32>
        tpu.vector_store %arg7[%swap3A_795, %swap3A_796, %swap3A_797, %swap3A_798], %swap3A_801 {add = true, strides = array<i32>} : memref<2x4x100x64xf32, #tpu.memory_space<vmem>>, vector<1x1x1x16xf32>,
        %mul3A_802 = arith.constant 64 : i32
        %mul3A_803 = arith.muli %scan3A_783, %mul3A_802 : i32
        %add3A_804 = arith.constant 0 : i32
        %add3A_805 = arith.addi %add3A_804, %mul3A_803 : i32
        %add3A_806 = arith.constant 16 : i32
        %add3A_807 = arith.addi %add3A_805, %add3A_806 : i32
        %get3A_808 = arith.index_cast %add3A_807 : i32 to index
        %get3A_809 = tpu.vector_load %arg8[%get3A_808] {strides = array<i32>} : memref<12800xf32, #tpu.memory_space<vmem>>, vector<16xf32>,
        %get3A_810 = vector.shape_cast %get3A_809 : vector<16xf32> to vector<16xf32>
        %swap3A_811 = arith.constant 0 : i32
        %swap3A_812 = arith.constant 0 : i32
        %swap3A_813 = arith.index_cast %swap3A_811 : i32 to index
        %swap3A_814 = arith.index_cast %swap3A_812 : i32 to index
        %swap3A_815 = arith.index_cast %scan3A_783 : i32 to index
        %swap3A_816 = arith.constant 16 : index
        %swap3A_817 = tpu.vector_load %arg7[%swap3A_813, %swap3A_814, %swap3A_815, %swap3A_816] {strides = array<i32>} : memref<2x4x100x64xf32, #tpu.memory_space<vmem>>, vector<1x1x1x16xf32>,
        %swap3A_818 = vector.shape_cast %swap3A_817 : vector<1x1x1x16xf32> to vector<16xf32>
        %swap3A_819 = vector.shape_cast %get3A_810 : vector<16xf32> to vector<1x1x1x16xf32>
        tpu.vector_store %arg7[%swap3A_813, %swap3A_814, %swap3A_815, %swap3A_816], %swap3A_819 {add = true, strides = array<i32>} : memref<2x4x100x64xf32, #tpu.memory_space<vmem>>, vector<1x1x1x16xf32>,
        %mul3A_820 = arith.constant 64 : i32
        %mul3A_821 = arith.muli %scan3A_783, %mul3A_820 : i32
        %add3A_822 = arith.constant 0 : i32
        %add3A_823 = arith.addi %add3A_822, %mul3A_821 : i32
        %add3A_824 = arith.constant 32 : i32
        %add3A_825 = arith.addi %add3A_823, %add3A_824 : i32
        %get3A_826 = arith.index_cast %add3A_825 : i32 to index
        %get3A_827 = tpu.vector_load %arg8[%get3A_826] {strides = array<i32>} : memref<12800xf32, #tpu.memory_space<vmem>>, vector<16xf32>,
        %get3A_828 = vector.shape_cast %get3A_827 : vector<16xf32> to vector<16xf32>
        %swap3A_829 = arith.constant 0 : i32
        %swap3A_830 = arith.constant 0 : i32
        %swap3A_831 = arith.index_cast %swap3A_829 : i32 to index
        %swap3A_832 = arith.index_cast %swap3A_830 : i32 to index
        %swap3A_833 = arith.index_cast %scan3A_783 : i32 to index
        %swap3A_834 = arith.constant 32 : index
        %swap3A_835 = tpu.vector_load %arg7[%swap3A_831, %swap3A_832, %swap3A_833, %swap3A_834] {strides = array<i32>} : memref<2x4x100x64xf32, #tpu.memory_space<vmem>>, vector<1x1x1x16xf32>,
        %swap3A_836 = vector.shape_cast %swap3A_835 : vector<1x1x1x16xf32> to vector<16xf32>
        %swap3A_837 = vector.shape_cast %get3A_828 : vector<16xf32> to vector<1x1x1x16xf32>
        tpu.vector_store %arg7[%swap3A_831, %swap3A_832, %swap3A_833, %swap3A_834], %swap3A_837 {add = true, strides = array<i32>} : memref<2x4x100x64xf32, #tpu.memory_space<vmem>>, vector<1x1x1x16xf32>,
        %mul3A_838 = arith.constant 64 : i32
        %mul3A_839 = arith.muli %scan3A_783, %mul3A_838 : i32
        %add3A_840 = arith.constant 0 : i32
        %add3A_841 = arith.addi %add3A_840, %mul3A_839 : i32
        %add3A_842 = arith.constant 48 : i32
        %add3A_843 = arith.addi %add3A_841, %add3A_842 : i32
        %get3A_844 = arith.index_cast %add3A_843 : i32 to index
        %get3A_845 = tpu.vector_load %arg8[%get3A_844] {strides = array<i32>} : memref<12800xf32, #tpu.memory_space<vmem>>, vector<16xf32>,
        %get3A_846 = vector.shape_cast %get3A_845 : vector<16xf32> to vector<16xf32>
        %swap3A_847 = arith.constant 0 : i32
        %swap3A_848 = arith.constant 0 : i32
        %swap3A_849 = arith.index_cast %swap3A_847 : i32 to index
        %swap3A_850 = arith.index_cast %swap3A_848 : i32 to index
        %swap3A_851 = arith.index_cast %scan3A_783 : i32 to index
        %swap3A_852 = arith.constant 48 : index
        %swap3A_853 = tpu.vector_load %arg7[%swap3A_849, %swap3A_850, %swap3A_851, %swap3A_852] {strides = array<i32>} : memref<2x4x100x64xf32, #tpu.memory_space<vmem>>, vector<1x1x1x16xf32>,
        %swap3A_854 = vector.shape_cast %swap3A_853 : vector<1x1x1x16xf32> to vector<16xf32>
        %swap3A_855 = vector.shape_cast %get3A_846 : vector<16xf32> to vector<1x1x1x16xf32>
        tpu.vector_store %arg7[%swap3A_849, %swap3A_850, %swap3A_851, %swap3A_852], %swap3A_855 {add = true, strides = array<i32>} : memref<2x4x100x64xf32, #tpu.memory_space<vmem>>, vector<1x1x1x16xf32>,
        %scan3A_856 = arith.constant 3 : i32
        %scan3A_857 = arith.addi %scan3A_637, %scan3A_856 : i32
        %mul3A_858 = arith.constant 64 : i32
        %mul3A_859 = arith.muli %scan3A_857, %mul3A_858 : i32
        %add3A_860 = arith.constant 0 : i32
        %add3A_861 = arith.addi %add3A_860, %mul3A_859 : i32
        %add3A_862 = arith.constant 0 : i32
        %add3A_863 = arith.addi %add3A_861, %add3A_862 : i32
        %get3A_864 = arith.index_cast %add3A_863 : i32 to index
        %get3A_865 = tpu.vector_load %arg8[%get3A_864] {strides = array<i32>} : memref<12800xf32, #tpu.memory_space<vmem>>, vector<16xf32>,
        %get3A_866 = vector.shape_cast %get3A_865 : vector<16xf32> to vector<16xf32>
        %swap3A_867 = arith.constant 0 : i32
        %swap3A_868 = arith.constant 0 : i32
        %swap3A_869 = arith.index_cast %swap3A_867 : i32 to index
        %swap3A_870 = arith.index_cast %swap3A_868 : i32 to index
        %swap3A_871 = arith.index_cast %scan3A_857 : i32 to index
        %swap3A_872 = arith.constant 0 : index
        %swap3A_873 = tpu.vector_load %arg7[%swap3A_869, %swap3A_870, %swap3A_871, %swap3A_872] {strides = array<i32>} : memref<2x4x100x64xf32, #tpu.memory_space<vmem>>, vector<1x1x1x16xf32>,
        %swap3A_874 = vector.shape_cast %swap3A_873 : vector<1x1x1x16xf32> to vector<16xf32>
        %swap3A_875 = vector.shape_cast %get3A_866 : vector<16xf32> to vector<1x1x1x16xf32>
        tpu.vector_store %arg7[%swap3A_869, %swap3A_870, %swap3A_871, %swap3A_872], %swap3A_875 {add = true, strides = array<i32>} : memref<2x4x100x64xf32, #tpu.memory_space<vmem>>, vector<1x1x1x16xf32>,
        %mul3A_876 = arith.constant 64 : i32
        %mul3A_877 = arith.muli %scan3A_857, %mul3A_876 : i32
        %add3A_878 = arith.constant 0 : i32
        %add3A_879 = arith.addi %add3A_878, %mul3A_877 : i32
        %add3A_880 = arith.constant 16 : i32
        %add3A_881 = arith.addi %add3A_879, %add3A_880 : i32
        %get3A_882 = arith.index_cast %add3A_881 : i32 to index
        %get3A_883 = tpu.vector_load %arg8[%get3A_882] {strides = array<i32>} : memref<12800xf32, #tpu.memory_space<vmem>>, vector<16xf32>,
        %get3A_884 = vector.shape_cast %get3A_883 : vector<16xf32> to vector<16xf32>
        %swap3A_885 = arith.constant 0 : i32
        %swap3A_886 = arith.constant 0 : i32
        %swap3A_887 = arith.index_cast %swap3A_885 : i32 to index
        %swap3A_888 = arith.index_cast %swap3A_886 : i32 to index
        %swap3A_889 = arith.index_cast %scan3A_857 : i32 to index
        %swap3A_890 = arith.constant 16 : index
        %swap3A_891 = tpu.vector_load %arg7[%swap3A_887, %swap3A_888, %swap3A_889, %swap3A_890] {strides = array<i32>} : memref<2x4x100x64xf32, #tpu.memory_space<vmem>>, vector<1x1x1x16xf32>,
        %swap3A_892 = vector.shape_cast %swap3A_891 : vector<1x1x1x16xf32> to vector<16xf32>
        %swap3A_893 = vector.shape_cast %get3A_884 : vector<16xf32> to vector<1x1x1x16xf32>
        tpu.vector_store %arg7[%swap3A_887, %swap3A_888, %swap3A_889, %swap3A_890], %swap3A_893 {add = true, strides = array<i32>} : memref<2x4x100x64xf32, #tpu.memory_space<vmem>>, vector<1x1x1x16xf32>,
        %mul3A_894 = arith.constant 64 : i32
        %mul3A_895 = arith.muli %scan3A_857, %mul3A_894 : i32
        %add3A_896 = arith.constant 0 : i32
        %add3A_897 = arith.addi %add3A_896, %mul3A_895 : i32
        %add3A_898 = arith.constant 32 : i32
        %add3A_899 = arith.addi %add3A_897, %add3A_898 : i32
        %get3A_900 = arith.index_cast %add3A_899 : i32 to index
        %get3A_901 = tpu.vector_load %arg8[%get3A_900] {strides = array<i32>} : memref<12800xf32, #tpu.memory_space<vmem>>, vector<16xf32>,
        %get3A_902 = vector.shape_cast %get3A_901 : vector<16xf32> to vector<16xf32>
        %swap3A_903 = arith.constant 0 : i32
        %swap3A_904 = arith.constant 0 : i32
        %swap3A_905 = arith.index_cast %swap3A_903 : i32 to index
        %swap3A_906 = arith.index_cast %swap3A_904 : i32 to index
        %swap3A_907 = arith.index_cast %scan3A_857 : i32 to index
        %swap3A_908 = arith.constant 32 : index
        %swap3A_909 = tpu.vector_load %arg7[%swap3A_905, %swap3A_906, %swap3A_907, %swap3A_908] {strides = array<i32>} : memref<2x4x100x64xf32, #tpu.memory_space<vmem>>, vector<1x1x1x16xf32>,
        %swap3A_910 = vector.shape_cast %swap3A_909 : vector<1x1x1x16xf32> to vector<16xf32>
        %swap3A_911 = vector.shape_cast %get3A_902 : vector<16xf32> to vector<1x1x1x16xf32>
        tpu.vector_store %arg7[%swap3A_905, %swap3A_906, %swap3A_907, %swap3A_908], %swap3A_911 {add = true, strides = array<i32>} : memref<2x4x100x64xf32, #tpu.memory_space<vmem>>, vector<1x1x1x16xf32>,
        %mul3A_912 = arith.constant 64 : i32
        %mul3A_913 = arith.muli %scan3A_857, %mul3A_912 : i32
        %add3A_914 = arith.constant 0 : i32
        %add3A_915 = arith.addi %add3A_914, %mul3A_913 : i32
        %add3A_916 = arith.constant 48 : i32
        %add3A_917 = arith.addi %add3A_915, %add3A_916 : i32
        %get3A_918 = arith.index_cast %add3A_917 : i32 to index
        %get3A_919 = tpu.vector_load %arg8[%get3A_918] {strides = array<i32>} : memref<12800xf32, #tpu.memory_space<vmem>>, vector<16xf32>,
        %get3A_920 = vector.shape_cast %get3A_919 : vector<16xf32> to vector<16xf32>
        %swap3A_921 = arith.constant 0 : i32
        %swap3A_922 = arith.constant 0 : i32
        %swap3A_923 = arith.index_cast %swap3A_921 : i32 to index
        %swap3A_924 = arith.index_cast %swap3A_922 : i32 to index
        %swap3A_925 = arith.index_cast %scan3A_857 : i32 to index
        %swap3A_926 = arith.constant 48 : index
        %swap3A_927 = tpu.vector_load %arg7[%swap3A_923, %swap3A_924, %swap3A_925, %swap3A_926] {strides = array<i32>} : memref<2x4x100x64xf32, #tpu.memory_space<vmem>>, vector<1x1x1x16xf32>,
        %swap3A_928 = vector.shape_cast %swap3A_927 : vector<1x1x1x16xf32> to vector<16xf32>
        %swap3A_929 = vector.shape_cast %get3A_920 : vector<16xf32> to vector<1x1x1x16xf32>
        tpu.vector_store %arg7[%swap3A_923, %swap3A_924, %swap3A_925, %swap3A_926], %swap3A_929 {add = true, strides = array<i32>} : memref<2x4x100x64xf32, #tpu.memory_space<vmem>>, vector<1x1x1x16xf32>,
      }
      %scan3A_357 = arith.constant 100 : i32
      %add3A_358 = arith.constant 0 : i32
      %add3A_359 = arith.addi %add3A_351, %add3A_358 : i32
      %dma_start3A_360 = arith.constant 0 : i32
      %dma_start3A_361 = arith.constant 0 : i32
      %dma_start3A_362 = arith.constant 0 : i32
      %dma_start3A_363 = arith.constant 0 : i32
      %dma_start3A_364 = tpu.memref_slice %arg7[%dma_start3A_360, %dma_start3A_361, %dma_start3A_362, %dma_start3A_363] : memref<2x4x100x64xf32, #tpu.memory_space<vmem>> -> memref<1x1x100x64xf32, #tpu.memory_space<vmem>>
      %dma_start3A_365 = tpu.memref_squeeze %dma_start3A_364 : memref<1x1x100x64xf32, #tpu.memory_space<vmem>> -> memref<100x64xf32, #tpu.memory_space<vmem>>
      %dma_start3A_366 = arith.constant 0 : i32
      %dma_start3A_367 = arith.constant 0 : i32
      %dma_start3A_368 = tpu.memref_slice %arg5[%add3A_359, %dma_start3A_366, %dma_start3A_367] : memref<8192x100x64xf32, #tpu.memory_space<hbm>> -> memref<1x100x64xf32, #tpu.memory_space<hbm>>
      %dma_start3A_369 = tpu.memref_squeeze %dma_start3A_368 : memref<1x100x64xf32, #tpu.memory_space<hbm>> -> memref<100x64xf32, #tpu.memory_space<hbm>>
      %dma_start3A_370 = arith.constant 0 : i32
      %dma_start3A_371 = arith.constant 0 : i32
      %dma_start3A_372 = tpu.memref_slice %arg5[%add3A_359, %dma_start3A_370, %dma_start3A_371] : memref<8192x100x64xf32, #tpu.memory_space<hbm>> -> memref<1x100x64xf32, #tpu.memory_space<hbm>>
      %dma_start3A_373 = tpu.memref_squeeze %dma_start3A_372 : memref<1x100x64xf32, #tpu.memory_space<hbm>> -> memref<100x64xf32, #tpu.memory_space<hbm>>
      %dma_start3A_374 = arith.constant 0 : i32
      %dma_start3A_375 = arith.constant 0 : i32
      %dma_start3A_376 = tpu.memref_slice %arg7[%dma_start3A_360, %dma_start3A_361, %dma_start3A_374, %dma_start3A_375] : memref<2x4x100x64xf32, #tpu.memory_space<vmem>> -> memref<1x1x100x64xf32, #tpu.memory_space<vmem>>
      %dma_start3A_377 = tpu.memref_squeeze %dma_start3A_376 : memref<1x1x100x64xf32, #tpu.memory_space<vmem>> -> memref<100x64xf32, #tpu.memory_space<vmem>>
      tpu.enqueue_dma source(%dma_start3A_377 : memref<100x64xf32, #tpu.memory_space<vmem>>) target(%dma_start3A_373 : memref<100x64xf32, #tpu.memory_space<hbm>>) target_semaphore(%arg11 : memref<!tpu.dma_semaphore, #tpu.memory_space<semaphore_mem>>)
      %scan3A_378 = arith.constant 0 : i32
      %scan3A_379 = arith.constant 0 : i32
      %scan3A_380 = arith.constant 100 : i32
      %scan3A_381 = arith.addi %scan3A_379, %scan3A_380 : i32
      %scan3A_382 = arith.constant 4 : i32
      scf.for %scan3A_637 = %scan3A_379 to %scan3A_381 step %scan3A_382  : i32 {
        %mul3A_638 = arith.constant 64 : i32
        %mul3A_639 = arith.muli %scan3A_637, %mul3A_638 : i32
        %add3A_640 = arith.constant 6400 : i32
        %add3A_641 = arith.addi %add3A_640, %mul3A_639 : i32
        %add3A_642 = arith.constant 0 : i32
        %add3A_643 = arith.addi %add3A_641, %add3A_642 : i32
        %get3A = arith.index_cast %add3A_643 : i32 to index
        %get3A_644 = tpu.vector_load %arg8[%get3A] {strides = array<i32>} : memref<12800xf32, #tpu.memory_space<vmem>>, vector<16xf32>,
        %get3A_645 = vector.shape_cast %get3A_644 : vector<16xf32> to vector<16xf32>
        %swap3A = arith.constant 0 : i32
        %swap3A_646 = arith.constant 1 : i32
        %swap3A_647 = arith.index_cast %swap3A : i32 to index
        %swap3A_648 = arith.index_cast %swap3A_646 : i32 to index
        %swap3A_649 = arith.index_cast %scan3A_637 : i32 to index
        %swap3A_650 = arith.constant 0 : index
        %swap3A_651 = tpu.vector_load %arg7[%swap3A_647, %swap3A_648, %swap3A_649, %swap3A_650] {strides = array<i32>} : memref<2x4x100x64xf32, #tpu.memory_space<vmem>>, vector<1x1x1x16xf32>,
        %swap3A_652 = vector.shape_cast %swap3A_651 : vector<1x1x1x16xf32> to vector<16xf32>
        %swap3A_653 = vector.shape_cast %get3A_645 : vector<16xf32> to vector<1x1x1x16xf32>
        tpu.vector_store %arg7[%swap3A_647, %swap3A_648, %swap3A_649, %swap3A_650], %swap3A_653 {add = true, strides = array<i32>} : memref<2x4x100x64xf32, #tpu.memory_space<vmem>>, vector<1x1x1x16xf32>,
        %mul3A_654 = arith.constant 64 : i32
        %mul3A_655 = arith.muli %scan3A_637, %mul3A_654 : i32
        %add3A_656 = arith.constant 6400 : i32
        %add3A_657 = arith.addi %add3A_656, %mul3A_655 : i32
        %add3A_658 = arith.constant 16 : i32
        %add3A_659 = arith.addi %add3A_657, %add3A_658 : i32
        %get3A_660 = arith.index_cast %add3A_659 : i32 to index
        %get3A_661 = tpu.vector_load %arg8[%get3A_660] {strides = array<i32>} : memref<12800xf32, #tpu.memory_space<vmem>>, vector<16xf32>,
        %get3A_662 = vector.shape_cast %get3A_661 : vector<16xf32> to vector<16xf32>
        %swap3A_663 = arith.constant 0 : i32
        %swap3A_664 = arith.constant 1 : i32
        %swap3A_665 = arith.index_cast %swap3A_663 : i32 to index
        %swap3A_666 = arith.index_cast %swap3A_664 : i32 to index
        %swap3A_667 = arith.index_cast %scan3A_637 : i32 to index
        %swap3A_668 = arith.constant 16 : index
        %swap3A_669 = tpu.vector_load %arg7[%swap3A_665, %swap3A_666, %swap3A_667, %swap3A_668] {strides = array<i32>} : memref<2x4x100x64xf32, #tpu.memory_space<vmem>>, vector<1x1x1x16xf32>,
        %swap3A_670 = vector.shape_cast %swap3A_669 : vector<1x1x1x16xf32> to vector<16xf32>
        %swap3A_671 = vector.shape_cast %get3A_662 : vector<16xf32> to vector<1x1x1x16xf32>
        tpu.vector_store %arg7[%swap3A_665, %swap3A_666, %swap3A_667, %swap3A_668], %swap3A_671 {add = true, strides = array<i32>} : memref<2x4x100x64xf32, #tpu.memory_space<vmem>>, vector<1x1x1x16xf32>,
        %mul3A_672 = arith.constant 64 : i32
        %mul3A_673 = arith.muli %scan3A_637, %mul3A_672 : i32
        %add3A_674 = arith.constant 6400 : i32
        %add3A_675 = arith.addi %add3A_674, %mul3A_673 : i32
        %add3A_676 = arith.constant 32 : i32
        %add3A_677 = arith.addi %add3A_675, %add3A_676 : i32
        %get3A_678 = arith.index_cast %add3A_677 : i32 to index
        %get3A_679 = tpu.vector_load %arg8[%get3A_678] {strides = array<i32>} : memref<12800xf32, #tpu.memory_space<vmem>>, vector<16xf32>,
        %get3A_680 = vector.shape_cast %get3A_679 : vector<16xf32> to vector<16xf32>
        %swap3A_681 = arith.constant 0 : i32
        %swap3A_682 = arith.constant 1 : i32
        %swap3A_683 = arith.index_cast %swap3A_681 : i32 to index
        %swap3A_684 = arith.index_cast %swap3A_682 : i32 to index
        %swap3A_685 = arith.index_cast %scan3A_637 : i32 to index
        %swap3A_686 = arith.constant 32 : index
        %swap3A_687 = tpu.vector_load %arg7[%swap3A_683, %swap3A_684, %swap3A_685, %swap3A_686] {strides = array<i32>} : memref<2x4x100x64xf32, #tpu.memory_space<vmem>>, vector<1x1x1x16xf32>,
        %swap3A_688 = vector.shape_cast %swap3A_687 : vector<1x1x1x16xf32> to vector<16xf32>
        %swap3A_689 = vector.shape_cast %get3A_680 : vector<16xf32> to vector<1x1x1x16xf32>
        tpu.vector_store %arg7[%swap3A_683, %swap3A_684, %swap3A_685, %swap3A_686], %swap3A_689 {add = true, strides = array<i32>} : memref<2x4x100x64xf32, #tpu.memory_space<vmem>>, vector<1x1x1x16xf32>,
        %mul3A_690 = arith.constant 64 : i32
        %mul3A_691 = arith.muli %scan3A_637, %mul3A_690 : i32
        %add3A_692 = arith.constant 6400 : i32
        %add3A_693 = arith.addi %add3A_692, %mul3A_691 : i32
        %add3A_694 = arith.constant 48 : i32
        %add3A_695 = arith.addi %add3A_693, %add3A_694 : i32
        %get3A_696 = arith.index_cast %add3A_695 : i32 to index
        %get3A_697 = tpu.vector_load %arg8[%get3A_696] {strides = array<i32>} : memref<12800xf32, #tpu.memory_space<vmem>>, vector<16xf32>,
        %get3A_698 = vector.shape_cast %get3A_697 : vector<16xf32> to vector<16xf32>
        %swap3A_699 = arith.constant 0 : i32
        %swap3A_700 = arith.constant 1 : i32
        %swap3A_701 = arith.index_cast %swap3A_699 : i32 to index
        %swap3A_702 = arith.index_cast %swap3A_700 : i32 to index
        %swap3A_703 = arith.index_cast %scan3A_637 : i32 to index
        %swap3A_704 = arith.constant 48 : index
        %swap3A_705 = tpu.vector_load %arg7[%swap3A_701, %swap3A_702, %swap3A_703, %swap3A_704] {strides = array<i32>} : memref<2x4x100x64xf32, #tpu.memory_space<vmem>>, vector<1x1x1x16xf32>,
        %swap3A_706 = vector.shape_cast %swap3A_705 : vector<1x1x1x16xf32> to vector<16xf32>
        %swap3A_707 = vector.shape_cast %get3A_698 : vector<16xf32> to vector<1x1x1x16xf32>
        tpu.vector_store %arg7[%swap3A_701, %swap3A_702, %swap3A_703, %swap3A_704], %swap3A_707 {add = true, strides = array<i32>} : memref<2x4x100x64xf32, #tpu.memory_space<vmem>>, vector<1x1x1x16xf32>,
        %scan3A_708 = arith.constant 1 : i32
        %scan3A_709 = arith.addi %scan3A_637, %scan3A_708 : i32
        %mul3A_710 = arith.constant 64 : i32
        %mul3A_711 = arith.muli %scan3A_709, %mul3A_710 : i32
        %add3A_712 = arith.constant 6400 : i32
        %add3A_713 = arith.addi %add3A_712, %mul3A_711 : i32
        %add3A_714 = arith.constant 0 : i32
        %add3A_715 = arith.addi %add3A_713, %add3A_714 : i32
        %get3A_716 = arith.index_cast %add3A_715 : i32 to index
        %get3A_717 = tpu.vector_load %arg8[%get3A_716] {strides = array<i32>} : memref<12800xf32, #tpu.memory_space<vmem>>, vector<16xf32>,
        %get3A_718 = vector.shape_cast %get3A_717 : vector<16xf32> to vector<16xf32>
        %swap3A_719 = arith.constant 0 : i32
        %swap3A_720 = arith.constant 1 : i32
        %swap3A_721 = arith.index_cast %swap3A_719 : i32 to index
        %swap3A_722 = arith.index_cast %swap3A_720 : i32 to index
        %swap3A_723 = arith.index_cast %scan3A_709 : i32 to index
        %swap3A_724 = arith.constant 0 : index
        %swap3A_725 = tpu.vector_load %arg7[%swap3A_721, %swap3A_722, %swap3A_723, %swap3A_724] {strides = array<i32>} : memref<2x4x100x64xf32, #tpu.memory_space<vmem>>, vector<1x1x1x16xf32>,
        %swap3A_726 = vector.shape_cast %swap3A_725 : vector<1x1x1x16xf32> to vector<16xf32>
        %swap3A_727 = vector.shape_cast %get3A_718 : vector<16xf32> to vector<1x1x1x16xf32>
        tpu.vector_store %arg7[%swap3A_721, %swap3A_722, %swap3A_723, %swap3A_724], %swap3A_727 {add = true, strides = array<i32>} : memref<2x4x100x64xf32, #tpu.memory_space<vmem>>, vector<1x1x1x16xf32>,
        %mul3A_728 = arith.constant 64 : i32
        %mul3A_729 = arith.muli %scan3A_709, %mul3A_728 : i32
        %add3A_730 = arith.constant 6400 : i32
        %add3A_731 = arith.addi %add3A_730, %mul3A_729 : i32
        %add3A_732 = arith.constant 16 : i32
        %add3A_733 = arith.addi %add3A_731, %add3A_732 : i32
        %get3A_734 = arith.index_cast %add3A_733 : i32 to index
        %get3A_735 = tpu.vector_load %arg8[%get3A_734] {strides = array<i32>} : memref<12800xf32, #tpu.memory_space<vmem>>, vector<16xf32>,
        %get3A_736 = vector.shape_cast %get3A_735 : vector<16xf32> to vector<16xf32>
        %swap3A_737 = arith.constant 0 : i32
        %swap3A_738 = arith.constant 1 : i32
        %swap3A_739 = arith.index_cast %swap3A_737 : i32 to index
        %swap3A_740 = arith.index_cast %swap3A_738 : i32 to index
        %swap3A_741 = arith.index_cast %scan3A_709 : i32 to index
        %swap3A_742 = arith.constant 16 : index
        %swap3A_743 = tpu.vector_load %arg7[%swap3A_739, %swap3A_740, %swap3A_741, %swap3A_742] {strides = array<i32>} : memref<2x4x100x64xf32, #tpu.memory_space<vmem>>, vector<1x1x1x16xf32>,
        %swap3A_744 = vector.shape_cast %swap3A_743 : vector<1x1x1x16xf32> to vector<16xf32>
        %swap3A_745 = vector.shape_cast %get3A_736 : vector<16xf32> to vector<1x1x1x16xf32>
        tpu.vector_store %arg7[%swap3A_739, %swap3A_740, %swap3A_741, %swap3A_742], %swap3A_745 {add = true, strides = array<i32>} : memref<2x4x100x64xf32, #tpu.memory_space<vmem>>, vector<1x1x1x16xf32>,
        %mul3A_746 = arith.constant 64 : i32
        %mul3A_747 = arith.muli %scan3A_709, %mul3A_746 : i32
        %add3A_748 = arith.constant 6400 : i32
        %add3A_749 = arith.addi %add3A_748, %mul3A_747 : i32
        %add3A_750 = arith.constant 32 : i32
        %add3A_751 = arith.addi %add3A_749, %add3A_750 : i32
        %get3A_752 = arith.index_cast %add3A_751 : i32 to index
        %get3A_753 = tpu.vector_load %arg8[%get3A_752] {strides = array<i32>} : memref<12800xf32, #tpu.memory_space<vmem>>, vector<16xf32>,
        %get3A_754 = vector.shape_cast %get3A_753 : vector<16xf32> to vector<16xf32>
        %swap3A_755 = arith.constant 0 : i32
        %swap3A_756 = arith.constant 1 : i32
        %swap3A_757 = arith.index_cast %swap3A_755 : i32 to index
        %swap3A_758 = arith.index_cast %swap3A_756 : i32 to index
        %swap3A_759 = arith.index_cast %scan3A_709 : i32 to index
        %swap3A_760 = arith.constant 32 : index
        %swap3A_761 = tpu.vector_load %arg7[%swap3A_757, %swap3A_758, %swap3A_759, %swap3A_760] {strides = array<i32>} : memref<2x4x100x64xf32, #tpu.memory_space<vmem>>, vector<1x1x1x16xf32>,
        %swap3A_762 = vector.shape_cast %swap3A_761 : vector<1x1x1x16xf32> to vector<16xf32>
        %swap3A_763 = vector.shape_cast %get3A_754 : vector<16xf32> to vector<1x1x1x16xf32>
        tpu.vector_store %arg7[%swap3A_757, %swap3A_758, %swap3A_759, %swap3A_760], %swap3A_763 {add = true, strides = array<i32>} : memref<2x4x100x64xf32, #tpu.memory_space<vmem>>, vector<1x1x1x16xf32>,
        %mul3A_764 = arith.constant 64 : i32
        %mul3A_765 = arith.muli %scan3A_709, %mul3A_764 : i32
        %add3A_766 = arith.constant 6400 : i32
        %add3A_767 = arith.addi %add3A_766, %mul3A_765 : i32
        %add3A_768 = arith.constant 48 : i32
        %add3A_769 = arith.addi %add3A_767, %add3A_768 : i32
        %get3A_770 = arith.index_cast %add3A_769 : i32 to index
        %get3A_771 = tpu.vector_load %arg8[%get3A_770] {strides = array<i32>} : memref<12800xf32, #tpu.memory_space<vmem>>, vector<16xf32>,
        %get3A_772 = vector.shape_cast %get3A_771 : vector<16xf32> to vector<16xf32>
        %swap3A_773 = arith.constant 0 : i32
        %swap3A_774 = arith.constant 1 : i32
        %swap3A_775 = arith.index_cast %swap3A_773 : i32 to index
        %swap3A_776 = arith.index_cast %swap3A_774 : i32 to index
        %swap3A_777 = arith.index_cast %scan3A_709 : i32 to index
        %swap3A_778 = arith.constant 48 : index
        %swap3A_779 = tpu.vector_load %arg7[%swap3A_775, %swap3A_776, %swap3A_777, %swap3A_778] {strides = array<i32>} : memref<2x4x100x64xf32, #tpu.memory_space<vmem>>, vector<1x1x1x16xf32>,
        %swap3A_780 = vector.shape_cast %swap3A_779 : vector<1x1x1x16xf32> to vector<16xf32>
        %swap3A_781 = vector.shape_cast %get3A_772 : vector<16xf32> to vector<1x1x1x16xf32>
        tpu.vector_store %arg7[%swap3A_775, %swap3A_776, %swap3A_777, %swap3A_778], %swap3A_781 {add = true, strides = array<i32>} : memref<2x4x100x64xf32, #tpu.memory_space<vmem>>, vector<1x1x1x16xf32>,
        %scan3A_782 = arith.constant 2 : i32
        %scan3A_783 = arith.addi %scan3A_637, %scan3A_782 : i32
        %mul3A_784 = arith.constant 64 : i32
        %mul3A_785 = arith.muli %scan3A_783, %mul3A_784 : i32
        %add3A_786 = arith.constant 6400 : i32
        %add3A_787 = arith.addi %add3A_786, %mul3A_785 : i32
        %add3A_788 = arith.constant 0 : i32
        %add3A_789 = arith.addi %add3A_787, %add3A_788 : i32
        %get3A_790 = arith.index_cast %add3A_789 : i32 to index
        %get3A_791 = tpu.vector_load %arg8[%get3A_790] {strides = array<i32>} : memref<12800xf32, #tpu.memory_space<vmem>>, vector<16xf32>,
        %get3A_792 = vector.shape_cast %get3A_791 : vector<16xf32> to vector<16xf32>
        %swap3A_793 = arith.constant 0 : i32
        %swap3A_794 = arith.constant 1 : i32
        %swap3A_795 = arith.index_cast %swap3A_793 : i32 to index
        %swap3A_796 = arith.index_cast %swap3A_794 : i32 to index
        %swap3A_797 = arith.index_cast %scan3A_783 : i32 to index
        %swap3A_798 = arith.constant 0 : index
        %swap3A_799 = tpu.vector_load %arg7[%swap3A_795, %swap3A_796, %swap3A_797, %swap3A_798] {strides = array<i32>} : memref<2x4x100x64xf32, #tpu.memory_space<vmem>>, vector<1x1x1x16xf32>,
        %swap3A_800 = vector.shape_cast %swap3A_799 : vector<1x1x1x16xf32> to vector<16xf32>
        %swap3A_801 = vector.shape_cast %get3A_792 : vector<16xf32> to vector<1x1x1x16xf32>
        tpu.vector_store %arg7[%swap3A_795, %swap3A_796, %swap3A_797, %swap3A_798], %swap3A_801 {add = true, strides = array<i32>} : memref<2x4x100x64xf32, #tpu.memory_space<vmem>>, vector<1x1x1x16xf32>,
        %mul3A_802 = arith.constant 64 : i32
        %mul3A_803 = arith.muli %scan3A_783, %mul3A_802 : i32
        %add3A_804 = arith.constant 6400 : i32
        %add3A_805 = arith.addi %add3A_804, %mul3A_803 : i32
        %add3A_806 = arith.constant 16 : i32
        %add3A_807 = arith.addi %add3A_805, %add3A_806 : i32
        %get3A_808 = arith.index_cast %add3A_807 : i32 to index
        %get3A_809 = tpu.vector_load %arg8[%get3A_808] {strides = array<i32>} : memref<12800xf32, #tpu.memory_space<vmem>>, vector<16xf32>,
        %get3A_810 = vector.shape_cast %get3A_809 : vector<16xf32> to vector<16xf32>
        %swap3A_811 = arith.constant 0 : i32
        %swap3A_812 = arith.constant 1 : i32
        %swap3A_813 = arith.index_cast %swap3A_811 : i32 to index
        %swap3A_814 = arith.index_cast %swap3A_812 : i32 to index
        %swap3A_815 = arith.index_cast %scan3A_783 : i32 to index
        %swap3A_816 = arith.constant 16 : index
        %swap3A_817 = tpu.vector_load %arg7[%swap3A_813, %swap3A_814, %swap3A_815, %swap3A_816] {strides = array<i32>} : memref<2x4x100x64xf32, #tpu.memory_space<vmem>>, vector<1x1x1x16xf32>,
        %swap3A_818 = vector.shape_cast %swap3A_817 : vector<1x1x1x16xf32> to vector<16xf32>
        %swap3A_819 = vector.shape_cast %get3A_810 : vector<16xf32> to vector<1x1x1x16xf32>
        tpu.vector_store %arg7[%swap3A_813, %swap3A_814, %swap3A_815, %swap3A_816], %swap3A_819 {add = true, strides = array<i32>} : memref<2x4x100x64xf32, #tpu.memory_space<vmem>>, vector<1x1x1x16xf32>,
        %mul3A_820 = arith.constant 64 : i32
        %mul3A_821 = arith.muli %scan3A_783, %mul3A_820 : i32
        %add3A_822 = arith.constant 6400 : i32
        %add3A_823 = arith.addi %add3A_822, %mul3A_821 : i32
        %add3A_824 = arith.constant 32 : i32
        %add3A_825 = arith.addi %add3A_823, %add3A_824 : i32
        %get3A_826 = arith.index_cast %add3A_825 : i32 to index
        %get3A_827 = tpu.vector_load %arg8[%get3A_826] {strides = array<i32>} : memref<12800xf32, #tpu.memory_space<vmem>>, vector<16xf32>,
        %get3A_828 = vector.shape_cast %get3A_827 : vector<16xf32> to vector<16xf32>
        %swap3A_829 = arith.constant 0 : i32
        %swap3A_830 = arith.constant 1 : i32
        %swap3A_831 = arith.index_cast %swap3A_829 : i32 to index
        %swap3A_832 = arith.index_cast %swap3A_830 : i32 to index
        %swap3A_833 = arith.index_cast %scan3A_783 : i32 to index
        %swap3A_834 = arith.constant 32 : index
        %swap3A_835 = tpu.vector_load %arg7[%swap3A_831, %swap3A_832, %swap3A_833, %swap3A_834] {strides = array<i32>} : memref<2x4x100x64xf32, #tpu.memory_space<vmem>>, vector<1x1x1x16xf32>,
        %swap3A_836 = vector.shape_cast %swap3A_835 : vector<1x1x1x16xf32> to vector<16xf32>
        %swap3A_837 = vector.shape_cast %get3A_828 : vector<16xf32> to vector<1x1x1x16xf32>
        tpu.vector_store %arg7[%swap3A_831, %swap3A_832, %swap3A_833, %swap3A_834], %swap3A_837 {add = true, strides = array<i32>} : memref<2x4x100x64xf32, #tpu.memory_space<vmem>>, vector<1x1x1x16xf32>,
        %mul3A_838 = arith.constant 64 : i32
        %mul3A_839 = arith.muli %scan3A_783, %mul3A_838 : i32
        %add3A_840 = arith.constant 6400 : i32
        %add3A_841 = arith.addi %add3A_840, %mul3A_839 : i32
        %add3A_842 = arith.constant 48 : i32
        %add3A_843 = arith.addi %add3A_841, %add3A_842 : i32
        %get3A_844 = arith.index_cast %add3A_843 : i32 to index
        %get3A_845 = tpu.vector_load %arg8[%get3A_844] {strides = array<i32>} : memref<12800xf32, #tpu.memory_space<vmem>>, vector<16xf32>,
        %get3A_846 = vector.shape_cast %get3A_845 : vector<16xf32> to vector<16xf32>
        %swap3A_847 = arith.constant 0 : i32
        %swap3A_848 = arith.constant 1 : i32
        %swap3A_849 = arith.index_cast %swap3A_847 : i32 to index
        %swap3A_850 = arith.index_cast %swap3A_848 : i32 to index
        %swap3A_851 = arith.index_cast %scan3A_783 : i32 to index
        %swap3A_852 = arith.constant 48 : index
        %swap3A_853 = tpu.vector_load %arg7[%swap3A_849, %swap3A_850, %swap3A_851, %swap3A_852] {strides = array<i32>} : memref<2x4x100x64xf32, #tpu.memory_space<vmem>>, vector<1x1x1x16xf32>,
        %swap3A_854 = vector.shape_cast %swap3A_853 : vector<1x1x1x16xf32> to vector<16xf32>
        %swap3A_855 = vector.shape_cast %get3A_846 : vector<16xf32> to vector<1x1x1x16xf32>
        tpu.vector_store %arg7[%swap3A_849, %swap3A_850, %swap3A_851, %swap3A_852], %swap3A_855 {add = true, strides = array<i32>} : memref<2x4x100x64xf32, #tpu.memory_space<vmem>>, vector<1x1x1x16xf32>,
        %scan3A_856 = arith.constant 3 : i32
        %scan3A_857 = arith.addi %scan3A_637, %scan3A_856 : i32
        %mul3A_858 = arith.constant 64 : i32
        %mul3A_859 = arith.muli %scan3A_857, %mul3A_858 : i32
        %add3A_860 = arith.constant 6400 : i32
        %add3A_861 = arith.addi %add3A_860, %mul3A_859 : i32
        %add3A_862 = arith.constant 0 : i32
        %add3A_863 = arith.addi %add3A_861, %add3A_862 : i32
        %get3A_864 = arith.index_cast %add3A_863 : i32 to index
        %get3A_865 = tpu.vector_load %arg8[%get3A_864] {strides = array<i32>} : memref<12800xf32, #tpu.memory_space<vmem>>, vector<16xf32>,
        %get3A_866 = vector.shape_cast %get3A_865 : vector<16xf32> to vector<16xf32>
        %swap3A_867 = arith.constant 0 : i32
        %swap3A_868 = arith.constant 1 : i32
        %swap3A_869 = arith.index_cast %swap3A_867 : i32 to index
        %swap3A_870 = arith.index_cast %swap3A_868 : i32 to index
        %swap3A_871 = arith.index_cast %scan3A_857 : i32 to index
        %swap3A_872 = arith.constant 0 : index
        %swap3A_873 = tpu.vector_load %arg7[%swap3A_869, %swap3A_870, %swap3A_871, %swap3A_872] {strides = array<i32>} : memref<2x4x100x64xf32, #tpu.memory_space<vmem>>, vector<1x1x1x16xf32>,
        %swap3A_874 = vector.shape_cast %swap3A_873 : vector<1x1x1x16xf32> to vector<16xf32>
        %swap3A_875 = vector.shape_cast %get3A_866 : vector<16xf32> to vector<1x1x1x16xf32>
        tpu.vector_store %arg7[%swap3A_869, %swap3A_870, %swap3A_871, %swap3A_872], %swap3A_875 {add = true, strides = array<i32>} : memref<2x4x100x64xf32, #tpu.memory_space<vmem>>, vector<1x1x1x16xf32>,
        %mul3A_876 = arith.constant 64 : i32
        %mul3A_877 = arith.muli %scan3A_857, %mul3A_876 : i32
        %add3A_878 = arith.constant 6400 : i32
        %add3A_879 = arith.addi %add3A_878, %mul3A_877 : i32
        %add3A_880 = arith.constant 16 : i32
        %add3A_881 = arith.addi %add3A_879, %add3A_880 : i32
        %get3A_882 = arith.index_cast %add3A_881 : i32 to index
        %get3A_883 = tpu.vector_load %arg8[%get3A_882] {strides = array<i32>} : memref<12800xf32, #tpu.memory_space<vmem>>, vector<16xf32>,
        %get3A_884 = vector.shape_cast %get3A_883 : vector<16xf32> to vector<16xf32>
        %swap3A_885 = arith.constant 0 : i32
        %swap3A_886 = arith.constant 1 : i32
        %swap3A_887 = arith.index_cast %swap3A_885 : i32 to index
        %swap3A_888 = arith.index_cast %swap3A_886 : i32 to index
        %swap3A_889 = arith.index_cast %scan3A_857 : i32 to index
        %swap3A_890 = arith.constant 16 : index
        %swap3A_891 = tpu.vector_load %arg7[%swap3A_887, %swap3A_888, %swap3A_889, %swap3A_890] {strides = array<i32>} : memref<2x4x100x64xf32, #tpu.memory_space<vmem>>, vector<1x1x1x16xf32>,
        %swap3A_892 = vector.shape_cast %swap3A_891 : vector<1x1x1x16xf32> to vector<16xf32>
        %swap3A_893 = vector.shape_cast %get3A_884 : vector<16xf32> to vector<1x1x1x16xf32>
        tpu.vector_store %arg7[%swap3A_887, %swap3A_888, %swap3A_889, %swap3A_890], %swap3A_893 {add = true, strides = array<i32>} : memref<2x4x100x64xf32, #tpu.memory_space<vmem>>, vector<1x1x1x16xf32>,
        %mul3A_894 = arith.constant 64 : i32
        %mul3A_895 = arith.muli %scan3A_857, %mul3A_894 : i32
        %add3A_896 = arith.constant 6400 : i32
        %add3A_897 = arith.addi %add3A_896, %mul3A_895 : i32
        %add3A_898 = arith.constant 32 : i32
        %add3A_899 = arith.addi %add3A_897, %add3A_898 : i32
        %get3A_900 = arith.index_cast %add3A_899 : i32 to index
        %get3A_901 = tpu.vector_load %arg8[%get3A_900] {strides = array<i32>} : memref<12800xf32, #tpu.memory_space<vmem>>, vector<16xf32>,
        %get3A_902 = vector.shape_cast %get3A_901 : vector<16xf32> to vector<16xf32>
        %swap3A_903 = arith.constant 0 : i32
        %swap3A_904 = arith.constant 1 : i32
        %swap3A_905 = arith.index_cast %swap3A_903 : i32 to index
        %swap3A_906 = arith.index_cast %swap3A_904 : i32 to index
        %swap3A_907 = arith.index_cast %scan3A_857 : i32 to index
        %swap3A_908 = arith.constant 32 : index
        %swap3A_909 = tpu.vector_load %arg7[%swap3A_905, %swap3A_906, %swap3A_907, %swap3A_908] {strides = array<i32>} : memref<2x4x100x64xf32, #tpu.memory_space<vmem>>, vector<1x1x1x16xf32>,
        %swap3A_910 = vector.shape_cast %swap3A_909 : vector<1x1x1x16xf32> to vector<16xf32>
        %swap3A_911 = vector.shape_cast %get3A_902 : vector<16xf32> to vector<1x1x1x16xf32>
        tpu.vector_store %arg7[%swap3A_905, %swap3A_906, %swap3A_907, %swap3A_908], %swap3A_911 {add = true, strides = array<i32>} : memref<2x4x100x64xf32, #tpu.memory_space<vmem>>, vector<1x1x1x16xf32>,
        %mul3A_912 = arith.constant 64 : i32
        %mul3A_913 = arith.muli %scan3A_857, %mul3A_912 : i32
        %add3A_914 = arith.constant 6400 : i32
        %add3A_915 = arith.addi %add3A_914, %mul3A_913 : i32
        %add3A_916 = arith.constant 48 : i32
        %add3A_917 = arith.addi %add3A_915, %add3A_916 : i32
        %get3A_918 = arith.index_cast %add3A_917 : i32 to index
        %get3A_919 = tpu.vector_load %arg8[%get3A_918] {strides = array<i32>} : memref<12800xf32, #tpu.memory_space<vmem>>, vector<16xf32>,
        %get3A_920 = vector.shape_cast %get3A_919 : vector<16xf32> to vector<16xf32>
        %swap3A_921 = arith.constant 0 : i32
        %swap3A_922 = arith.constant 1 : i32
        %swap3A_923 = arith.index_cast %swap3A_921 : i32 to index
        %swap3A_924 = arith.index_cast %swap3A_922 : i32 to index
        %swap3A_925 = arith.index_cast %scan3A_857 : i32 to index
        %swap3A_926 = arith.constant 48 : index
        %swap3A_927 = tpu.vector_load %arg7[%swap3A_923, %swap3A_924, %swap3A_925, %swap3A_926] {strides = array<i32>} : memref<2x4x100x64xf32, #tpu.memory_space<vmem>>, vector<1x1x1x16xf32>,
        %swap3A_928 = vector.shape_cast %swap3A_927 : vector<1x1x1x16xf32> to vector<16xf32>
        %swap3A_929 = vector.shape_cast %get3A_920 : vector<16xf32> to vector<1x1x1x16xf32>
        tpu.vector_store %arg7[%swap3A_923, %swap3A_924, %swap3A_925, %swap3A_926], %swap3A_929 {add = true, strides = array<i32>} : memref<2x4x100x64xf32, #tpu.memory_space<vmem>>, vector<1x1x1x16xf32>,
      }
      %scan3A_383 = arith.constant 100 : i32
      %add3A_384 = arith.constant 1 : i32
      %add3A_385 = arith.addi %add3A_351, %add3A_384 : i32
      %dma_start3A_386 = arith.constant 0 : i32
      %dma_start3A_387 = arith.constant 1 : i32
      %dma_start3A_388 = arith.constant 0 : i32
      %dma_start3A_389 = arith.constant 0 : i32
      %dma_start3A_390 = tpu.memref_slice %arg7[%dma_start3A_386, %dma_start3A_387, %dma_start3A_388, %dma_start3A_389] : memref<2x4x100x64xf32, #tpu.memory_space<vmem>> -> memref<1x1x100x64xf32, #tpu.memory_space<vmem>>
      %dma_start3A_391 = tpu.memref_squeeze %dma_start3A_390 : memref<1x1x100x64xf32, #tpu.memory_space<vmem>> -> memref<100x64xf32, #tpu.memory_space<vmem>>
      %dma_start3A_392 = arith.constant 0 : i32
      %dma_start3A_393 = arith.constant 0 : i32
      %dma_start3A_394 = tpu.memref_slice %arg5[%add3A_385, %dma_start3A_392, %dma_start3A_393] : memref<8192x100x64xf32, #tpu.memory_space<hbm>> -> memref<1x100x64xf32, #tpu.memory_space<hbm>>
      %dma_start3A_395 = tpu.memref_squeeze %dma_start3A_394 : memref<1x100x64xf32, #tpu.memory_space<hbm>> -> memref<100x64xf32, #tpu.memory_space<hbm>>
      %dma_start3A_396 = arith.constant 0 : i32
      %dma_start3A_397 = arith.constant 0 : i32
      %dma_start3A_398 = tpu.memref_slice %arg5[%add3A_385, %dma_start3A_396, %dma_start3A_397] : memref<8192x100x64xf32, #tpu.memory_space<hbm>> -> memref<1x100x64xf32, #tpu.memory_space<hbm>>
      %dma_start3A_399 = tpu.memref_squeeze %dma_start3A_398 : memref<1x100x64xf32, #tpu.memory_space<hbm>> -> memref<100x64xf32, #tpu.memory_space<hbm>>
      %dma_start3A_400 = arith.constant 0 : i32
      %dma_start3A_401 = arith.constant 0 : i32
      %dma_start3A_402 = tpu.memref_slice %arg7[%dma_start3A_386, %dma_start3A_387, %dma_start3A_400, %dma_start3A_401] : memref<2x4x100x64xf32, #tpu.memory_space<vmem>> -> memref<1x1x100x64xf32, #tpu.memory_space<vmem>>
      %dma_start3A_403 = tpu.memref_squeeze %dma_start3A_402 : memref<1x1x100x64xf32, #tpu.memory_space<vmem>> -> memref<100x64xf32, #tpu.memory_space<vmem>>
      tpu.enqueue_dma source(%dma_start3A_403 : memref<100x64xf32, #tpu.memory_space<vmem>>) target(%dma_start3A_399 : memref<100x64xf32, #tpu.memory_space<hbm>>) target_semaphore(%arg11 : memref<!tpu.dma_semaphore, #tpu.memory_space<semaphore_mem>>)
      %scan3A_404 = arith.constant 0 : i32
      %scan3A_405 = arith.constant 0 : i32
      %scan3A_406 = arith.constant 100 : i32
      %scan3A_407 = arith.addi %scan3A_405, %scan3A_406 : i32
      %scan3A_408 = arith.constant 4 : i32
      scf.for %scan3A_637 = %scan3A_405 to %scan3A_407 step %scan3A_408  : i32 {
        %mul3A_638 = arith.constant 64 : i32
        %mul3A_639 = arith.muli %scan3A_637, %mul3A_638 : i32
        %add3A_640 = arith.constant 0 : i32
        %add3A_641 = arith.addi %add3A_640, %mul3A_639 : i32
        %add3A_642 = arith.constant 0 : i32
        %add3A_643 = arith.addi %add3A_641, %add3A_642 : i32
        %get3A = arith.index_cast %add3A_643 : i32 to index
        %get3A_644 = tpu.vector_load %arg8[%get3A] {strides = array<i32>} : memref<12800xf32, #tpu.memory_space<vmem>>, vector<16xf32>,
        %get3A_645 = vector.shape_cast %get3A_644 : vector<16xf32> to vector<16xf32>
        %swap3A = arith.constant 0 : i32
        %swap3A_646 = arith.constant 2 : i32
        %swap3A_647 = arith.index_cast %swap3A : i32 to index
        %swap3A_648 = arith.index_cast %swap3A_646 : i32 to index
        %swap3A_649 = arith.index_cast %scan3A_637 : i32 to index
        %swap3A_650 = arith.constant 0 : index
        %swap3A_651 = tpu.vector_load %arg7[%swap3A_647, %swap3A_648, %swap3A_649, %swap3A_650] {strides = array<i32>} : memref<2x4x100x64xf32, #tpu.memory_space<vmem>>, vector<1x1x1x16xf32>,
        %swap3A_652 = vector.shape_cast %swap3A_651 : vector<1x1x1x16xf32> to vector<16xf32>
        %swap3A_653 = vector.shape_cast %get3A_645 : vector<16xf32> to vector<1x1x1x16xf32>
        tpu.vector_store %arg7[%swap3A_647, %swap3A_648, %swap3A_649, %swap3A_650], %swap3A_653 {add = true, strides = array<i32>} : memref<2x4x100x64xf32, #tpu.memory_space<vmem>>, vector<1x1x1x16xf32>,
        %mul3A_654 = arith.constant 64 : i32
        %mul3A_655 = arith.muli %scan3A_637, %mul3A_654 : i32
        %add3A_656 = arith.constant 0 : i32
        %add3A_657 = arith.addi %add3A_656, %mul3A_655 : i32
        %add3A_658 = arith.constant 16 : i32
        %add3A_659 = arith.addi %add3A_657, %add3A_658 : i32
        %get3A_660 = arith.index_cast %add3A_659 : i32 to index
        %get3A_661 = tpu.vector_load %arg8[%get3A_660] {strides = array<i32>} : memref<12800xf32, #tpu.memory_space<vmem>>, vector<16xf32>,
        %get3A_662 = vector.shape_cast %get3A_661 : vector<16xf32> to vector<16xf32>
        %swap3A_663 = arith.constant 0 : i32
        %swap3A_664 = arith.constant 2 : i32
        %swap3A_665 = arith.index_cast %swap3A_663 : i32 to index
        %swap3A_666 = arith.index_cast %swap3A_664 : i32 to index
        %swap3A_667 = arith.index_cast %scan3A_637 : i32 to index
        %swap3A_668 = arith.constant 16 : index
        %swap3A_669 = tpu.vector_load %arg7[%swap3A_665, %swap3A_666, %swap3A_667, %swap3A_668] {strides = array<i32>} : memref<2x4x100x64xf32, #tpu.memory_space<vmem>>, vector<1x1x1x16xf32>,
        %swap3A_670 = vector.shape_cast %swap3A_669 : vector<1x1x1x16xf32> to vector<16xf32>
        %swap3A_671 = vector.shape_cast %get3A_662 : vector<16xf32> to vector<1x1x1x16xf32>
        tpu.vector_store %arg7[%swap3A_665, %swap3A_666, %swap3A_667, %swap3A_668], %swap3A_671 {add = true, strides = array<i32>} : memref<2x4x100x64xf32, #tpu.memory_space<vmem>>, vector<1x1x1x16xf32>,
        %mul3A_672 = arith.constant 64 : i32
        %mul3A_673 = arith.muli %scan3A_637, %mul3A_672 : i32
        %add3A_674 = arith.constant 0 : i32
        %add3A_675 = arith.addi %add3A_674, %mul3A_673 : i32
        %add3A_676 = arith.constant 32 : i32
        %add3A_677 = arith.addi %add3A_675, %add3A_676 : i32
        %get3A_678 = arith.index_cast %add3A_677 : i32 to index
        %get3A_679 = tpu.vector_load %arg8[%get3A_678] {strides = array<i32>} : memref<12800xf32, #tpu.memory_space<vmem>>, vector<16xf32>,
        %get3A_680 = vector.shape_cast %get3A_679 : vector<16xf32> to vector<16xf32>
        %swap3A_681 = arith.constant 0 : i32
        %swap3A_682 = arith.constant 2 : i32
        %swap3A_683 = arith.index_cast %swap3A_681 : i32 to index
        %swap3A_684 = arith.index_cast %swap3A_682 : i32 to index
        %swap3A_685 = arith.index_cast %scan3A_637 : i32 to index
        %swap3A_686 = arith.constant 32 : index
        %swap3A_687 = tpu.vector_load %arg7[%swap3A_683, %swap3A_684, %swap3A_685, %swap3A_686] {strides = array<i32>} : memref<2x4x100x64xf32, #tpu.memory_space<vmem>>, vector<1x1x1x16xf32>,
        %swap3A_688 = vector.shape_cast %swap3A_687 : vector<1x1x1x16xf32> to vector<16xf32>
        %swap3A_689 = vector.shape_cast %get3A_680 : vector<16xf32> to vector<1x1x1x16xf32>
        tpu.vector_store %arg7[%swap3A_683, %swap3A_684, %swap3A_685, %swap3A_686], %swap3A_689 {add = true, strides = array<i32>} : memref<2x4x100x64xf32, #tpu.memory_space<vmem>>, vector<1x1x1x16xf32>,
        %mul3A_690 = arith.constant 64 : i32
        %mul3A_691 = arith.muli %scan3A_637, %mul3A_690 : i32
        %add3A_692 = arith.constant 0 : i32
        %add3A_693 = arith.addi %add3A_692, %mul3A_691 : i32
        %add3A_694 = arith.constant 48 : i32
        %add3A_695 = arith.addi %add3A_693, %add3A_694 : i32
        %get3A_696 = arith.index_cast %add3A_695 : i32 to index
        %get3A_697 = tpu.vector_load %arg8[%get3A_696] {strides = array<i32>} : memref<12800xf32, #tpu.memory_space<vmem>>, vector<16xf32>,
        %get3A_698 = vector.shape_cast %get3A_697 : vector<16xf32> to vector<16xf32>
        %swap3A_699 = arith.constant 0 : i32
        %swap3A_700 = arith.constant 2 : i32
        %swap3A_701 = arith.index_cast %swap3A_699 : i32 to index
        %swap3A_702 = arith.index_cast %swap3A_700 : i32 to index
        %swap3A_703 = arith.index_cast %scan3A_637 : i32 to index
        %swap3A_704 = arith.constant 48 : index
        %swap3A_705 = tpu.vector_load %arg7[%swap3A_701, %swap3A_702, %swap3A_703, %swap3A_704] {strides = array<i32>} : memref<2x4x100x64xf32, #tpu.memory_space<vmem>>, vector<1x1x1x16xf32>,
        %swap3A_706 = vector.shape_cast %swap3A_705 : vector<1x1x1x16xf32> to vector<16xf32>
        %swap3A_707 = vector.shape_cast %get3A_698 : vector<16xf32> to vector<1x1x1x16xf32>
        tpu.vector_store %arg7[%swap3A_701, %swap3A_702, %swap3A_703, %swap3A_704], %swap3A_707 {add = true, strides = array<i32>} : memref<2x4x100x64xf32, #tpu.memory_space<vmem>>, vector<1x1x1x16xf32>,
        %scan3A_708 = arith.constant 1 : i32
        %scan3A_709 = arith.addi %scan3A_637, %scan3A_708 : i32
        %mul3A_710 = arith.constant 64 : i32
        %mul3A_711 = arith.muli %scan3A_709, %mul3A_710 : i32
        %add3A_712 = arith.constant 0 : i32
        %add3A_713 = arith.addi %add3A_712, %mul3A_711 : i32
        %add3A_714 = arith.constant 0 : i32
        %add3A_715 = arith.addi %add3A_713, %add3A_714 : i32
        %get3A_716 = arith.index_cast %add3A_715 : i32 to index
        %get3A_717 = tpu.vector_load %arg8[%get3A_716] {strides = array<i32>} : memref<12800xf32, #tpu.memory_space<vmem>>, vector<16xf32>,
        %get3A_718 = vector.shape_cast %get3A_717 : vector<16xf32> to vector<16xf32>
        %swap3A_719 = arith.constant 0 : i32
        %swap3A_720 = arith.constant 2 : i32
        %swap3A_721 = arith.index_cast %swap3A_719 : i32 to index
        %swap3A_722 = arith.index_cast %swap3A_720 : i32 to index
        %swap3A_723 = arith.index_cast %scan3A_709 : i32 to index
        %swap3A_724 = arith.constant 0 : index
        %swap3A_725 = tpu.vector_load %arg7[%swap3A_721, %swap3A_722, %swap3A_723, %swap3A_724] {strides = array<i32>} : memref<2x4x100x64xf32, #tpu.memory_space<vmem>>, vector<1x1x1x16xf32>,
        %swap3A_726 = vector.shape_cast %swap3A_725 : vector<1x1x1x16xf32> to vector<16xf32>
        %swap3A_727 = vector.shape_cast %get3A_718 : vector<16xf32> to vector<1x1x1x16xf32>
        tpu.vector_store %arg7[%swap3A_721, %swap3A_722, %swap3A_723, %swap3A_724], %swap3A_727 {add = true, strides = array<i32>} : memref<2x4x100x64xf32, #tpu.memory_space<vmem>>, vector<1x1x1x16xf32>,
        %mul3A_728 = arith.constant 64 : i32
        %mul3A_729 = arith.muli %scan3A_709, %mul3A_728 : i32
        %add3A_730 = arith.constant 0 : i32
        %add3A_731 = arith.addi %add3A_730, %mul3A_729 : i32
        %add3A_732 = arith.constant 16 : i32
        %add3A_733 = arith.addi %add3A_731, %add3A_732 : i32
        %get3A_734 = arith.index_cast %add3A_733 : i32 to index
        %get3A_735 = tpu.vector_load %arg8[%get3A_734] {strides = array<i32>} : memref<12800xf32, #tpu.memory_space<vmem>>, vector<16xf32>,
        %get3A_736 = vector.shape_cast %get3A_735 : vector<16xf32> to vector<16xf32>
        %swap3A_737 = arith.constant 0 : i32
        %swap3A_738 = arith.constant 2 : i32
        %swap3A_739 = arith.index_cast %swap3A_737 : i32 to index
        %swap3A_740 = arith.index_cast %swap3A_738 : i32 to index
        %swap3A_741 = arith.index_cast %scan3A_709 : i32 to index
        %swap3A_742 = arith.constant 16 : index
        %swap3A_743 = tpu.vector_load %arg7[%swap3A_739, %swap3A_740, %swap3A_741, %swap3A_742] {strides = array<i32>} : memref<2x4x100x64xf32, #tpu.memory_space<vmem>>, vector<1x1x1x16xf32>,
        %swap3A_744 = vector.shape_cast %swap3A_743 : vector<1x1x1x16xf32> to vector<16xf32>
        %swap3A_745 = vector.shape_cast %get3A_736 : vector<16xf32> to vector<1x1x1x16xf32>
        tpu.vector_store %arg7[%swap3A_739, %swap3A_740, %swap3A_741, %swap3A_742], %swap3A_745 {add = true, strides = array<i32>} : memref<2x4x100x64xf32, #tpu.memory_space<vmem>>, vector<1x1x1x16xf32>,
        %mul3A_746 = arith.constant 64 : i32
        %mul3A_747 = arith.muli %scan3A_709, %mul3A_746 : i32
        %add3A_748 = arith.constant 0 : i32
        %add3A_749 = arith.addi %add3A_748, %mul3A_747 : i32
        %add3A_750 = arith.constant 32 : i32
        %add3A_751 = arith.addi %add3A_749, %add3A_750 : i32
        %get3A_752 = arith.index_cast %add3A_751 : i32 to index
        %get3A_753 = tpu.vector_load %arg8[%get3A_752] {strides = array<i32>} : memref<12800xf32, #tpu.memory_space<vmem>>, vector<16xf32>,
        %get3A_754 = vector.shape_cast %get3A_753 : vector<16xf32> to vector<16xf32>
        %swap3A_755 = arith.constant 0 : i32
        %swap3A_756 = arith.constant 2 : i32
        %swap3A_757 = arith.index_cast %swap3A_755 : i32 to index
        %swap3A_758 = arith.index_cast %swap3A_756 : i32 to index
        %swap3A_759 = arith.index_cast %scan3A_709 : i32 to index
        %swap3A_760 = arith.constant 32 : index
        %swap3A_761 = tpu.vector_load %arg7[%swap3A_757, %swap3A_758, %swap3A_759, %swap3A_760] {strides = array<i32>} : memref<2x4x100x64xf32, #tpu.memory_space<vmem>>, vector<1x1x1x16xf32>,
        %swap3A_762 = vector.shape_cast %swap3A_761 : vector<1x1x1x16xf32> to vector<16xf32>
        %swap3A_763 = vector.shape_cast %get3A_754 : vector<16xf32> to vector<1x1x1x16xf32>
        tpu.vector_store %arg7[%swap3A_757, %swap3A_758, %swap3A_759, %swap3A_760], %swap3A_763 {add = true, strides = array<i32>} : memref<2x4x100x64xf32, #tpu.memory_space<vmem>>, vector<1x1x1x16xf32>,
        %mul3A_764 = arith.constant 64 : i32
        %mul3A_765 = arith.muli %scan3A_709, %mul3A_764 : i32
        %add3A_766 = arith.constant 0 : i32
        %add3A_767 = arith.addi %add3A_766, %mul3A_765 : i32
        %add3A_768 = arith.constant 48 : i32
        %add3A_769 = arith.addi %add3A_767, %add3A_768 : i32
        %get3A_770 = arith.index_cast %add3A_769 : i32 to index
        %get3A_771 = tpu.vector_load %arg8[%get3A_770] {strides = array<i32>} : memref<12800xf32, #tpu.memory_space<vmem>>, vector<16xf32>,
        %get3A_772 = vector.shape_cast %get3A_771 : vector<16xf32> to vector<16xf32>
        %swap3A_773 = arith.constant 0 : i32
        %swap3A_774 = arith.constant 2 : i32
        %swap3A_775 = arith.index_cast %swap3A_773 : i32 to index
        %swap3A_776 = arith.index_cast %swap3A_774 : i32 to index
        %swap3A_777 = arith.index_cast %scan3A_709 : i32 to index
        %swap3A_778 = arith.constant 48 : index
        %swap3A_779 = tpu.vector_load %arg7[%swap3A_775, %swap3A_776, %swap3A_777, %swap3A_778] {strides = array<i32>} : memref<2x4x100x64xf32, #tpu.memory_space<vmem>>, vector<1x1x1x16xf32>,
        %swap3A_780 = vector.shape_cast %swap3A_779 : vector<1x1x1x16xf32> to vector<16xf32>
        %swap3A_781 = vector.shape_cast %get3A_772 : vector<16xf32> to vector<1x1x1x16xf32>
        tpu.vector_store %arg7[%swap3A_775, %swap3A_776, %swap3A_777, %swap3A_778], %swap3A_781 {add = true, strides = array<i32>} : memref<2x4x100x64xf32, #tpu.memory_space<vmem>>, vector<1x1x1x16xf32>,
        %scan3A_782 = arith.constant 2 : i32
        %scan3A_783 = arith.addi %scan3A_637, %scan3A_782 : i32
        %mul3A_784 = arith.constant 64 : i32
        %mul3A_785 = arith.muli %scan3A_783, %mul3A_784 : i32
        %add3A_786 = arith.constant 0 : i32
        %add3A_787 = arith.addi %add3A_786, %mul3A_785 : i32
        %add3A_788 = arith.constant 0 : i32
        %add3A_789 = arith.addi %add3A_787, %add3A_788 : i32
        %get3A_790 = arith.index_cast %add3A_789 : i32 to index
        %get3A_791 = tpu.vector_load %arg8[%get3A_790] {strides = array<i32>} : memref<12800xf32, #tpu.memory_space<vmem>>, vector<16xf32>,
        %get3A_792 = vector.shape_cast %get3A_791 : vector<16xf32> to vector<16xf32>
        %swap3A_793 = arith.constant 0 : i32
        %swap3A_794 = arith.constant 2 : i32
        %swap3A_795 = arith.index_cast %swap3A_793 : i32 to index
        %swap3A_796 = arith.index_cast %swap3A_794 : i32 to index
        %swap3A_797 = arith.index_cast %scan3A_783 : i32 to index
        %swap3A_798 = arith.constant 0 : index
        %swap3A_799 = tpu.vector_load %arg7[%swap3A_795, %swap3A_796, %swap3A_797, %swap3A_798] {strides = array<i32>} : memref<2x4x100x64xf32, #tpu.memory_space<vmem>>, vector<1x1x1x16xf32>,
        %swap3A_800 = vector.shape_cast %swap3A_799 : vector<1x1x1x16xf32> to vector<16xf32>
        %swap3A_801 = vector.shape_cast %get3A_792 : vector<16xf32> to vector<1x1x1x16xf32>
        tpu.vector_store %arg7[%swap3A_795, %swap3A_796, %swap3A_797, %swap3A_798], %swap3A_801 {add = true, strides = array<i32>} : memref<2x4x100x64xf32, #tpu.memory_space<vmem>>, vector<1x1x1x16xf32>,
        %mul3A_802 = arith.constant 64 : i32
        %mul3A_803 = arith.muli %scan3A_783, %mul3A_802 : i32
        %add3A_804 = arith.constant 0 : i32
        %add3A_805 = arith.addi %add3A_804, %mul3A_803 : i32
        %add3A_806 = arith.constant 16 : i32
        %add3A_807 = arith.addi %add3A_805, %add3A_806 : i32
        %get3A_808 = arith.index_cast %add3A_807 : i32 to index
        %get3A_809 = tpu.vector_load %arg8[%get3A_808] {strides = array<i32>} : memref<12800xf32, #tpu.memory_space<vmem>>, vector<16xf32>,
        %get3A_810 = vector.shape_cast %get3A_809 : vector<16xf32> to vector<16xf32>
        %swap3A_811 = arith.constant 0 : i32
        %swap3A_812 = arith.constant 2 : i32
        %swap3A_813 = arith.index_cast %swap3A_811 : i32 to index
        %swap3A_814 = arith.index_cast %swap3A_812 : i32 to index
        %swap3A_815 = arith.index_cast %scan3A_783 : i32 to index
        %swap3A_816 = arith.constant 16 : index
        %swap3A_817 = tpu.vector_load %arg7[%swap3A_813, %swap3A_814, %swap3A_815, %swap3A_816] {strides = array<i32>} : memref<2x4x100x64xf32, #tpu.memory_space<vmem>>, vector<1x1x1x16xf32>,
        %swap3A_818 = vector.shape_cast %swap3A_817 : vector<1x1x1x16xf32> to vector<16xf32>
        %swap3A_819 = vector.shape_cast %get3A_810 : vector<16xf32> to vector<1x1x1x16xf32>
        tpu.vector_store %arg7[%swap3A_813, %swap3A_814, %swap3A_815, %swap3A_816], %swap3A_819 {add = true, strides = array<i32>} : memref<2x4x100x64xf32, #tpu.memory_space<vmem>>, vector<1x1x1x16xf32>,
        %mul3A_820 = arith.constant 64 : i32
        %mul3A_821 = arith.muli %scan3A_783, %mul3A_820 : i32
        %add3A_822 = arith.constant 0 : i32
        %add3A_823 = arith.addi %add3A_822, %mul3A_821 : i32
        %add3A_824 = arith.constant 32 : i32
        %add3A_825 = arith.addi %add3A_823, %add3A_824 : i32
        %get3A_826 = arith.index_cast %add3A_825 : i32 to index
        %get3A_827 = tpu.vector_load %arg8[%get3A_826] {strides = array<i32>} : memref<12800xf32, #tpu.memory_space<vmem>>, vector<16xf32>,
        %get3A_828 = vector.shape_cast %get3A_827 : vector<16xf32> to vector<16xf32>
        %swap3A_829 = arith.constant 0 : i32
        %swap3A_830 = arith.constant 2 : i32
        %swap3A_831 = arith.index_cast %swap3A_829 : i32 to index
        %swap3A_832 = arith.index_cast %swap3A_830 : i32 to index
        %swap3A_833 = arith.index_cast %scan3A_783 : i32 to index
        %swap3A_834 = arith.constant 32 : index
        %swap3A_835 = tpu.vector_load %arg7[%swap3A_831, %swap3A_832, %swap3A_833, %swap3A_834] {strides = array<i32>} : memref<2x4x100x64xf32, #tpu.memory_space<vmem>>, vector<1x1x1x16xf32>,
        %swap3A_836 = vector.shape_cast %swap3A_835 : vector<1x1x1x16xf32> to vector<16xf32>
        %swap3A_837 = vector.shape_cast %get3A_828 : vector<16xf32> to vector<1x1x1x16xf32>
        tpu.vector_store %arg7[%swap3A_831, %swap3A_832, %swap3A_833, %swap3A_834], %swap3A_837 {add = true, strides = array<i32>} : memref<2x4x100x64xf32, #tpu.memory_space<vmem>>, vector<1x1x1x16xf32>,
        %mul3A_838 = arith.constant 64 : i32
        %mul3A_839 = arith.muli %scan3A_783, %mul3A_838 : i32
        %add3A_840 = arith.constant 0 : i32
        %add3A_841 = arith.addi %add3A_840, %mul3A_839 : i32
        %add3A_842 = arith.constant 48 : i32
        %add3A_843 = arith.addi %add3A_841, %add3A_842 : i32
        %get3A_844 = arith.index_cast %add3A_843 : i32 to index
        %get3A_845 = tpu.vector_load %arg8[%get3A_844] {strides = array<i32>} : memref<12800xf32, #tpu.memory_space<vmem>>, vector<16xf32>,
        %get3A_846 = vector.shape_cast %get3A_845 : vector<16xf32> to vector<16xf32>
        %swap3A_847 = arith.constant 0 : i32
        %swap3A_848 = arith.constant 2 : i32
        %swap3A_849 = arith.index_cast %swap3A_847 : i32 to index
        %swap3A_850 = arith.index_cast %swap3A_848 : i32 to index
        %swap3A_851 = arith.index_cast %scan3A_783 : i32 to index
        %swap3A_852 = arith.constant 48 : index
        %swap3A_853 = tpu.vector_load %arg7[%swap3A_849, %swap3A_850, %swap3A_851, %swap3A_852] {strides = array<i32>} : memref<2x4x100x64xf32, #tpu.memory_space<vmem>>, vector<1x1x1x16xf32>,
        %swap3A_854 = vector.shape_cast %swap3A_853 : vector<1x1x1x16xf32> to vector<16xf32>
        %swap3A_855 = vector.shape_cast %get3A_846 : vector<16xf32> to vector<1x1x1x16xf32>
        tpu.vector_store %arg7[%swap3A_849, %swap3A_850, %swap3A_851, %swap3A_852], %swap3A_855 {add = true, strides = array<i32>} : memref<2x4x100x64xf32, #tpu.memory_space<vmem>>, vector<1x1x1x16xf32>,
        %scan3A_856 = arith.constant 3 : i32
        %scan3A_857 = arith.addi %scan3A_637, %scan3A_856 : i32
        %mul3A_858 = arith.constant 64 : i32
        %mul3A_859 = arith.muli %scan3A_857, %mul3A_858 : i32
        %add3A_860 = arith.constant 0 : i32
        %add3A_861 = arith.addi %add3A_860, %mul3A_859 : i32
        %add3A_862 = arith.constant 0 : i32
        %add3A_863 = arith.addi %add3A_861, %add3A_862 : i32
        %get3A_864 = arith.index_cast %add3A_863 : i32 to index
        %get3A_865 = tpu.vector_load %arg8[%get3A_864] {strides = array<i32>} : memref<12800xf32, #tpu.memory_space<vmem>>, vector<16xf32>,
        %get3A_866 = vector.shape_cast %get3A_865 : vector<16xf32> to vector<16xf32>
        %swap3A_867 = arith.constant 0 : i32
        %swap3A_868 = arith.constant 2 : i32
        %swap3A_869 = arith.index_cast %swap3A_867 : i32 to index
        %swap3A_870 = arith.index_cast %swap3A_868 : i32 to index
        %swap3A_871 = arith.index_cast %scan3A_857 : i32 to index
        %swap3A_872 = arith.constant 0 : index
        %swap3A_873 = tpu.vector_load %arg7[%swap3A_869, %swap3A_870, %swap3A_871, %swap3A_872] {strides = array<i32>} : memref<2x4x100x64xf32, #tpu.memory_space<vmem>>, vector<1x1x1x16xf32>,
        %swap3A_874 = vector.shape_cast %swap3A_873 : vector<1x1x1x16xf32> to vector<16xf32>
        %swap3A_875 = vector.shape_cast %get3A_866 : vector<16xf32> to vector<1x1x1x16xf32>
        tpu.vector_store %arg7[%swap3A_869, %swap3A_870, %swap3A_871, %swap3A_872], %swap3A_875 {add = true, strides = array<i32>} : memref<2x4x100x64xf32, #tpu.memory_space<vmem>>, vector<1x1x1x16xf32>,
        %mul3A_876 = arith.constant 64 : i32
        %mul3A_877 = arith.muli %scan3A_857, %mul3A_876 : i32
        %add3A_878 = arith.constant 0 : i32
        %add3A_879 = arith.addi %add3A_878, %mul3A_877 : i32
        %add3A_880 = arith.constant 16 : i32
        %add3A_881 = arith.addi %add3A_879, %add3A_880 : i32
        %get3A_882 = arith.index_cast %add3A_881 : i32 to index
        %get3A_883 = tpu.vector_load %arg8[%get3A_882] {strides = array<i32>} : memref<12800xf32, #tpu.memory_space<vmem>>, vector<16xf32>,
        %get3A_884 = vector.shape_cast %get3A_883 : vector<16xf32> to vector<16xf32>
        %swap3A_885 = arith.constant 0 : i32
        %swap3A_886 = arith.constant 2 : i32
        %swap3A_887 = arith.index_cast %swap3A_885 : i32 to index
        %swap3A_888 = arith.index_cast %swap3A_886 : i32 to index
        %swap3A_889 = arith.index_cast %scan3A_857 : i32 to index
        %swap3A_890 = arith.constant 16 : index
        %swap3A_891 = tpu.vector_load %arg7[%swap3A_887, %swap3A_888, %swap3A_889, %swap3A_890] {strides = array<i32>} : memref<2x4x100x64xf32, #tpu.memory_space<vmem>>, vector<1x1x1x16xf32>,
        %swap3A_892 = vector.shape_cast %swap3A_891 : vector<1x1x1x16xf32> to vector<16xf32>
        %swap3A_893 = vector.shape_cast %get3A_884 : vector<16xf32> to vector<1x1x1x16xf32>
        tpu.vector_store %arg7[%swap3A_887, %swap3A_888, %swap3A_889, %swap3A_890], %swap3A_893 {add = true, strides = array<i32>} : memref<2x4x100x64xf32, #tpu.memory_space<vmem>>, vector<1x1x1x16xf32>,
        %mul3A_894 = arith.constant 64 : i32
        %mul3A_895 = arith.muli %scan3A_857, %mul3A_894 : i32
        %add3A_896 = arith.constant 0 : i32
        %add3A_897 = arith.addi %add3A_896, %mul3A_895 : i32
        %add3A_898 = arith.constant 32 : i32
        %add3A_899 = arith.addi %add3A_897, %add3A_898 : i32
        %get3A_900 = arith.index_cast %add3A_899 : i32 to index
        %get3A_901 = tpu.vector_load %arg8[%get3A_900] {strides = array<i32>} : memref<12800xf32, #tpu.memory_space<vmem>>, vector<16xf32>,
        %get3A_902 = vector.shape_cast %get3A_901 : vector<16xf32> to vector<16xf32>
        %swap3A_903 = arith.constant 0 : i32
        %swap3A_904 = arith.constant 2 : i32
        %swap3A_905 = arith.index_cast %swap3A_903 : i32 to index
        %swap3A_906 = arith.index_cast %swap3A_904 : i32 to index
        %swap3A_907 = arith.index_cast %scan3A_857 : i32 to index
        %swap3A_908 = arith.constant 32 : index
        %swap3A_909 = tpu.vector_load %arg7[%swap3A_905, %swap3A_906, %swap3A_907, %swap3A_908] {strides = array<i32>} : memref<2x4x100x64xf32, #tpu.memory_space<vmem>>, vector<1x1x1x16xf32>,
        %swap3A_910 = vector.shape_cast %swap3A_909 : vector<1x1x1x16xf32> to vector<16xf32>
        %swap3A_911 = vector.shape_cast %get3A_902 : vector<16xf32> to vector<1x1x1x16xf32>
        tpu.vector_store %arg7[%swap3A_905, %swap3A_906, %swap3A_907, %swap3A_908], %swap3A_911 {add = true, strides = array<i32>} : memref<2x4x100x64xf32, #tpu.memory_space<vmem>>, vector<1x1x1x16xf32>,
        %mul3A_912 = arith.constant 64 : i32
        %mul3A_913 = arith.muli %scan3A_857, %mul3A_912 : i32
        %add3A_914 = arith.constant 0 : i32
        %add3A_915 = arith.addi %add3A_914, %mul3A_913 : i32
        %add3A_916 = arith.constant 48 : i32
        %add3A_917 = arith.addi %add3A_915, %add3A_916 : i32
        %get3A_918 = arith.index_cast %add3A_917 : i32 to index
        %get3A_919 = tpu.vector_load %arg8[%get3A_918] {strides = array<i32>} : memref<12800xf32, #tpu.memory_space<vmem>>, vector<16xf32>,
        %get3A_920 = vector.shape_cast %get3A_919 : vector<16xf32> to vector<16xf32>
        %swap3A_921 = arith.constant 0 : i32
        %swap3A_922 = arith.constant 2 : i32
        %swap3A_923 = arith.index_cast %swap3A_921 : i32 to index
        %swap3A_924 = arith.index_cast %swap3A_922 : i32 to index
        %swap3A_925 = arith.index_cast %scan3A_857 : i32 to index
        %swap3A_926 = arith.constant 48 : index
        %swap3A_927 = tpu.vector_load %arg7[%swap3A_923, %swap3A_924, %swap3A_925, %swap3A_926] {strides = array<i32>} : memref<2x4x100x64xf32, #tpu.memory_space<vmem>>, vector<1x1x1x16xf32>,
        %swap3A_928 = vector.shape_cast %swap3A_927 : vector<1x1x1x16xf32> to vector<16xf32>
        %swap3A_929 = vector.shape_cast %get3A_920 : vector<16xf32> to vector<1x1x1x16xf32>
        tpu.vector_store %arg7[%swap3A_923, %swap3A_924, %swap3A_925, %swap3A_926], %swap3A_929 {add = true, strides = array<i32>} : memref<2x4x100x64xf32, #tpu.memory_space<vmem>>, vector<1x1x1x16xf32>,
      }
      %scan3A_409 = arith.constant 100 : i32
      %add3A_410 = arith.constant 2 : i32
      %add3A_411 = arith.addi %add3A_351, %add3A_410 : i32
      %dma_start3A_412 = arith.constant 0 : i32
      %dma_start3A_413 = arith.constant 2 : i32
      %dma_start3A_414 = arith.constant 0 : i32
      %dma_start3A_415 = arith.constant 0 : i32
      %dma_start3A_416 = tpu.memref_slice %arg7[%dma_start3A_412, %dma_start3A_413, %dma_start3A_414, %dma_start3A_415] : memref<2x4x100x64xf32, #tpu.memory_space<vmem>> -> memref<1x1x100x64xf32, #tpu.memory_space<vmem>>
      %dma_start3A_417 = tpu.memref_squeeze %dma_start3A_416 : memref<1x1x100x64xf32, #tpu.memory_space<vmem>> -> memref<100x64xf32, #tpu.memory_space<vmem>>
      %dma_start3A_418 = arith.constant 0 : i32
      %dma_start3A_419 = arith.constant 0 : i32
      %dma_start3A_420 = tpu.memref_slice %arg5[%add3A_411, %dma_start3A_418, %dma_start3A_419] : memref<8192x100x64xf32, #tpu.memory_space<hbm>> -> memref<1x100x64xf32, #tpu.memory_space<hbm>>
      %dma_start3A_421 = tpu.memref_squeeze %dma_start3A_420 : memref<1x100x64xf32, #tpu.memory_space<hbm>> -> memref<100x64xf32, #tpu.memory_space<hbm>>
      %dma_start3A_422 = arith.constant 0 : i32
      %dma_start3A_423 = arith.constant 0 : i32
      %dma_start3A_424 = tpu.memref_slice %arg5[%add3A_411, %dma_start3A_422, %dma_start3A_423] : memref<8192x100x64xf32, #tpu.memory_space<hbm>> -> memref<1x100x64xf32, #tpu.memory_space<hbm>>
      %dma_start3A_425 = tpu.memref_squeeze %dma_start3A_424 : memref<1x100x64xf32, #tpu.memory_space<hbm>> -> memref<100x64xf32, #tpu.memory_space<hbm>>
      %dma_start3A_426 = arith.constant 0 : i32
      %dma_start3A_427 = arith.constant 0 : i32
      %dma_start3A_428 = tpu.memref_slice %arg7[%dma_start3A_412, %dma_start3A_413, %dma_start3A_426, %dma_start3A_427] : memref<2x4x100x64xf32, #tpu.memory_space<vmem>> -> memref<1x1x100x64xf32, #tpu.memory_space<vmem>>
      %dma_start3A_429 = tpu.memref_squeeze %dma_start3A_428 : memref<1x1x100x64xf32, #tpu.memory_space<vmem>> -> memref<100x64xf32, #tpu.memory_space<vmem>>
      tpu.enqueue_dma source(%dma_start3A_429 : memref<100x64xf32, #tpu.memory_space<vmem>>) target(%dma_start3A_425 : memref<100x64xf32, #tpu.memory_space<hbm>>) target_semaphore(%arg11 : memref<!tpu.dma_semaphore, #tpu.memory_space<semaphore_mem>>)
      %scan3A_430 = arith.constant 0 : i32
      %scan3A_431 = arith.constant 0 : i32
      %scan3A_432 = arith.constant 100 : i32
      %scan3A_433 = arith.addi %scan3A_431, %scan3A_432 : i32
      %scan3A_434 = arith.constant 4 : i32
      scf.for %scan3A_637 = %scan3A_431 to %scan3A_433 step %scan3A_434  : i32 {
        %mul3A_638 = arith.constant 64 : i32
        %mul3A_639 = arith.muli %scan3A_637, %mul3A_638 : i32
        %add3A_640 = arith.constant 6400 : i32
        %add3A_641 = arith.addi %add3A_640, %mul3A_639 : i32
        %add3A_642 = arith.constant 0 : i32
        %add3A_643 = arith.addi %add3A_641, %add3A_642 : i32
        %get3A = arith.index_cast %add3A_643 : i32 to index
        %get3A_644 = tpu.vector_load %arg8[%get3A] {strides = array<i32>} : memref<12800xf32, #tpu.memory_space<vmem>>, vector<16xf32>,
        %get3A_645 = vector.shape_cast %get3A_644 : vector<16xf32> to vector<16xf32>
        %swap3A = arith.constant 0 : i32
        %swap3A_646 = arith.constant 3 : i32
        %swap3A_647 = arith.index_cast %swap3A : i32 to index
        %swap3A_648 = arith.index_cast %swap3A_646 : i32 to index
        %swap3A_649 = arith.index_cast %scan3A_637 : i32 to index
        %swap3A_650 = arith.constant 0 : index
        %swap3A_651 = tpu.vector_load %arg7[%swap3A_647, %swap3A_648, %swap3A_649, %swap3A_650] {strides = array<i32>} : memref<2x4x100x64xf32, #tpu.memory_space<vmem>>, vector<1x1x1x16xf32>,
        %swap3A_652 = vector.shape_cast %swap3A_651 : vector<1x1x1x16xf32> to vector<16xf32>
        %swap3A_653 = vector.shape_cast %get3A_645 : vector<16xf32> to vector<1x1x1x16xf32>
        tpu.vector_store %arg7[%swap3A_647, %swap3A_648, %swap3A_649, %swap3A_650], %swap3A_653 {add = true, strides = array<i32>} : memref<2x4x100x64xf32, #tpu.memory_space<vmem>>, vector<1x1x1x16xf32>,
        %mul3A_654 = arith.constant 64 : i32
        %mul3A_655 = arith.muli %scan3A_637, %mul3A_654 : i32
        %add3A_656 = arith.constant 6400 : i32
        %add3A_657 = arith.addi %add3A_656, %mul3A_655 : i32
        %add3A_658 = arith.constant 16 : i32
        %add3A_659 = arith.addi %add3A_657, %add3A_658 : i32
        %get3A_660 = arith.index_cast %add3A_659 : i32 to index
        %get3A_661 = tpu.vector_load %arg8[%get3A_660] {strides = array<i32>} : memref<12800xf32, #tpu.memory_space<vmem>>, vector<16xf32>,
        %get3A_662 = vector.shape_cast %get3A_661 : vector<16xf32> to vector<16xf32>
        %swap3A_663 = arith.constant 0 : i32
        %swap3A_664 = arith.constant 3 : i32
        %swap3A_665 = arith.index_cast %swap3A_663 : i32 to index
        %swap3A_666 = arith.index_cast %swap3A_664 : i32 to index
        %swap3A_667 = arith.index_cast %scan3A_637 : i32 to index
        %swap3A_668 = arith.constant 16 : index
        %swap3A_669 = tpu.vector_load %arg7[%swap3A_665, %swap3A_666, %swap3A_667, %swap3A_668] {strides = array<i32>} : memref<2x4x100x64xf32, #tpu.memory_space<vmem>>, vector<1x1x1x16xf32>,
        %swap3A_670 = vector.shape_cast %swap3A_669 : vector<1x1x1x16xf32> to vector<16xf32>
        %swap3A_671 = vector.shape_cast %get3A_662 : vector<16xf32> to vector<1x1x1x16xf32>
        tpu.vector_store %arg7[%swap3A_665, %swap3A_666, %swap3A_667, %swap3A_668], %swap3A_671 {add = true, strides = array<i32>} : memref<2x4x100x64xf32, #tpu.memory_space<vmem>>, vector<1x1x1x16xf32>,
        %mul3A_672 = arith.constant 64 : i32
        %mul3A_673 = arith.muli %scan3A_637, %mul3A_672 : i32
        %add3A_674 = arith.constant 6400 : i32
        %add3A_675 = arith.addi %add3A_674, %mul3A_673 : i32
        %add3A_676 = arith.constant 32 : i32
        %add3A_677 = arith.addi %add3A_675, %add3A_676 : i32
        %get3A_678 = arith.index_cast %add3A_677 : i32 to index
        %get3A_679 = tpu.vector_load %arg8[%get3A_678] {strides = array<i32>} : memref<12800xf32, #tpu.memory_space<vmem>>, vector<16xf32>,
        %get3A_680 = vector.shape_cast %get3A_679 : vector<16xf32> to vector<16xf32>
        %swap3A_681 = arith.constant 0 : i32
        %swap3A_682 = arith.constant 3 : i32
        %swap3A_683 = arith.index_cast %swap3A_681 : i32 to index
        %swap3A_684 = arith.index_cast %swap3A_682 : i32 to index
        %swap3A_685 = arith.index_cast %scan3A_637 : i32 to index
        %swap3A_686 = arith.constant 32 : index
        %swap3A_687 = tpu.vector_load %arg7[%swap3A_683, %swap3A_684, %swap3A_685, %swap3A_686] {strides = array<i32>} : memref<2x4x100x64xf32, #tpu.memory_space<vmem>>, vector<1x1x1x16xf32>,
        %swap3A_688 = vector.shape_cast %swap3A_687 : vector<1x1x1x16xf32> to vector<16xf32>
        %swap3A_689 = vector.shape_cast %get3A_680 : vector<16xf32> to vector<1x1x1x16xf32>
        tpu.vector_store %arg7[%swap3A_683, %swap3A_684, %swap3A_685, %swap3A_686], %swap3A_689 {add = true, strides = array<i32>} : memref<2x4x100x64xf32, #tpu.memory_space<vmem>>, vector<1x1x1x16xf32>,
        %mul3A_690 = arith.constant 64 : i32
        %mul3A_691 = arith.muli %scan3A_637, %mul3A_690 : i32
        %add3A_692 = arith.constant 6400 : i32
        %add3A_693 = arith.addi %add3A_692, %mul3A_691 : i32
        %add3A_694 = arith.constant 48 : i32
        %add3A_695 = arith.addi %add3A_693, %add3A_694 : i32
        %get3A_696 = arith.index_cast %add3A_695 : i32 to index
        %get3A_697 = tpu.vector_load %arg8[%get3A_696] {strides = array<i32>} : memref<12800xf32, #tpu.memory_space<vmem>>, vector<16xf32>,
        %get3A_698 = vector.shape_cast %get3A_697 : vector<16xf32> to vector<16xf32>
        %swap3A_699 = arith.constant 0 : i32
        %swap3A_700 = arith.constant 3 : i32
        %swap3A_701 = arith.index_cast %swap3A_699 : i32 to index
        %swap3A_702 = arith.index_cast %swap3A_700 : i32 to index
        %swap3A_703 = arith.index_cast %scan3A_637 : i32 to index
        %swap3A_704 = arith.constant 48 : index
        %swap3A_705 = tpu.vector_load %arg7[%swap3A_701, %swap3A_702, %swap3A_703, %swap3A_704] {strides = array<i32>} : memref<2x4x100x64xf32, #tpu.memory_space<vmem>>, vector<1x1x1x16xf32>,
        %swap3A_706 = vector.shape_cast %swap3A_705 : vector<1x1x1x16xf32> to vector<16xf32>
        %swap3A_707 = vector.shape_cast %get3A_698 : vector<16xf32> to vector<1x1x1x16xf32>
        tpu.vector_store %arg7[%swap3A_701, %swap3A_702, %swap3A_703, %swap3A_704], %swap3A_707 {add = true, strides = array<i32>} : memref<2x4x100x64xf32, #tpu.memory_space<vmem>>, vector<1x1x1x16xf32>,
        %scan3A_708 = arith.constant 1 : i32
        %scan3A_709 = arith.addi %scan3A_637, %scan3A_708 : i32
        %mul3A_710 = arith.constant 64 : i32
        %mul3A_711 = arith.muli %scan3A_709, %mul3A_710 : i32
        %add3A_712 = arith.constant 6400 : i32
        %add3A_713 = arith.addi %add3A_712, %mul3A_711 : i32
        %add3A_714 = arith.constant 0 : i32
        %add3A_715 = arith.addi %add3A_713, %add3A_714 : i32
        %get3A_716 = arith.index_cast %add3A_715 : i32 to index
        %get3A_717 = tpu.vector_load %arg8[%get3A_716] {strides = array<i32>} : memref<12800xf32, #tpu.memory_space<vmem>>, vector<16xf32>,
        %get3A_718 = vector.shape_cast %get3A_717 : vector<16xf32> to vector<16xf32>
        %swap3A_719 = arith.constant 0 : i32
        %swap3A_720 = arith.constant 3 : i32
        %swap3A_721 = arith.index_cast %swap3A_719 : i32 to index
        %swap3A_722 = arith.index_cast %swap3A_720 : i32 to index
        %swap3A_723 = arith.index_cast %scan3A_709 : i32 to index
        %swap3A_724 = arith.constant 0 : index
        %swap3A_725 = tpu.vector_load %arg7[%swap3A_721, %swap3A_722, %swap3A_723, %swap3A_724] {strides = array<i32>} : memref<2x4x100x64xf32, #tpu.memory_space<vmem>>, vector<1x1x1x16xf32>,
        %swap3A_726 = vector.shape_cast %swap3A_725 : vector<1x1x1x16xf32> to vector<16xf32>
        %swap3A_727 = vector.shape_cast %get3A_718 : vector<16xf32> to vector<1x1x1x16xf32>
        tpu.vector_store %arg7[%swap3A_721, %swap3A_722, %swap3A_723, %swap3A_724], %swap3A_727 {add = true, strides = array<i32>} : memref<2x4x100x64xf32, #tpu.memory_space<vmem>>, vector<1x1x1x16xf32>,
        %mul3A_728 = arith.constant 64 : i32
        %mul3A_729 = arith.muli %scan3A_709, %mul3A_728 : i32
        %add3A_730 = arith.constant 6400 : i32
        %add3A_731 = arith.addi %add3A_730, %mul3A_729 : i32
        %add3A_732 = arith.constant 16 : i32
        %add3A_733 = arith.addi %add3A_731, %add3A_732 : i32
        %get3A_734 = arith.index_cast %add3A_733 : i32 to index
        %get3A_735 = tpu.vector_load %arg8[%get3A_734] {strides = array<i32>} : memref<12800xf32, #tpu.memory_space<vmem>>, vector<16xf32>,
        %get3A_736 = vector.shape_cast %get3A_735 : vector<16xf32> to vector<16xf32>
        %swap3A_737 = arith.constant 0 : i32
        %swap3A_738 = arith.constant 3 : i32
        %swap3A_739 = arith.index_cast %swap3A_737 : i32 to index
        %swap3A_740 = arith.index_cast %swap3A_738 : i32 to index
        %swap3A_741 = arith.index_cast %scan3A_709 : i32 to index
        %swap3A_742 = arith.constant 16 : index
        %swap3A_743 = tpu.vector_load %arg7[%swap3A_739, %swap3A_740, %swap3A_741, %swap3A_742] {strides = array<i32>} : memref<2x4x100x64xf32, #tpu.memory_space<vmem>>, vector<1x1x1x16xf32>,
        %swap3A_744 = vector.shape_cast %swap3A_743 : vector<1x1x1x16xf32> to vector<16xf32>
        %swap3A_745 = vector.shape_cast %get3A_736 : vector<16xf32> to vector<1x1x1x16xf32>
        tpu.vector_store %arg7[%swap3A_739, %swap3A_740, %swap3A_741, %swap3A_742], %swap3A_745 {add = true, strides = array<i32>} : memref<2x4x100x64xf32, #tpu.memory_space<vmem>>, vector<1x1x1x16xf32>,
        %mul3A_746 = arith.constant 64 : i32
        %mul3A_747 = arith.muli %scan3A_709, %mul3A_746 : i32
        %add3A_748 = arith.constant 6400 : i32
        %add3A_749 = arith.addi %add3A_748, %mul3A_747 : i32
        %add3A_750 = arith.constant 32 : i32
        %add3A_751 = arith.addi %add3A_749, %add3A_750 : i32
        %get3A_752 = arith.index_cast %add3A_751 : i32 to index
        %get3A_753 = tpu.vector_load %arg8[%get3A_752] {strides = array<i32>} : memref<12800xf32, #tpu.memory_space<vmem>>, vector<16xf32>,
        %get3A_754 = vector.shape_cast %get3A_753 : vector<16xf32> to vector<16xf32>
        %swap3A_755 = arith.constant 0 : i32
        %swap3A_756 = arith.constant 3 : i32
        %swap3A_757 = arith.index_cast %swap3A_755 : i32 to index
        %swap3A_758 = arith.index_cast %swap3A_756 : i32 to index
        %swap3A_759 = arith.index_cast %scan3A_709 : i32 to index
        %swap3A_760 = arith.constant 32 : index
        %swap3A_761 = tpu.vector_load %arg7[%swap3A_757, %swap3A_758, %swap3A_759, %swap3A_760] {strides = array<i32>} : memref<2x4x100x64xf32, #tpu.memory_space<vmem>>, vector<1x1x1x16xf32>,
        %swap3A_762 = vector.shape_cast %swap3A_761 : vector<1x1x1x16xf32> to vector<16xf32>
        %swap3A_763 = vector.shape_cast %get3A_754 : vector<16xf32> to vector<1x1x1x16xf32>
        tpu.vector_store %arg7[%swap3A_757, %swap3A_758, %swap3A_759, %swap3A_760], %swap3A_763 {add = true, strides = array<i32>} : memref<2x4x100x64xf32, #tpu.memory_space<vmem>>, vector<1x1x1x16xf32>,
        %mul3A_764 = arith.constant 64 : i32
        %mul3A_765 = arith.muli %scan3A_709, %mul3A_764 : i32
        %add3A_766 = arith.constant 6400 : i32
        %add3A_767 = arith.addi %add3A_766, %mul3A_765 : i32
        %add3A_768 = arith.constant 48 : i32
        %add3A_769 = arith.addi %add3A_767, %add3A_768 : i32
        %get3A_770 = arith.index_cast %add3A_769 : i32 to index
        %get3A_771 = tpu.vector_load %arg8[%get3A_770] {strides = array<i32>} : memref<12800xf32, #tpu.memory_space<vmem>>, vector<16xf32>,
        %get3A_772 = vector.shape_cast %get3A_771 : vector<16xf32> to vector<16xf32>
        %swap3A_773 = arith.constant 0 : i32
        %swap3A_774 = arith.constant 3 : i32
        %swap3A_775 = arith.index_cast %swap3A_773 : i32 to index
        %swap3A_776 = arith.index_cast %swap3A_774 : i32 to index
        %swap3A_777 = arith.index_cast %scan3A_709 : i32 to index
        %swap3A_778 = arith.constant 48 : index
        %swap3A_779 = tpu.vector_load %arg7[%swap3A_775, %swap3A_776, %swap3A_777, %swap3A_778] {strides = array<i32>} : memref<2x4x100x64xf32, #tpu.memory_space<vmem>>, vector<1x1x1x16xf32>,
        %swap3A_780 = vector.shape_cast %swap3A_779 : vector<1x1x1x16xf32> to vector<16xf32>
        %swap3A_781 = vector.shape_cast %get3A_772 : vector<16xf32> to vector<1x1x1x16xf32>
        tpu.vector_store %arg7[%swap3A_775, %swap3A_776, %swap3A_777, %swap3A_778], %swap3A_781 {add = true, strides = array<i32>} : memref<2x4x100x64xf32, #tpu.memory_space<vmem>>, vector<1x1x1x16xf32>,
        %scan3A_782 = arith.constant 2 : i32
        %scan3A_783 = arith.addi %scan3A_637, %scan3A_782 : i32
        %mul3A_784 = arith.constant 64 : i32
        %mul3A_785 = arith.muli %scan3A_783, %mul3A_784 : i32
        %add3A_786 = arith.constant 6400 : i32
        %add3A_787 = arith.addi %add3A_786, %mul3A_785 : i32
        %add3A_788 = arith.constant 0 : i32
        %add3A_789 = arith.addi %add3A_787, %add3A_788 : i32
        %get3A_790 = arith.index_cast %add3A_789 : i32 to index
        %get3A_791 = tpu.vector_load %arg8[%get3A_790] {strides = array<i32>} : memref<12800xf32, #tpu.memory_space<vmem>>, vector<16xf32>,
        %get3A_792 = vector.shape_cast %get3A_791 : vector<16xf32> to vector<16xf32>
        %swap3A_793 = arith.constant 0 : i32
        %swap3A_794 = arith.constant 3 : i32
        %swap3A_795 = arith.index_cast %swap3A_793 : i32 to index
        %swap3A_796 = arith.index_cast %swap3A_794 : i32 to index
        %swap3A_797 = arith.index_cast %scan3A_783 : i32 to index
        %swap3A_798 = arith.constant 0 : index
        %swap3A_799 = tpu.vector_load %arg7[%swap3A_795, %swap3A_796, %swap3A_797, %swap3A_798] {strides = array<i32>} : memref<2x4x100x64xf32, #tpu.memory_space<vmem>>, vector<1x1x1x16xf32>,
        %swap3A_800 = vector.shape_cast %swap3A_799 : vector<1x1x1x16xf32> to vector<16xf32>
        %swap3A_801 = vector.shape_cast %get3A_792 : vector<16xf32> to vector<1x1x1x16xf32>
        tpu.vector_store %arg7[%swap3A_795, %swap3A_796, %swap3A_797, %swap3A_798], %swap3A_801 {add = true, strides = array<i32>} : memref<2x4x100x64xf32, #tpu.memory_space<vmem>>, vector<1x1x1x16xf32>,
        %mul3A_802 = arith.constant 64 : i32
        %mul3A_803 = arith.muli %scan3A_783, %mul3A_802 : i32
        %add3A_804 = arith.constant 6400 : i32
        %add3A_805 = arith.addi %add3A_804, %mul3A_803 : i32
        %add3A_806 = arith.constant 16 : i32
        %add3A_807 = arith.addi %add3A_805, %add3A_806 : i32
        %get3A_808 = arith.index_cast %add3A_807 : i32 to index
        %get3A_809 = tpu.vector_load %arg8[%get3A_808] {strides = array<i32>} : memref<12800xf32, #tpu.memory_space<vmem>>, vector<16xf32>,
        %get3A_810 = vector.shape_cast %get3A_809 : vector<16xf32> to vector<16xf32>
        %swap3A_811 = arith.constant 0 : i32
        %swap3A_812 = arith.constant 3 : i32
        %swap3A_813 = arith.index_cast %swap3A_811 : i32 to index
        %swap3A_814 = arith.index_cast %swap3A_812 : i32 to index
        %swap3A_815 = arith.index_cast %scan3A_783 : i32 to index
        %swap3A_816 = arith.constant 16 : index
        %swap3A_817 = tpu.vector_load %arg7[%swap3A_813, %swap3A_814, %swap3A_815, %swap3A_816] {strides = array<i32>} : memref<2x4x100x64xf32, #tpu.memory_space<vmem>>, vector<1x1x1x16xf32>,
        %swap3A_818 = vector.shape_cast %swap3A_817 : vector<1x1x1x16xf32> to vector<16xf32>
        %swap3A_819 = vector.shape_cast %get3A_810 : vector<16xf32> to vector<1x1x1x16xf32>
        tpu.vector_store %arg7[%swap3A_813, %swap3A_814, %swap3A_815, %swap3A_816], %swap3A_819 {add = true, strides = array<i32>} : memref<2x4x100x64xf32, #tpu.memory_space<vmem>>, vector<1x1x1x16xf32>,
        %mul3A_820 = arith.constant 64 : i32
        %mul3A_821 = arith.muli %scan3A_783, %mul3A_820 : i32
        %add3A_822 = arith.constant 6400 : i32
        %add3A_823 = arith.addi %add3A_822, %mul3A_821 : i32
        %add3A_824 = arith.constant 32 : i32
        %add3A_825 = arith.addi %add3A_823, %add3A_824 : i32
        %get3A_826 = arith.index_cast %add3A_825 : i32 to index
        %get3A_827 = tpu.vector_load %arg8[%get3A_826] {strides = array<i32>} : memref<12800xf32, #tpu.memory_space<vmem>>, vector<16xf32>,
        %get3A_828 = vector.shape_cast %get3A_827 : vector<16xf32> to vector<16xf32>
        %swap3A_829 = arith.constant 0 : i32
        %swap3A_830 = arith.constant 3 : i32
        %swap3A_831 = arith.index_cast %swap3A_829 : i32 to index
        %swap3A_832 = arith.index_cast %swap3A_830 : i32 to index
        %swap3A_833 = arith.index_cast %scan3A_783 : i32 to index
        %swap3A_834 = arith.constant 32 : index
        %swap3A_835 = tpu.vector_load %arg7[%swap3A_831, %swap3A_832, %swap3A_833, %swap3A_834] {strides = array<i32>} : memref<2x4x100x64xf32, #tpu.memory_space<vmem>>, vector<1x1x1x16xf32>,
        %swap3A_836 = vector.shape_cast %swap3A_835 : vector<1x1x1x16xf32> to vector<16xf32>
        %swap3A_837 = vector.shape_cast %get3A_828 : vector<16xf32> to vector<1x1x1x16xf32>
        tpu.vector_store %arg7[%swap3A_831, %swap3A_832, %swap3A_833, %swap3A_834], %swap3A_837 {add = true, strides = array<i32>} : memref<2x4x100x64xf32, #tpu.memory_space<vmem>>, vector<1x1x1x16xf32>,
        %mul3A_838 = arith.constant 64 : i32
        %mul3A_839 = arith.muli %scan3A_783, %mul3A_838 : i32
        %add3A_840 = arith.constant 6400 : i32
        %add3A_841 = arith.addi %add3A_840, %mul3A_839 : i32
        %add3A_842 = arith.constant 48 : i32
        %add3A_843 = arith.addi %add3A_841, %add3A_842 : i32
        %get3A_844 = arith.index_cast %add3A_843 : i32 to index
        %get3A_845 = tpu.vector_load %arg8[%get3A_844] {strides = array<i32>} : memref<12800xf32, #tpu.memory_space<vmem>>, vector<16xf32>,
        %get3A_846 = vector.shape_cast %get3A_845 : vector<16xf32> to vector<16xf32>
        %swap3A_847 = arith.constant 0 : i32
        %swap3A_848 = arith.constant 3 : i32
        %swap3A_849 = arith.index_cast %swap3A_847 : i32 to index
        %swap3A_850 = arith.index_cast %swap3A_848 : i32 to index
        %swap3A_851 = arith.index_cast %scan3A_783 : i32 to index
        %swap3A_852 = arith.constant 48 : index
        %swap3A_853 = tpu.vector_load %arg7[%swap3A_849, %swap3A_850, %swap3A_851, %swap3A_852] {strides = array<i32>} : memref<2x4x100x64xf32, #tpu.memory_space<vmem>>, vector<1x1x1x16xf32>,
        %swap3A_854 = vector.shape_cast %swap3A_853 : vector<1x1x1x16xf32> to vector<16xf32>
        %swap3A_855 = vector.shape_cast %get3A_846 : vector<16xf32> to vector<1x1x1x16xf32>
        tpu.vector_store %arg7[%swap3A_849, %swap3A_850, %swap3A_851, %swap3A_852], %swap3A_855 {add = true, strides = array<i32>} : memref<2x4x100x64xf32, #tpu.memory_space<vmem>>, vector<1x1x1x16xf32>,
        %scan3A_856 = arith.constant 3 : i32
        %scan3A_857 = arith.addi %scan3A_637, %scan3A_856 : i32
        %mul3A_858 = arith.constant 64 : i32
        %mul3A_859 = arith.muli %scan3A_857, %mul3A_858 : i32
        %add3A_860 = arith.constant 6400 : i32
        %add3A_861 = arith.addi %add3A_860, %mul3A_859 : i32
        %add3A_862 = arith.constant 0 : i32
        %add3A_863 = arith.addi %add3A_861, %add3A_862 : i32
        %get3A_864 = arith.index_cast %add3A_863 : i32 to index
        %get3A_865 = tpu.vector_load %arg8[%get3A_864] {strides = array<i32>} : memref<12800xf32, #tpu.memory_space<vmem>>, vector<16xf32>,
        %get3A_866 = vector.shape_cast %get3A_865 : vector<16xf32> to vector<16xf32>
        %swap3A_867 = arith.constant 0 : i32
        %swap3A_868 = arith.constant 3 : i32
        %swap3A_869 = arith.index_cast %swap3A_867 : i32 to index
        %swap3A_870 = arith.index_cast %swap3A_868 : i32 to index
        %swap3A_871 = arith.index_cast %scan3A_857 : i32 to index
        %swap3A_872 = arith.constant 0 : index
        %swap3A_873 = tpu.vector_load %arg7[%swap3A_869, %swap3A_870, %swap3A_871, %swap3A_872] {strides = array<i32>} : memref<2x4x100x64xf32, #tpu.memory_space<vmem>>, vector<1x1x1x16xf32>,
        %swap3A_874 = vector.shape_cast %swap3A_873 : vector<1x1x1x16xf32> to vector<16xf32>
        %swap3A_875 = vector.shape_cast %get3A_866 : vector<16xf32> to vector<1x1x1x16xf32>
        tpu.vector_store %arg7[%swap3A_869, %swap3A_870, %swap3A_871, %swap3A_872], %swap3A_875 {add = true, strides = array<i32>} : memref<2x4x100x64xf32, #tpu.memory_space<vmem>>, vector<1x1x1x16xf32>,
        %mul3A_876 = arith.constant 64 : i32
        %mul3A_877 = arith.muli %scan3A_857, %mul3A_876 : i32
        %add3A_878 = arith.constant 6400 : i32
        %add3A_879 = arith.addi %add3A_878, %mul3A_877 : i32
        %add3A_880 = arith.constant 16 : i32
        %add3A_881 = arith.addi %add3A_879, %add3A_880 : i32
        %get3A_882 = arith.index_cast %add3A_881 : i32 to index
        %get3A_883 = tpu.vector_load %arg8[%get3A_882] {strides = array<i32>} : memref<12800xf32, #tpu.memory_space<vmem>>, vector<16xf32>,
        %get3A_884 = vector.shape_cast %get3A_883 : vector<16xf32> to vector<16xf32>
        %swap3A_885 = arith.constant 0 : i32
        %swap3A_886 = arith.constant 3 : i32
        %swap3A_887 = arith.index_cast %swap3A_885 : i32 to index
        %swap3A_888 = arith.index_cast %swap3A_886 : i32 to index
        %swap3A_889 = arith.index_cast %scan3A_857 : i32 to index
        %swap3A_890 = arith.constant 16 : index
        %swap3A_891 = tpu.vector_load %arg7[%swap3A_887, %swap3A_888, %swap3A_889, %swap3A_890] {strides = array<i32>} : memref<2x4x100x64xf32, #tpu.memory_space<vmem>>, vector<1x1x1x16xf32>,
        %swap3A_892 = vector.shape_cast %swap3A_891 : vector<1x1x1x16xf32> to vector<16xf32>
        %swap3A_893 = vector.shape_cast %get3A_884 : vector<16xf32> to vector<1x1x1x16xf32>
        tpu.vector_store %arg7[%swap3A_887, %swap3A_888, %swap3A_889, %swap3A_890], %swap3A_893 {add = true, strides = array<i32>} : memref<2x4x100x64xf32, #tpu.memory_space<vmem>>, vector<1x1x1x16xf32>,
        %mul3A_894 = arith.constant 64 : i32
        %mul3A_895 = arith.muli %scan3A_857, %mul3A_894 : i32
        %add3A_896 = arith.constant 6400 : i32
        %add3A_897 = arith.addi %add3A_896, %mul3A_895 : i32
        %add3A_898 = arith.constant 32 : i32
        %add3A_899 = arith.addi %add3A_897, %add3A_898 : i32
        %get3A_900 = arith.index_cast %add3A_899 : i32 to index
        %get3A_901 = tpu.vector_load %arg8[%get3A_900] {strides = array<i32>} : memref<12800xf32, #tpu.memory_space<vmem>>, vector<16xf32>,
        %get3A_902 = vector.shape_cast %get3A_901 : vector<16xf32> to vector<16xf32>
        %swap3A_903 = arith.constant 0 : i32
        %swap3A_904 = arith.constant 3 : i32
        %swap3A_905 = arith.index_cast %swap3A_903 : i32 to index
        %swap3A_906 = arith.index_cast %swap3A_904 : i32 to index
        %swap3A_907 = arith.index_cast %scan3A_857 : i32 to index
        %swap3A_908 = arith.constant 32 : index
        %swap3A_909 = tpu.vector_load %arg7[%swap3A_905, %swap3A_906, %swap3A_907, %swap3A_908] {strides = array<i32>} : memref<2x4x100x64xf32, #tpu.memory_space<vmem>>, vector<1x1x1x16xf32>,
        %swap3A_910 = vector.shape_cast %swap3A_909 : vector<1x1x1x16xf32> to vector<16xf32>
        %swap3A_911 = vector.shape_cast %get3A_902 : vector<16xf32> to vector<1x1x1x16xf32>
        tpu.vector_store %arg7[%swap3A_905, %swap3A_906, %swap3A_907, %swap3A_908], %swap3A_911 {add = true, strides = array<i32>} : memref<2x4x100x64xf32, #tpu.memory_space<vmem>>, vector<1x1x1x16xf32>,
        %mul3A_912 = arith.constant 64 : i32
        %mul3A_913 = arith.muli %scan3A_857, %mul3A_912 : i32
        %add3A_914 = arith.constant 6400 : i32
        %add3A_915 = arith.addi %add3A_914, %mul3A_913 : i32
        %add3A_916 = arith.constant 48 : i32
        %add3A_917 = arith.addi %add3A_915, %add3A_916 : i32
        %get3A_918 = arith.index_cast %add3A_917 : i32 to index
        %get3A_919 = tpu.vector_load %arg8[%get3A_918] {strides = array<i32>} : memref<12800xf32, #tpu.memory_space<vmem>>, vector<16xf32>,
        %get3A_920 = vector.shape_cast %get3A_919 : vector<16xf32> to vector<16xf32>
        %swap3A_921 = arith.constant 0 : i32
        %swap3A_922 = arith.constant 3 : i32
        %swap3A_923 = arith.index_cast %swap3A_921 : i32 to index
        %swap3A_924 = arith.index_cast %swap3A_922 : i32 to index
        %swap3A_925 = arith.index_cast %scan3A_857 : i32 to index
        %swap3A_926 = arith.constant 48 : index
        %swap3A_927 = tpu.vector_load %arg7[%swap3A_923, %swap3A_924, %swap3A_925, %swap3A_926] {strides = array<i32>} : memref<2x4x100x64xf32, #tpu.memory_space<vmem>>, vector<1x1x1x16xf32>,
        %swap3A_928 = vector.shape_cast %swap3A_927 : vector<1x1x1x16xf32> to vector<16xf32>
        %swap3A_929 = vector.shape_cast %get3A_920 : vector<16xf32> to vector<1x1x1x16xf32>
        tpu.vector_store %arg7[%swap3A_923, %swap3A_924, %swap3A_925, %swap3A_926], %swap3A_929 {add = true, strides = array<i32>} : memref<2x4x100x64xf32, #tpu.memory_space<vmem>>, vector<1x1x1x16xf32>,
      }
      %scan3A_435 = arith.constant 100 : i32
      %add3A_436 = arith.constant 3 : i32
      %add3A_437 = arith.addi %add3A_351, %add3A_436 : i32
      %dma_start3A_438 = arith.constant 0 : i32
      %dma_start3A_439 = arith.constant 3 : i32
      %dma_start3A_440 = arith.constant 0 : i32
      %dma_start3A_441 = arith.constant 0 : i32
      %dma_start3A_442 = tpu.memref_slice %arg7[%dma_start3A_438, %dma_start3A_439, %dma_start3A_440, %dma_start3A_441] : memref<2x4x100x64xf32, #tpu.memory_space<vmem>> -> memref<1x1x100x64xf32, #tpu.memory_space<vmem>>
      %dma_start3A_443 = tpu.memref_squeeze %dma_start3A_442 : memref<1x1x100x64xf32, #tpu.memory_space<vmem>> -> memref<100x64xf32, #tpu.memory_space<vmem>>
      %dma_start3A_444 = arith.constant 0 : i32
      %dma_start3A_445 = arith.constant 0 : i32
      %dma_start3A_446 = tpu.memref_slice %arg5[%add3A_437, %dma_start3A_444, %dma_start3A_445] : memref<8192x100x64xf32, #tpu.memory_space<hbm>> -> memref<1x100x64xf32, #tpu.memory_space<hbm>>
      %dma_start3A_447 = tpu.memref_squeeze %dma_start3A_446 : memref<1x100x64xf32, #tpu.memory_space<hbm>> -> memref<100x64xf32, #tpu.memory_space<hbm>>
      %dma_start3A_448 = arith.constant 0 : i32
      %dma_start3A_449 = arith.constant 0 : i32
      %dma_start3A_450 = tpu.memref_slice %arg5[%add3A_437, %dma_start3A_448, %dma_start3A_449] : memref<8192x100x64xf32, #tpu.memory_space<hbm>> -> memref<1x100x64xf32, #tpu.memory_space<hbm>>
      %dma_start3A_451 = tpu.memref_squeeze %dma_start3A_450 : memref<1x100x64xf32, #tpu.memory_space<hbm>> -> memref<100x64xf32, #tpu.memory_space<hbm>>
      %dma_start3A_452 = arith.constant 0 : i32
      %dma_start3A_453 = arith.constant 0 : i32
      %dma_start3A_454 = tpu.memref_slice %arg7[%dma_start3A_438, %dma_start3A_439, %dma_start3A_452, %dma_start3A_453] : memref<2x4x100x64xf32, #tpu.memory_space<vmem>> -> memref<1x1x100x64xf32, #tpu.memory_space<vmem>>
      %dma_start3A_455 = tpu.memref_squeeze %dma_start3A_454 : memref<1x1x100x64xf32, #tpu.memory_space<vmem>> -> memref<100x64xf32, #tpu.memory_space<vmem>>
      tpu.enqueue_dma source(%dma_start3A_455 : memref<100x64xf32, #tpu.memory_space<vmem>>) target(%dma_start3A_451 : memref<100x64xf32, #tpu.memory_space<hbm>>) target_semaphore(%arg11 : memref<!tpu.dma_semaphore, #tpu.memory_space<semaphore_mem>>)
      %lt3A = arith.constant 31 : i32
      %lt3A_456 = arith.cmpi slt, %scan3A_210, %lt3A : i32
      %convert_element_type3A_457 = arith.extui %lt3A_456 : i1 to i32
      %cond3A_458 = arith.constant 0 : i32
      %cond3A_459 = arith.cmpi ne, %convert_element_type3A_457, %cond3A_458 : i32
      scf.if %cond3A_459 {
        %dma_wait3A_637 = arith.constant 0 : i32
        %dma_wait3A_638 = arith.constant 0 : i32
        %dma_wait3A_639 = arith.constant 0 : i32
        %dma_wait3A_640 = arith.constant 0 : i32
        %dma_wait3A_641 = arith.constant 0 : i32
        %dma_wait3A_642 = tpu.memref_slice %arg7[%dma_wait3A_637, %dma_wait3A_638, %dma_wait3A_640, %dma_wait3A_641] : memref<2x4x100x64xf32, #tpu.memory_space<vmem>> -> memref<1x1x100x64xf32, #tpu.memory_space<vmem>>
        %dma_wait3A_643 = tpu.memref_squeeze %dma_wait3A_642 : memref<1x1x100x64xf32, #tpu.memory_space<vmem>> -> memref<100x64xf32, #tpu.memory_space<vmem>>
        %dma_wait3A_644 = arith.constant 0 : i32
        %dma_wait3A_645 = arith.constant 0 : i32
        %dma_wait3A_646 = tpu.memref_slice %arg5[%dma_wait3A_639, %dma_wait3A_644, %dma_wait3A_645] : memref<8192x100x64xf32, #tpu.memory_space<hbm>> -> memref<1x100x64xf32, #tpu.memory_space<hbm>>
        %dma_wait3A_647 = tpu.memref_squeeze %dma_wait3A_646 : memref<1x100x64xf32, #tpu.memory_space<hbm>> -> memref<100x64xf32, #tpu.memory_space<hbm>>
        %dma_wait3A_648 = arith.constant 0 : i32
        %dma_wait3A_649 = arith.constant 0 : i32
        %dma_wait3A_650 = tpu.memref_slice %arg5[%dma_wait3A_639, %dma_wait3A_648, %dma_wait3A_649] : memref<8192x100x64xf32, #tpu.memory_space<hbm>> -> memref<1x100x64xf32, #tpu.memory_space<hbm>>
        %dma_wait3A_651 = tpu.memref_squeeze %dma_wait3A_650 : memref<1x100x64xf32, #tpu.memory_space<hbm>> -> memref<100x64xf32, #tpu.memory_space<hbm>>
        %dma_wait3A_652 = arith.constant 0 : i32
        %dma_wait3A_653 = arith.constant 0 : i32
        %dma_wait3A_654 = tpu.memref_slice %arg7[%dma_wait3A_637, %dma_wait3A_638, %dma_wait3A_652, %dma_wait3A_653] : memref<2x4x100x64xf32, #tpu.memory_space<vmem>> -> memref<1x1x100x64xf32, #tpu.memory_space<vmem>>
        %dma_wait3A_655 = tpu.memref_squeeze %dma_wait3A_654 : memref<1x1x100x64xf32, #tpu.memory_space<vmem>> -> memref<100x64xf32, #tpu.memory_space<vmem>>
        tpu.wait_dma2 semaphore(%arg11 : memref<!tpu.dma_semaphore, #tpu.memory_space<semaphore_mem>>) src(%dma_wait3A_655 : memref<100x64xf32, #tpu.memory_space<vmem>>) dst(%dma_wait3A_651 : memref<100x64xf32, #tpu.memory_space<hbm>>)
        %dma_wait3A_656 = arith.constant 0 : i32
        %dma_wait3A_657 = arith.constant 1 : i32
        %dma_wait3A_658 = arith.constant 0 : i32
        %dma_wait3A_659 = arith.constant 0 : i32
        %dma_wait3A_660 = arith.constant 0 : i32
        %dma_wait3A_661 = tpu.memref_slice %arg7[%dma_wait3A_656, %dma_wait3A_657, %dma_wait3A_659, %dma_wait3A_660] : memref<2x4x100x64xf32, #tpu.memory_space<vmem>> -> memref<1x1x100x64xf32, #tpu.memory_space<vmem>>
        %dma_wait3A_662 = tpu.memref_squeeze %dma_wait3A_661 : memref<1x1x100x64xf32, #tpu.memory_space<vmem>> -> memref<100x64xf32, #tpu.memory_space<vmem>>
        %dma_wait3A_663 = arith.constant 0 : i32
        %dma_wait3A_664 = arith.constant 0 : i32
        %dma_wait3A_665 = tpu.memref_slice %arg5[%dma_wait3A_658, %dma_wait3A_663, %dma_wait3A_664] : memref<8192x100x64xf32, #tpu.memory_space<hbm>> -> memref<1x100x64xf32, #tpu.memory_space<hbm>>
        %dma_wait3A_666 = tpu.memref_squeeze %dma_wait3A_665 : memref<1x100x64xf32, #tpu.memory_space<hbm>> -> memref<100x64xf32, #tpu.memory_space<hbm>>
        %dma_wait3A_667 = arith.constant 0 : i32
        %dma_wait3A_668 = arith.constant 0 : i32
        %dma_wait3A_669 = tpu.memref_slice %arg5[%dma_wait3A_658, %dma_wait3A_667, %dma_wait3A_668] : memref<8192x100x64xf32, #tpu.memory_space<hbm>> -> memref<1x100x64xf32, #tpu.memory_space<hbm>>
        %dma_wait3A_670 = tpu.memref_squeeze %dma_wait3A_669 : memref<1x100x64xf32, #tpu.memory_space<hbm>> -> memref<100x64xf32, #tpu.memory_space<hbm>>
        %dma_wait3A_671 = arith.constant 0 : i32
        %dma_wait3A_672 = arith.constant 0 : i32
        %dma_wait3A_673 = tpu.memref_slice %arg7[%dma_wait3A_656, %dma_wait3A_657, %dma_wait3A_671, %dma_wait3A_672] : memref<2x4x100x64xf32, #tpu.memory_space<vmem>> -> memref<1x1x100x64xf32, #tpu.memory_space<vmem>>
        %dma_wait3A_674 = tpu.memref_squeeze %dma_wait3A_673 : memref<1x1x100x64xf32, #tpu.memory_space<vmem>> -> memref<100x64xf32, #tpu.memory_space<vmem>>
        tpu.wait_dma2 semaphore(%arg11 : memref<!tpu.dma_semaphore, #tpu.memory_space<semaphore_mem>>) src(%dma_wait3A_674 : memref<100x64xf32, #tpu.memory_space<vmem>>) dst(%dma_wait3A_670 : memref<100x64xf32, #tpu.memory_space<hbm>>)
        %dma_wait3A_675 = arith.constant 0 : i32
        %dma_wait3A_676 = arith.constant 2 : i32
        %dma_wait3A_677 = arith.constant 0 : i32
        %dma_wait3A_678 = arith.constant 0 : i32
        %dma_wait3A_679 = arith.constant 0 : i32
        %dma_wait3A_680 = tpu.memref_slice %arg7[%dma_wait3A_675, %dma_wait3A_676, %dma_wait3A_678, %dma_wait3A_679] : memref<2x4x100x64xf32, #tpu.memory_space<vmem>> -> memref<1x1x100x64xf32, #tpu.memory_space<vmem>>
        %dma_wait3A_681 = tpu.memref_squeeze %dma_wait3A_680 : memref<1x1x100x64xf32, #tpu.memory_space<vmem>> -> memref<100x64xf32, #tpu.memory_space<vmem>>
        %dma_wait3A_682 = arith.constant 0 : i32
        %dma_wait3A_683 = arith.constant 0 : i32
        %dma_wait3A_684 = tpu.memref_slice %arg5[%dma_wait3A_677, %dma_wait3A_682, %dma_wait3A_683] : memref<8192x100x64xf32, #tpu.memory_space<hbm>> -> memref<1x100x64xf32, #tpu.memory_space<hbm>>
        %dma_wait3A_685 = tpu.memref_squeeze %dma_wait3A_684 : memref<1x100x64xf32, #tpu.memory_space<hbm>> -> memref<100x64xf32, #tpu.memory_space<hbm>>
        %dma_wait3A_686 = arith.constant 0 : i32
        %dma_wait3A_687 = arith.constant 0 : i32
        %dma_wait3A_688 = tpu.memref_slice %arg5[%dma_wait3A_677, %dma_wait3A_686, %dma_wait3A_687] : memref<8192x100x64xf32, #tpu.memory_space<hbm>> -> memref<1x100x64xf32, #tpu.memory_space<hbm>>
        %dma_wait3A_689 = tpu.memref_squeeze %dma_wait3A_688 : memref<1x100x64xf32, #tpu.memory_space<hbm>> -> memref<100x64xf32, #tpu.memory_space<hbm>>
        %dma_wait3A_690 = arith.constant 0 : i32
        %dma_wait3A_691 = arith.constant 0 : i32
        %dma_wait3A_692 = tpu.memref_slice %arg7[%dma_wait3A_675, %dma_wait3A_676, %dma_wait3A_690, %dma_wait3A_691] : memref<2x4x100x64xf32, #tpu.memory_space<vmem>> -> memref<1x1x100x64xf32, #tpu.memory_space<vmem>>
        %dma_wait3A_693 = tpu.memref_squeeze %dma_wait3A_692 : memref<1x1x100x64xf32, #tpu.memory_space<vmem>> -> memref<100x64xf32, #tpu.memory_space<vmem>>
        tpu.wait_dma2 semaphore(%arg11 : memref<!tpu.dma_semaphore, #tpu.memory_space<semaphore_mem>>) src(%dma_wait3A_693 : memref<100x64xf32, #tpu.memory_space<vmem>>) dst(%dma_wait3A_689 : memref<100x64xf32, #tpu.memory_space<hbm>>)
        %dma_wait3A_694 = arith.constant 0 : i32
        %dma_wait3A_695 = arith.constant 3 : i32
        %dma_wait3A_696 = arith.constant 0 : i32
        %dma_wait3A_697 = arith.constant 0 : i32
        %dma_wait3A_698 = arith.constant 0 : i32
        %dma_wait3A_699 = tpu.memref_slice %arg7[%dma_wait3A_694, %dma_wait3A_695, %dma_wait3A_697, %dma_wait3A_698] : memref<2x4x100x64xf32, #tpu.memory_space<vmem>> -> memref<1x1x100x64xf32, #tpu.memory_space<vmem>>
        %dma_wait3A_700 = tpu.memref_squeeze %dma_wait3A_699 : memref<1x1x100x64xf32, #tpu.memory_space<vmem>> -> memref<100x64xf32, #tpu.memory_space<vmem>>
        %dma_wait3A_701 = arith.constant 0 : i32
        %dma_wait3A_702 = arith.constant 0 : i32
        %dma_wait3A_703 = tpu.memref_slice %arg5[%dma_wait3A_696, %dma_wait3A_701, %dma_wait3A_702] : memref<8192x100x64xf32, #tpu.memory_space<hbm>> -> memref<1x100x64xf32, #tpu.memory_space<hbm>>
        %dma_wait3A_704 = tpu.memref_squeeze %dma_wait3A_703 : memref<1x100x64xf32, #tpu.memory_space<hbm>> -> memref<100x64xf32, #tpu.memory_space<hbm>>
        %dma_wait3A_705 = arith.constant 0 : i32
        %dma_wait3A_706 = arith.constant 0 : i32
        %dma_wait3A_707 = tpu.memref_slice %arg5[%dma_wait3A_696, %dma_wait3A_705, %dma_wait3A_706] : memref<8192x100x64xf32, #tpu.memory_space<hbm>> -> memref<1x100x64xf32, #tpu.memory_space<hbm>>
        %dma_wait3A_708 = tpu.memref_squeeze %dma_wait3A_707 : memref<1x100x64xf32, #tpu.memory_space<hbm>> -> memref<100x64xf32, #tpu.memory_space<hbm>>
        %dma_wait3A_709 = arith.constant 0 : i32
        %dma_wait3A_710 = arith.constant 0 : i32
        %dma_wait3A_711 = tpu.memref_slice %arg7[%dma_wait3A_694, %dma_wait3A_695, %dma_wait3A_709, %dma_wait3A_710] : memref<2x4x100x64xf32, #tpu.memory_space<vmem>> -> memref<1x1x100x64xf32, #tpu.memory_space<vmem>>
        %dma_wait3A_712 = tpu.memref_squeeze %dma_wait3A_711 : memref<1x1x100x64xf32, #tpu.memory_space<vmem>> -> memref<100x64xf32, #tpu.memory_space<vmem>>
        tpu.wait_dma2 semaphore(%arg11 : memref<!tpu.dma_semaphore, #tpu.memory_space<semaphore_mem>>) src(%dma_wait3A_712 : memref<100x64xf32, #tpu.memory_space<vmem>>) dst(%dma_wait3A_708 : memref<100x64xf32, #tpu.memory_space<hbm>>)
        %mul3A_713 = arith.constant 2 : i32
        %mul3A_714 = arith.muli %mul3A_713, %scan3A_210 : i32
        %add3A_715 = arith.constant 2 : i32
        %add3A_716 = arith.addi %mul3A_714, %add3A_715 : i32
        %mul3A_717 = arith.constant 4 : i32
        %mul3A_718 = arith.muli %add3A_716, %mul3A_717 : i32
        %add3A_719 = arith.constant 0 : i32
        %add3A_720 = arith.addi %mul3A_718, %add3A_719 : i32
        %dma_start3A_721 = arith.constant 0 : i32
        %dma_start3A_722 = arith.constant 0 : i32
        %dma_start3A_723 = arith.constant 0 : i32
        %dma_start3A_724 = arith.constant 0 : i32
        %dma_start3A_725 = tpu.memref_slice %arg7[%dma_start3A_721, %dma_start3A_722, %dma_start3A_723, %dma_start3A_724] : memref<2x4x100x64xf32, #tpu.memory_space<vmem>> -> memref<1x1x100x64xf32, #tpu.memory_space<vmem>>
        %dma_start3A_726 = tpu.memref_squeeze %dma_start3A_725 : memref<1x1x100x64xf32, #tpu.memory_space<vmem>> -> memref<100x64xf32, #tpu.memory_space<vmem>>
        %dma_start3A_727 = arith.constant 0 : i32
        %dma_start3A_728 = tpu.memref_slice %arg6[%add3A_720, %dma_start3A_727] : memref<256x100xi32, #tpu.memory_space<vmem>> -> memref<1x100xi32, #tpu.memory_space<vmem>>
        %dma_start3A_729 = tpu.memref_squeeze %dma_start3A_728 : memref<1x100xi32, #tpu.memory_space<vmem>> -> memref<100xi32, #tpu.memory_space<vmem>>
        %dma_start3A_730 = arith.constant 0 : i32
        %dma_start3A_731 = arith.constant 0 : i32
        %dma_start3A_732 = tpu.memref_slice %arg3[%dma_start3A_730, %dma_start3A_731] : memref<1000000x64xf32, #tpu.memory_space<hbm>> -> memref<1000000x64xf32, #tpu.memory_space<hbm>>
        tpu.enqueue_indirect_dma source(%dma_start3A_732 : memref<1000000x64xf32, #tpu.memory_space<hbm>>) target(%dma_start3A_726 : memref<100x64xf32, #tpu.memory_space<vmem>>) offsets(%dma_start3A_729 : memref<100xi32, #tpu.memory_space<vmem>>) semaphore(%arg9 : memref<!tpu.dma_semaphore, #tpu.memory_space<semaphore_mem>>)
        %mul3A_733 = arith.constant 4 : i32
        %mul3A_734 = arith.muli %add3A_716, %mul3A_733 : i32
        %add3A_735 = arith.constant 1 : i32
        %add3A_736 = arith.addi %mul3A_734, %add3A_735 : i32
        %dma_start3A_737 = arith.constant 0 : i32
        %dma_start3A_738 = arith.constant 1 : i32
        %dma_start3A_739 = arith.constant 0 : i32
        %dma_start3A_740 = arith.constant 0 : i32
        %dma_start3A_741 = tpu.memref_slice %arg7[%dma_start3A_737, %dma_start3A_738, %dma_start3A_739, %dma_start3A_740] : memref<2x4x100x64xf32, #tpu.memory_space<vmem>> -> memref<1x1x100x64xf32, #tpu.memory_space<vmem>>
        %dma_start3A_742 = tpu.memref_squeeze %dma_start3A_741 : memref<1x1x100x64xf32, #tpu.memory_space<vmem>> -> memref<100x64xf32, #tpu.memory_space<vmem>>
        %dma_start3A_743 = arith.constant 0 : i32
        %dma_start3A_744 = tpu.memref_slice %arg6[%add3A_736, %dma_start3A_743] : memref<256x100xi32, #tpu.memory_space<vmem>> -> memref<1x100xi32, #tpu.memory_space<vmem>>
        %dma_start3A_745 = tpu.memref_squeeze %dma_start3A_744 : memref<1x100xi32, #tpu.memory_space<vmem>> -> memref<100xi32, #tpu.memory_space<vmem>>
        %dma_start3A_746 = arith.constant 0 : i32
        %dma_start3A_747 = arith.constant 0 : i32
        %dma_start3A_748 = tpu.memref_slice %arg3[%dma_start3A_746, %dma_start3A_747] : memref<1000000x64xf32, #tpu.memory_space<hbm>> -> memref<1000000x64xf32, #tpu.memory_space<hbm>>
        tpu.enqueue_indirect_dma source(%dma_start3A_748 : memref<1000000x64xf32, #tpu.memory_space<hbm>>) target(%dma_start3A_742 : memref<100x64xf32, #tpu.memory_space<vmem>>) offsets(%dma_start3A_745 : memref<100xi32, #tpu.memory_space<vmem>>) semaphore(%arg9 : memref<!tpu.dma_semaphore, #tpu.memory_space<semaphore_mem>>)
        %mul3A_749 = arith.constant 4 : i32
        %mul3A_750 = arith.muli %add3A_716, %mul3A_749 : i32
        %add3A_751 = arith.constant 2 : i32
        %add3A_752 = arith.addi %mul3A_750, %add3A_751 : i32
        %dma_start3A_753 = arith.constant 0 : i32
        %dma_start3A_754 = arith.constant 2 : i32
        %dma_start3A_755 = arith.constant 0 : i32
        %dma_start3A_756 = arith.constant 0 : i32
        %dma_start3A_757 = tpu.memref_slice %arg7[%dma_start3A_753, %dma_start3A_754, %dma_start3A_755, %dma_start3A_756] : memref<2x4x100x64xf32, #tpu.memory_space<vmem>> -> memref<1x1x100x64xf32, #tpu.memory_space<vmem>>
        %dma_start3A_758 = tpu.memref_squeeze %dma_start3A_757 : memref<1x1x100x64xf32, #tpu.memory_space<vmem>> -> memref<100x64xf32, #tpu.memory_space<vmem>>
        %dma_start3A_759 = arith.constant 0 : i32
        %dma_start3A_760 = tpu.memref_slice %arg6[%add3A_752, %dma_start3A_759] : memref<256x100xi32, #tpu.memory_space<vmem>> -> memref<1x100xi32, #tpu.memory_space<vmem>>
        %dma_start3A_761 = tpu.memref_squeeze %dma_start3A_760 : memref<1x100xi32, #tpu.memory_space<vmem>> -> memref<100xi32, #tpu.memory_space<vmem>>
        %dma_start3A_762 = arith.constant 0 : i32
        %dma_start3A_763 = arith.constant 0 : i32
        %dma_start3A_764 = tpu.memref_slice %arg3[%dma_start3A_762, %dma_start3A_763] : memref<1000000x64xf32, #tpu.memory_space<hbm>> -> memref<1000000x64xf32, #tpu.memory_space<hbm>>
        tpu.enqueue_indirect_dma source(%dma_start3A_764 : memref<1000000x64xf32, #tpu.memory_space<hbm>>) target(%dma_start3A_758 : memref<100x64xf32, #tpu.memory_space<vmem>>) offsets(%dma_start3A_761 : memref<100xi32, #tpu.memory_space<vmem>>) semaphore(%arg9 : memref<!tpu.dma_semaphore, #tpu.memory_space<semaphore_mem>>)
        %mul3A_765 = arith.constant 4 : i32
        %mul3A_766 = arith.muli %add3A_716, %mul3A_765 : i32
        %add3A_767 = arith.constant 3 : i32
        %add3A_768 = arith.addi %mul3A_766, %add3A_767 : i32
        %dma_start3A_769 = arith.constant 0 : i32
        %dma_start3A_770 = arith.constant 3 : i32
        %dma_start3A_771 = arith.constant 0 : i32
        %dma_start3A_772 = arith.constant 0 : i32
        %dma_start3A_773 = tpu.memref_slice %arg7[%dma_start3A_769, %dma_start3A_770, %dma_start3A_771, %dma_start3A_772] : memref<2x4x100x64xf32, #tpu.memory_space<vmem>> -> memref<1x1x100x64xf32, #tpu.memory_space<vmem>>
        %dma_start3A_774 = tpu.memref_squeeze %dma_start3A_773 : memref<1x1x100x64xf32, #tpu.memory_space<vmem>> -> memref<100x64xf32, #tpu.memory_space<vmem>>
        %dma_start3A_775 = arith.constant 0 : i32
        %dma_start3A_776 = tpu.memref_slice %arg6[%add3A_768, %dma_start3A_775] : memref<256x100xi32, #tpu.memory_space<vmem>> -> memref<1x100xi32, #tpu.memory_space<vmem>>
        %dma_start3A_777 = tpu.memref_squeeze %dma_start3A_776 : memref<1x100xi32, #tpu.memory_space<vmem>> -> memref<100xi32, #tpu.memory_space<vmem>>
        %dma_start3A_778 = arith.constant 0 : i32
        %dma_start3A_779 = arith.constant 0 : i32
        %dma_start3A_780 = tpu.memref_slice %arg3[%dma_start3A_778, %dma_start3A_779] : memref<1000000x64xf32, #tpu.memory_space<hbm>> -> memref<1000000x64xf32, #tpu.memory_space<hbm>>
        tpu.enqueue_indirect_dma source(%dma_start3A_780 : memref<1000000x64xf32, #tpu.memory_space<hbm>>) target(%dma_start3A_774 : memref<100x64xf32, #tpu.memory_space<vmem>>) offsets(%dma_start3A_777 : memref<100xi32, #tpu.memory_space<vmem>>) semaphore(%arg9 : memref<!tpu.dma_semaphore, #tpu.memory_space<semaphore_mem>>)
      } else {
      }
      %dma_wait3A_460 = arith.constant 1 : i32
      %dma_wait3A_461 = arith.constant 0 : i32
      %dma_wait3A_462 = arith.constant 0 : i32
      %dma_wait3A_463 = arith.constant 0 : i32
      %dma_wait3A_464 = tpu.memref_slice %arg7[%dma_wait3A_460, %dma_wait3A_461, %dma_wait3A_462, %dma_wait3A_463] : memref<2x4x100x64xf32, #tpu.memory_space<vmem>> -> memref<1x1x100x64xf32, #tpu.memory_space<vmem>>
      %dma_wait3A_465 = tpu.memref_squeeze %dma_wait3A_464 : memref<1x1x100x64xf32, #tpu.memory_space<vmem>> -> memref<100x64xf32, #tpu.memory_space<vmem>>
      %dma_wait3A_466 = arith.constant 0 : i32
      %dma_wait3A_467 = arith.constant 0 : i32
      %dma_wait3A_468 = tpu.memref_slice %arg3[%dma_wait3A_466, %dma_wait3A_467] : memref<1000000x64xf32, #tpu.memory_space<hbm>> -> memref<100x64xf32, #tpu.memory_space<hbm>>
      %dma_wait3A_469 = arith.constant 0 : i32
      %dma_wait3A_470 = arith.constant 0 : i32
      %dma_wait3A_471 = tpu.memref_slice %arg7[%dma_wait3A_460, %dma_wait3A_461, %dma_wait3A_469, %dma_wait3A_470] : memref<2x4x100x64xf32, #tpu.memory_space<vmem>> -> memref<1x1x100x64xf32, #tpu.memory_space<vmem>>
      %dma_wait3A_472 = tpu.memref_squeeze %dma_wait3A_471 : memref<1x1x100x64xf32, #tpu.memory_space<vmem>> -> memref<100x64xf32, #tpu.memory_space<vmem>>
      %dma_wait3A_473 = arith.constant 0 : i32
      %dma_wait3A_474 = arith.constant 0 : i32
      %dma_wait3A_475 = tpu.memref_slice %arg3[%dma_wait3A_473, %dma_wait3A_474] : memref<1000000x64xf32, #tpu.memory_space<hbm>> -> memref<100x64xf32, #tpu.memory_space<hbm>>
      tpu.wait_dma2 semaphore(%arg10 : memref<!tpu.dma_semaphore, #tpu.memory_space<semaphore_mem>>) src(%dma_wait3A_475 : memref<100x64xf32, #tpu.memory_space<hbm>>) dst(%dma_wait3A_472 : memref<100x64xf32, #tpu.memory_space<vmem>>)
      %dma_wait3A_476 = arith.constant 1 : i32
      %dma_wait3A_477 = arith.constant 1 : i32
      %dma_wait3A_478 = arith.constant 0 : i32
      %dma_wait3A_479 = arith.constant 0 : i32
      %dma_wait3A_480 = tpu.memref_slice %arg7[%dma_wait3A_476, %dma_wait3A_477, %dma_wait3A_478, %dma_wait3A_479] : memref<2x4x100x64xf32, #tpu.memory_space<vmem>> -> memref<1x1x100x64xf32, #tpu.memory_space<vmem>>
      %dma_wait3A_481 = tpu.memref_squeeze %dma_wait3A_480 : memref<1x1x100x64xf32, #tpu.memory_space<vmem>> -> memref<100x64xf32, #tpu.memory_space<vmem>>
      %dma_wait3A_482 = arith.constant 0 : i32
      %dma_wait3A_483 = arith.constant 0 : i32
      %dma_wait3A_484 = tpu.memref_slice %arg3[%dma_wait3A_482, %dma_wait3A_483] : memref<1000000x64xf32, #tpu.memory_space<hbm>> -> memref<100x64xf32, #tpu.memory_space<hbm>>
      %dma_wait3A_485 = arith.constant 0 : i32
      %dma_wait3A_486 = arith.constant 0 : i32
      %dma_wait3A_487 = tpu.memref_slice %arg7[%dma_wait3A_476, %dma_wait3A_477, %dma_wait3A_485, %dma_wait3A_486] : memref<2x4x100x64xf32, #tpu.memory_space<vmem>> -> memref<1x1x100x64xf32, #tpu.memory_space<vmem>>
      %dma_wait3A_488 = tpu.memref_squeeze %dma_wait3A_487 : memref<1x1x100x64xf32, #tpu.memory_space<vmem>> -> memref<100x64xf32, #tpu.memory_space<vmem>>
      %dma_wait3A_489 = arith.constant 0 : i32
      %dma_wait3A_490 = arith.constant 0 : i32
      %dma_wait3A_491 = tpu.memref_slice %arg3[%dma_wait3A_489, %dma_wait3A_490] : memref<1000000x64xf32, #tpu.memory_space<hbm>> -> memref<100x64xf32, #tpu.memory_space<hbm>>
      tpu.wait_dma2 semaphore(%arg10 : memref<!tpu.dma_semaphore, #tpu.memory_space<semaphore_mem>>) src(%dma_wait3A_491 : memref<100x64xf32, #tpu.memory_space<hbm>>) dst(%dma_wait3A_488 : memref<100x64xf32, #tpu.memory_space<vmem>>)
      %dma_wait3A_492 = arith.constant 1 : i32
      %dma_wait3A_493 = arith.constant 2 : i32
      %dma_wait3A_494 = arith.constant 0 : i32
      %dma_wait3A_495 = arith.constant 0 : i32
      %dma_wait3A_496 = tpu.memref_slice %arg7[%dma_wait3A_492, %dma_wait3A_493, %dma_wait3A_494, %dma_wait3A_495] : memref<2x4x100x64xf32, #tpu.memory_space<vmem>> -> memref<1x1x100x64xf32, #tpu.memory_space<vmem>>
      %dma_wait3A_497 = tpu.memref_squeeze %dma_wait3A_496 : memref<1x1x100x64xf32, #tpu.memory_space<vmem>> -> memref<100x64xf32, #tpu.memory_space<vmem>>
      %dma_wait3A_498 = arith.constant 0 : i32
      %dma_wait3A_499 = arith.constant 0 : i32
      %dma_wait3A_500 = tpu.memref_slice %arg3[%dma_wait3A_498, %dma_wait3A_499] : memref<1000000x64xf32, #tpu.memory_space<hbm>> -> memref<100x64xf32, #tpu.memory_space<hbm>>
      %dma_wait3A_501 = arith.constant 0 : i32
      %dma_wait3A_502 = arith.constant 0 : i32
      %dma_wait3A_503 = tpu.memref_slice %arg7[%dma_wait3A_492, %dma_wait3A_493, %dma_wait3A_501, %dma_wait3A_502] : memref<2x4x100x64xf32, #tpu.memory_space<vmem>> -> memref<1x1x100x64xf32, #tpu.memory_space<vmem>>
      %dma_wait3A_504 = tpu.memref_squeeze %dma_wait3A_503 : memref<1x1x100x64xf32, #tpu.memory_space<vmem>> -> memref<100x64xf32, #tpu.memory_space<vmem>>
      %dma_wait3A_505 = arith.constant 0 : i32
      %dma_wait3A_506 = arith.constant 0 : i32
      %dma_wait3A_507 = tpu.memref_slice %arg3[%dma_wait3A_505, %dma_wait3A_506] : memref<1000000x64xf32, #tpu.memory_space<hbm>> -> memref<100x64xf32, #tpu.memory_space<hbm>>
      tpu.wait_dma2 semaphore(%arg10 : memref<!tpu.dma_semaphore, #tpu.memory_space<semaphore_mem>>) src(%dma_wait3A_507 : memref<100x64xf32, #tpu.memory_space<hbm>>) dst(%dma_wait3A_504 : memref<100x64xf32, #tpu.memory_space<vmem>>)
      %dma_wait3A_508 = arith.constant 1 : i32
      %dma_wait3A_509 = arith.constant 3 : i32
      %dma_wait3A_510 = arith.constant 0 : i32
      %dma_wait3A_511 = arith.constant 0 : i32
      %dma_wait3A_512 = tpu.memref_slice %arg7[%dma_wait3A_508, %dma_wait3A_509, %dma_wait3A_510, %dma_wait3A_511] : memref<2x4x100x64xf32, #tpu.memory_space<vmem>> -> memref<1x1x100x64xf32, #tpu.memory_space<vmem>>
      %dma_wait3A_513 = tpu.memref_squeeze %dma_wait3A_512 : memref<1x1x100x64xf32, #tpu.memory_space<vmem>> -> memref<100x64xf32, #tpu.memory_space<vmem>>
      %dma_wait3A_514 = arith.constant 0 : i32
      %dma_wait3A_515 = arith.constant 0 : i32
      %dma_wait3A_516 = tpu.memref_slice %arg3[%dma_wait3A_514, %dma_wait3A_515] : memref<1000000x64xf32, #tpu.memory_space<hbm>> -> memref<100x64xf32, #tpu.memory_space<hbm>>
      %dma_wait3A_517 = arith.constant 0 : i32
      %dma_wait3A_518 = arith.constant 0 : i32
      %dma_wait3A_519 = tpu.memref_slice %arg7[%dma_wait3A_508, %dma_wait3A_509, %dma_wait3A_517, %dma_wait3A_518] : memref<2x4x100x64xf32, #tpu.memory_space<vmem>> -> memref<1x1x100x64xf32, #tpu.memory_space<vmem>>
      %dma_wait3A_520 = tpu.memref_squeeze %dma_wait3A_519 : memref<1x1x100x64xf32, #tpu.memory_space<vmem>> -> memref<100x64xf32, #tpu.memory_space<vmem>>
      %dma_wait3A_521 = arith.constant 0 : i32
      %dma_wait3A_522 = arith.constant 0 : i32
      %dma_wait3A_523 = tpu.memref_slice %arg3[%dma_wait3A_521, %dma_wait3A_522] : memref<1000000x64xf32, #tpu.memory_space<hbm>> -> memref<100x64xf32, #tpu.memory_space<hbm>>
      tpu.wait_dma2 semaphore(%arg10 : memref<!tpu.dma_semaphore, #tpu.memory_space<semaphore_mem>>) src(%dma_wait3A_523 : memref<100x64xf32, #tpu.memory_space<hbm>>) dst(%dma_wait3A_520 : memref<100x64xf32, #tpu.memory_space<vmem>>)
      %mul3A_524 = arith.constant 2 : i32
      %mul3A_525 = arith.muli %mul3A_524, %scan3A_210 : i32
      %add3A_526 = arith.constant 1 : i32
      %add3A_527 = arith.addi %mul3A_525, %add3A_526 : i32
      %mul3A_528 = arith.constant 256 : i32
      %mul3A_529 = arith.muli %add3A, %mul3A_528 : i32
      %mul3A_530 = arith.constant 4 : i32
      %mul3A_531 = arith.muli %add3A_527, %mul3A_530 : i32
      %add3A_532 = arith.addi %mul3A_529, %mul3A_531 : i32
      %scan3A_533 = arith.constant 0 : i32
      %scan3A_534 = arith.constant 0 : i32
      %scan3A_535 = arith.constant 100 : i32
      %scan3A_536 = arith.addi %scan3A_534, %scan3A_535 : i32
      %scan3A_537 = arith.constant 4 : i32
      scf.for %scan3A_637 = %scan3A_534 to %scan3A_536 step %scan3A_537  : i32 {
        %mul3A_638 = arith.constant 64 : i32
        %mul3A_639 = arith.muli %scan3A_637, %mul3A_638 : i32
        %add3A_640 = arith.constant 0 : i32
        %add3A_641 = arith.addi %add3A_640, %mul3A_639 : i32
        %add3A_642 = arith.constant 0 : i32
        %add3A_643 = arith.addi %add3A_641, %add3A_642 : i32
        %get3A = arith.index_cast %add3A_643 : i32 to index
        %get3A_644 = tpu.vector_load %arg8[%get3A] {strides = array<i32>} : memref<12800xf32, #tpu.memory_space<vmem>>, vector<16xf32>,
        %get3A_645 = vector.shape_cast %get3A_644 : vector<16xf32> to vector<16xf32>
        %swap3A = arith.constant 1 : i32
        %swap3A_646 = arith.constant 0 : i32
        %swap3A_647 = arith.index_cast %swap3A : i32 to index
        %swap3A_648 = arith.index_cast %swap3A_646 : i32 to index
        %swap3A_649 = arith.index_cast %scan3A_637 : i32 to index
        %swap3A_650 = arith.constant 0 : index
        %swap3A_651 = tpu.vector_load %arg7[%swap3A_647, %swap3A_648, %swap3A_649, %swap3A_650] {strides = array<i32>} : memref<2x4x100x64xf32, #tpu.memory_space<vmem>>, vector<1x1x1x16xf32>,
        %swap3A_652 = vector.shape_cast %swap3A_651 : vector<1x1x1x16xf32> to vector<16xf32>
        %swap3A_653 = vector.shape_cast %get3A_645 : vector<16xf32> to vector<1x1x1x16xf32>
        tpu.vector_store %arg7[%swap3A_647, %swap3A_648, %swap3A_649, %swap3A_650], %swap3A_653 {add = true, strides = array<i32>} : memref<2x4x100x64xf32, #tpu.memory_space<vmem>>, vector<1x1x1x16xf32>,
        %mul3A_654 = arith.constant 64 : i32
        %mul3A_655 = arith.muli %scan3A_637, %mul3A_654 : i32
        %add3A_656 = arith.constant 0 : i32
        %add3A_657 = arith.addi %add3A_656, %mul3A_655 : i32
        %add3A_658 = arith.constant 16 : i32
        %add3A_659 = arith.addi %add3A_657, %add3A_658 : i32
        %get3A_660 = arith.index_cast %add3A_659 : i32 to index
        %get3A_661 = tpu.vector_load %arg8[%get3A_660] {strides = array<i32>} : memref<12800xf32, #tpu.memory_space<vmem>>, vector<16xf32>,
        %get3A_662 = vector.shape_cast %get3A_661 : vector<16xf32> to vector<16xf32>
        %swap3A_663 = arith.constant 1 : i32
        %swap3A_664 = arith.constant 0 : i32
        %swap3A_665 = arith.index_cast %swap3A_663 : i32 to index
        %swap3A_666 = arith.index_cast %swap3A_664 : i32 to index
        %swap3A_667 = arith.index_cast %scan3A_637 : i32 to index
        %swap3A_668 = arith.constant 16 : index
        %swap3A_669 = tpu.vector_load %arg7[%swap3A_665, %swap3A_666, %swap3A_667, %swap3A_668] {strides = array<i32>} : memref<2x4x100x64xf32, #tpu.memory_space<vmem>>, vector<1x1x1x16xf32>,
        %swap3A_670 = vector.shape_cast %swap3A_669 : vector<1x1x1x16xf32> to vector<16xf32>
        %swap3A_671 = vector.shape_cast %get3A_662 : vector<16xf32> to vector<1x1x1x16xf32>
        tpu.vector_store %arg7[%swap3A_665, %swap3A_666, %swap3A_667, %swap3A_668], %swap3A_671 {add = true, strides = array<i32>} : memref<2x4x100x64xf32, #tpu.memory_space<vmem>>, vector<1x1x1x16xf32>,
        %mul3A_672 = arith.constant 64 : i32
        %mul3A_673 = arith.muli %scan3A_637, %mul3A_672 : i32
        %add3A_674 = arith.constant 0 : i32
        %add3A_675 = arith.addi %add3A_674, %mul3A_673 : i32
        %add3A_676 = arith.constant 32 : i32
        %add3A_677 = arith.addi %add3A_675, %add3A_676 : i32
        %get3A_678 = arith.index_cast %add3A_677 : i32 to index
        %get3A_679 = tpu.vector_load %arg8[%get3A_678] {strides = array<i32>} : memref<12800xf32, #tpu.memory_space<vmem>>, vector<16xf32>,
        %get3A_680 = vector.shape_cast %get3A_679 : vector<16xf32> to vector<16xf32>
        %swap3A_681 = arith.constant 1 : i32
        %swap3A_682 = arith.constant 0 : i32
        %swap3A_683 = arith.index_cast %swap3A_681 : i32 to index
        %swap3A_684 = arith.index_cast %swap3A_682 : i32 to index
        %swap3A_685 = arith.index_cast %scan3A_637 : i32 to index
        %swap3A_686 = arith.constant 32 : index
        %swap3A_687 = tpu.vector_load %arg7[%swap3A_683, %swap3A_684, %swap3A_685, %swap3A_686] {strides = array<i32>} : memref<2x4x100x64xf32, #tpu.memory_space<vmem>>, vector<1x1x1x16xf32>,
        %swap3A_688 = vector.shape_cast %swap3A_687 : vector<1x1x1x16xf32> to vector<16xf32>
        %swap3A_689 = vector.shape_cast %get3A_680 : vector<16xf32> to vector<1x1x1x16xf32>
        tpu.vector_store %arg7[%swap3A_683, %swap3A_684, %swap3A_685, %swap3A_686], %swap3A_689 {add = true, strides = array<i32>} : memref<2x4x100x64xf32, #tpu.memory_space<vmem>>, vector<1x1x1x16xf32>,
        %mul3A_690 = arith.constant 64 : i32
        %mul3A_691 = arith.muli %scan3A_637, %mul3A_690 : i32
        %add3A_692 = arith.constant 0 : i32
        %add3A_693 = arith.addi %add3A_692, %mul3A_691 : i32
        %add3A_694 = arith.constant 48 : i32
        %add3A_695 = arith.addi %add3A_693, %add3A_694 : i32
        %get3A_696 = arith.index_cast %add3A_695 : i32 to index
        %get3A_697 = tpu.vector_load %arg8[%get3A_696] {strides = array<i32>} : memref<12800xf32, #tpu.memory_space<vmem>>, vector<16xf32>,
        %get3A_698 = vector.shape_cast %get3A_697 : vector<16xf32> to vector<16xf32>
        %swap3A_699 = arith.constant 1 : i32
        %swap3A_700 = arith.constant 0 : i32
        %swap3A_701 = arith.index_cast %swap3A_699 : i32 to index
        %swap3A_702 = arith.index_cast %swap3A_700 : i32 to index
        %swap3A_703 = arith.index_cast %scan3A_637 : i32 to index
        %swap3A_704 = arith.constant 48 : index
        %swap3A_705 = tpu.vector_load %arg7[%swap3A_701, %swap3A_702, %swap3A_703, %swap3A_704] {strides = array<i32>} : memref<2x4x100x64xf32, #tpu.memory_space<vmem>>, vector<1x1x1x16xf32>,
        %swap3A_706 = vector.shape_cast %swap3A_705 : vector<1x1x1x16xf32> to vector<16xf32>
        %swap3A_707 = vector.shape_cast %get3A_698 : vector<16xf32> to vector<1x1x1x16xf32>
        tpu.vector_store %arg7[%swap3A_701, %swap3A_702, %swap3A_703, %swap3A_704], %swap3A_707 {add = true, strides = array<i32>} : memref<2x4x100x64xf32, #tpu.memory_space<vmem>>, vector<1x1x1x16xf32>,
        %scan3A_708 = arith.constant 1 : i32
        %scan3A_709 = arith.addi %scan3A_637, %scan3A_708 : i32
        %mul3A_710 = arith.constant 64 : i32
        %mul3A_711 = arith.muli %scan3A_709, %mul3A_710 : i32
        %add3A_712 = arith.constant 0 : i32
        %add3A_713 = arith.addi %add3A_712, %mul3A_711 : i32
        %add3A_714 = arith.constant 0 : i32
        %add3A_715 = arith.addi %add3A_713, %add3A_714 : i32
        %get3A_716 = arith.index_cast %add3A_715 : i32 to index
        %get3A_717 = tpu.vector_load %arg8[%get3A_716] {strides = array<i32>} : memref<12800xf32, #tpu.memory_space<vmem>>, vector<16xf32>,
        %get3A_718 = vector.shape_cast %get3A_717 : vector<16xf32> to vector<16xf32>
        %swap3A_719 = arith.constant 1 : i32
        %swap3A_720 = arith.constant 0 : i32
        %swap3A_721 = arith.index_cast %swap3A_719 : i32 to index
        %swap3A_722 = arith.index_cast %swap3A_720 : i32 to index
        %swap3A_723 = arith.index_cast %scan3A_709 : i32 to index
        %swap3A_724 = arith.constant 0 : index
        %swap3A_725 = tpu.vector_load %arg7[%swap3A_721, %swap3A_722, %swap3A_723, %swap3A_724] {strides = array<i32>} : memref<2x4x100x64xf32, #tpu.memory_space<vmem>>, vector<1x1x1x16xf32>,
        %swap3A_726 = vector.shape_cast %swap3A_725 : vector<1x1x1x16xf32> to vector<16xf32>
        %swap3A_727 = vector.shape_cast %get3A_718 : vector<16xf32> to vector<1x1x1x16xf32>
        tpu.vector_store %arg7[%swap3A_721, %swap3A_722, %swap3A_723, %swap3A_724], %swap3A_727 {add = true, strides = array<i32>} : memref<2x4x100x64xf32, #tpu.memory_space<vmem>>, vector<1x1x1x16xf32>,
        %mul3A_728 = arith.constant 64 : i32
        %mul3A_729 = arith.muli %scan3A_709, %mul3A_728 : i32
        %add3A_730 = arith.constant 0 : i32
        %add3A_731 = arith.addi %add3A_730, %mul3A_729 : i32
        %add3A_732 = arith.constant 16 : i32
        %add3A_733 = arith.addi %add3A_731, %add3A_732 : i32
        %get3A_734 = arith.index_cast %add3A_733 : i32 to index
        %get3A_735 = tpu.vector_load %arg8[%get3A_734] {strides = array<i32>} : memref<12800xf32, #tpu.memory_space<vmem>>, vector<16xf32>,
        %get3A_736 = vector.shape_cast %get3A_735 : vector<16xf32> to vector<16xf32>
        %swap3A_737 = arith.constant 1 : i32
        %swap3A_738 = arith.constant 0 : i32
        %swap3A_739 = arith.index_cast %swap3A_737 : i32 to index
        %swap3A_740 = arith.index_cast %swap3A_738 : i32 to index
        %swap3A_741 = arith.index_cast %scan3A_709 : i32 to index
        %swap3A_742 = arith.constant 16 : index
        %swap3A_743 = tpu.vector_load %arg7[%swap3A_739, %swap3A_740, %swap3A_741, %swap3A_742] {strides = array<i32>} : memref<2x4x100x64xf32, #tpu.memory_space<vmem>>, vector<1x1x1x16xf32>,
        %swap3A_744 = vector.shape_cast %swap3A_743 : vector<1x1x1x16xf32> to vector<16xf32>
        %swap3A_745 = vector.shape_cast %get3A_736 : vector<16xf32> to vector<1x1x1x16xf32>
        tpu.vector_store %arg7[%swap3A_739, %swap3A_740, %swap3A_741, %swap3A_742], %swap3A_745 {add = true, strides = array<i32>} : memref<2x4x100x64xf32, #tpu.memory_space<vmem>>, vector<1x1x1x16xf32>,
        %mul3A_746 = arith.constant 64 : i32
        %mul3A_747 = arith.muli %scan3A_709, %mul3A_746 : i32
        %add3A_748 = arith.constant 0 : i32
        %add3A_749 = arith.addi %add3A_748, %mul3A_747 : i32
        %add3A_750 = arith.constant 32 : i32
        %add3A_751 = arith.addi %add3A_749, %add3A_750 : i32
        %get3A_752 = arith.index_cast %add3A_751 : i32 to index
        %get3A_753 = tpu.vector_load %arg8[%get3A_752] {strides = array<i32>} : memref<12800xf32, #tpu.memory_space<vmem>>, vector<16xf32>,
        %get3A_754 = vector.shape_cast %get3A_753 : vector<16xf32> to vector<16xf32>
        %swap3A_755 = arith.constant 1 : i32
        %swap3A_756 = arith.constant 0 : i32
        %swap3A_757 = arith.index_cast %swap3A_755 : i32 to index
        %swap3A_758 = arith.index_cast %swap3A_756 : i32 to index
        %swap3A_759 = arith.index_cast %scan3A_709 : i32 to index
        %swap3A_760 = arith.constant 32 : index
        %swap3A_761 = tpu.vector_load %arg7[%swap3A_757, %swap3A_758, %swap3A_759, %swap3A_760] {strides = array<i32>} : memref<2x4x100x64xf32, #tpu.memory_space<vmem>>, vector<1x1x1x16xf32>,
        %swap3A_762 = vector.shape_cast %swap3A_761 : vector<1x1x1x16xf32> to vector<16xf32>
        %swap3A_763 = vector.shape_cast %get3A_754 : vector<16xf32> to vector<1x1x1x16xf32>
        tpu.vector_store %arg7[%swap3A_757, %swap3A_758, %swap3A_759, %swap3A_760], %swap3A_763 {add = true, strides = array<i32>} : memref<2x4x100x64xf32, #tpu.memory_space<vmem>>, vector<1x1x1x16xf32>,
        %mul3A_764 = arith.constant 64 : i32
        %mul3A_765 = arith.muli %scan3A_709, %mul3A_764 : i32
        %add3A_766 = arith.constant 0 : i32
        %add3A_767 = arith.addi %add3A_766, %mul3A_765 : i32
        %add3A_768 = arith.constant 48 : i32
        %add3A_769 = arith.addi %add3A_767, %add3A_768 : i32
        %get3A_770 = arith.index_cast %add3A_769 : i32 to index
        %get3A_771 = tpu.vector_load %arg8[%get3A_770] {strides = array<i32>} : memref<12800xf32, #tpu.memory_space<vmem>>, vector<16xf32>,
        %get3A_772 = vector.shape_cast %get3A_771 : vector<16xf32> to vector<16xf32>
        %swap3A_773 = arith.constant 1 : i32
        %swap3A_774 = arith.constant 0 : i32
        %swap3A_775 = arith.index_cast %swap3A_773 : i32 to index
        %swap3A_776 = arith.index_cast %swap3A_774 : i32 to index
        %swap3A_777 = arith.index_cast %scan3A_709 : i32 to index
        %swap3A_778 = arith.constant 48 : index
        %swap3A_779 = tpu.vector_load %arg7[%swap3A_775, %swap3A_776, %swap3A_777, %swap3A_778] {strides = array<i32>} : memref<2x4x100x64xf32, #tpu.memory_space<vmem>>, vector<1x1x1x16xf32>,
        %swap3A_780 = vector.shape_cast %swap3A_779 : vector<1x1x1x16xf32> to vector<16xf32>
        %swap3A_781 = vector.shape_cast %get3A_772 : vector<16xf32> to vector<1x1x1x16xf32>
        tpu.vector_store %arg7[%swap3A_775, %swap3A_776, %swap3A_777, %swap3A_778], %swap3A_781 {add = true, strides = array<i32>} : memref<2x4x100x64xf32, #tpu.memory_space<vmem>>, vector<1x1x1x16xf32>,
        %scan3A_782 = arith.constant 2 : i32
        %scan3A_783 = arith.addi %scan3A_637, %scan3A_782 : i32
        %mul3A_784 = arith.constant 64 : i32
        %mul3A_785 = arith.muli %scan3A_783, %mul3A_784 : i32
        %add3A_786 = arith.constant 0 : i32
        %add3A_787 = arith.addi %add3A_786, %mul3A_785 : i32
        %add3A_788 = arith.constant 0 : i32
        %add3A_789 = arith.addi %add3A_787, %add3A_788 : i32
        %get3A_790 = arith.index_cast %add3A_789 : i32 to index
        %get3A_791 = tpu.vector_load %arg8[%get3A_790] {strides = array<i32>} : memref<12800xf32, #tpu.memory_space<vmem>>, vector<16xf32>,
        %get3A_792 = vector.shape_cast %get3A_791 : vector<16xf32> to vector<16xf32>
        %swap3A_793 = arith.constant 1 : i32
        %swap3A_794 = arith.constant 0 : i32
        %swap3A_795 = arith.index_cast %swap3A_793 : i32 to index
        %swap3A_796 = arith.index_cast %swap3A_794 : i32 to index
        %swap3A_797 = arith.index_cast %scan3A_783 : i32 to index
        %swap3A_798 = arith.constant 0 : index
        %swap3A_799 = tpu.vector_load %arg7[%swap3A_795, %swap3A_796, %swap3A_797, %swap3A_798] {strides = array<i32>} : memref<2x4x100x64xf32, #tpu.memory_space<vmem>>, vector<1x1x1x16xf32>,
        %swap3A_800 = vector.shape_cast %swap3A_799 : vector<1x1x1x16xf32> to vector<16xf32>
        %swap3A_801 = vector.shape_cast %get3A_792 : vector<16xf32> to vector<1x1x1x16xf32>
        tpu.vector_store %arg7[%swap3A_795, %swap3A_796, %swap3A_797, %swap3A_798], %swap3A_801 {add = true, strides = array<i32>} : memref<2x4x100x64xf32, #tpu.memory_space<vmem>>, vector<1x1x1x16xf32>,
        %mul3A_802 = arith.constant 64 : i32
        %mul3A_803 = arith.muli %scan3A_783, %mul3A_802 : i32
        %add3A_804 = arith.constant 0 : i32
        %add3A_805 = arith.addi %add3A_804, %mul3A_803 : i32
        %add3A_806 = arith.constant 16 : i32
        %add3A_807 = arith.addi %add3A_805, %add3A_806 : i32
        %get3A_808 = arith.index_cast %add3A_807 : i32 to index
        %get3A_809 = tpu.vector_load %arg8[%get3A_808] {strides = array<i32>} : memref<12800xf32, #tpu.memory_space<vmem>>, vector<16xf32>,
        %get3A_810 = vector.shape_cast %get3A_809 : vector<16xf32> to vector<16xf32>
        %swap3A_811 = arith.constant 1 : i32
        %swap3A_812 = arith.constant 0 : i32
        %swap3A_813 = arith.index_cast %swap3A_811 : i32 to index
        %swap3A_814 = arith.index_cast %swap3A_812 : i32 to index
        %swap3A_815 = arith.index_cast %scan3A_783 : i32 to index
        %swap3A_816 = arith.constant 16 : index
        %swap3A_817 = tpu.vector_load %arg7[%swap3A_813, %swap3A_814, %swap3A_815, %swap3A_816] {strides = array<i32>} : memref<2x4x100x64xf32, #tpu.memory_space<vmem>>, vector<1x1x1x16xf32>,
        %swap3A_818 = vector.shape_cast %swap3A_817 : vector<1x1x1x16xf32> to vector<16xf32>
        %swap3A_819 = vector.shape_cast %get3A_810 : vector<16xf32> to vector<1x1x1x16xf32>
        tpu.vector_store %arg7[%swap3A_813, %swap3A_814, %swap3A_815, %swap3A_816], %swap3A_819 {add = true, strides = array<i32>} : memref<2x4x100x64xf32, #tpu.memory_space<vmem>>, vector<1x1x1x16xf32>,
        %mul3A_820 = arith.constant 64 : i32
        %mul3A_821 = arith.muli %scan3A_783, %mul3A_820 : i32
        %add3A_822 = arith.constant 0 : i32
        %add3A_823 = arith.addi %add3A_822, %mul3A_821 : i32
        %add3A_824 = arith.constant 32 : i32
        %add3A_825 = arith.addi %add3A_823, %add3A_824 : i32
        %get3A_826 = arith.index_cast %add3A_825 : i32 to index
        %get3A_827 = tpu.vector_load %arg8[%get3A_826] {strides = array<i32>} : memref<12800xf32, #tpu.memory_space<vmem>>, vector<16xf32>,
        %get3A_828 = vector.shape_cast %get3A_827 : vector<16xf32> to vector<16xf32>
        %swap3A_829 = arith.constant 1 : i32
        %swap3A_830 = arith.constant 0 : i32
        %swap3A_831 = arith.index_cast %swap3A_829 : i32 to index
        %swap3A_832 = arith.index_cast %swap3A_830 : i32 to index
        %swap3A_833 = arith.index_cast %scan3A_783 : i32 to index
        %swap3A_834 = arith.constant 32 : index
        %swap3A_835 = tpu.vector_load %arg7[%swap3A_831, %swap3A_832, %swap3A_833, %swap3A_834] {strides = array<i32>} : memref<2x4x100x64xf32, #tpu.memory_space<vmem>>, vector<1x1x1x16xf32>,
        %swap3A_836 = vector.shape_cast %swap3A_835 : vector<1x1x1x16xf32> to vector<16xf32>
        %swap3A_837 = vector.shape_cast %get3A_828 : vector<16xf32> to vector<1x1x1x16xf32>
        tpu.vector_store %arg7[%swap3A_831, %swap3A_832, %swap3A_833, %swap3A_834], %swap3A_837 {add = true, strides = array<i32>} : memref<2x4x100x64xf32, #tpu.memory_space<vmem>>, vector<1x1x1x16xf32>,
        %mul3A_838 = arith.constant 64 : i32
        %mul3A_839 = arith.muli %scan3A_783, %mul3A_838 : i32
        %add3A_840 = arith.constant 0 : i32
        %add3A_841 = arith.addi %add3A_840, %mul3A_839 : i32
        %add3A_842 = arith.constant 48 : i32
        %add3A_843 = arith.addi %add3A_841, %add3A_842 : i32
        %get3A_844 = arith.index_cast %add3A_843 : i32 to index
        %get3A_845 = tpu.vector_load %arg8[%get3A_844] {strides = array<i32>} : memref<12800xf32, #tpu.memory_space<vmem>>, vector<16xf32>,
        %get3A_846 = vector.shape_cast %get3A_845 : vector<16xf32> to vector<16xf32>
        %swap3A_847 = arith.constant 1 : i32
        %swap3A_848 = arith.constant 0 : i32
        %swap3A_849 = arith.index_cast %swap3A_847 : i32 to index
        %swap3A_850 = arith.index_cast %swap3A_848 : i32 to index
        %swap3A_851 = arith.index_cast %scan3A_783 : i32 to index
        %swap3A_852 = arith.constant 48 : index
        %swap3A_853 = tpu.vector_load %arg7[%swap3A_849, %swap3A_850, %swap3A_851, %swap3A_852] {strides = array<i32>} : memref<2x4x100x64xf32, #tpu.memory_space<vmem>>, vector<1x1x1x16xf32>,
        %swap3A_854 = vector.shape_cast %swap3A_853 : vector<1x1x1x16xf32> to vector<16xf32>
        %swap3A_855 = vector.shape_cast %get3A_846 : vector<16xf32> to vector<1x1x1x16xf32>
        tpu.vector_store %arg7[%swap3A_849, %swap3A_850, %swap3A_851, %swap3A_852], %swap3A_855 {add = true, strides = array<i32>} : memref<2x4x100x64xf32, #tpu.memory_space<vmem>>, vector<1x1x1x16xf32>,
        %scan3A_856 = arith.constant 3 : i32
        %scan3A_857 = arith.addi %scan3A_637, %scan3A_856 : i32
        %mul3A_858 = arith.constant 64 : i32
        %mul3A_859 = arith.muli %scan3A_857, %mul3A_858 : i32
        %add3A_860 = arith.constant 0 : i32
        %add3A_861 = arith.addi %add3A_860, %mul3A_859 : i32
        %add3A_862 = arith.constant 0 : i32
        %add3A_863 = arith.addi %add3A_861, %add3A_862 : i32
        %get3A_864 = arith.index_cast %add3A_863 : i32 to index
        %get3A_865 = tpu.vector_load %arg8[%get3A_864] {strides = array<i32>} : memref<12800xf32, #tpu.memory_space<vmem>>, vector<16xf32>,
        %get3A_866 = vector.shape_cast %get3A_865 : vector<16xf32> to vector<16xf32>
        %swap3A_867 = arith.constant 1 : i32
        %swap3A_868 = arith.constant 0 : i32
        %swap3A_869 = arith.index_cast %swap3A_867 : i32 to index
        %swap3A_870 = arith.index_cast %swap3A_868 : i32 to index
        %swap3A_871 = arith.index_cast %scan3A_857 : i32 to index
        %swap3A_872 = arith.constant 0 : index
        %swap3A_873 = tpu.vector_load %arg7[%swap3A_869, %swap3A_870, %swap3A_871, %swap3A_872] {strides = array<i32>} : memref<2x4x100x64xf32, #tpu.memory_space<vmem>>, vector<1x1x1x16xf32>,
        %swap3A_874 = vector.shape_cast %swap3A_873 : vector<1x1x1x16xf32> to vector<16xf32>
        %swap3A_875 = vector.shape_cast %get3A_866 : vector<16xf32> to vector<1x1x1x16xf32>
        tpu.vector_store %arg7[%swap3A_869, %swap3A_870, %swap3A_871, %swap3A_872], %swap3A_875 {add = true, strides = array<i32>} : memref<2x4x100x64xf32, #tpu.memory_space<vmem>>, vector<1x1x1x16xf32>,
        %mul3A_876 = arith.constant 64 : i32
        %mul3A_877 = arith.muli %scan3A_857, %mul3A_876 : i32
        %add3A_878 = arith.constant 0 : i32
        %add3A_879 = arith.addi %add3A_878, %mul3A_877 : i32
        %add3A_880 = arith.constant 16 : i32
        %add3A_881 = arith.addi %add3A_879, %add3A_880 : i32
        %get3A_882 = arith.index_cast %add3A_881 : i32 to index
        %get3A_883 = tpu.vector_load %arg8[%get3A_882] {strides = array<i32>} : memref<12800xf32, #tpu.memory_space<vmem>>, vector<16xf32>,
        %get3A_884 = vector.shape_cast %get3A_883 : vector<16xf32> to vector<16xf32>
        %swap3A_885 = arith.constant 1 : i32
        %swap3A_886 = arith.constant 0 : i32
        %swap3A_887 = arith.index_cast %swap3A_885 : i32 to index
        %swap3A_888 = arith.index_cast %swap3A_886 : i32 to index
        %swap3A_889 = arith.index_cast %scan3A_857 : i32 to index
        %swap3A_890 = arith.constant 16 : index
        %swap3A_891 = tpu.vector_load %arg7[%swap3A_887, %swap3A_888, %swap3A_889, %swap3A_890] {strides = array<i32>} : memref<2x4x100x64xf32, #tpu.memory_space<vmem>>, vector<1x1x1x16xf32>,
        %swap3A_892 = vector.shape_cast %swap3A_891 : vector<1x1x1x16xf32> to vector<16xf32>
        %swap3A_893 = vector.shape_cast %get3A_884 : vector<16xf32> to vector<1x1x1x16xf32>
        tpu.vector_store %arg7[%swap3A_887, %swap3A_888, %swap3A_889, %swap3A_890], %swap3A_893 {add = true, strides = array<i32>} : memref<2x4x100x64xf32, #tpu.memory_space<vmem>>, vector<1x1x1x16xf32>,
        %mul3A_894 = arith.constant 64 : i32
        %mul3A_895 = arith.muli %scan3A_857, %mul3A_894 : i32
        %add3A_896 = arith.constant 0 : i32
        %add3A_897 = arith.addi %add3A_896, %mul3A_895 : i32
        %add3A_898 = arith.constant 32 : i32
        %add3A_899 = arith.addi %add3A_897, %add3A_898 : i32
        %get3A_900 = arith.index_cast %add3A_899 : i32 to index
        %get3A_901 = tpu.vector_load %arg8[%get3A_900] {strides = array<i32>} : memref<12800xf32, #tpu.memory_space<vmem>>, vector<16xf32>,
        %get3A_902 = vector.shape_cast %get3A_901 : vector<16xf32> to vector<16xf32>
        %swap3A_903 = arith.constant 1 : i32
        %swap3A_904 = arith.constant 0 : i32
        %swap3A_905 = arith.index_cast %swap3A_903 : i32 to index
        %swap3A_906 = arith.index_cast %swap3A_904 : i32 to index
        %swap3A_907 = arith.index_cast %scan3A_857 : i32 to index
        %swap3A_908 = arith.constant 32 : index
        %swap3A_909 = tpu.vector_load %arg7[%swap3A_905, %swap3A_906, %swap3A_907, %swap3A_908] {strides = array<i32>} : memref<2x4x100x64xf32, #tpu.memory_space<vmem>>, vector<1x1x1x16xf32>,
        %swap3A_910 = vector.shape_cast %swap3A_909 : vector<1x1x1x16xf32> to vector<16xf32>
        %swap3A_911 = vector.shape_cast %get3A_902 : vector<16xf32> to vector<1x1x1x16xf32>
        tpu.vector_store %arg7[%swap3A_905, %swap3A_906, %swap3A_907, %swap3A_908], %swap3A_911 {add = true, strides = array<i32>} : memref<2x4x100x64xf32, #tpu.memory_space<vmem>>, vector<1x1x1x16xf32>,
        %mul3A_912 = arith.constant 64 : i32
        %mul3A_913 = arith.muli %scan3A_857, %mul3A_912 : i32
        %add3A_914 = arith.constant 0 : i32
        %add3A_915 = arith.addi %add3A_914, %mul3A_913 : i32
        %add3A_916 = arith.constant 48 : i32
        %add3A_917 = arith.addi %add3A_915, %add3A_916 : i32
        %get3A_918 = arith.index_cast %add3A_917 : i32 to index
        %get3A_919 = tpu.vector_load %arg8[%get3A_918] {strides = array<i32>} : memref<12800xf32, #tpu.memory_space<vmem>>, vector<16xf32>,
        %get3A_920 = vector.shape_cast %get3A_919 : vector<16xf32> to vector<16xf32>
        %swap3A_921 = arith.constant 1 : i32
        %swap3A_922 = arith.constant 0 : i32
        %swap3A_923 = arith.index_cast %swap3A_921 : i32 to index
        %swap3A_924 = arith.index_cast %swap3A_922 : i32 to index
        %swap3A_925 = arith.index_cast %scan3A_857 : i32 to index
        %swap3A_926 = arith.constant 48 : index
        %swap3A_927 = tpu.vector_load %arg7[%swap3A_923, %swap3A_924, %swap3A_925, %swap3A_926] {strides = array<i32>} : memref<2x4x100x64xf32, #tpu.memory_space<vmem>>, vector<1x1x1x16xf32>,
        %swap3A_928 = vector.shape_cast %swap3A_927 : vector<1x1x1x16xf32> to vector<16xf32>
        %swap3A_929 = vector.shape_cast %get3A_920 : vector<16xf32> to vector<1x1x1x16xf32>
        tpu.vector_store %arg7[%swap3A_923, %swap3A_924, %swap3A_925, %swap3A_926], %swap3A_929 {add = true, strides = array<i32>} : memref<2x4x100x64xf32, #tpu.memory_space<vmem>>, vector<1x1x1x16xf32>,
      }
      %scan3A_538 = arith.constant 100 : i32
      %add3A_539 = arith.constant 0 : i32
      %add3A_540 = arith.addi %add3A_532, %add3A_539 : i32
      %dma_start3A_541 = arith.constant 1 : i32
      %dma_start3A_542 = arith.constant 0 : i32
      %dma_start3A_543 = arith.constant 0 : i32
      %dma_start3A_544 = arith.constant 0 : i32
      %dma_start3A_545 = tpu.memref_slice %arg7[%dma_start3A_541, %dma_start3A_542, %dma_start3A_543, %dma_start3A_544] : memref<2x4x100x64xf32, #tpu.memory_space<vmem>> -> memref<1x1x100x64xf32, #tpu.memory_space<vmem>>
      %dma_start3A_546 = tpu.memref_squeeze %dma_start3A_545 : memref<1x1x100x64xf32, #tpu.memory_space<vmem>> -> memref<100x64xf32, #tpu.memory_space<vmem>>
      %dma_start3A_547 = arith.constant 0 : i32
      %dma_start3A_548 = arith.constant 0 : i32
      %dma_start3A_549 = tpu.memref_slice %arg5[%add3A_540, %dma_start3A_547, %dma_start3A_548] : memref<8192x100x64xf32, #tpu.memory_space<hbm>> -> memref<1x100x64xf32, #tpu.memory_space<hbm>>
      %dma_start3A_550 = tpu.memref_squeeze %dma_start3A_549 : memref<1x100x64xf32, #tpu.memory_space<hbm>> -> memref<100x64xf32, #tpu.memory_space<hbm>>
      %dma_start3A_551 = arith.constant 0 : i32
      %dma_start3A_552 = arith.constant 0 : i32
      %dma_start3A_553 = tpu.memref_slice %arg5[%add3A_540, %dma_start3A_551, %dma_start3A_552] : memref<8192x100x64xf32, #tpu.memory_space<hbm>> -> memref<1x100x64xf32, #tpu.memory_space<hbm>>
      %dma_start3A_554 = tpu.memref_squeeze %dma_start3A_553 : memref<1x100x64xf32, #tpu.memory_space<hbm>> -> memref<100x64xf32, #tpu.memory_space<hbm>>
      %dma_start3A_555 = arith.constant 0 : i32
      %dma_start3A_556 = arith.constant 0 : i32
      %dma_start3A_557 = tpu.memref_slice %arg7[%dma_start3A_541, %dma_start3A_542, %dma_start3A_555, %dma_start3A_556] : memref<2x4x100x64xf32, #tpu.memory_space<vmem>> -> memref<1x1x100x64xf32, #tpu.memory_space<vmem>>
      %dma_start3A_558 = tpu.memref_squeeze %dma_start3A_557 : memref<1x1x100x64xf32, #tpu.memory_space<vmem>> -> memref<100x64xf32, #tpu.memory_space<vmem>>
      tpu.enqueue_dma source(%dma_start3A_558 : memref<100x64xf32, #tpu.memory_space<vmem>>) target(%dma_start3A_554 : memref<100x64xf32, #tpu.memory_space<hbm>>) target_semaphore(%arg12 : memref<!tpu.dma_semaphore, #tpu.memory_space<semaphore_mem>>)
      %scan3A_559 = arith.constant 0 : i32
      %scan3A_560 = arith.constant 0 : i32
      %scan3A_561 = arith.constant 100 : i32
      %scan3A_562 = arith.addi %scan3A_560, %scan3A_561 : i32
      %scan3A_563 = arith.constant 4 : i32
      scf.for %scan3A_637 = %scan3A_560 to %scan3A_562 step %scan3A_563  : i32 {
        %mul3A_638 = arith.constant 64 : i32
        %mul3A_639 = arith.muli %scan3A_637, %mul3A_638 : i32
        %add3A_640 = arith.constant 6400 : i32
        %add3A_641 = arith.addi %add3A_640, %mul3A_639 : i32
        %add3A_642 = arith.constant 0 : i32
        %add3A_643 = arith.addi %add3A_641, %add3A_642 : i32
        %get3A = arith.index_cast %add3A_643 : i32 to index
        %get3A_644 = tpu.vector_load %arg8[%get3A] {strides = array<i32>} : memref<12800xf32, #tpu.memory_space<vmem>>, vector<16xf32>,
        %get3A_645 = vector.shape_cast %get3A_644 : vector<16xf32> to vector<16xf32>
        %swap3A = arith.constant 1 : i32
        %swap3A_646 = arith.constant 1 : i32
        %swap3A_647 = arith.index_cast %swap3A : i32 to index
        %swap3A_648 = arith.index_cast %swap3A_646 : i32 to index
        %swap3A_649 = arith.index_cast %scan3A_637 : i32 to index
        %swap3A_650 = arith.constant 0 : index
        %swap3A_651 = tpu.vector_load %arg7[%swap3A_647, %swap3A_648, %swap3A_649, %swap3A_650] {strides = array<i32>} : memref<2x4x100x64xf32, #tpu.memory_space<vmem>>, vector<1x1x1x16xf32>,
        %swap3A_652 = vector.shape_cast %swap3A_651 : vector<1x1x1x16xf32> to vector<16xf32>
        %swap3A_653 = vector.shape_cast %get3A_645 : vector<16xf32> to vector<1x1x1x16xf32>
        tpu.vector_store %arg7[%swap3A_647, %swap3A_648, %swap3A_649, %swap3A_650], %swap3A_653 {add = true, strides = array<i32>} : memref<2x4x100x64xf32, #tpu.memory_space<vmem>>, vector<1x1x1x16xf32>,
        %mul3A_654 = arith.constant 64 : i32
        %mul3A_655 = arith.muli %scan3A_637, %mul3A_654 : i32
        %add3A_656 = arith.constant 6400 : i32
        %add3A_657 = arith.addi %add3A_656, %mul3A_655 : i32
        %add3A_658 = arith.constant 16 : i32
        %add3A_659 = arith.addi %add3A_657, %add3A_658 : i32
        %get3A_660 = arith.index_cast %add3A_659 : i32 to index
        %get3A_661 = tpu.vector_load %arg8[%get3A_660] {strides = array<i32>} : memref<12800xf32, #tpu.memory_space<vmem>>, vector<16xf32>,
        %get3A_662 = vector.shape_cast %get3A_661 : vector<16xf32> to vector<16xf32>
        %swap3A_663 = arith.constant 1 : i32
        %swap3A_664 = arith.constant 1 : i32
        %swap3A_665 = arith.index_cast %swap3A_663 : i32 to index
        %swap3A_666 = arith.index_cast %swap3A_664 : i32 to index
        %swap3A_667 = arith.index_cast %scan3A_637 : i32 to index
        %swap3A_668 = arith.constant 16 : index
        %swap3A_669 = tpu.vector_load %arg7[%swap3A_665, %swap3A_666, %swap3A_667, %swap3A_668] {strides = array<i32>} : memref<2x4x100x64xf32, #tpu.memory_space<vmem>>, vector<1x1x1x16xf32>,
        %swap3A_670 = vector.shape_cast %swap3A_669 : vector<1x1x1x16xf32> to vector<16xf32>
        %swap3A_671 = vector.shape_cast %get3A_662 : vector<16xf32> to vector<1x1x1x16xf32>
        tpu.vector_store %arg7[%swap3A_665, %swap3A_666, %swap3A_667, %swap3A_668], %swap3A_671 {add = true, strides = array<i32>} : memref<2x4x100x64xf32, #tpu.memory_space<vmem>>, vector<1x1x1x16xf32>,
        %mul3A_672 = arith.constant 64 : i32
        %mul3A_673 = arith.muli %scan3A_637, %mul3A_672 : i32
        %add3A_674 = arith.constant 6400 : i32
        %add3A_675 = arith.addi %add3A_674, %mul3A_673 : i32
        %add3A_676 = arith.constant 32 : i32
        %add3A_677 = arith.addi %add3A_675, %add3A_676 : i32
        %get3A_678 = arith.index_cast %add3A_677 : i32 to index
        %get3A_679 = tpu.vector_load %arg8[%get3A_678] {strides = array<i32>} : memref<12800xf32, #tpu.memory_space<vmem>>, vector<16xf32>,
        %get3A_680 = vector.shape_cast %get3A_679 : vector<16xf32> to vector<16xf32>
        %swap3A_681 = arith.constant 1 : i32
        %swap3A_682 = arith.constant 1 : i32
        %swap3A_683 = arith.index_cast %swap3A_681 : i32 to index
        %swap3A_684 = arith.index_cast %swap3A_682 : i32 to index
        %swap3A_685 = arith.index_cast %scan3A_637 : i32 to index
        %swap3A_686 = arith.constant 32 : index
        %swap3A_687 = tpu.vector_load %arg7[%swap3A_683, %swap3A_684, %swap3A_685, %swap3A_686] {strides = array<i32>} : memref<2x4x100x64xf32, #tpu.memory_space<vmem>>, vector<1x1x1x16xf32>,
        %swap3A_688 = vector.shape_cast %swap3A_687 : vector<1x1x1x16xf32> to vector<16xf32>
        %swap3A_689 = vector.shape_cast %get3A_680 : vector<16xf32> to vector<1x1x1x16xf32>
        tpu.vector_store %arg7[%swap3A_683, %swap3A_684, %swap3A_685, %swap3A_686], %swap3A_689 {add = true, strides = array<i32>} : memref<2x4x100x64xf32, #tpu.memory_space<vmem>>, vector<1x1x1x16xf32>,
        %mul3A_690 = arith.constant 64 : i32
        %mul3A_691 = arith.muli %scan3A_637, %mul3A_690 : i32
        %add3A_692 = arith.constant 6400 : i32
        %add3A_693 = arith.addi %add3A_692, %mul3A_691 : i32
        %add3A_694 = arith.constant 48 : i32
        %add3A_695 = arith.addi %add3A_693, %add3A_694 : i32
        %get3A_696 = arith.index_cast %add3A_695 : i32 to index
        %get3A_697 = tpu.vector_load %arg8[%get3A_696] {strides = array<i32>} : memref<12800xf32, #tpu.memory_space<vmem>>, vector<16xf32>,
        %get3A_698 = vector.shape_cast %get3A_697 : vector<16xf32> to vector<16xf32>
        %swap3A_699 = arith.constant 1 : i32
        %swap3A_700 = arith.constant 1 : i32
        %swap3A_701 = arith.index_cast %swap3A_699 : i32 to index
        %swap3A_702 = arith.index_cast %swap3A_700 : i32 to index
        %swap3A_703 = arith.index_cast %scan3A_637 : i32 to index
        %swap3A_704 = arith.constant 48 : index
        %swap3A_705 = tpu.vector_load %arg7[%swap3A_701, %swap3A_702, %swap3A_703, %swap3A_704] {strides = array<i32>} : memref<2x4x100x64xf32, #tpu.memory_space<vmem>>, vector<1x1x1x16xf32>,
        %swap3A_706 = vector.shape_cast %swap3A_705 : vector<1x1x1x16xf32> to vector<16xf32>
        %swap3A_707 = vector.shape_cast %get3A_698 : vector<16xf32> to vector<1x1x1x16xf32>
        tpu.vector_store %arg7[%swap3A_701, %swap3A_702, %swap3A_703, %swap3A_704], %swap3A_707 {add = true, strides = array<i32>} : memref<2x4x100x64xf32, #tpu.memory_space<vmem>>, vector<1x1x1x16xf32>,
        %scan3A_708 = arith.constant 1 : i32
        %scan3A_709 = arith.addi %scan3A_637, %scan3A_708 : i32
        %mul3A_710 = arith.constant 64 : i32
        %mul3A_711 = arith.muli %scan3A_709, %mul3A_710 : i32
        %add3A_712 = arith.constant 6400 : i32
        %add3A_713 = arith.addi %add3A_712, %mul3A_711 : i32
        %add3A_714 = arith.constant 0 : i32
        %add3A_715 = arith.addi %add3A_713, %add3A_714 : i32
        %get3A_716 = arith.index_cast %add3A_715 : i32 to index
        %get3A_717 = tpu.vector_load %arg8[%get3A_716] {strides = array<i32>} : memref<12800xf32, #tpu.memory_space<vmem>>, vector<16xf32>,
        %get3A_718 = vector.shape_cast %get3A_717 : vector<16xf32> to vector<16xf32>
        %swap3A_719 = arith.constant 1 : i32
        %swap3A_720 = arith.constant 1 : i32
        %swap3A_721 = arith.index_cast %swap3A_719 : i32 to index
        %swap3A_722 = arith.index_cast %swap3A_720 : i32 to index
        %swap3A_723 = arith.index_cast %scan3A_709 : i32 to index
        %swap3A_724 = arith.constant 0 : index
        %swap3A_725 = tpu.vector_load %arg7[%swap3A_721, %swap3A_722, %swap3A_723, %swap3A_724] {strides = array<i32>} : memref<2x4x100x64xf32, #tpu.memory_space<vmem>>, vector<1x1x1x16xf32>,
        %swap3A_726 = vector.shape_cast %swap3A_725 : vector<1x1x1x16xf32> to vector<16xf32>
        %swap3A_727 = vector.shape_cast %get3A_718 : vector<16xf32> to vector<1x1x1x16xf32>
        tpu.vector_store %arg7[%swap3A_721, %swap3A_722, %swap3A_723, %swap3A_724], %swap3A_727 {add = true, strides = array<i32>} : memref<2x4x100x64xf32, #tpu.memory_space<vmem>>, vector<1x1x1x16xf32>,
        %mul3A_728 = arith.constant 64 : i32
        %mul3A_729 = arith.muli %scan3A_709, %mul3A_728 : i32
        %add3A_730 = arith.constant 6400 : i32
        %add3A_731 = arith.addi %add3A_730, %mul3A_729 : i32
        %add3A_732 = arith.constant 16 : i32
        %add3A_733 = arith.addi %add3A_731, %add3A_732 : i32
        %get3A_734 = arith.index_cast %add3A_733 : i32 to index
        %get3A_735 = tpu.vector_load %arg8[%get3A_734] {strides = array<i32>} : memref<12800xf32, #tpu.memory_space<vmem>>, vector<16xf32>,
        %get3A_736 = vector.shape_cast %get3A_735 : vector<16xf32> to vector<16xf32>
        %swap3A_737 = arith.constant 1 : i32
        %swap3A_738 = arith.constant 1 : i32
        %swap3A_739 = arith.index_cast %swap3A_737 : i32 to index
        %swap3A_740 = arith.index_cast %swap3A_738 : i32 to index
        %swap3A_741 = arith.index_cast %scan3A_709 : i32 to index
        %swap3A_742 = arith.constant 16 : index
        %swap3A_743 = tpu.vector_load %arg7[%swap3A_739, %swap3A_740, %swap3A_741, %swap3A_742] {strides = array<i32>} : memref<2x4x100x64xf32, #tpu.memory_space<vmem>>, vector<1x1x1x16xf32>,
        %swap3A_744 = vector.shape_cast %swap3A_743 : vector<1x1x1x16xf32> to vector<16xf32>
        %swap3A_745 = vector.shape_cast %get3A_736 : vector<16xf32> to vector<1x1x1x16xf32>
        tpu.vector_store %arg7[%swap3A_739, %swap3A_740, %swap3A_741, %swap3A_742], %swap3A_745 {add = true, strides = array<i32>} : memref<2x4x100x64xf32, #tpu.memory_space<vmem>>, vector<1x1x1x16xf32>,
        %mul3A_746 = arith.constant 64 : i32
        %mul3A_747 = arith.muli %scan3A_709, %mul3A_746 : i32
        %add3A_748 = arith.constant 6400 : i32
        %add3A_749 = arith.addi %add3A_748, %mul3A_747 : i32
        %add3A_750 = arith.constant 32 : i32
        %add3A_751 = arith.addi %add3A_749, %add3A_750 : i32
        %get3A_752 = arith.index_cast %add3A_751 : i32 to index
        %get3A_753 = tpu.vector_load %arg8[%get3A_752] {strides = array<i32>} : memref<12800xf32, #tpu.memory_space<vmem>>, vector<16xf32>,
        %get3A_754 = vector.shape_cast %get3A_753 : vector<16xf32> to vector<16xf32>
        %swap3A_755 = arith.constant 1 : i32
        %swap3A_756 = arith.constant 1 : i32
        %swap3A_757 = arith.index_cast %swap3A_755 : i32 to index
        %swap3A_758 = arith.index_cast %swap3A_756 : i32 to index
        %swap3A_759 = arith.index_cast %scan3A_709 : i32 to index
        %swap3A_760 = arith.constant 32 : index
        %swap3A_761 = tpu.vector_load %arg7[%swap3A_757, %swap3A_758, %swap3A_759, %swap3A_760] {strides = array<i32>} : memref<2x4x100x64xf32, #tpu.memory_space<vmem>>, vector<1x1x1x16xf32>,
        %swap3A_762 = vector.shape_cast %swap3A_761 : vector<1x1x1x16xf32> to vector<16xf32>
        %swap3A_763 = vector.shape_cast %get3A_754 : vector<16xf32> to vector<1x1x1x16xf32>
        tpu.vector_store %arg7[%swap3A_757, %swap3A_758, %swap3A_759, %swap3A_760], %swap3A_763 {add = true, strides = array<i32>} : memref<2x4x100x64xf32, #tpu.memory_space<vmem>>, vector<1x1x1x16xf32>,
        %mul3A_764 = arith.constant 64 : i32
        %mul3A_765 = arith.muli %scan3A_709, %mul3A_764 : i32
        %add3A_766 = arith.constant 6400 : i32
        %add3A_767 = arith.addi %add3A_766, %mul3A_765 : i32
        %add3A_768 = arith.constant 48 : i32
        %add3A_769 = arith.addi %add3A_767, %add3A_768 : i32
        %get3A_770 = arith.index_cast %add3A_769 : i32 to index
        %get3A_771 = tpu.vector_load %arg8[%get3A_770] {strides = array<i32>} : memref<12800xf32, #tpu.memory_space<vmem>>, vector<16xf32>,
        %get3A_772 = vector.shape_cast %get3A_771 : vector<16xf32> to vector<16xf32>
        %swap3A_773 = arith.constant 1 : i32
        %swap3A_774 = arith.constant 1 : i32
        %swap3A_775 = arith.index_cast %swap3A_773 : i32 to index
        %swap3A_776 = arith.index_cast %swap3A_774 : i32 to index
        %swap3A_777 = arith.index_cast %scan3A_709 : i32 to index
        %swap3A_778 = arith.constant 48 : index
        %swap3A_779 = tpu.vector_load %arg7[%swap3A_775, %swap3A_776, %swap3A_777, %swap3A_778] {strides = array<i32>} : memref<2x4x100x64xf32, #tpu.memory_space<vmem>>, vector<1x1x1x16xf32>,
        %swap3A_780 = vector.shape_cast %swap3A_779 : vector<1x1x1x16xf32> to vector<16xf32>
        %swap3A_781 = vector.shape_cast %get3A_772 : vector<16xf32> to vector<1x1x1x16xf32>
        tpu.vector_store %arg7[%swap3A_775, %swap3A_776, %swap3A_777, %swap3A_778], %swap3A_781 {add = true, strides = array<i32>} : memref<2x4x100x64xf32, #tpu.memory_space<vmem>>, vector<1x1x1x16xf32>,
        %scan3A_782 = arith.constant 2 : i32
        %scan3A_783 = arith.addi %scan3A_637, %scan3A_782 : i32
        %mul3A_784 = arith.constant 64 : i32
        %mul3A_785 = arith.muli %scan3A_783, %mul3A_784 : i32
        %add3A_786 = arith.constant 6400 : i32
        %add3A_787 = arith.addi %add3A_786, %mul3A_785 : i32
        %add3A_788 = arith.constant 0 : i32
        %add3A_789 = arith.addi %add3A_787, %add3A_788 : i32
        %get3A_790 = arith.index_cast %add3A_789 : i32 to index
        %get3A_791 = tpu.vector_load %arg8[%get3A_790] {strides = array<i32>} : memref<12800xf32, #tpu.memory_space<vmem>>, vector<16xf32>,
        %get3A_792 = vector.shape_cast %get3A_791 : vector<16xf32> to vector<16xf32>
        %swap3A_793 = arith.constant 1 : i32
        %swap3A_794 = arith.constant 1 : i32
        %swap3A_795 = arith.index_cast %swap3A_793 : i32 to index
        %swap3A_796 = arith.index_cast %swap3A_794 : i32 to index
        %swap3A_797 = arith.index_cast %scan3A_783 : i32 to index
        %swap3A_798 = arith.constant 0 : index
        %swap3A_799 = tpu.vector_load %arg7[%swap3A_795, %swap3A_796, %swap3A_797, %swap3A_798] {strides = array<i32>} : memref<2x4x100x64xf32, #tpu.memory_space<vmem>>, vector<1x1x1x16xf32>,
        %swap3A_800 = vector.shape_cast %swap3A_799 : vector<1x1x1x16xf32> to vector<16xf32>
        %swap3A_801 = vector.shape_cast %get3A_792 : vector<16xf32> to vector<1x1x1x16xf32>
        tpu.vector_store %arg7[%swap3A_795, %swap3A_796, %swap3A_797, %swap3A_798], %swap3A_801 {add = true, strides = array<i32>} : memref<2x4x100x64xf32, #tpu.memory_space<vmem>>, vector<1x1x1x16xf32>,
        %mul3A_802 = arith.constant 64 : i32
        %mul3A_803 = arith.muli %scan3A_783, %mul3A_802 : i32
        %add3A_804 = arith.constant 6400 : i32
        %add3A_805 = arith.addi %add3A_804, %mul3A_803 : i32
        %add3A_806 = arith.constant 16 : i32
        %add3A_807 = arith.addi %add3A_805, %add3A_806 : i32
        %get3A_808 = arith.index_cast %add3A_807 : i32 to index
        %get3A_809 = tpu.vector_load %arg8[%get3A_808] {strides = array<i32>} : memref<12800xf32, #tpu.memory_space<vmem>>, vector<16xf32>,
        %get3A_810 = vector.shape_cast %get3A_809 : vector<16xf32> to vector<16xf32>
        %swap3A_811 = arith.constant 1 : i32
        %swap3A_812 = arith.constant 1 : i32
        %swap3A_813 = arith.index_cast %swap3A_811 : i32 to index
        %swap3A_814 = arith.index_cast %swap3A_812 : i32 to index
        %swap3A_815 = arith.index_cast %scan3A_783 : i32 to index
        %swap3A_816 = arith.constant 16 : index
        %swap3A_817 = tpu.vector_load %arg7[%swap3A_813, %swap3A_814, %swap3A_815, %swap3A_816] {strides = array<i32>} : memref<2x4x100x64xf32, #tpu.memory_space<vmem>>, vector<1x1x1x16xf32>,
        %swap3A_818 = vector.shape_cast %swap3A_817 : vector<1x1x1x16xf32> to vector<16xf32>
        %swap3A_819 = vector.shape_cast %get3A_810 : vector<16xf32> to vector<1x1x1x16xf32>
        tpu.vector_store %arg7[%swap3A_813, %swap3A_814, %swap3A_815, %swap3A_816], %swap3A_819 {add = true, strides = array<i32>} : memref<2x4x100x64xf32, #tpu.memory_space<vmem>>, vector<1x1x1x16xf32>,
        %mul3A_820 = arith.constant 64 : i32
        %mul3A_821 = arith.muli %scan3A_783, %mul3A_820 : i32
        %add3A_822 = arith.constant 6400 : i32
        %add3A_823 = arith.addi %add3A_822, %mul3A_821 : i32
        %add3A_824 = arith.constant 32 : i32
        %add3A_825 = arith.addi %add3A_823, %add3A_824 : i32
        %get3A_826 = arith.index_cast %add3A_825 : i32 to index
        %get3A_827 = tpu.vector_load %arg8[%get3A_826] {strides = array<i32>} : memref<12800xf32, #tpu.memory_space<vmem>>, vector<16xf32>,
        %get3A_828 = vector.shape_cast %get3A_827 : vector<16xf32> to vector<16xf32>
        %swap3A_829 = arith.constant 1 : i32
        %swap3A_830 = arith.constant 1 : i32
        %swap3A_831 = arith.index_cast %swap3A_829 : i32 to index
        %swap3A_832 = arith.index_cast %swap3A_830 : i32 to index
        %swap3A_833 = arith.index_cast %scan3A_783 : i32 to index
        %swap3A_834 = arith.constant 32 : index
        %swap3A_835 = tpu.vector_load %arg7[%swap3A_831, %swap3A_832, %swap3A_833, %swap3A_834] {strides = array<i32>} : memref<2x4x100x64xf32, #tpu.memory_space<vmem>>, vector<1x1x1x16xf32>,
        %swap3A_836 = vector.shape_cast %swap3A_835 : vector<1x1x1x16xf32> to vector<16xf32>
        %swap3A_837 = vector.shape_cast %get3A_828 : vector<16xf32> to vector<1x1x1x16xf32>
        tpu.vector_store %arg7[%swap3A_831, %swap3A_832, %swap3A_833, %swap3A_834], %swap3A_837 {add = true, strides = array<i32>} : memref<2x4x100x64xf32, #tpu.memory_space<vmem>>, vector<1x1x1x16xf32>,
        %mul3A_838 = arith.constant 64 : i32
        %mul3A_839 = arith.muli %scan3A_783, %mul3A_838 : i32
        %add3A_840 = arith.constant 6400 : i32
        %add3A_841 = arith.addi %add3A_840, %mul3A_839 : i32
        %add3A_842 = arith.constant 48 : i32
        %add3A_843 = arith.addi %add3A_841, %add3A_842 : i32
        %get3A_844 = arith.index_cast %add3A_843 : i32 to index
        %get3A_845 = tpu.vector_load %arg8[%get3A_844] {strides = array<i32>} : memref<12800xf32, #tpu.memory_space<vmem>>, vector<16xf32>,
        %get3A_846 = vector.shape_cast %get3A_845 : vector<16xf32> to vector<16xf32>
        %swap3A_847 = arith.constant 1 : i32
        %swap3A_848 = arith.constant 1 : i32
        %swap3A_849 = arith.index_cast %swap3A_847 : i32 to index
        %swap3A_850 = arith.index_cast %swap3A_848 : i32 to index
        %swap3A_851 = arith.index_cast %scan3A_783 : i32 to index
        %swap3A_852 = arith.constant 48 : index
        %swap3A_853 = tpu.vector_load %arg7[%swap3A_849, %swap3A_850, %swap3A_851, %swap3A_852] {strides = array<i32>} : memref<2x4x100x64xf32, #tpu.memory_space<vmem>>, vector<1x1x1x16xf32>,
        %swap3A_854 = vector.shape_cast %swap3A_853 : vector<1x1x1x16xf32> to vector<16xf32>
        %swap3A_855 = vector.shape_cast %get3A_846 : vector<16xf32> to vector<1x1x1x16xf32>
        tpu.vector_store %arg7[%swap3A_849, %swap3A_850, %swap3A_851, %swap3A_852], %swap3A_855 {add = true, strides = array<i32>} : memref<2x4x100x64xf32, #tpu.memory_space<vmem>>, vector<1x1x1x16xf32>,
        %scan3A_856 = arith.constant 3 : i32
        %scan3A_857 = arith.addi %scan3A_637, %scan3A_856 : i32
        %mul3A_858 = arith.constant 64 : i32
        %mul3A_859 = arith.muli %scan3A_857, %mul3A_858 : i32
        %add3A_860 = arith.constant 6400 : i32
        %add3A_861 = arith.addi %add3A_860, %mul3A_859 : i32
        %add3A_862 = arith.constant 0 : i32
        %add3A_863 = arith.addi %add3A_861, %add3A_862 : i32
        %get3A_864 = arith.index_cast %add3A_863 : i32 to index
        %get3A_865 = tpu.vector_load %arg8[%get3A_864] {strides = array<i32>} : memref<12800xf32, #tpu.memory_space<vmem>>, vector<16xf32>,
        %get3A_866 = vector.shape_cast %get3A_865 : vector<16xf32> to vector<16xf32>
        %swap3A_867 = arith.constant 1 : i32
        %swap3A_868 = arith.constant 1 : i32
        %swap3A_869 = arith.index_cast %swap3A_867 : i32 to index
        %swap3A_870 = arith.index_cast %swap3A_868 : i32 to index
        %swap3A_871 = arith.index_cast %scan3A_857 : i32 to index
        %swap3A_872 = arith.constant 0 : index
        %swap3A_873 = tpu.vector_load %arg7[%swap3A_869, %swap3A_870, %swap3A_871, %swap3A_872] {strides = array<i32>} : memref<2x4x100x64xf32, #tpu.memory_space<vmem>>, vector<1x1x1x16xf32>,
        %swap3A_874 = vector.shape_cast %swap3A_873 : vector<1x1x1x16xf32> to vector<16xf32>
        %swap3A_875 = vector.shape_cast %get3A_866 : vector<16xf32> to vector<1x1x1x16xf32>
        tpu.vector_store %arg7[%swap3A_869, %swap3A_870, %swap3A_871, %swap3A_872], %swap3A_875 {add = true, strides = array<i32>} : memref<2x4x100x64xf32, #tpu.memory_space<vmem>>, vector<1x1x1x16xf32>,
        %mul3A_876 = arith.constant 64 : i32
        %mul3A_877 = arith.muli %scan3A_857, %mul3A_876 : i32
        %add3A_878 = arith.constant 6400 : i32
        %add3A_879 = arith.addi %add3A_878, %mul3A_877 : i32
        %add3A_880 = arith.constant 16 : i32
        %add3A_881 = arith.addi %add3A_879, %add3A_880 : i32
        %get3A_882 = arith.index_cast %add3A_881 : i32 to index
        %get3A_883 = tpu.vector_load %arg8[%get3A_882] {strides = array<i32>} : memref<12800xf32, #tpu.memory_space<vmem>>, vector<16xf32>,
        %get3A_884 = vector.shape_cast %get3A_883 : vector<16xf32> to vector<16xf32>
        %swap3A_885 = arith.constant 1 : i32
        %swap3A_886 = arith.constant 1 : i32
        %swap3A_887 = arith.index_cast %swap3A_885 : i32 to index
        %swap3A_888 = arith.index_cast %swap3A_886 : i32 to index
        %swap3A_889 = arith.index_cast %scan3A_857 : i32 to index
        %swap3A_890 = arith.constant 16 : index
        %swap3A_891 = tpu.vector_load %arg7[%swap3A_887, %swap3A_888, %swap3A_889, %swap3A_890] {strides = array<i32>} : memref<2x4x100x64xf32, #tpu.memory_space<vmem>>, vector<1x1x1x16xf32>,
        %swap3A_892 = vector.shape_cast %swap3A_891 : vector<1x1x1x16xf32> to vector<16xf32>
        %swap3A_893 = vector.shape_cast %get3A_884 : vector<16xf32> to vector<1x1x1x16xf32>
        tpu.vector_store %arg7[%swap3A_887, %swap3A_888, %swap3A_889, %swap3A_890], %swap3A_893 {add = true, strides = array<i32>} : memref<2x4x100x64xf32, #tpu.memory_space<vmem>>, vector<1x1x1x16xf32>,
        %mul3A_894 = arith.constant 64 : i32
        %mul3A_895 = arith.muli %scan3A_857, %mul3A_894 : i32
        %add3A_896 = arith.constant 6400 : i32
        %add3A_897 = arith.addi %add3A_896, %mul3A_895 : i32
        %add3A_898 = arith.constant 32 : i32
        %add3A_899 = arith.addi %add3A_897, %add3A_898 : i32
        %get3A_900 = arith.index_cast %add3A_899 : i32 to index
        %get3A_901 = tpu.vector_load %arg8[%get3A_900] {strides = array<i32>} : memref<12800xf32, #tpu.memory_space<vmem>>, vector<16xf32>,
        %get3A_902 = vector.shape_cast %get3A_901 : vector<16xf32> to vector<16xf32>
        %swap3A_903 = arith.constant 1 : i32
        %swap3A_904 = arith.constant 1 : i32
        %swap3A_905 = arith.index_cast %swap3A_903 : i32 to index
        %swap3A_906 = arith.index_cast %swap3A_904 : i32 to index
        %swap3A_907 = arith.index_cast %scan3A_857 : i32 to index
        %swap3A_908 = arith.constant 32 : index
        %swap3A_909 = tpu.vector_load %arg7[%swap3A_905, %swap3A_906, %swap3A_907, %swap3A_908] {strides = array<i32>} : memref<2x4x100x64xf32, #tpu.memory_space<vmem>>, vector<1x1x1x16xf32>,
        %swap3A_910 = vector.shape_cast %swap3A_909 : vector<1x1x1x16xf32> to vector<16xf32>
        %swap3A_911 = vector.shape_cast %get3A_902 : vector<16xf32> to vector<1x1x1x16xf32>
        tpu.vector_store %arg7[%swap3A_905, %swap3A_906, %swap3A_907, %swap3A_908], %swap3A_911 {add = true, strides = array<i32>} : memref<2x4x100x64xf32, #tpu.memory_space<vmem>>, vector<1x1x1x16xf32>,
        %mul3A_912 = arith.constant 64 : i32
        %mul3A_913 = arith.muli %scan3A_857, %mul3A_912 : i32
        %add3A_914 = arith.constant 6400 : i32
        %add3A_915 = arith.addi %add3A_914, %mul3A_913 : i32
        %add3A_916 = arith.constant 48 : i32
        %add3A_917 = arith.addi %add3A_915, %add3A_916 : i32
        %get3A_918 = arith.index_cast %add3A_917 : i32 to index
        %get3A_919 = tpu.vector_load %arg8[%get3A_918] {strides = array<i32>} : memref<12800xf32, #tpu.memory_space<vmem>>, vector<16xf32>,
        %get3A_920 = vector.shape_cast %get3A_919 : vector<16xf32> to vector<16xf32>
        %swap3A_921 = arith.constant 1 : i32
        %swap3A_922 = arith.constant 1 : i32
        %swap3A_923 = arith.index_cast %swap3A_921 : i32 to index
        %swap3A_924 = arith.index_cast %swap3A_922 : i32 to index
        %swap3A_925 = arith.index_cast %scan3A_857 : i32 to index
        %swap3A_926 = arith.constant 48 : index
        %swap3A_927 = tpu.vector_load %arg7[%swap3A_923, %swap3A_924, %swap3A_925, %swap3A_926] {strides = array<i32>} : memref<2x4x100x64xf32, #tpu.memory_space<vmem>>, vector<1x1x1x16xf32>,
        %swap3A_928 = vector.shape_cast %swap3A_927 : vector<1x1x1x16xf32> to vector<16xf32>
        %swap3A_929 = vector.shape_cast %get3A_920 : vector<16xf32> to vector<1x1x1x16xf32>
        tpu.vector_store %arg7[%swap3A_923, %swap3A_924, %swap3A_925, %swap3A_926], %swap3A_929 {add = true, strides = array<i32>} : memref<2x4x100x64xf32, #tpu.memory_space<vmem>>, vector<1x1x1x16xf32>,
      }
      %scan3A_564 = arith.constant 100 : i32
      %add3A_565 = arith.constant 1 : i32
      %add3A_566 = arith.addi %add3A_532, %add3A_565 : i32
      %dma_start3A_567 = arith.constant 1 : i32
      %dma_start3A_568 = arith.constant 1 : i32
      %dma_start3A_569 = arith.constant 0 : i32
      %dma_start3A_570 = arith.constant 0 : i32
      %dma_start3A_571 = tpu.memref_slice %arg7[%dma_start3A_567, %dma_start3A_568, %dma_start3A_569, %dma_start3A_570] : memref<2x4x100x64xf32, #tpu.memory_space<vmem>> -> memref<1x1x100x64xf32, #tpu.memory_space<vmem>>
      %dma_start3A_572 = tpu.memref_squeeze %dma_start3A_571 : memref<1x1x100x64xf32, #tpu.memory_space<vmem>> -> memref<100x64xf32, #tpu.memory_space<vmem>>
      %dma_start3A_573 = arith.constant 0 : i32
      %dma_start3A_574 = arith.constant 0 : i32
      %dma_start3A_575 = tpu.memref_slice %arg5[%add3A_566, %dma_start3A_573, %dma_start3A_574] : memref<8192x100x64xf32, #tpu.memory_space<hbm>> -> memref<1x100x64xf32, #tpu.memory_space<hbm>>
      %dma_start3A_576 = tpu.memref_squeeze %dma_start3A_575 : memref<1x100x64xf32, #tpu.memory_space<hbm>> -> memref<100x64xf32, #tpu.memory_space<hbm>>
      %dma_start3A_577 = arith.constant 0 : i32
      %dma_start3A_578 = arith.constant 0 : i32
      %dma_start3A_579 = tpu.memref_slice %arg5[%add3A_566, %dma_start3A_577, %dma_start3A_578] : memref<8192x100x64xf32, #tpu.memory_space<hbm>> -> memref<1x100x64xf32, #tpu.memory_space<hbm>>
      %dma_start3A_580 = tpu.memref_squeeze %dma_start3A_579 : memref<1x100x64xf32, #tpu.memory_space<hbm>> -> memref<100x64xf32, #tpu.memory_space<hbm>>
      %dma_start3A_581 = arith.constant 0 : i32
      %dma_start3A_582 = arith.constant 0 : i32
      %dma_start3A_583 = tpu.memref_slice %arg7[%dma_start3A_567, %dma_start3A_568, %dma_start3A_581, %dma_start3A_582] : memref<2x4x100x64xf32, #tpu.memory_space<vmem>> -> memref<1x1x100x64xf32, #tpu.memory_space<vmem>>
      %dma_start3A_584 = tpu.memref_squeeze %dma_start3A_583 : memref<1x1x100x64xf32, #tpu.memory_space<vmem>> -> memref<100x64xf32, #tpu.memory_space<vmem>>
      tpu.enqueue_dma source(%dma_start3A_584 : memref<100x64xf32, #tpu.memory_space<vmem>>) target(%dma_start3A_580 : memref<100x64xf32, #tpu.memory_space<hbm>>) target_semaphore(%arg12 : memref<!tpu.dma_semaphore, #tpu.memory_space<semaphore_mem>>)
      %scan3A_585 = arith.constant 0 : i32
      %scan3A_586 = arith.constant 0 : i32
      %scan3A_587 = arith.constant 100 : i32
      %scan3A_588 = arith.addi %scan3A_586, %scan3A_587 : i32
      %scan3A_589 = arith.constant 4 : i32
      scf.for %scan3A_637 = %scan3A_586 to %scan3A_588 step %scan3A_589  : i32 {
        %mul3A_638 = arith.constant 64 : i32
        %mul3A_639 = arith.muli %scan3A_637, %mul3A_638 : i32
        %add3A_640 = arith.constant 0 : i32
        %add3A_641 = arith.addi %add3A_640, %mul3A_639 : i32
        %add3A_642 = arith.constant 0 : i32
        %add3A_643 = arith.addi %add3A_641, %add3A_642 : i32
        %get3A = arith.index_cast %add3A_643 : i32 to index
        %get3A_644 = tpu.vector_load %arg8[%get3A] {strides = array<i32>} : memref<12800xf32, #tpu.memory_space<vmem>>, vector<16xf32>,
        %get3A_645 = vector.shape_cast %get3A_644 : vector<16xf32> to vector<16xf32>
        %swap3A = arith.constant 1 : i32
        %swap3A_646 = arith.constant 2 : i32
        %swap3A_647 = arith.index_cast %swap3A : i32 to index
        %swap3A_648 = arith.index_cast %swap3A_646 : i32 to index
        %swap3A_649 = arith.index_cast %scan3A_637 : i32 to index
        %swap3A_650 = arith.constant 0 : index
        %swap3A_651 = tpu.vector_load %arg7[%swap3A_647, %swap3A_648, %swap3A_649, %swap3A_650] {strides = array<i32>} : memref<2x4x100x64xf32, #tpu.memory_space<vmem>>, vector<1x1x1x16xf32>,
        %swap3A_652 = vector.shape_cast %swap3A_651 : vector<1x1x1x16xf32> to vector<16xf32>
        %swap3A_653 = vector.shape_cast %get3A_645 : vector<16xf32> to vector<1x1x1x16xf32>
        tpu.vector_store %arg7[%swap3A_647, %swap3A_648, %swap3A_649, %swap3A_650], %swap3A_653 {add = true, strides = array<i32>} : memref<2x4x100x64xf32, #tpu.memory_space<vmem>>, vector<1x1x1x16xf32>,
        %mul3A_654 = arith.constant 64 : i32
        %mul3A_655 = arith.muli %scan3A_637, %mul3A_654 : i32
        %add3A_656 = arith.constant 0 : i32
        %add3A_657 = arith.addi %add3A_656, %mul3A_655 : i32
        %add3A_658 = arith.constant 16 : i32
        %add3A_659 = arith.addi %add3A_657, %add3A_658 : i32
        %get3A_660 = arith.index_cast %add3A_659 : i32 to index
        %get3A_661 = tpu.vector_load %arg8[%get3A_660] {strides = array<i32>} : memref<12800xf32, #tpu.memory_space<vmem>>, vector<16xf32>,
        %get3A_662 = vector.shape_cast %get3A_661 : vector<16xf32> to vector<16xf32>
        %swap3A_663 = arith.constant 1 : i32
        %swap3A_664 = arith.constant 2 : i32
        %swap3A_665 = arith.index_cast %swap3A_663 : i32 to index
        %swap3A_666 = arith.index_cast %swap3A_664 : i32 to index
        %swap3A_667 = arith.index_cast %scan3A_637 : i32 to index
        %swap3A_668 = arith.constant 16 : index
        %swap3A_669 = tpu.vector_load %arg7[%swap3A_665, %swap3A_666, %swap3A_667, %swap3A_668] {strides = array<i32>} : memref<2x4x100x64xf32, #tpu.memory_space<vmem>>, vector<1x1x1x16xf32>,
        %swap3A_670 = vector.shape_cast %swap3A_669 : vector<1x1x1x16xf32> to vector<16xf32>
        %swap3A_671 = vector.shape_cast %get3A_662 : vector<16xf32> to vector<1x1x1x16xf32>
        tpu.vector_store %arg7[%swap3A_665, %swap3A_666, %swap3A_667, %swap3A_668], %swap3A_671 {add = true, strides = array<i32>} : memref<2x4x100x64xf32, #tpu.memory_space<vmem>>, vector<1x1x1x16xf32>,
        %mul3A_672 = arith.constant 64 : i32
        %mul3A_673 = arith.muli %scan3A_637, %mul3A_672 : i32
        %add3A_674 = arith.constant 0 : i32
        %add3A_675 = arith.addi %add3A_674, %mul3A_673 : i32
        %add3A_676 = arith.constant 32 : i32
        %add3A_677 = arith.addi %add3A_675, %add3A_676 : i32
        %get3A_678 = arith.index_cast %add3A_677 : i32 to index
        %get3A_679 = tpu.vector_load %arg8[%get3A_678] {strides = array<i32>} : memref<12800xf32, #tpu.memory_space<vmem>>, vector<16xf32>,
        %get3A_680 = vector.shape_cast %get3A_679 : vector<16xf32> to vector<16xf32>
        %swap3A_681 = arith.constant 1 : i32
        %swap3A_682 = arith.constant 2 : i32
        %swap3A_683 = arith.index_cast %swap3A_681 : i32 to index
        %swap3A_684 = arith.index_cast %swap3A_682 : i32 to index
        %swap3A_685 = arith.index_cast %scan3A_637 : i32 to index
        %swap3A_686 = arith.constant 32 : index
        %swap3A_687 = tpu.vector_load %arg7[%swap3A_683, %swap3A_684, %swap3A_685, %swap3A_686] {strides = array<i32>} : memref<2x4x100x64xf32, #tpu.memory_space<vmem>>, vector<1x1x1x16xf32>,
        %swap3A_688 = vector.shape_cast %swap3A_687 : vector<1x1x1x16xf32> to vector<16xf32>
        %swap3A_689 = vector.shape_cast %get3A_680 : vector<16xf32> to vector<1x1x1x16xf32>
        tpu.vector_store %arg7[%swap3A_683, %swap3A_684, %swap3A_685, %swap3A_686], %swap3A_689 {add = true, strides = array<i32>} : memref<2x4x100x64xf32, #tpu.memory_space<vmem>>, vector<1x1x1x16xf32>,
        %mul3A_690 = arith.constant 64 : i32
        %mul3A_691 = arith.muli %scan3A_637, %mul3A_690 : i32
        %add3A_692 = arith.constant 0 : i32
        %add3A_693 = arith.addi %add3A_692, %mul3A_691 : i32
        %add3A_694 = arith.constant 48 : i32
        %add3A_695 = arith.addi %add3A_693, %add3A_694 : i32
        %get3A_696 = arith.index_cast %add3A_695 : i32 to index
        %get3A_697 = tpu.vector_load %arg8[%get3A_696] {strides = array<i32>} : memref<12800xf32, #tpu.memory_space<vmem>>, vector<16xf32>,
        %get3A_698 = vector.shape_cast %get3A_697 : vector<16xf32> to vector<16xf32>
        %swap3A_699 = arith.constant 1 : i32
        %swap3A_700 = arith.constant 2 : i32
        %swap3A_701 = arith.index_cast %swap3A_699 : i32 to index
        %swap3A_702 = arith.index_cast %swap3A_700 : i32 to index
        %swap3A_703 = arith.index_cast %scan3A_637 : i32 to index
        %swap3A_704 = arith.constant 48 : index
        %swap3A_705 = tpu.vector_load %arg7[%swap3A_701, %swap3A_702, %swap3A_703, %swap3A_704] {strides = array<i32>} : memref<2x4x100x64xf32, #tpu.memory_space<vmem>>, vector<1x1x1x16xf32>,
        %swap3A_706 = vector.shape_cast %swap3A_705 : vector<1x1x1x16xf32> to vector<16xf32>
        %swap3A_707 = vector.shape_cast %get3A_698 : vector<16xf32> to vector<1x1x1x16xf32>
        tpu.vector_store %arg7[%swap3A_701, %swap3A_702, %swap3A_703, %swap3A_704], %swap3A_707 {add = true, strides = array<i32>} : memref<2x4x100x64xf32, #tpu.memory_space<vmem>>, vector<1x1x1x16xf32>,
        %scan3A_708 = arith.constant 1 : i32
        %scan3A_709 = arith.addi %scan3A_637, %scan3A_708 : i32
        %mul3A_710 = arith.constant 64 : i32
        %mul3A_711 = arith.muli %scan3A_709, %mul3A_710 : i32
        %add3A_712 = arith.constant 0 : i32
        %add3A_713 = arith.addi %add3A_712, %mul3A_711 : i32
        %add3A_714 = arith.constant 0 : i32
        %add3A_715 = arith.addi %add3A_713, %add3A_714 : i32
        %get3A_716 = arith.index_cast %add3A_715 : i32 to index
        %get3A_717 = tpu.vector_load %arg8[%get3A_716] {strides = array<i32>} : memref<12800xf32, #tpu.memory_space<vmem>>, vector<16xf32>,
        %get3A_718 = vector.shape_cast %get3A_717 : vector<16xf32> to vector<16xf32>
        %swap3A_719 = arith.constant 1 : i32
        %swap3A_720 = arith.constant 2 : i32
        %swap3A_721 = arith.index_cast %swap3A_719 : i32 to index
        %swap3A_722 = arith.index_cast %swap3A_720 : i32 to index
        %swap3A_723 = arith.index_cast %scan3A_709 : i32 to index
        %swap3A_724 = arith.constant 0 : index
        %swap3A_725 = tpu.vector_load %arg7[%swap3A_721, %swap3A_722, %swap3A_723, %swap3A_724] {strides = array<i32>} : memref<2x4x100x64xf32, #tpu.memory_space<vmem>>, vector<1x1x1x16xf32>,
        %swap3A_726 = vector.shape_cast %swap3A_725 : vector<1x1x1x16xf32> to vector<16xf32>
        %swap3A_727 = vector.shape_cast %get3A_718 : vector<16xf32> to vector<1x1x1x16xf32>
        tpu.vector_store %arg7[%swap3A_721, %swap3A_722, %swap3A_723, %swap3A_724], %swap3A_727 {add = true, strides = array<i32>} : memref<2x4x100x64xf32, #tpu.memory_space<vmem>>, vector<1x1x1x16xf32>,
        %mul3A_728 = arith.constant 64 : i32
        %mul3A_729 = arith.muli %scan3A_709, %mul3A_728 : i32
        %add3A_730 = arith.constant 0 : i32
        %add3A_731 = arith.addi %add3A_730, %mul3A_729 : i32
        %add3A_732 = arith.constant 16 : i32
        %add3A_733 = arith.addi %add3A_731, %add3A_732 : i32
        %get3A_734 = arith.index_cast %add3A_733 : i32 to index
        %get3A_735 = tpu.vector_load %arg8[%get3A_734] {strides = array<i32>} : memref<12800xf32, #tpu.memory_space<vmem>>, vector<16xf32>,
        %get3A_736 = vector.shape_cast %get3A_735 : vector<16xf32> to vector<16xf32>
        %swap3A_737 = arith.constant 1 : i32
        %swap3A_738 = arith.constant 2 : i32
        %swap3A_739 = arith.index_cast %swap3A_737 : i32 to index
        %swap3A_740 = arith.index_cast %swap3A_738 : i32 to index
        %swap3A_741 = arith.index_cast %scan3A_709 : i32 to index
        %swap3A_742 = arith.constant 16 : index
        %swap3A_743 = tpu.vector_load %arg7[%swap3A_739, %swap3A_740, %swap3A_741, %swap3A_742] {strides = array<i32>} : memref<2x4x100x64xf32, #tpu.memory_space<vmem>>, vector<1x1x1x16xf32>,
        %swap3A_744 = vector.shape_cast %swap3A_743 : vector<1x1x1x16xf32> to vector<16xf32>
        %swap3A_745 = vector.shape_cast %get3A_736 : vector<16xf32> to vector<1x1x1x16xf32>
        tpu.vector_store %arg7[%swap3A_739, %swap3A_740, %swap3A_741, %swap3A_742], %swap3A_745 {add = true, strides = array<i32>} : memref<2x4x100x64xf32, #tpu.memory_space<vmem>>, vector<1x1x1x16xf32>,
        %mul3A_746 = arith.constant 64 : i32
        %mul3A_747 = arith.muli %scan3A_709, %mul3A_746 : i32
        %add3A_748 = arith.constant 0 : i32
        %add3A_749 = arith.addi %add3A_748, %mul3A_747 : i32
        %add3A_750 = arith.constant 32 : i32
        %add3A_751 = arith.addi %add3A_749, %add3A_750 : i32
        %get3A_752 = arith.index_cast %add3A_751 : i32 to index
        %get3A_753 = tpu.vector_load %arg8[%get3A_752] {strides = array<i32>} : memref<12800xf32, #tpu.memory_space<vmem>>, vector<16xf32>,
        %get3A_754 = vector.shape_cast %get3A_753 : vector<16xf32> to vector<16xf32>
        %swap3A_755 = arith.constant 1 : i32
        %swap3A_756 = arith.constant 2 : i32
        %swap3A_757 = arith.index_cast %swap3A_755 : i32 to index
        %swap3A_758 = arith.index_cast %swap3A_756 : i32 to index
        %swap3A_759 = arith.index_cast %scan3A_709 : i32 to index
        %swap3A_760 = arith.constant 32 : index
        %swap3A_761 = tpu.vector_load %arg7[%swap3A_757, %swap3A_758, %swap3A_759, %swap3A_760] {strides = array<i32>} : memref<2x4x100x64xf32, #tpu.memory_space<vmem>>, vector<1x1x1x16xf32>,
        %swap3A_762 = vector.shape_cast %swap3A_761 : vector<1x1x1x16xf32> to vector<16xf32>
        %swap3A_763 = vector.shape_cast %get3A_754 : vector<16xf32> to vector<1x1x1x16xf32>
        tpu.vector_store %arg7[%swap3A_757, %swap3A_758, %swap3A_759, %swap3A_760], %swap3A_763 {add = true, strides = array<i32>} : memref<2x4x100x64xf32, #tpu.memory_space<vmem>>, vector<1x1x1x16xf32>,
        %mul3A_764 = arith.constant 64 : i32
        %mul3A_765 = arith.muli %scan3A_709, %mul3A_764 : i32
        %add3A_766 = arith.constant 0 : i32
        %add3A_767 = arith.addi %add3A_766, %mul3A_765 : i32
        %add3A_768 = arith.constant 48 : i32
        %add3A_769 = arith.addi %add3A_767, %add3A_768 : i32
        %get3A_770 = arith.index_cast %add3A_769 : i32 to index
        %get3A_771 = tpu.vector_load %arg8[%get3A_770] {strides = array<i32>} : memref<12800xf32, #tpu.memory_space<vmem>>, vector<16xf32>,
        %get3A_772 = vector.shape_cast %get3A_771 : vector<16xf32> to vector<16xf32>
        %swap3A_773 = arith.constant 1 : i32
        %swap3A_774 = arith.constant 2 : i32
        %swap3A_775 = arith.index_cast %swap3A_773 : i32 to index
        %swap3A_776 = arith.index_cast %swap3A_774 : i32 to index
        %swap3A_777 = arith.index_cast %scan3A_709 : i32 to index
        %swap3A_778 = arith.constant 48 : index
        %swap3A_779 = tpu.vector_load %arg7[%swap3A_775, %swap3A_776, %swap3A_777, %swap3A_778] {strides = array<i32>} : memref<2x4x100x64xf32, #tpu.memory_space<vmem>>, vector<1x1x1x16xf32>,
        %swap3A_780 = vector.shape_cast %swap3A_779 : vector<1x1x1x16xf32> to vector<16xf32>
        %swap3A_781 = vector.shape_cast %get3A_772 : vector<16xf32> to vector<1x1x1x16xf32>
        tpu.vector_store %arg7[%swap3A_775, %swap3A_776, %swap3A_777, %swap3A_778], %swap3A_781 {add = true, strides = array<i32>} : memref<2x4x100x64xf32, #tpu.memory_space<vmem>>, vector<1x1x1x16xf32>,
        %scan3A_782 = arith.constant 2 : i32
        %scan3A_783 = arith.addi %scan3A_637, %scan3A_782 : i32
        %mul3A_784 = arith.constant 64 : i32
        %mul3A_785 = arith.muli %scan3A_783, %mul3A_784 : i32
        %add3A_786 = arith.constant 0 : i32
        %add3A_787 = arith.addi %add3A_786, %mul3A_785 : i32
        %add3A_788 = arith.constant 0 : i32
        %add3A_789 = arith.addi %add3A_787, %add3A_788 : i32
        %get3A_790 = arith.index_cast %add3A_789 : i32 to index
        %get3A_791 = tpu.vector_load %arg8[%get3A_790] {strides = array<i32>} : memref<12800xf32, #tpu.memory_space<vmem>>, vector<16xf32>,
        %get3A_792 = vector.shape_cast %get3A_791 : vector<16xf32> to vector<16xf32>
        %swap3A_793 = arith.constant 1 : i32
        %swap3A_794 = arith.constant 2 : i32
        %swap3A_795 = arith.index_cast %swap3A_793 : i32 to index
        %swap3A_796 = arith.index_cast %swap3A_794 : i32 to index
        %swap3A_797 = arith.index_cast %scan3A_783 : i32 to index
        %swap3A_798 = arith.constant 0 : index
        %swap3A_799 = tpu.vector_load %arg7[%swap3A_795, %swap3A_796, %swap3A_797, %swap3A_798] {strides = array<i32>} : memref<2x4x100x64xf32, #tpu.memory_space<vmem>>, vector<1x1x1x16xf32>,
        %swap3A_800 = vector.shape_cast %swap3A_799 : vector<1x1x1x16xf32> to vector<16xf32>
        %swap3A_801 = vector.shape_cast %get3A_792 : vector<16xf32> to vector<1x1x1x16xf32>
        tpu.vector_store %arg7[%swap3A_795, %swap3A_796, %swap3A_797, %swap3A_798], %swap3A_801 {add = true, strides = array<i32>} : memref<2x4x100x64xf32, #tpu.memory_space<vmem>>, vector<1x1x1x16xf32>,
        %mul3A_802 = arith.constant 64 : i32
        %mul3A_803 = arith.muli %scan3A_783, %mul3A_802 : i32
        %add3A_804 = arith.constant 0 : i32
        %add3A_805 = arith.addi %add3A_804, %mul3A_803 : i32
        %add3A_806 = arith.constant 16 : i32
        %add3A_807 = arith.addi %add3A_805, %add3A_806 : i32
        %get3A_808 = arith.index_cast %add3A_807 : i32 to index
        %get3A_809 = tpu.vector_load %arg8[%get3A_808] {strides = array<i32>} : memref<12800xf32, #tpu.memory_space<vmem>>, vector<16xf32>,
        %get3A_810 = vector.shape_cast %get3A_809 : vector<16xf32> to vector<16xf32>
        %swap3A_811 = arith.constant 1 : i32
        %swap3A_812 = arith.constant 2 : i32
        %swap3A_813 = arith.index_cast %swap3A_811 : i32 to index
        %swap3A_814 = arith.index_cast %swap3A_812 : i32 to index
        %swap3A_815 = arith.index_cast %scan3A_783 : i32 to index
        %swap3A_816 = arith.constant 16 : index
        %swap3A_817 = tpu.vector_load %arg7[%swap3A_813, %swap3A_814, %swap3A_815, %swap3A_816] {strides = array<i32>} : memref<2x4x100x64xf32, #tpu.memory_space<vmem>>, vector<1x1x1x16xf32>,
        %swap3A_818 = vector.shape_cast %swap3A_817 : vector<1x1x1x16xf32> to vector<16xf32>
        %swap3A_819 = vector.shape_cast %get3A_810 : vector<16xf32> to vector<1x1x1x16xf32>
        tpu.vector_store %arg7[%swap3A_813, %swap3A_814, %swap3A_815, %swap3A_816], %swap3A_819 {add = true, strides = array<i32>} : memref<2x4x100x64xf32, #tpu.memory_space<vmem>>, vector<1x1x1x16xf32>,
        %mul3A_820 = arith.constant 64 : i32
        %mul3A_821 = arith.muli %scan3A_783, %mul3A_820 : i32
        %add3A_822 = arith.constant 0 : i32
        %add3A_823 = arith.addi %add3A_822, %mul3A_821 : i32
        %add3A_824 = arith.constant 32 : i32
        %add3A_825 = arith.addi %add3A_823, %add3A_824 : i32
        %get3A_826 = arith.index_cast %add3A_825 : i32 to index
        %get3A_827 = tpu.vector_load %arg8[%get3A_826] {strides = array<i32>} : memref<12800xf32, #tpu.memory_space<vmem>>, vector<16xf32>,
        %get3A_828 = vector.shape_cast %get3A_827 : vector<16xf32> to vector<16xf32>
        %swap3A_829 = arith.constant 1 : i32
        %swap3A_830 = arith.constant 2 : i32
        %swap3A_831 = arith.index_cast %swap3A_829 : i32 to index
        %swap3A_832 = arith.index_cast %swap3A_830 : i32 to index
        %swap3A_833 = arith.index_cast %scan3A_783 : i32 to index
        %swap3A_834 = arith.constant 32 : index
        %swap3A_835 = tpu.vector_load %arg7[%swap3A_831, %swap3A_832, %swap3A_833, %swap3A_834] {strides = array<i32>} : memref<2x4x100x64xf32, #tpu.memory_space<vmem>>, vector<1x1x1x16xf32>,
        %swap3A_836 = vector.shape_cast %swap3A_835 : vector<1x1x1x16xf32> to vector<16xf32>
        %swap3A_837 = vector.shape_cast %get3A_828 : vector<16xf32> to vector<1x1x1x16xf32>
        tpu.vector_store %arg7[%swap3A_831, %swap3A_832, %swap3A_833, %swap3A_834], %swap3A_837 {add = true, strides = array<i32>} : memref<2x4x100x64xf32, #tpu.memory_space<vmem>>, vector<1x1x1x16xf32>,
        %mul3A_838 = arith.constant 64 : i32
        %mul3A_839 = arith.muli %scan3A_783, %mul3A_838 : i32
        %add3A_840 = arith.constant 0 : i32
        %add3A_841 = arith.addi %add3A_840, %mul3A_839 : i32
        %add3A_842 = arith.constant 48 : i32
        %add3A_843 = arith.addi %add3A_841, %add3A_842 : i32
        %get3A_844 = arith.index_cast %add3A_843 : i32 to index
        %get3A_845 = tpu.vector_load %arg8[%get3A_844] {strides = array<i32>} : memref<12800xf32, #tpu.memory_space<vmem>>, vector<16xf32>,
        %get3A_846 = vector.shape_cast %get3A_845 : vector<16xf32> to vector<16xf32>
        %swap3A_847 = arith.constant 1 : i32
        %swap3A_848 = arith.constant 2 : i32
        %swap3A_849 = arith.index_cast %swap3A_847 : i32 to index
        %swap3A_850 = arith.index_cast %swap3A_848 : i32 to index
        %swap3A_851 = arith.index_cast %scan3A_783 : i32 to index
        %swap3A_852 = arith.constant 48 : index
        %swap3A_853 = tpu.vector_load %arg7[%swap3A_849, %swap3A_850, %swap3A_851, %swap3A_852] {strides = array<i32>} : memref<2x4x100x64xf32, #tpu.memory_space<vmem>>, vector<1x1x1x16xf32>,
        %swap3A_854 = vector.shape_cast %swap3A_853 : vector<1x1x1x16xf32> to vector<16xf32>
        %swap3A_855 = vector.shape_cast %get3A_846 : vector<16xf32> to vector<1x1x1x16xf32>
        tpu.vector_store %arg7[%swap3A_849, %swap3A_850, %swap3A_851, %swap3A_852], %swap3A_855 {add = true, strides = array<i32>} : memref<2x4x100x64xf32, #tpu.memory_space<vmem>>, vector<1x1x1x16xf32>,
        %scan3A_856 = arith.constant 3 : i32
        %scan3A_857 = arith.addi %scan3A_637, %scan3A_856 : i32
        %mul3A_858 = arith.constant 64 : i32
        %mul3A_859 = arith.muli %scan3A_857, %mul3A_858 : i32
        %add3A_860 = arith.constant 0 : i32
        %add3A_861 = arith.addi %add3A_860, %mul3A_859 : i32
        %add3A_862 = arith.constant 0 : i32
        %add3A_863 = arith.addi %add3A_861, %add3A_862 : i32
        %get3A_864 = arith.index_cast %add3A_863 : i32 to index
        %get3A_865 = tpu.vector_load %arg8[%get3A_864] {strides = array<i32>} : memref<12800xf32, #tpu.memory_space<vmem>>, vector<16xf32>,
        %get3A_866 = vector.shape_cast %get3A_865 : vector<16xf32> to vector<16xf32>
        %swap3A_867 = arith.constant 1 : i32
        %swap3A_868 = arith.constant 2 : i32
        %swap3A_869 = arith.index_cast %swap3A_867 : i32 to index
        %swap3A_870 = arith.index_cast %swap3A_868 : i32 to index
        %swap3A_871 = arith.index_cast %scan3A_857 : i32 to index
        %swap3A_872 = arith.constant 0 : index
        %swap3A_873 = tpu.vector_load %arg7[%swap3A_869, %swap3A_870, %swap3A_871, %swap3A_872] {strides = array<i32>} : memref<2x4x100x64xf32, #tpu.memory_space<vmem>>, vector<1x1x1x16xf32>,
        %swap3A_874 = vector.shape_cast %swap3A_873 : vector<1x1x1x16xf32> to vector<16xf32>
        %swap3A_875 = vector.shape_cast %get3A_866 : vector<16xf32> to vector<1x1x1x16xf32>
        tpu.vector_store %arg7[%swap3A_869, %swap3A_870, %swap3A_871, %swap3A_872], %swap3A_875 {add = true, strides = array<i32>} : memref<2x4x100x64xf32, #tpu.memory_space<vmem>>, vector<1x1x1x16xf32>,
        %mul3A_876 = arith.constant 64 : i32
        %mul3A_877 = arith.muli %scan3A_857, %mul3A_876 : i32
        %add3A_878 = arith.constant 0 : i32
        %add3A_879 = arith.addi %add3A_878, %mul3A_877 : i32
        %add3A_880 = arith.constant 16 : i32
        %add3A_881 = arith.addi %add3A_879, %add3A_880 : i32
        %get3A_882 = arith.index_cast %add3A_881 : i32 to index
        %get3A_883 = tpu.vector_load %arg8[%get3A_882] {strides = array<i32>} : memref<12800xf32, #tpu.memory_space<vmem>>, vector<16xf32>,
        %get3A_884 = vector.shape_cast %get3A_883 : vector<16xf32> to vector<16xf32>
        %swap3A_885 = arith.constant 1 : i32
        %swap3A_886 = arith.constant 2 : i32
        %swap3A_887 = arith.index_cast %swap3A_885 : i32 to index
        %swap3A_888 = arith.index_cast %swap3A_886 : i32 to index
        %swap3A_889 = arith.index_cast %scan3A_857 : i32 to index
        %swap3A_890 = arith.constant 16 : index
        %swap3A_891 = tpu.vector_load %arg7[%swap3A_887, %swap3A_888, %swap3A_889, %swap3A_890] {strides = array<i32>} : memref<2x4x100x64xf32, #tpu.memory_space<vmem>>, vector<1x1x1x16xf32>,
        %swap3A_892 = vector.shape_cast %swap3A_891 : vector<1x1x1x16xf32> to vector<16xf32>
        %swap3A_893 = vector.shape_cast %get3A_884 : vector<16xf32> to vector<1x1x1x16xf32>
        tpu.vector_store %arg7[%swap3A_887, %swap3A_888, %swap3A_889, %swap3A_890], %swap3A_893 {add = true, strides = array<i32>} : memref<2x4x100x64xf32, #tpu.memory_space<vmem>>, vector<1x1x1x16xf32>,
        %mul3A_894 = arith.constant 64 : i32
        %mul3A_895 = arith.muli %scan3A_857, %mul3A_894 : i32
        %add3A_896 = arith.constant 0 : i32
        %add3A_897 = arith.addi %add3A_896, %mul3A_895 : i32
        %add3A_898 = arith.constant 32 : i32
        %add3A_899 = arith.addi %add3A_897, %add3A_898 : i32
        %get3A_900 = arith.index_cast %add3A_899 : i32 to index
        %get3A_901 = tpu.vector_load %arg8[%get3A_900] {strides = array<i32>} : memref<12800xf32, #tpu.memory_space<vmem>>, vector<16xf32>,
        %get3A_902 = vector.shape_cast %get3A_901 : vector<16xf32> to vector<16xf32>
        %swap3A_903 = arith.constant 1 : i32
        %swap3A_904 = arith.constant 2 : i32
        %swap3A_905 = arith.index_cast %swap3A_903 : i32 to index
        %swap3A_906 = arith.index_cast %swap3A_904 : i32 to index
        %swap3A_907 = arith.index_cast %scan3A_857 : i32 to index
        %swap3A_908 = arith.constant 32 : index
        %swap3A_909 = tpu.vector_load %arg7[%swap3A_905, %swap3A_906, %swap3A_907, %swap3A_908] {strides = array<i32>} : memref<2x4x100x64xf32, #tpu.memory_space<vmem>>, vector<1x1x1x16xf32>,
        %swap3A_910 = vector.shape_cast %swap3A_909 : vector<1x1x1x16xf32> to vector<16xf32>
        %swap3A_911 = vector.shape_cast %get3A_902 : vector<16xf32> to vector<1x1x1x16xf32>
        tpu.vector_store %arg7[%swap3A_905, %swap3A_906, %swap3A_907, %swap3A_908], %swap3A_911 {add = true, strides = array<i32>} : memref<2x4x100x64xf32, #tpu.memory_space<vmem>>, vector<1x1x1x16xf32>,
        %mul3A_912 = arith.constant 64 : i32
        %mul3A_913 = arith.muli %scan3A_857, %mul3A_912 : i32
        %add3A_914 = arith.constant 0 : i32
        %add3A_915 = arith.addi %add3A_914, %mul3A_913 : i32
        %add3A_916 = arith.constant 48 : i32
        %add3A_917 = arith.addi %add3A_915, %add3A_916 : i32
        %get3A_918 = arith.index_cast %add3A_917 : i32 to index
        %get3A_919 = tpu.vector_load %arg8[%get3A_918] {strides = array<i32>} : memref<12800xf32, #tpu.memory_space<vmem>>, vector<16xf32>,
        %get3A_920 = vector.shape_cast %get3A_919 : vector<16xf32> to vector<16xf32>
        %swap3A_921 = arith.constant 1 : i32
        %swap3A_922 = arith.constant 2 : i32
        %swap3A_923 = arith.index_cast %swap3A_921 : i32 to index
        %swap3A_924 = arith.index_cast %swap3A_922 : i32 to index
        %swap3A_925 = arith.index_cast %scan3A_857 : i32 to index
        %swap3A_926 = arith.constant 48 : index
        %swap3A_927 = tpu.vector_load %arg7[%swap3A_923, %swap3A_924, %swap3A_925, %swap3A_926] {strides = array<i32>} : memref<2x4x100x64xf32, #tpu.memory_space<vmem>>, vector<1x1x1x16xf32>,
        %swap3A_928 = vector.shape_cast %swap3A_927 : vector<1x1x1x16xf32> to vector<16xf32>
        %swap3A_929 = vector.shape_cast %get3A_920 : vector<16xf32> to vector<1x1x1x16xf32>
        tpu.vector_store %arg7[%swap3A_923, %swap3A_924, %swap3A_925, %swap3A_926], %swap3A_929 {add = true, strides = array<i32>} : memref<2x4x100x64xf32, #tpu.memory_space<vmem>>, vector<1x1x1x16xf32>,
      }
      %scan3A_590 = arith.constant 100 : i32
      %add3A_591 = arith.constant 2 : i32
      %add3A_592 = arith.addi %add3A_532, %add3A_591 : i32
      %dma_start3A_593 = arith.constant 1 : i32
      %dma_start3A_594 = arith.constant 2 : i32
      %dma_start3A_595 = arith.constant 0 : i32
      %dma_start3A_596 = arith.constant 0 : i32
      %dma_start3A_597 = tpu.memref_slice %arg7[%dma_start3A_593, %dma_start3A_594, %dma_start3A_595, %dma_start3A_596] : memref<2x4x100x64xf32, #tpu.memory_space<vmem>> -> memref<1x1x100x64xf32, #tpu.memory_space<vmem>>
      %dma_start3A_598 = tpu.memref_squeeze %dma_start3A_597 : memref<1x1x100x64xf32, #tpu.memory_space<vmem>> -> memref<100x64xf32, #tpu.memory_space<vmem>>
      %dma_start3A_599 = arith.constant 0 : i32
      %dma_start3A_600 = arith.constant 0 : i32
      %dma_start3A_601 = tpu.memref_slice %arg5[%add3A_592, %dma_start3A_599, %dma_start3A_600] : memref<8192x100x64xf32, #tpu.memory_space<hbm>> -> memref<1x100x64xf32, #tpu.memory_space<hbm>>
      %dma_start3A_602 = tpu.memref_squeeze %dma_start3A_601 : memref<1x100x64xf32, #tpu.memory_space<hbm>> -> memref<100x64xf32, #tpu.memory_space<hbm>>
      %dma_start3A_603 = arith.constant 0 : i32
      %dma_start3A_604 = arith.constant 0 : i32
      %dma_start3A_605 = tpu.memref_slice %arg5[%add3A_592, %dma_start3A_603, %dma_start3A_604] : memref<8192x100x64xf32, #tpu.memory_space<hbm>> -> memref<1x100x64xf32, #tpu.memory_space<hbm>>
      %dma_start3A_606 = tpu.memref_squeeze %dma_start3A_605 : memref<1x100x64xf32, #tpu.memory_space<hbm>> -> memref<100x64xf32, #tpu.memory_space<hbm>>
      %dma_start3A_607 = arith.constant 0 : i32
      %dma_start3A_608 = arith.constant 0 : i32
      %dma_start3A_609 = tpu.memref_slice %arg7[%dma_start3A_593, %dma_start3A_594, %dma_start3A_607, %dma_start3A_608] : memref<2x4x100x64xf32, #tpu.memory_space<vmem>> -> memref<1x1x100x64xf32, #tpu.memory_space<vmem>>
      %dma_start3A_610 = tpu.memref_squeeze %dma_start3A_609 : memref<1x1x100x64xf32, #tpu.memory_space<vmem>> -> memref<100x64xf32, #tpu.memory_space<vmem>>
      tpu.enqueue_dma source(%dma_start3A_610 : memref<100x64xf32, #tpu.memory_space<vmem>>) target(%dma_start3A_606 : memref<100x64xf32, #tpu.memory_space<hbm>>) target_semaphore(%arg12 : memref<!tpu.dma_semaphore, #tpu.memory_space<semaphore_mem>>)
      %scan3A_611 = arith.constant 0 : i32
      %scan3A_612 = arith.constant 0 : i32
      %scan3A_613 = arith.constant 100 : i32
      %scan3A_614 = arith.addi %scan3A_612, %scan3A_613 : i32
      %scan3A_615 = arith.constant 4 : i32
      scf.for %scan3A_637 = %scan3A_612 to %scan3A_614 step %scan3A_615  : i32 {
        %mul3A_638 = arith.constant 64 : i32
        %mul3A_639 = arith.muli %scan3A_637, %mul3A_638 : i32
        %add3A_640 = arith.constant 6400 : i32
        %add3A_641 = arith.addi %add3A_640, %mul3A_639 : i32
        %add3A_642 = arith.constant 0 : i32
        %add3A_643 = arith.addi %add3A_641, %add3A_642 : i32
        %get3A = arith.index_cast %add3A_643 : i32 to index
        %get3A_644 = tpu.vector_load %arg8[%get3A] {strides = array<i32>} : memref<12800xf32, #tpu.memory_space<vmem>>, vector<16xf32>,
        %get3A_645 = vector.shape_cast %get3A_644 : vector<16xf32> to vector<16xf32>
        %swap3A = arith.constant 1 : i32
        %swap3A_646 = arith.constant 3 : i32
        %swap3A_647 = arith.index_cast %swap3A : i32 to index
        %swap3A_648 = arith.index_cast %swap3A_646 : i32 to index
        %swap3A_649 = arith.index_cast %scan3A_637 : i32 to index
        %swap3A_650 = arith.constant 0 : index
        %swap3A_651 = tpu.vector_load %arg7[%swap3A_647, %swap3A_648, %swap3A_649, %swap3A_650] {strides = array<i32>} : memref<2x4x100x64xf32, #tpu.memory_space<vmem>>, vector<1x1x1x16xf32>,
        %swap3A_652 = vector.shape_cast %swap3A_651 : vector<1x1x1x16xf32> to vector<16xf32>
        %swap3A_653 = vector.shape_cast %get3A_645 : vector<16xf32> to vector<1x1x1x16xf32>
        tpu.vector_store %arg7[%swap3A_647, %swap3A_648, %swap3A_649, %swap3A_650], %swap3A_653 {add = true, strides = array<i32>} : memref<2x4x100x64xf32, #tpu.memory_space<vmem>>, vector<1x1x1x16xf32>,
        %mul3A_654 = arith.constant 64 : i32
        %mul3A_655 = arith.muli %scan3A_637, %mul3A_654 : i32
        %add3A_656 = arith.constant 6400 : i32
        %add3A_657 = arith.addi %add3A_656, %mul3A_655 : i32
        %add3A_658 = arith.constant 16 : i32
        %add3A_659 = arith.addi %add3A_657, %add3A_658 : i32
        %get3A_660 = arith.index_cast %add3A_659 : i32 to index
        %get3A_661 = tpu.vector_load %arg8[%get3A_660] {strides = array<i32>} : memref<12800xf32, #tpu.memory_space<vmem>>, vector<16xf32>,
        %get3A_662 = vector.shape_cast %get3A_661 : vector<16xf32> to vector<16xf32>
        %swap3A_663 = arith.constant 1 : i32
        %swap3A_664 = arith.constant 3 : i32
        %swap3A_665 = arith.index_cast %swap3A_663 : i32 to index
        %swap3A_666 = arith.index_cast %swap3A_664 : i32 to index
        %swap3A_667 = arith.index_cast %scan3A_637 : i32 to index
        %swap3A_668 = arith.constant 16 : index
        %swap3A_669 = tpu.vector_load %arg7[%swap3A_665, %swap3A_666, %swap3A_667, %swap3A_668] {strides = array<i32>} : memref<2x4x100x64xf32, #tpu.memory_space<vmem>>, vector<1x1x1x16xf32>,
        %swap3A_670 = vector.shape_cast %swap3A_669 : vector<1x1x1x16xf32> to vector<16xf32>
        %swap3A_671 = vector.shape_cast %get3A_662 : vector<16xf32> to vector<1x1x1x16xf32>
        tpu.vector_store %arg7[%swap3A_665, %swap3A_666, %swap3A_667, %swap3A_668], %swap3A_671 {add = true, strides = array<i32>} : memref<2x4x100x64xf32, #tpu.memory_space<vmem>>, vector<1x1x1x16xf32>,
        %mul3A_672 = arith.constant 64 : i32
        %mul3A_673 = arith.muli %scan3A_637, %mul3A_672 : i32
        %add3A_674 = arith.constant 6400 : i32
        %add3A_675 = arith.addi %add3A_674, %mul3A_673 : i32
        %add3A_676 = arith.constant 32 : i32
        %add3A_677 = arith.addi %add3A_675, %add3A_676 : i32
        %get3A_678 = arith.index_cast %add3A_677 : i32 to index
        %get3A_679 = tpu.vector_load %arg8[%get3A_678] {strides = array<i32>} : memref<12800xf32, #tpu.memory_space<vmem>>, vector<16xf32>,
        %get3A_680 = vector.shape_cast %get3A_679 : vector<16xf32> to vector<16xf32>
        %swap3A_681 = arith.constant 1 : i32
        %swap3A_682 = arith.constant 3 : i32
        %swap3A_683 = arith.index_cast %swap3A_681 : i32 to index
        %swap3A_684 = arith.index_cast %swap3A_682 : i32 to index
        %swap3A_685 = arith.index_cast %scan3A_637 : i32 to index
        %swap3A_686 = arith.constant 32 : index
        %swap3A_687 = tpu.vector_load %arg7[%swap3A_683, %swap3A_684, %swap3A_685, %swap3A_686] {strides = array<i32>} : memref<2x4x100x64xf32, #tpu.memory_space<vmem>>, vector<1x1x1x16xf32>,
        %swap3A_688 = vector.shape_cast %swap3A_687 : vector<1x1x1x16xf32> to vector<16xf32>
        %swap3A_689 = vector.shape_cast %get3A_680 : vector<16xf32> to vector<1x1x1x16xf32>
        tpu.vector_store %arg7[%swap3A_683, %swap3A_684, %swap3A_685, %swap3A_686], %swap3A_689 {add = true, strides = array<i32>} : memref<2x4x100x64xf32, #tpu.memory_space<vmem>>, vector<1x1x1x16xf32>,
        %mul3A_690 = arith.constant 64 : i32
        %mul3A_691 = arith.muli %scan3A_637, %mul3A_690 : i32
        %add3A_692 = arith.constant 6400 : i32
        %add3A_693 = arith.addi %add3A_692, %mul3A_691 : i32
        %add3A_694 = arith.constant 48 : i32
        %add3A_695 = arith.addi %add3A_693, %add3A_694 : i32
        %get3A_696 = arith.index_cast %add3A_695 : i32 to index
        %get3A_697 = tpu.vector_load %arg8[%get3A_696] {strides = array<i32>} : memref<12800xf32, #tpu.memory_space<vmem>>, vector<16xf32>,
        %get3A_698 = vector.shape_cast %get3A_697 : vector<16xf32> to vector<16xf32>
        %swap3A_699 = arith.constant 1 : i32
        %swap3A_700 = arith.constant 3 : i32
        %swap3A_701 = arith.index_cast %swap3A_699 : i32 to index
        %swap3A_702 = arith.index_cast %swap3A_700 : i32 to index
        %swap3A_703 = arith.index_cast %scan3A_637 : i32 to index
        %swap3A_704 = arith.constant 48 : index
        %swap3A_705 = tpu.vector_load %arg7[%swap3A_701, %swap3A_702, %swap3A_703, %swap3A_704] {strides = array<i32>} : memref<2x4x100x64xf32, #tpu.memory_space<vmem>>, vector<1x1x1x16xf32>,
        %swap3A_706 = vector.shape_cast %swap3A_705 : vector<1x1x1x16xf32> to vector<16xf32>
        %swap3A_707 = vector.shape_cast %get3A_698 : vector<16xf32> to vector<1x1x1x16xf32>
        tpu.vector_store %arg7[%swap3A_701, %swap3A_702, %swap3A_703, %swap3A_704], %swap3A_707 {add = true, strides = array<i32>} : memref<2x4x100x64xf32, #tpu.memory_space<vmem>>, vector<1x1x1x16xf32>,
        %scan3A_708 = arith.constant 1 : i32
        %scan3A_709 = arith.addi %scan3A_637, %scan3A_708 : i32
        %mul3A_710 = arith.constant 64 : i32
        %mul3A_711 = arith.muli %scan3A_709, %mul3A_710 : i32
        %add3A_712 = arith.constant 6400 : i32
        %add3A_713 = arith.addi %add3A_712, %mul3A_711 : i32
        %add3A_714 = arith.constant 0 : i32
        %add3A_715 = arith.addi %add3A_713, %add3A_714 : i32
        %get3A_716 = arith.index_cast %add3A_715 : i32 to index
        %get3A_717 = tpu.vector_load %arg8[%get3A_716] {strides = array<i32>} : memref<12800xf32, #tpu.memory_space<vmem>>, vector<16xf32>,
        %get3A_718 = vector.shape_cast %get3A_717 : vector<16xf32> to vector<16xf32>
        %swap3A_719 = arith.constant 1 : i32
        %swap3A_720 = arith.constant 3 : i32
        %swap3A_721 = arith.index_cast %swap3A_719 : i32 to index
        %swap3A_722 = arith.index_cast %swap3A_720 : i32 to index
        %swap3A_723 = arith.index_cast %scan3A_709 : i32 to index
        %swap3A_724 = arith.constant 0 : index
        %swap3A_725 = tpu.vector_load %arg7[%swap3A_721, %swap3A_722, %swap3A_723, %swap3A_724] {strides = array<i32>} : memref<2x4x100x64xf32, #tpu.memory_space<vmem>>, vector<1x1x1x16xf32>,
        %swap3A_726 = vector.shape_cast %swap3A_725 : vector<1x1x1x16xf32> to vector<16xf32>
        %swap3A_727 = vector.shape_cast %get3A_718 : vector<16xf32> to vector<1x1x1x16xf32>
        tpu.vector_store %arg7[%swap3A_721, %swap3A_722, %swap3A_723, %swap3A_724], %swap3A_727 {add = true, strides = array<i32>} : memref<2x4x100x64xf32, #tpu.memory_space<vmem>>, vector<1x1x1x16xf32>,
        %mul3A_728 = arith.constant 64 : i32
        %mul3A_729 = arith.muli %scan3A_709, %mul3A_728 : i32
        %add3A_730 = arith.constant 6400 : i32
        %add3A_731 = arith.addi %add3A_730, %mul3A_729 : i32
        %add3A_732 = arith.constant 16 : i32
        %add3A_733 = arith.addi %add3A_731, %add3A_732 : i32
        %get3A_734 = arith.index_cast %add3A_733 : i32 to index
        %get3A_735 = tpu.vector_load %arg8[%get3A_734] {strides = array<i32>} : memref<12800xf32, #tpu.memory_space<vmem>>, vector<16xf32>,
        %get3A_736 = vector.shape_cast %get3A_735 : vector<16xf32> to vector<16xf32>
        %swap3A_737 = arith.constant 1 : i32
        %swap3A_738 = arith.constant 3 : i32
        %swap3A_739 = arith.index_cast %swap3A_737 : i32 to index
        %swap3A_740 = arith.index_cast %swap3A_738 : i32 to index
        %swap3A_741 = arith.index_cast %scan3A_709 : i32 to index
        %swap3A_742 = arith.constant 16 : index
        %swap3A_743 = tpu.vector_load %arg7[%swap3A_739, %swap3A_740, %swap3A_741, %swap3A_742] {strides = array<i32>} : memref<2x4x100x64xf32, #tpu.memory_space<vmem>>, vector<1x1x1x16xf32>,
        %swap3A_744 = vector.shape_cast %swap3A_743 : vector<1x1x1x16xf32> to vector<16xf32>
        %swap3A_745 = vector.shape_cast %get3A_736 : vector<16xf32> to vector<1x1x1x16xf32>
        tpu.vector_store %arg7[%swap3A_739, %swap3A_740, %swap3A_741, %swap3A_742], %swap3A_745 {add = true, strides = array<i32>} : memref<2x4x100x64xf32, #tpu.memory_space<vmem>>, vector<1x1x1x16xf32>,
        %mul3A_746 = arith.constant 64 : i32
        %mul3A_747 = arith.muli %scan3A_709, %mul3A_746 : i32
        %add3A_748 = arith.constant 6400 : i32
        %add3A_749 = arith.addi %add3A_748, %mul3A_747 : i32
        %add3A_750 = arith.constant 32 : i32
        %add3A_751 = arith.addi %add3A_749, %add3A_750 : i32
        %get3A_752 = arith.index_cast %add3A_751 : i32 to index
        %get3A_753 = tpu.vector_load %arg8[%get3A_752] {strides = array<i32>} : memref<12800xf32, #tpu.memory_space<vmem>>, vector<16xf32>,
        %get3A_754 = vector.shape_cast %get3A_753 : vector<16xf32> to vector<16xf32>
        %swap3A_755 = arith.constant 1 : i32
        %swap3A_756 = arith.constant 3 : i32
        %swap3A_757 = arith.index_cast %swap3A_755 : i32 to index
        %swap3A_758 = arith.index_cast %swap3A_756 : i32 to index
        %swap3A_759 = arith.index_cast %scan3A_709 : i32 to index
        %swap3A_760 = arith.constant 32 : index
        %swap3A_761 = tpu.vector_load %arg7[%swap3A_757, %swap3A_758, %swap3A_759, %swap3A_760] {strides = array<i32>} : memref<2x4x100x64xf32, #tpu.memory_space<vmem>>, vector<1x1x1x16xf32>,
        %swap3A_762 = vector.shape_cast %swap3A_761 : vector<1x1x1x16xf32> to vector<16xf32>
        %swap3A_763 = vector.shape_cast %get3A_754 : vector<16xf32> to vector<1x1x1x16xf32>
        tpu.vector_store %arg7[%swap3A_757, %swap3A_758, %swap3A_759, %swap3A_760], %swap3A_763 {add = true, strides = array<i32>} : memref<2x4x100x64xf32, #tpu.memory_space<vmem>>, vector<1x1x1x16xf32>,
        %mul3A_764 = arith.constant 64 : i32
        %mul3A_765 = arith.muli %scan3A_709, %mul3A_764 : i32
        %add3A_766 = arith.constant 6400 : i32
        %add3A_767 = arith.addi %add3A_766, %mul3A_765 : i32
        %add3A_768 = arith.constant 48 : i32
        %add3A_769 = arith.addi %add3A_767, %add3A_768 : i32
        %get3A_770 = arith.index_cast %add3A_769 : i32 to index
        %get3A_771 = tpu.vector_load %arg8[%get3A_770] {strides = array<i32>} : memref<12800xf32, #tpu.memory_space<vmem>>, vector<16xf32>,
        %get3A_772 = vector.shape_cast %get3A_771 : vector<16xf32> to vector<16xf32>
        %swap3A_773 = arith.constant 1 : i32
        %swap3A_774 = arith.constant 3 : i32
        %swap3A_775 = arith.index_cast %swap3A_773 : i32 to index
        %swap3A_776 = arith.index_cast %swap3A_774 : i32 to index
        %swap3A_777 = arith.index_cast %scan3A_709 : i32 to index
        %swap3A_778 = arith.constant 48 : index
        %swap3A_779 = tpu.vector_load %arg7[%swap3A_775, %swap3A_776, %swap3A_777, %swap3A_778] {strides = array<i32>} : memref<2x4x100x64xf32, #tpu.memory_space<vmem>>, vector<1x1x1x16xf32>,
        %swap3A_780 = vector.shape_cast %swap3A_779 : vector<1x1x1x16xf32> to vector<16xf32>
        %swap3A_781 = vector.shape_cast %get3A_772 : vector<16xf32> to vector<1x1x1x16xf32>
        tpu.vector_store %arg7[%swap3A_775, %swap3A_776, %swap3A_777, %swap3A_778], %swap3A_781 {add = true, strides = array<i32>} : memref<2x4x100x64xf32, #tpu.memory_space<vmem>>, vector<1x1x1x16xf32>,
        %scan3A_782 = arith.constant 2 : i32
        %scan3A_783 = arith.addi %scan3A_637, %scan3A_782 : i32
        %mul3A_784 = arith.constant 64 : i32
        %mul3A_785 = arith.muli %scan3A_783, %mul3A_784 : i32
        %add3A_786 = arith.constant 6400 : i32
        %add3A_787 = arith.addi %add3A_786, %mul3A_785 : i32
        %add3A_788 = arith.constant 0 : i32
        %add3A_789 = arith.addi %add3A_787, %add3A_788 : i32
        %get3A_790 = arith.index_cast %add3A_789 : i32 to index
        %get3A_791 = tpu.vector_load %arg8[%get3A_790] {strides = array<i32>} : memref<12800xf32, #tpu.memory_space<vmem>>, vector<16xf32>,
        %get3A_792 = vector.shape_cast %get3A_791 : vector<16xf32> to vector<16xf32>
        %swap3A_793 = arith.constant 1 : i32
        %swap3A_794 = arith.constant 3 : i32
        %swap3A_795 = arith.index_cast %swap3A_793 : i32 to index
        %swap3A_796 = arith.index_cast %swap3A_794 : i32 to index
        %swap3A_797 = arith.index_cast %scan3A_783 : i32 to index
        %swap3A_798 = arith.constant 0 : index
        %swap3A_799 = tpu.vector_load %arg7[%swap3A_795, %swap3A_796, %swap3A_797, %swap3A_798] {strides = array<i32>} : memref<2x4x100x64xf32, #tpu.memory_space<vmem>>, vector<1x1x1x16xf32>,
        %swap3A_800 = vector.shape_cast %swap3A_799 : vector<1x1x1x16xf32> to vector<16xf32>
        %swap3A_801 = vector.shape_cast %get3A_792 : vector<16xf32> to vector<1x1x1x16xf32>
        tpu.vector_store %arg7[%swap3A_795, %swap3A_796, %swap3A_797, %swap3A_798], %swap3A_801 {add = true, strides = array<i32>} : memref<2x4x100x64xf32, #tpu.memory_space<vmem>>, vector<1x1x1x16xf32>,
        %mul3A_802 = arith.constant 64 : i32
        %mul3A_803 = arith.muli %scan3A_783, %mul3A_802 : i32
        %add3A_804 = arith.constant 6400 : i32
        %add3A_805 = arith.addi %add3A_804, %mul3A_803 : i32
        %add3A_806 = arith.constant 16 : i32
        %add3A_807 = arith.addi %add3A_805, %add3A_806 : i32
        %get3A_808 = arith.index_cast %add3A_807 : i32 to index
        %get3A_809 = tpu.vector_load %arg8[%get3A_808] {strides = array<i32>} : memref<12800xf32, #tpu.memory_space<vmem>>, vector<16xf32>,
        %get3A_810 = vector.shape_cast %get3A_809 : vector<16xf32> to vector<16xf32>
        %swap3A_811 = arith.constant 1 : i32
        %swap3A_812 = arith.constant 3 : i32
        %swap3A_813 = arith.index_cast %swap3A_811 : i32 to index
        %swap3A_814 = arith.index_cast %swap3A_812 : i32 to index
        %swap3A_815 = arith.index_cast %scan3A_783 : i32 to index
        %swap3A_816 = arith.constant 16 : index
        %swap3A_817 = tpu.vector_load %arg7[%swap3A_813, %swap3A_814, %swap3A_815, %swap3A_816] {strides = array<i32>} : memref<2x4x100x64xf32, #tpu.memory_space<vmem>>, vector<1x1x1x16xf32>,
        %swap3A_818 = vector.shape_cast %swap3A_817 : vector<1x1x1x16xf32> to vector<16xf32>
        %swap3A_819 = vector.shape_cast %get3A_810 : vector<16xf32> to vector<1x1x1x16xf32>
        tpu.vector_store %arg7[%swap3A_813, %swap3A_814, %swap3A_815, %swap3A_816], %swap3A_819 {add = true, strides = array<i32>} : memref<2x4x100x64xf32, #tpu.memory_space<vmem>>, vector<1x1x1x16xf32>,
        %mul3A_820 = arith.constant 64 : i32
        %mul3A_821 = arith.muli %scan3A_783, %mul3A_820 : i32
        %add3A_822 = arith.constant 6400 : i32
        %add3A_823 = arith.addi %add3A_822, %mul3A_821 : i32
        %add3A_824 = arith.constant 32 : i32
        %add3A_825 = arith.addi %add3A_823, %add3A_824 : i32
        %get3A_826 = arith.index_cast %add3A_825 : i32 to index
        %get3A_827 = tpu.vector_load %arg8[%get3A_826] {strides = array<i32>} : memref<12800xf32, #tpu.memory_space<vmem>>, vector<16xf32>,
        %get3A_828 = vector.shape_cast %get3A_827 : vector<16xf32> to vector<16xf32>
        %swap3A_829 = arith.constant 1 : i32
        %swap3A_830 = arith.constant 3 : i32
        %swap3A_831 = arith.index_cast %swap3A_829 : i32 to index
        %swap3A_832 = arith.index_cast %swap3A_830 : i32 to index
        %swap3A_833 = arith.index_cast %scan3A_783 : i32 to index
        %swap3A_834 = arith.constant 32 : index
        %swap3A_835 = tpu.vector_load %arg7[%swap3A_831, %swap3A_832, %swap3A_833, %swap3A_834] {strides = array<i32>} : memref<2x4x100x64xf32, #tpu.memory_space<vmem>>, vector<1x1x1x16xf32>,
        %swap3A_836 = vector.shape_cast %swap3A_835 : vector<1x1x1x16xf32> to vector<16xf32>
        %swap3A_837 = vector.shape_cast %get3A_828 : vector<16xf32> to vector<1x1x1x16xf32>
        tpu.vector_store %arg7[%swap3A_831, %swap3A_832, %swap3A_833, %swap3A_834], %swap3A_837 {add = true, strides = array<i32>} : memref<2x4x100x64xf32, #tpu.memory_space<vmem>>, vector<1x1x1x16xf32>,
        %mul3A_838 = arith.constant 64 : i32
        %mul3A_839 = arith.muli %scan3A_783, %mul3A_838 : i32
        %add3A_840 = arith.constant 6400 : i32
        %add3A_841 = arith.addi %add3A_840, %mul3A_839 : i32
        %add3A_842 = arith.constant 48 : i32
        %add3A_843 = arith.addi %add3A_841, %add3A_842 : i32
        %get3A_844 = arith.index_cast %add3A_843 : i32 to index
        %get3A_845 = tpu.vector_load %arg8[%get3A_844] {strides = array<i32>} : memref<12800xf32, #tpu.memory_space<vmem>>, vector<16xf32>,
        %get3A_846 = vector.shape_cast %get3A_845 : vector<16xf32> to vector<16xf32>
        %swap3A_847 = arith.constant 1 : i32
        %swap3A_848 = arith.constant 3 : i32
        %swap3A_849 = arith.index_cast %swap3A_847 : i32 to index
        %swap3A_850 = arith.index_cast %swap3A_848 : i32 to index
        %swap3A_851 = arith.index_cast %scan3A_783 : i32 to index
        %swap3A_852 = arith.constant 48 : index
        %swap3A_853 = tpu.vector_load %arg7[%swap3A_849, %swap3A_850, %swap3A_851, %swap3A_852] {strides = array<i32>} : memref<2x4x100x64xf32, #tpu.memory_space<vmem>>, vector<1x1x1x16xf32>,
        %swap3A_854 = vector.shape_cast %swap3A_853 : vector<1x1x1x16xf32> to vector<16xf32>
        %swap3A_855 = vector.shape_cast %get3A_846 : vector<16xf32> to vector<1x1x1x16xf32>
        tpu.vector_store %arg7[%swap3A_849, %swap3A_850, %swap3A_851, %swap3A_852], %swap3A_855 {add = true, strides = array<i32>} : memref<2x4x100x64xf32, #tpu.memory_space<vmem>>, vector<1x1x1x16xf32>,
        %scan3A_856 = arith.constant 3 : i32
        %scan3A_857 = arith.addi %scan3A_637, %scan3A_856 : i32
        %mul3A_858 = arith.constant 64 : i32
        %mul3A_859 = arith.muli %scan3A_857, %mul3A_858 : i32
        %add3A_860 = arith.constant 6400 : i32
        %add3A_861 = arith.addi %add3A_860, %mul3A_859 : i32
        %add3A_862 = arith.constant 0 : i32
        %add3A_863 = arith.addi %add3A_861, %add3A_862 : i32
        %get3A_864 = arith.index_cast %add3A_863 : i32 to index
        %get3A_865 = tpu.vector_load %arg8[%get3A_864] {strides = array<i32>} : memref<12800xf32, #tpu.memory_space<vmem>>, vector<16xf32>,
        %get3A_866 = vector.shape_cast %get3A_865 : vector<16xf32> to vector<16xf32>
        %swap3A_867 = arith.constant 1 : i32
        %swap3A_868 = arith.constant 3 : i32
        %swap3A_869 = arith.index_cast %swap3A_867 : i32 to index
        %swap3A_870 = arith.index_cast %swap3A_868 : i32 to index
        %swap3A_871 = arith.index_cast %scan3A_857 : i32 to index
        %swap3A_872 = arith.constant 0 : index
        %swap3A_873 = tpu.vector_load %arg7[%swap3A_869, %swap3A_870, %swap3A_871, %swap3A_872] {strides = array<i32>} : memref<2x4x100x64xf32, #tpu.memory_space<vmem>>, vector<1x1x1x16xf32>,
        %swap3A_874 = vector.shape_cast %swap3A_873 : vector<1x1x1x16xf32> to vector<16xf32>
        %swap3A_875 = vector.shape_cast %get3A_866 : vector<16xf32> to vector<1x1x1x16xf32>
        tpu.vector_store %arg7[%swap3A_869, %swap3A_870, %swap3A_871, %swap3A_872], %swap3A_875 {add = true, strides = array<i32>} : memref<2x4x100x64xf32, #tpu.memory_space<vmem>>, vector<1x1x1x16xf32>,
        %mul3A_876 = arith.constant 64 : i32
        %mul3A_877 = arith.muli %scan3A_857, %mul3A_876 : i32
        %add3A_878 = arith.constant 6400 : i32
        %add3A_879 = arith.addi %add3A_878, %mul3A_877 : i32
        %add3A_880 = arith.constant 16 : i32
        %add3A_881 = arith.addi %add3A_879, %add3A_880 : i32
        %get3A_882 = arith.index_cast %add3A_881 : i32 to index
        %get3A_883 = tpu.vector_load %arg8[%get3A_882] {strides = array<i32>} : memref<12800xf32, #tpu.memory_space<vmem>>, vector<16xf32>,
        %get3A_884 = vector.shape_cast %get3A_883 : vector<16xf32> to vector<16xf32>
        %swap3A_885 = arith.constant 1 : i32
        %swap3A_886 = arith.constant 3 : i32
        %swap3A_887 = arith.index_cast %swap3A_885 : i32 to index
        %swap3A_888 = arith.index_cast %swap3A_886 : i32 to index
        %swap3A_889 = arith.index_cast %scan3A_857 : i32 to index
        %swap3A_890 = arith.constant 16 : index
        %swap3A_891 = tpu.vector_load %arg7[%swap3A_887, %swap3A_888, %swap3A_889, %swap3A_890] {strides = array<i32>} : memref<2x4x100x64xf32, #tpu.memory_space<vmem>>, vector<1x1x1x16xf32>,
        %swap3A_892 = vector.shape_cast %swap3A_891 : vector<1x1x1x16xf32> to vector<16xf32>
        %swap3A_893 = vector.shape_cast %get3A_884 : vector<16xf32> to vector<1x1x1x16xf32>
        tpu.vector_store %arg7[%swap3A_887, %swap3A_888, %swap3A_889, %swap3A_890], %swap3A_893 {add = true, strides = array<i32>} : memref<2x4x100x64xf32, #tpu.memory_space<vmem>>, vector<1x1x1x16xf32>,
        %mul3A_894 = arith.constant 64 : i32
        %mul3A_895 = arith.muli %scan3A_857, %mul3A_894 : i32
        %add3A_896 = arith.constant 6400 : i32
        %add3A_897 = arith.addi %add3A_896, %mul3A_895 : i32
        %add3A_898 = arith.constant 32 : i32
        %add3A_899 = arith.addi %add3A_897, %add3A_898 : i32
        %get3A_900 = arith.index_cast %add3A_899 : i32 to index
        %get3A_901 = tpu.vector_load %arg8[%get3A_900] {strides = array<i32>} : memref<12800xf32, #tpu.memory_space<vmem>>, vector<16xf32>,
        %get3A_902 = vector.shape_cast %get3A_901 : vector<16xf32> to vector<16xf32>
        %swap3A_903 = arith.constant 1 : i32
        %swap3A_904 = arith.constant 3 : i32
        %swap3A_905 = arith.index_cast %swap3A_903 : i32 to index
        %swap3A_906 = arith.index_cast %swap3A_904 : i32 to index
        %swap3A_907 = arith.index_cast %scan3A_857 : i32 to index
        %swap3A_908 = arith.constant 32 : index
        %swap3A_909 = tpu.vector_load %arg7[%swap3A_905, %swap3A_906, %swap3A_907, %swap3A_908] {strides = array<i32>} : memref<2x4x100x64xf32, #tpu.memory_space<vmem>>, vector<1x1x1x16xf32>,
        %swap3A_910 = vector.shape_cast %swap3A_909 : vector<1x1x1x16xf32> to vector<16xf32>
        %swap3A_911 = vector.shape_cast %get3A_902 : vector<16xf32> to vector<1x1x1x16xf32>
        tpu.vector_store %arg7[%swap3A_905, %swap3A_906, %swap3A_907, %swap3A_908], %swap3A_911 {add = true, strides = array<i32>} : memref<2x4x100x64xf32, #tpu.memory_space<vmem>>, vector<1x1x1x16xf32>,
        %mul3A_912 = arith.constant 64 : i32
        %mul3A_913 = arith.muli %scan3A_857, %mul3A_912 : i32
        %add3A_914 = arith.constant 6400 : i32
        %add3A_915 = arith.addi %add3A_914, %mul3A_913 : i32
        %add3A_916 = arith.constant 48 : i32
        %add3A_917 = arith.addi %add3A_915, %add3A_916 : i32
        %get3A_918 = arith.index_cast %add3A_917 : i32 to index
        %get3A_919 = tpu.vector_load %arg8[%get3A_918] {strides = array<i32>} : memref<12800xf32, #tpu.memory_space<vmem>>, vector<16xf32>,
        %get3A_920 = vector.shape_cast %get3A_919 : vector<16xf32> to vector<16xf32>
        %swap3A_921 = arith.constant 1 : i32
        %swap3A_922 = arith.constant 3 : i32
        %swap3A_923 = arith.index_cast %swap3A_921 : i32 to index
        %swap3A_924 = arith.index_cast %swap3A_922 : i32 to index
        %swap3A_925 = arith.index_cast %scan3A_857 : i32 to index
        %swap3A_926 = arith.constant 48 : index
        %swap3A_927 = tpu.vector_load %arg7[%swap3A_923, %swap3A_924, %swap3A_925, %swap3A_926] {strides = array<i32>} : memref<2x4x100x64xf32, #tpu.memory_space<vmem>>, vector<1x1x1x16xf32>,
        %swap3A_928 = vector.shape_cast %swap3A_927 : vector<1x1x1x16xf32> to vector<16xf32>
        %swap3A_929 = vector.shape_cast %get3A_920 : vector<16xf32> to vector<1x1x1x16xf32>
        tpu.vector_store %arg7[%swap3A_923, %swap3A_924, %swap3A_925, %swap3A_926], %swap3A_929 {add = true, strides = array<i32>} : memref<2x4x100x64xf32, #tpu.memory_space<vmem>>, vector<1x1x1x16xf32>,
      }
      %scan3A_616 = arith.constant 100 : i32
      %add3A_617 = arith.constant 3 : i32
      %add3A_618 = arith.addi %add3A_532, %add3A_617 : i32
      %dma_start3A_619 = arith.constant 1 : i32
      %dma_start3A_620 = arith.constant 3 : i32
      %dma_start3A_621 = arith.constant 0 : i32
      %dma_start3A_622 = arith.constant 0 : i32
      %dma_start3A_623 = tpu.memref_slice %arg7[%dma_start3A_619, %dma_start3A_620, %dma_start3A_621, %dma_start3A_622] : memref<2x4x100x64xf32, #tpu.memory_space<vmem>> -> memref<1x1x100x64xf32, #tpu.memory_space<vmem>>
      %dma_start3A_624 = tpu.memref_squeeze %dma_start3A_623 : memref<1x1x100x64xf32, #tpu.memory_space<vmem>> -> memref<100x64xf32, #tpu.memory_space<vmem>>
      %dma_start3A_625 = arith.constant 0 : i32
      %dma_start3A_626 = arith.constant 0 : i32
      %dma_start3A_627 = tpu.memref_slice %arg5[%add3A_618, %dma_start3A_625, %dma_start3A_626] : memref<8192x100x64xf32, #tpu.memory_space<hbm>> -> memref<1x100x64xf32, #tpu.memory_space<hbm>>
      %dma_start3A_628 = tpu.memref_squeeze %dma_start3A_627 : memref<1x100x64xf32, #tpu.memory_space<hbm>> -> memref<100x64xf32, #tpu.memory_space<hbm>>
      %dma_start3A_629 = arith.constant 0 : i32
      %dma_start3A_630 = arith.constant 0 : i32
      %dma_start3A_631 = tpu.memref_slice %arg5[%add3A_618, %dma_start3A_629, %dma_start3A_630] : memref<8192x100x64xf32, #tpu.memory_space<hbm>> -> memref<1x100x64xf32, #tpu.memory_space<hbm>>
      %dma_start3A_632 = tpu.memref_squeeze %dma_start3A_631 : memref<1x100x64xf32, #tpu.memory_space<hbm>> -> memref<100x64xf32, #tpu.memory_space<hbm>>
      %dma_start3A_633 = arith.constant 0 : i32
      %dma_start3A_634 = arith.constant 0 : i32
      %dma_start3A_635 = tpu.memref_slice %arg7[%dma_start3A_619, %dma_start3A_620, %dma_start3A_633, %dma_start3A_634] : memref<2x4x100x64xf32, #tpu.memory_space<vmem>> -> memref<1x1x100x64xf32, #tpu.memory_space<vmem>>
      %dma_start3A_636 = tpu.memref_squeeze %dma_start3A_635 : memref<1x1x100x64xf32, #tpu.memory_space<vmem>> -> memref<100x64xf32, #tpu.memory_space<vmem>>
      tpu.enqueue_dma source(%dma_start3A_636 : memref<100x64xf32, #tpu.memory_space<vmem>>) target(%dma_start3A_632 : memref<100x64xf32, #tpu.memory_space<hbm>>) target_semaphore(%arg12 : memref<!tpu.dma_semaphore, #tpu.memory_space<semaphore_mem>>)
    }
    %scan3A_58 = arith.constant 32 : i32
    %dma_wait3A = arith.constant 0 : i32
    %dma_wait3A_59 = arith.constant 0 : i32
    %dma_wait3A_60 = arith.constant 0 : i32
    %dma_wait3A_61 = arith.constant 0 : i32
    %dma_wait3A_62 = arith.constant 0 : i32
    %dma_wait3A_63 = tpu.memref_slice %arg7[%dma_wait3A, %dma_wait3A_59, %dma_wait3A_61, %dma_wait3A_62] : memref<2x4x100x64xf32, #tpu.memory_space<vmem>> -> memref<1x1x100x64xf32, #tpu.memory_space<vmem>>
    %dma_wait3A_64 = tpu.memref_squeeze %dma_wait3A_63 : memref<1x1x100x64xf32, #tpu.memory_space<vmem>> -> memref<100x64xf32, #tpu.memory_space<vmem>>
    %dma_wait3A_65 = arith.constant 0 : i32
    %dma_wait3A_66 = arith.constant 0 : i32
    %dma_wait3A_67 = tpu.memref_slice %arg5[%dma_wait3A_60, %dma_wait3A_65, %dma_wait3A_66] : memref<8192x100x64xf32, #tpu.memory_space<hbm>> -> memref<1x100x64xf32, #tpu.memory_space<hbm>>
    %dma_wait3A_68 = tpu.memref_squeeze %dma_wait3A_67 : memref<1x100x64xf32, #tpu.memory_space<hbm>> -> memref<100x64xf32, #tpu.memory_space<hbm>>
    %dma_wait3A_69 = arith.constant 0 : i32
    %dma_wait3A_70 = arith.constant 0 : i32
    %dma_wait3A_71 = tpu.memref_slice %arg5[%dma_wait3A_60, %dma_wait3A_69, %dma_wait3A_70] : memref<8192x100x64xf32, #tpu.memory_space<hbm>> -> memref<1x100x64xf32, #tpu.memory_space<hbm>>
    %dma_wait3A_72 = tpu.memref_squeeze %dma_wait3A_71 : memref<1x100x64xf32, #tpu.memory_space<hbm>> -> memref<100x64xf32, #tpu.memory_space<hbm>>
    %dma_wait3A_73 = arith.constant 0 : i32
    %dma_wait3A_74 = arith.constant 0 : i32
    %dma_wait3A_75 = tpu.memref_slice %arg7[%dma_wait3A, %dma_wait3A_59, %dma_wait3A_73, %dma_wait3A_74] : memref<2x4x100x64xf32, #tpu.memory_space<vmem>> -> memref<1x1x100x64xf32, #tpu.memory_space<vmem>>
    %dma_wait3A_76 = tpu.memref_squeeze %dma_wait3A_75 : memref<1x1x100x64xf32, #tpu.memory_space<vmem>> -> memref<100x64xf32, #tpu.memory_space<vmem>>
    tpu.wait_dma2 semaphore(%arg11 : memref<!tpu.dma_semaphore, #tpu.memory_space<semaphore_mem>>) src(%dma_wait3A_76 : memref<100x64xf32, #tpu.memory_space<vmem>>) dst(%dma_wait3A_72 : memref<100x64xf32, #tpu.memory_space<hbm>>)
    %dma_wait3A_77 = arith.constant 0 : i32
    %dma_wait3A_78 = arith.constant 1 : i32
    %dma_wait3A_79 = arith.constant 0 : i32
    %dma_wait3A_80 = arith.constant 0 : i32
    %dma_wait3A_81 = arith.constant 0 : i32
    %dma_wait3A_82 = tpu.memref_slice %arg7[%dma_wait3A_77, %dma_wait3A_78, %dma_wait3A_80, %dma_wait3A_81] : memref<2x4x100x64xf32, #tpu.memory_space<vmem>> -> memref<1x1x100x64xf32, #tpu.memory_space<vmem>>
    %dma_wait3A_83 = tpu.memref_squeeze %dma_wait3A_82 : memref<1x1x100x64xf32, #tpu.memory_space<vmem>> -> memref<100x64xf32, #tpu.memory_space<vmem>>
    %dma_wait3A_84 = arith.constant 0 : i32
    %dma_wait3A_85 = arith.constant 0 : i32
    %dma_wait3A_86 = tpu.memref_slice %arg5[%dma_wait3A_79, %dma_wait3A_84, %dma_wait3A_85] : memref<8192x100x64xf32, #tpu.memory_space<hbm>> -> memref<1x100x64xf32, #tpu.memory_space<hbm>>
    %dma_wait3A_87 = tpu.memref_squeeze %dma_wait3A_86 : memref<1x100x64xf32, #tpu.memory_space<hbm>> -> memref<100x64xf32, #tpu.memory_space<hbm>>
    %dma_wait3A_88 = arith.constant 0 : i32
    %dma_wait3A_89 = arith.constant 0 : i32
    %dma_wait3A_90 = tpu.memref_slice %arg5[%dma_wait3A_79, %dma_wait3A_88, %dma_wait3A_89] : memref<8192x100x64xf32, #tpu.memory_space<hbm>> -> memref<1x100x64xf32, #tpu.memory_space<hbm>>
    %dma_wait3A_91 = tpu.memref_squeeze %dma_wait3A_90 : memref<1x100x64xf32, #tpu.memory_space<hbm>> -> memref<100x64xf32, #tpu.memory_space<hbm>>
    %dma_wait3A_92 = arith.constant 0 : i32
    %dma_wait3A_93 = arith.constant 0 : i32
    %dma_wait3A_94 = tpu.memref_slice %arg7[%dma_wait3A_77, %dma_wait3A_78, %dma_wait3A_92, %dma_wait3A_93] : memref<2x4x100x64xf32, #tpu.memory_space<vmem>> -> memref<1x1x100x64xf32, #tpu.memory_space<vmem>>
    %dma_wait3A_95 = tpu.memref_squeeze %dma_wait3A_94 : memref<1x1x100x64xf32, #tpu.memory_space<vmem>> -> memref<100x64xf32, #tpu.memory_space<vmem>>
    tpu.wait_dma2 semaphore(%arg11 : memref<!tpu.dma_semaphore, #tpu.memory_space<semaphore_mem>>) src(%dma_wait3A_95 : memref<100x64xf32, #tpu.memory_space<vmem>>) dst(%dma_wait3A_91 : memref<100x64xf32, #tpu.memory_space<hbm>>)
    %dma_wait3A_96 = arith.constant 0 : i32
    %dma_wait3A_97 = arith.constant 2 : i32
    %dma_wait3A_98 = arith.constant 0 : i32
    %dma_wait3A_99 = arith.constant 0 : i32
    %dma_wait3A_100 = arith.constant 0 : i32
    %dma_wait3A_101 = tpu.memref_slice %arg7[%dma_wait3A_96, %dma_wait3A_97, %dma_wait3A_99, %dma_wait3A_100] : memref<2x4x100x64xf32, #tpu.memory_space<vmem>> -> memref<1x1x100x64xf32, #tpu.memory_space<vmem>>
    %dma_wait3A_102 = tpu.memref_squeeze %dma_wait3A_101 : memref<1x1x100x64xf32, #tpu.memory_space<vmem>> -> memref<100x64xf32, #tpu.memory_space<vmem>>
    %dma_wait3A_103 = arith.constant 0 : i32
    %dma_wait3A_104 = arith.constant 0 : i32
    %dma_wait3A_105 = tpu.memref_slice %arg5[%dma_wait3A_98, %dma_wait3A_103, %dma_wait3A_104] : memref<8192x100x64xf32, #tpu.memory_space<hbm>> -> memref<1x100x64xf32, #tpu.memory_space<hbm>>
    %dma_wait3A_106 = tpu.memref_squeeze %dma_wait3A_105 : memref<1x100x64xf32, #tpu.memory_space<hbm>> -> memref<100x64xf32, #tpu.memory_space<hbm>>
    %dma_wait3A_107 = arith.constant 0 : i32
    %dma_wait3A_108 = arith.constant 0 : i32
    %dma_wait3A_109 = tpu.memref_slice %arg5[%dma_wait3A_98, %dma_wait3A_107, %dma_wait3A_108] : memref<8192x100x64xf32, #tpu.memory_space<hbm>> -> memref<1x100x64xf32, #tpu.memory_space<hbm>>
    %dma_wait3A_110 = tpu.memref_squeeze %dma_wait3A_109 : memref<1x100x64xf32, #tpu.memory_space<hbm>> -> memref<100x64xf32, #tpu.memory_space<hbm>>
    %dma_wait3A_111 = arith.constant 0 : i32
    %dma_wait3A_112 = arith.constant 0 : i32
    %dma_wait3A_113 = tpu.memref_slice %arg7[%dma_wait3A_96, %dma_wait3A_97, %dma_wait3A_111, %dma_wait3A_112] : memref<2x4x100x64xf32, #tpu.memory_space<vmem>> -> memref<1x1x100x64xf32, #tpu.memory_space<vmem>>
    %dma_wait3A_114 = tpu.memref_squeeze %dma_wait3A_113 : memref<1x1x100x64xf32, #tpu.memory_space<vmem>> -> memref<100x64xf32, #tpu.memory_space<vmem>>
    tpu.wait_dma2 semaphore(%arg11 : memref<!tpu.dma_semaphore, #tpu.memory_space<semaphore_mem>>) src(%dma_wait3A_114 : memref<100x64xf32, #tpu.memory_space<vmem>>) dst(%dma_wait3A_110 : memref<100x64xf32, #tpu.memory_space<hbm>>)
    %dma_wait3A_115 = arith.constant 0 : i32
    %dma_wait3A_116 = arith.constant 3 : i32
    %dma_wait3A_117 = arith.constant 0 : i32
    %dma_wait3A_118 = arith.constant 0 : i32
    %dma_wait3A_119 = arith.constant 0 : i32
    %dma_wait3A_120 = tpu.memref_slice %arg7[%dma_wait3A_115, %dma_wait3A_116, %dma_wait3A_118, %dma_wait3A_119] : memref<2x4x100x64xf32, #tpu.memory_space<vmem>> -> memref<1x1x100x64xf32, #tpu.memory_space<vmem>>
    %dma_wait3A_121 = tpu.memref_squeeze %dma_wait3A_120 : memref<1x1x100x64xf32, #tpu.memory_space<vmem>> -> memref<100x64xf32, #tpu.memory_space<vmem>>
    %dma_wait3A_122 = arith.constant 0 : i32
    %dma_wait3A_123 = arith.constant 0 : i32
    %dma_wait3A_124 = tpu.memref_slice %arg5[%dma_wait3A_117, %dma_wait3A_122, %dma_wait3A_123] : memref<8192x100x64xf32, #tpu.memory_space<hbm>> -> memref<1x100x64xf32, #tpu.memory_space<hbm>>
    %dma_wait3A_125 = tpu.memref_squeeze %dma_wait3A_124 : memref<1x100x64xf32, #tpu.memory_space<hbm>> -> memref<100x64xf32, #tpu.memory_space<hbm>>
    %dma_wait3A_126 = arith.constant 0 : i32
    %dma_wait3A_127 = arith.constant 0 : i32
    %dma_wait3A_128 = tpu.memref_slice %arg5[%dma_wait3A_117, %dma_wait3A_126, %dma_wait3A_127] : memref<8192x100x64xf32, #tpu.memory_space<hbm>> -> memref<1x100x64xf32, #tpu.memory_space<hbm>>
    %dma_wait3A_129 = tpu.memref_squeeze %dma_wait3A_128 : memref<1x100x64xf32, #tpu.memory_space<hbm>> -> memref<100x64xf32, #tpu.memory_space<hbm>>
    %dma_wait3A_130 = arith.constant 0 : i32
    %dma_wait3A_131 = arith.constant 0 : i32
    %dma_wait3A_132 = tpu.memref_slice %arg7[%dma_wait3A_115, %dma_wait3A_116, %dma_wait3A_130, %dma_wait3A_131] : memref<2x4x100x64xf32, #tpu.memory_space<vmem>> -> memref<1x1x100x64xf32, #tpu.memory_space<vmem>>
    %dma_wait3A_133 = tpu.memref_squeeze %dma_wait3A_132 : memref<1x1x100x64xf32, #tpu.memory_space<vmem>> -> memref<100x64xf32, #tpu.memory_space<vmem>>
    tpu.wait_dma2 semaphore(%arg11 : memref<!tpu.dma_semaphore, #tpu.memory_space<semaphore_mem>>) src(%dma_wait3A_133 : memref<100x64xf32, #tpu.memory_space<vmem>>) dst(%dma_wait3A_129 : memref<100x64xf32, #tpu.memory_space<hbm>>)
    %dma_wait3A_134 = arith.constant 1 : i32
    %dma_wait3A_135 = arith.constant 0 : i32
    %dma_wait3A_136 = arith.constant 0 : i32
    %dma_wait3A_137 = arith.constant 0 : i32
    %dma_wait3A_138 = arith.constant 0 : i32
    %dma_wait3A_139 = tpu.memref_slice %arg7[%dma_wait3A_134, %dma_wait3A_135, %dma_wait3A_137, %dma_wait3A_138] : memref<2x4x100x64xf32, #tpu.memory_space<vmem>> -> memref<1x1x100x64xf32, #tpu.memory_space<vmem>>
    %dma_wait3A_140 = tpu.memref_squeeze %dma_wait3A_139 : memref<1x1x100x64xf32, #tpu.memory_space<vmem>> -> memref<100x64xf32, #tpu.memory_space<vmem>>
    %dma_wait3A_141 = arith.constant 0 : i32
    %dma_wait3A_142 = arith.constant 0 : i32
    %dma_wait3A_143 = tpu.memref_slice %arg5[%dma_wait3A_136, %dma_wait3A_141, %dma_wait3A_142] : memref<8192x100x64xf32, #tpu.memory_space<hbm>> -> memref<1x100x64xf32, #tpu.memory_space<hbm>>
    %dma_wait3A_144 = tpu.memref_squeeze %dma_wait3A_143 : memref<1x100x64xf32, #tpu.memory_space<hbm>> -> memref<100x64xf32, #tpu.memory_space<hbm>>
    %dma_wait3A_145 = arith.constant 0 : i32
    %dma_wait3A_146 = arith.constant 0 : i32
    %dma_wait3A_147 = tpu.memref_slice %arg5[%dma_wait3A_136, %dma_wait3A_145, %dma_wait3A_146] : memref<8192x100x64xf32, #tpu.memory_space<hbm>> -> memref<1x100x64xf32, #tpu.memory_space<hbm>>
    %dma_wait3A_148 = tpu.memref_squeeze %dma_wait3A_147 : memref<1x100x64xf32, #tpu.memory_space<hbm>> -> memref<100x64xf32, #tpu.memory_space<hbm>>
    %dma_wait3A_149 = arith.constant 0 : i32
    %dma_wait3A_150 = arith.constant 0 : i32
    %dma_wait3A_151 = tpu.memref_slice %arg7[%dma_wait3A_134, %dma_wait3A_135, %dma_wait3A_149, %dma_wait3A_150] : memref<2x4x100x64xf32, #tpu.memory_space<vmem>> -> memref<1x1x100x64xf32, #tpu.memory_space<vmem>>
    %dma_wait3A_152 = tpu.memref_squeeze %dma_wait3A_151 : memref<1x1x100x64xf32, #tpu.memory_space<vmem>> -> memref<100x64xf32, #tpu.memory_space<vmem>>
    tpu.wait_dma2 semaphore(%arg12 : memref<!tpu.dma_semaphore, #tpu.memory_space<semaphore_mem>>) src(%dma_wait3A_152 : memref<100x64xf32, #tpu.memory_space<vmem>>) dst(%dma_wait3A_148 : memref<100x64xf32, #tpu.memory_space<hbm>>)
    %dma_wait3A_153 = arith.constant 1 : i32
    %dma_wait3A_154 = arith.constant 1 : i32
    %dma_wait3A_155 = arith.constant 0 : i32
    %dma_wait3A_156 = arith.constant 0 : i32
    %dma_wait3A_157 = arith.constant 0 : i32
    %dma_wait3A_158 = tpu.memref_slice %arg7[%dma_wait3A_153, %dma_wait3A_154, %dma_wait3A_156, %dma_wait3A_157] : memref<2x4x100x64xf32, #tpu.memory_space<vmem>> -> memref<1x1x100x64xf32, #tpu.memory_space<vmem>>
    %dma_wait3A_159 = tpu.memref_squeeze %dma_wait3A_158 : memref<1x1x100x64xf32, #tpu.memory_space<vmem>> -> memref<100x64xf32, #tpu.memory_space<vmem>>
    %dma_wait3A_160 = arith.constant 0 : i32
    %dma_wait3A_161 = arith.constant 0 : i32
    %dma_wait3A_162 = tpu.memref_slice %arg5[%dma_wait3A_155, %dma_wait3A_160, %dma_wait3A_161] : memref<8192x100x64xf32, #tpu.memory_space<hbm>> -> memref<1x100x64xf32, #tpu.memory_space<hbm>>
    %dma_wait3A_163 = tpu.memref_squeeze %dma_wait3A_162 : memref<1x100x64xf32, #tpu.memory_space<hbm>> -> memref<100x64xf32, #tpu.memory_space<hbm>>
    %dma_wait3A_164 = arith.constant 0 : i32
    %dma_wait3A_165 = arith.constant 0 : i32
    %dma_wait3A_166 = tpu.memref_slice %arg5[%dma_wait3A_155, %dma_wait3A_164, %dma_wait3A_165] : memref<8192x100x64xf32, #tpu.memory_space<hbm>> -> memref<1x100x64xf32, #tpu.memory_space<hbm>>
    %dma_wait3A_167 = tpu.memref_squeeze %dma_wait3A_166 : memref<1x100x64xf32, #tpu.memory_space<hbm>> -> memref<100x64xf32, #tpu.memory_space<hbm>>
    %dma_wait3A_168 = arith.constant 0 : i32
    %dma_wait3A_169 = arith.constant 0 : i32
    %dma_wait3A_170 = tpu.memref_slice %arg7[%dma_wait3A_153, %dma_wait3A_154, %dma_wait3A_168, %dma_wait3A_169] : memref<2x4x100x64xf32, #tpu.memory_space<vmem>> -> memref<1x1x100x64xf32, #tpu.memory_space<vmem>>
    %dma_wait3A_171 = tpu.memref_squeeze %dma_wait3A_170 : memref<1x1x100x64xf32, #tpu.memory_space<vmem>> -> memref<100x64xf32, #tpu.memory_space<vmem>>
    tpu.wait_dma2 semaphore(%arg12 : memref<!tpu.dma_semaphore, #tpu.memory_space<semaphore_mem>>) src(%dma_wait3A_171 : memref<100x64xf32, #tpu.memory_space<vmem>>) dst(%dma_wait3A_167 : memref<100x64xf32, #tpu.memory_space<hbm>>)
    %dma_wait3A_172 = arith.constant 1 : i32
    %dma_wait3A_173 = arith.constant 2 : i32
    %dma_wait3A_174 = arith.constant 0 : i32
    %dma_wait3A_175 = arith.constant 0 : i32
    %dma_wait3A_176 = arith.constant 0 : i32
    %dma_wait3A_177 = tpu.memref_slice %arg7[%dma_wait3A_172, %dma_wait3A_173, %dma_wait3A_175, %dma_wait3A_176] : memref<2x4x100x64xf32, #tpu.memory_space<vmem>> -> memref<1x1x100x64xf32, #tpu.memory_space<vmem>>
    %dma_wait3A_178 = tpu.memref_squeeze %dma_wait3A_177 : memref<1x1x100x64xf32, #tpu.memory_space<vmem>> -> memref<100x64xf32, #tpu.memory_space<vmem>>
    %dma_wait3A_179 = arith.constant 0 : i32
    %dma_wait3A_180 = arith.constant 0 : i32
    %dma_wait3A_181 = tpu.memref_slice %arg5[%dma_wait3A_174, %dma_wait3A_179, %dma_wait3A_180] : memref<8192x100x64xf32, #tpu.memory_space<hbm>> -> memref<1x100x64xf32, #tpu.memory_space<hbm>>
    %dma_wait3A_182 = tpu.memref_squeeze %dma_wait3A_181 : memref<1x100x64xf32, #tpu.memory_space<hbm>> -> memref<100x64xf32, #tpu.memory_space<hbm>>
    %dma_wait3A_183 = arith.constant 0 : i32
    %dma_wait3A_184 = arith.constant 0 : i32
    %dma_wait3A_185 = tpu.memref_slice %arg5[%dma_wait3A_174, %dma_wait3A_183, %dma_wait3A_184] : memref<8192x100x64xf32, #tpu.memory_space<hbm>> -> memref<1x100x64xf32, #tpu.memory_space<hbm>>
    %dma_wait3A_186 = tpu.memref_squeeze %dma_wait3A_185 : memref<1x100x64xf32, #tpu.memory_space<hbm>> -> memref<100x64xf32, #tpu.memory_space<hbm>>
    %dma_wait3A_187 = arith.constant 0 : i32
    %dma_wait3A_188 = arith.constant 0 : i32
    %dma_wait3A_189 = tpu.memref_slice %arg7[%dma_wait3A_172, %dma_wait3A_173, %dma_wait3A_187, %dma_wait3A_188] : memref<2x4x100x64xf32, #tpu.memory_space<vmem>> -> memref<1x1x100x64xf32, #tpu.memory_space<vmem>>
    %dma_wait3A_190 = tpu.memref_squeeze %dma_wait3A_189 : memref<1x1x100x64xf32, #tpu.memory_space<vmem>> -> memref<100x64xf32, #tpu.memory_space<vmem>>
    tpu.wait_dma2 semaphore(%arg12 : memref<!tpu.dma_semaphore, #tpu.memory_space<semaphore_mem>>) src(%dma_wait3A_190 : memref<100x64xf32, #tpu.memory_space<vmem>>) dst(%dma_wait3A_186 : memref<100x64xf32, #tpu.memory_space<hbm>>)
    %dma_wait3A_191 = arith.constant 1 : i32
    %dma_wait3A_192 = arith.constant 3 : i32
    %dma_wait3A_193 = arith.constant 0 : i32
    %dma_wait3A_194 = arith.constant 0 : i32
    %dma_wait3A_195 = arith.constant 0 : i32
    %dma_wait3A_196 = tpu.memref_slice %arg7[%dma_wait3A_191, %dma_wait3A_192, %dma_wait3A_194, %dma_wait3A_195] : memref<2x4x100x64xf32, #tpu.memory_space<vmem>> -> memref<1x1x100x64xf32, #tpu.memory_space<vmem>>
    %dma_wait3A_197 = tpu.memref_squeeze %dma_wait3A_196 : memref<1x1x100x64xf32, #tpu.memory_space<vmem>> -> memref<100x64xf32, #tpu.memory_space<vmem>>
    %dma_wait3A_198 = arith.constant 0 : i32
    %dma_wait3A_199 = arith.constant 0 : i32
    %dma_wait3A_200 = tpu.memref_slice %arg5[%dma_wait3A_193, %dma_wait3A_198, %dma_wait3A_199] : memref<8192x100x64xf32, #tpu.memory_space<hbm>> -> memref<1x100x64xf32, #tpu.memory_space<hbm>>
    %dma_wait3A_201 = tpu.memref_squeeze %dma_wait3A_200 : memref<1x100x64xf32, #tpu.memory_space<hbm>> -> memref<100x64xf32, #tpu.memory_space<hbm>>
    %dma_wait3A_202 = arith.constant 0 : i32
    %dma_wait3A_203 = arith.constant 0 : i32
    %dma_wait3A_204 = tpu.memref_slice %arg5[%dma_wait3A_193, %dma_wait3A_202, %dma_wait3A_203] : memref<8192x100x64xf32, #tpu.memory_space<hbm>> -> memref<1x100x64xf32, #tpu.memory_space<hbm>>
    %dma_wait3A_205 = tpu.memref_squeeze %dma_wait3A_204 : memref<1x100x64xf32, #tpu.memory_space<hbm>> -> memref<100x64xf32, #tpu.memory_space<hbm>>
    %dma_wait3A_206 = arith.constant 0 : i32
    %dma_wait3A_207 = arith.constant 0 : i32
    %dma_wait3A_208 = tpu.memref_slice %arg7[%dma_wait3A_191, %dma_wait3A_192, %dma_wait3A_206, %dma_wait3A_207] : memref<2x4x100x64xf32, #tpu.memory_space<vmem>> -> memref<1x1x100x64xf32, #tpu.memory_space<vmem>>
    %dma_wait3A_209 = tpu.memref_squeeze %dma_wait3A_208 : memref<1x1x100x64xf32, #tpu.memory_space<vmem>> -> memref<100x64xf32, #tpu.memory_space<vmem>>
    tpu.wait_dma2 semaphore(%arg12 : memref<!tpu.dma_semaphore, #tpu.memory_space<semaphore_mem>>) src(%dma_wait3A_209 : memref<100x64xf32, #tpu.memory_space<vmem>>) dst(%dma_wait3A_205 : memref<100x64xf32, #tpu.memory_space<hbm>>)
    return
  }
}

</mosaic_0001>

<sc_bundles>
// kernel: _embed.3.cloned.1.call-start
scs
__scs_entry_jumppad:
0x0: {  	(pc) =	sbr.rel $0x88, $3  }
0x1: {  	(tag) =	ssettag $0x0;
	lr =	simm.s32 $0x1  }
0x2: {  	[smem:$0x3F9E] =	sst lr;
	_ =	strace $0xD0000000  }
0x3: {  	_ = 	snop  }
0x4: {  	_ = 	snop  }
0x5: {  	_ = 	snop  }
0x6: {  	_ = 	snop  }
0x7: {  	_ = 	snop  }
__scs_overlays_trampoline_lowered:
0x8: {  	[smem:$0x3FAD] =	sst s0  }
0x9: {  	[smem:$0x3FAE] =	sst s1  }
0xa: {  	[smem:$0x3FAF] =	sst s2  }
0xb: {  	[smem:$0x3FB0] =	sst s3  }
0xc: {  	[smem:$0x3FB1] =	sst s4  }
0xd: {  	[smem:$0x3FB2] =	sst s5  }
0xe: {  	[smem:$0x3FB3] =	sst s6  }
0xf: {  	[smem:$0x3FB4] =	sst s7  }
0x10: {  	[smem:$0x3FB5] =	sst s8  }
0x11: {  	[smem:$0x3FB6] =	sst s9;
	s0 =	simm.s32 @!p0 $0x0  }
0x12: {  	s1 =	sld [smem:$0x3F9C];
	s0 =	simm.s32 @p0 $0x1  }
0x13: {  	[smem:$0x3FB7] =	sst s0;
	s0 =	simm.s32 @!p1 $0x0  }
0x14: {  	s2 =	sld [smem:$0x3F9B];
	s0 =	simm.s32 @p1 $0x1  }
0x15: {  	[smem:$0x3FB8] =	sst s0;
	s0 =	simm.s32 @!p2 $0x0  }
0x16: {  	s3 =	sld [smem:$0x3FDB];
	s0 =	simm.s32 @p2 $0x1  }
0x17: {  	s4 =	simm.s32 $0x1BF5;
	[smem:$0x3FBA] =	sst s0  }
0x18: {  	s0 =	sld [smem:$0x3F9D];
	_ =	swait.ge [sflag:s4], $0x0  }
0x19: {  	s7 =	sld [smem:$0x3F9E]  }
0x1a: {  	s8 =	sadd.s32 $0xFFFFE003, lr  }
0x1b: {  	s9 =	sadd.s32 $0xFFFFFEF7, lr;
	s5 =	simm.s32 $0xFFFFFFFF;
	p2 =	slt.u32 s8, $0xFFFFF086  }
0x1c: {  	p1 =	slt.u32 s9, $0xF7A;
	s5 =	simm.s32 @!p2 $0x0  }
0x1d: {  	s5 =	simm.s32 @p1 $0x1;
	p0 =	seq.s32 s7, s2  }
0x1e: {  	s7 =	smul.u32 @!p0 $0xF7A, s2;
	p2 =	seq.s32 @!p0 s5, $0x0  }
0x1f: {  	s9 =	smul.u32 $0xF7A, s1;
	s8 =	simm.s32 @!p0 $0x1BF5;
	p2 =	por !p2, p0  }
0x20: {  	[sflag:s8] =	ssyncset.s32 @!p0 $0xFFFFF086;
	s6 =	sadd.s32 @!p0 s3, s7;
	s7 =	simm.s32 @!p0 $0x108  }
0x21: {  	s3 =	sadd.s32 s3, s9;
	s6 =	sadd.s32 @!p0 $0x88, s6;
	s7 =	simm.s32 @p2 $0x1082  }
0x22: {  	[simem:s7], [sflag:s8] =	dma.local @!p0 [hbm:s6], $0xF7A  }
0x23: {  	s9 =	sor.u32 $0xD0000000, s2;
	s6 =	simm.s32 $0x108;
	_ =	swait.ge @!p0 [sflag:s8], $0x0  }
0x24: {  	s3 =	sadd.s32 $0x88, s3;
	s6 =	simm.s32 @!p1 $0x1082;
	[sflag:s4] =	ssyncset.s32 $0xFFFFF086  }
0x25: {  	[simem:s6], [sflag:s4] =	dma.local [hbm:s3], $0xF7A  }
0x26: {  	[smem:$0x3F9E] =	sst s1;
	(tag) =	ssettag s2;
	_ =	strace s9  }
0x27: {  	s1 =	sld [smem:$0x3FAE]  }
0x28: {  	s2 =	sld [smem:$0x3FAF]  }
0x29: {  	s4 =	sld [smem:$0x3FB1]  }
0x2a: {  	p0 =	seq.s32 s5, $0x0;
	s5 =	sld [smem:$0x3FB2]  }
0x2b: {  	s6 =	sld [smem:$0x3FB3]  }
0x2c: {  	s7 =	sld [smem:$0x3FB4]  }
0x2d: {  	s3 =	simm.s32 $0x108;
	s8 =	sld [smem:$0x3FB5]  }
0x2e: {  	s3 =	simm.s32 @!p0 $0x1082;
	s9 =	sld [smem:$0x3FB6]  }
0x2f: {  	lr =	sadd.s32 s0, s3;
	s0 =	sld [smem:$0x3FAD]  }
0x30: {  	s3 =	sld [smem:$0x3FB0]  }
0x31: {  	[smem:$0x3FB9] =	sst s10  }
0x32: {  	s10 =	sld [smem:$0x3FB7];
	_ =	sdelay $0x3  }
0x33: {  	p0 =	seq.s32 s10, $0x1;
	s10 =	sld [smem:$0x3FB9];
	_ =	sdelay $0x3  }
0x34: {  	[smem:$0x3FB9] =	sst s10  }
0x35: {  	s10 =	sld [smem:$0x3FB8];
	_ =	sdelay $0x3  }
0x36: {  	p1 =	seq.s32 s10, $0x1;
	s10 =	sld [smem:$0x3FB9];
	_ =	sdelay $0x3  }
0x37: {  	[smem:$0x3FB9] =	sst s10  }
0x38: {  	s10 =	sld [smem:$0x3FBA]  }
0x39: {  	_ = 	snop;
	(pc) =	sbr.ind lr, $3  }
0x3a: {  	_ = 	snop  }
0x3b: {  	_ = 	snop  }
0x3c: {  	p2 =	seq.s32 s10, $0x1;
	s10 =	sld [smem:$0x3FB9]  }
0x3d: {  	_ =	shalt  }
0x3e: {  	_ =	shalt  }
0x3f: {  	_ =	shalt  }
0x40: {  	_ =	shalt  }
0x41: {  	_ =	shalt  }
0x42: {  	_ =	shalt  }
0x43: {  	_ =	shalt  }
0x44: {  	_ =	shalt  }
0x45: {  	_ =	shalt  }
0x46: {  	_ =	shalt  }
0x47: {  	_ =	shalt  }
0x48: {  	_ =	shalt  }
0x49: {  	_ =	shalt  }
0x4a: {  	_ =	shalt  }
0x4b: {  	_ =	shalt  }
0x4c: {  	_ =	shalt  }
0x4d: {  	_ =	shalt  }
0x4e: {  	_ =	shalt  }
0x4f: {  	_ =	shalt  }
0x50: {  	_ =	shalt  }
0x51: {  	_ =	shalt  }
0x52: {  	_ =	shalt  }
0x53: {  	_ =	shalt  }
0x54: {  	_ =	shalt  }
0x55: {  	_ =	shalt  }
0x56: {  	_ =	shalt  }
0x57: {  	_ =	shalt  }
0x58: {  	_ =	shalt  }
0x59: {  	_ =	shalt  }
0x5a: {  	_ =	shalt  }
0x5b: {  	_ =	shalt  }
0x5c: {  	_ =	shalt  }
0x5d: {  	_ =	shalt  }
0x5e: {  	_ =	shalt  }
0x5f: {  	_ =	shalt  }
0x60: {  	_ =	shalt  }
0x61: {  	_ =	shalt  }
0x62: {  	_ =	shalt  }
0x63: {  	_ =	shalt  }
0x64: {  	_ =	shalt  }
0x65: {  	_ =	shalt  }
0x66: {  	_ =	shalt  }
0x67: {  	_ =	shalt  }
0x68: {  	_ =	shalt  }
0x69: {  	_ =	shalt  }
0x6a: {  	_ =	shalt  }
0x6b: {  	_ =	shalt  }
0x6c: {  	_ =	shalt  }
0x6d: {  	_ =	shalt  }
0x6e: {  	_ =	shalt  }
0x6f: {  	_ =	shalt  }
0x70: {  	_ =	shalt  }
0x71: {  	_ =	shalt  }
0x72: {  	_ =	shalt  }
0x73: {  	_ =	shalt  }
0x74: {  	_ =	shalt  }
0x75: {  	_ =	shalt  }
0x76: {  	_ =	shalt  }
0x77: {  	_ =	shalt  }
0x78: {  	_ =	shalt  }
0x79: {  	_ =	shalt  }
0x7a: {  	_ =	shalt  }
0x7b: {  	_ =	shalt  }
0x7c: {  	_ =	shalt  }
0x7d: {  	_ =	shalt  }
0x7e: {  	_ =	shalt  }
0x7f: {  	_ =	shalt  }
0x80: {  	_ =	shalt  }
0x81: {  	_ =	shalt  }
0x82: {  	_ =	shalt  }
0x83: {  	_ =	shalt  }
0x84: {  	_ =	shalt  }
0x85: {  	_ =	shalt  }
0x86: {  	_ =	shalt  }
0x87: {  	_ =	shalt  }
.Lfunc_end0:
.L_simem_size_0:
called_computation.1_lowered:
.L_overlay_start_0:
0x88: {  	s2 =	sld [smem:$0x3FD9]  }
0x89: {  	s3 =	sld [smem:$0x3FFE];
	_ =	sdelay $0x1  }
0x8a: {  	s1 =	srdreg.scid  }
0x8b: {  	s0 =	sand.u32 $0x1, s1  }
0x8c: {  	s17 =	sshll.u32 s0, $0xA;
	s2 =	sadd.s32 s3, s2  }
0x8d: {  	s2 =	sadd.s32 s2, s17  }
0x8e: {  	[smem:$0x3FC5] =	sst s2  }
0x8f: {  	_ = 	snop  }
0x90: {  	s2 =	sld [smem:$0x3FC7]  }
0x91: {  	s18 =	sld [smem:$0x3FD0];
	(tm) =	ssettm $0x1  }
0x92: {  	s4 =	sld [smem:$0x3FFB];
	_ =	sdelay $0x3  }
0x93: {  	_ =	strace s4  }
0x94: {  	s4 =	sld [smem:$0x3FFC];
	_ =	sdelay $0x3  }
0x95: {  	_ =	strace s4  }
0x96: {  	s4 =	sld [smem:$0x3FFD];
	_ =	sdelay $0x3  }
0x97: {  	_ =	strace s4  }
0x98: {  	_ =	strace $0x8FFFFFFF  }
0x99: {  	s19 =	sld [smem:$0x3FDB];
	_ =	sdelay $0x1  }
0x9a: {  	s5 =	simm.s32 $_scs_section_size  }
0x9b: {  	s6 =	simm.s32 $_size__tile_overlayer_lowered;
	s7 =	simm.s32 $_tile_overlayer_lowered  }
0x9c: {  	s22 =	simm.s32 $0x1BFF;
	s21 =	sshll.u32 s7, $0x1;
	s4 =	sadd.s32 s5, s19  }
0x9d: {  	s8 =	simm.s32 $0x0;
	s20 =	sshll.u32 s6, $0x1;
	s6 =	sadd.s32 s21, s4  }
0x9e: {  	[timem:s8], [sflag:s22] =	dma.local [hbm:s6], s20  }
0x9f: {  	_ =	swait.ge [sflag:s22], s20  }
0xa0: {  	s5 =	ssub.s32 $0x0, s20;
	[sflag:s22] =	ssyncset.done $0x0  }
0xa1: {  	[sflag:s22] =	ssyncadd.s32 s5;
	_ =	sdelay $0x1  }
0xa2: {  	s23 =	simm.s32 $0x1B8B  }
0xa3: {  	_ =	swait.ge [sflag:s23], $0x1  }
0xa4: {  	[sflag:s23] =	ssyncset.done $0x0  }
0xa5: {  	s25 =	simm.s32 $0x1B8E;
	s24 =	sld [smem:$0x3FFE];
	[sflag:s23] =	ssyncadd.s32 $0xFFFFFFFF  }
0xa6: {  	s26 =	simm.s32 $execute0_lowered;
	[smem:$0x3FD2] =	sst s25  }
0xa7: {  	s6 =	sshll.u32 s26, $0x1;
	_ =	strace $0x80000046;
	[dreg:$0x1] =	wrdreg $0xFFFFFFFF  }
0xa8: {  	s28 =	simm.s32 $_size_execute0_lowered;
	s4 =	sadd.s32 s4, s6;
	[dreg:$0x0] =	wrdreg $0x0  }
0xa9: {  	s6 =	sshll.u32 s28, $0x1;
	[dreg:$0x2] =	wrdreg s4  }
0xaa: {  	[dreg:$0x3] =	wrdreg s6  }
0xab: {  	[dreg:$0x4] =	wrdreg $0xC0  }
0xac: {  	_ =	task [dreg:s8], $0x5FFFF  }
0xad: {  	[dreg:$0x1] =	wrdreg $0xFFFFFFFF  }
0xae: {  	[dreg:$0x0] =	wrdreg $0x60  }
0xaf: {  	[dreg:$0x2] =	wrdreg s24  }
0xb0: {  	[dreg:$0x3] =	wrdreg s2  }
0xb1: {  	[dreg:$0x4] =	wrdreg s18  }
0xb2: {  	[dreg:$0x5] =	wrdreg $0x9  }
0xb3: {  	_ =	task.clear_ibuf [dreg:s8], $0x6FFFF;
	_ =	strace $0x90000046  }
0xb4: {  	s29 =	simm.s32 $0x9;
	_ =	strace $0x80000048  }
0xb5: {  	_ =	swait.ge [sflag:s29], $0x1  }
0xb6: {  	[sflag:s29] =	ssyncadd.s32 $0xFFFFFFFF  }
0xb7: {  	_ =	strace $0x90000048  }
0xb8: {  	_ =	sfence  }
0xb9: {  	s30 =	sld [smem:$0x0];
	_ =	sdelay $0x2  }
0xba: {  	s31 =	sshll.u32 s1, $0xD;
	s1 =	sshrl.u32 s1, $0x2  }
0xbb: {  	s3 =	sand.u32 $0x4000, s31;
	s1 =	sadd.s32 s1, s30  }
0xbc: {  	s0 =	sor.u32 s3, s0;
	s1 =	sshll.u32 s1, $0x11  }
0xbd: {  	s0 =	sor.u32 s1, s0  }
0xbe: {  	s0 =	sadd.s32 $0x8F2B, s0  }
0xbf: {  	[sflag:s0] =	ssyncadd.remote.s32 $0x1  }
0xc0: {  	_ =	sfence.sel $0xFFFF  }
0xc1: {  	[dreg:$0x0] =	wrdreg $0xFFFFFFFF;
	(pc) =	sbr.abs _section_cstart, $3  }
0xc2: {  	[dreg:$0x1] =	wrdreg $0xFFFFFFFF  }
0xc3: {  	_ =	task.clear_ibuf [dreg:s8], $0x2FFFF;
	_ =	strace $0x9FFFFFFF  }
0xc4: {  	(tm) =	ssettm $0x7FFFFFFF  }
0xc5: {  	_ =	shalt  }
tec
execute0_lowered:
.L_overlay_start_1:
0x0: {  	(tag) =	ssettag $0x1  }
0x1: {  	s0 =	rddreg [dreg:$0x0];
	s1 =	srdreg.scid  }
0x2: {  	s2 =	stileid.u32;
	s3 =	rddreg [dreg:$0x2]  }
0x3: {  	s4 =	simm.s32 $0x0;
	s9 =	simm.s32 $0x5;
	s11 =	simm.s32 $0x64  }
0x4: {  	s12 =	simm.s32 $0x6800;
	s13 =	simm.s32 $0x68;
	s14 =	simm.s32 $0x8100  }
0x5: {  	s15 =	simm.s32 $0xD0;
	s16 =	simm.s32 $0x9A00;
	s17 =	simm.s32 $0x138  }
0x6: {  	s18 =	simm.s32 $0xB300;
	s19 =	simm.s32 $0xCC00;
	s20 =	simm.s32 $0xE500  }
0x7: {  	s21 =	simm.s32 $0xFE00;
	s22 =	simm.s32 $0x11700;
	s1 =	sand.u32 $0x1, s1  }
0x8: {  	s23 =	simm.s32 $0x1;
	s2 =	sshll.u32 s2, $0x9;
	s5 =	sshll.u32 s1, $0x8  }
0x9: {  	s24 =	simm.s32 $0x2;
	s25 =	simm.s32 $0x3;
	s5 =	sor.u32 s5, s2  }
0xa: {  	s26 =	simm.s32 $0x4;
	s1 =	ssub.s32 $0x2, s1;
	s2 =	smul.u32 $0xD, s5  }
0xb: {  	s28 =	simm.s32 $0x0;
	[smem:$0x7FF] =	sst s4;
	s7 =	sshrl.u32 s1, $0x1  }
0xc: {  	s6 =	sadd.s32 $0xF42E00, s0;
	s31 =	ssub.s32 s1, s7;
	s2 =	sadd.s32 s2, s0  }
0xd: {  	_ =	strace $0x80000047;
	s8 =	smax.u32 s31, $0x1;
	s7 =	sadd.s32 $0xA00, s2  }
.LBB2_1:
0xe: {  	[tilespmem:s4], [sflag:$0x5] =	stream.linear.gather [hbm4b:s7+s4], $0x6800, $0x38;
	[tilespmem:$0x16200] =	vst v63  }
0xf: {  	_ =	swait.ge [sflag:s9], $0x6800  }
0x10: {  	[sflag:s9] =	ssyncset.done $0x0  }
0x11: {  	[sflag:s9] =	ssyncadd.s32 $0xFFFF9800  }
0x12: {  	s1 =	simm.s32 $0x13000;
	s0 =	rddreg [dreg:$0x1]  }
0x13: {  	[tilespmem:s1], [sflag:$0x5] =	stream.linear.gather [hbm4b:s0+s4], $0x3200, $0x38;
	[tilespmem:$0x16200] =	vst v63  }
0x14: {  	_ =	swait.ge [sflag:s9], $0x3200  }
0x15: {  	[sflag:s9] =	ssyncset.done $0x0  }
0x16: {  	[sflag:s9] =	ssyncadd.s32 $0xFFFFCE00  }
0x17: {  	[tilespmem:s12], [sflag:$0x1] =	stream.indirect.gather [hbm4b:s6+s11], $0x40, s4, s11, $0xb8;
	[tilespmem:$0x16200] =	vst v63  }
0x18: {  	_ = 	snop  }
0x19: {  	[tilespmem:s14], [sflag:$0x1] =	stream.indirect.gather [hbm4b:s6+s11], $0x40, s13, s11, $0xb8;
	[tilespmem:$0x16200] =	vst v63  }
0x1a: {  	_ = 	snop  }
0x1b: {  	[tilespmem:s16], [sflag:$0x1] =	stream.indirect.gather [hbm4b:s6+s11], $0x40, s15, s11, $0xb8;
	[tilespmem:$0x16200] =	vst v63  }
0x1c: {  	s29 =	simm.s32 $0x0  }
0x1d: {  	[tilespmem:s18], [sflag:$0x1] =	stream.indirect.gather [hbm4b:s6+s11], $0x40, s17, s11, $0xb8;
	[tilespmem:$0x16200] =	vst v63  }
.LBB2_2:
0x1e: {  	p0 =	seq.s32 s29, $0x0  }
0x1f: {  	s0 =	simm.s32 @!p0 $0x4  }
0x20: {  	_ =	swait.ge @!p0 [sflag:s0], $0x1900  }
0x21: {  	[sflag:s0] =	ssyncset.done @!p0 $0x0  }
0x22: {  	[sflag:s0] =	ssyncadd.s32 @!p0 $0xFFFFE700  }
0x23: {  	_ =	swait.ge @!p0 [sflag:s0], $0x1900  }
0x24: {  	[sflag:s0] =	ssyncset.done @!p0 $0x0  }
0x25: {  	[sflag:s0] =	ssyncadd.s32 @!p0 $0xFFFFE700  }
0x26: {  	_ =	swait.ge @!p0 [sflag:s0], $0x1900  }
0x27: {  	s1 =	sshll.u32 s29, $0x3;
	[sflag:s0] =	ssyncset.done @!p0 $0x0  }
0x28: {  	s10 =	smul.u32 $0xD00, s29;
	s30 =	sor.u32 $0x4, s1;
	[sflag:s0] =	ssyncadd.s32 @!p0 $0xFFFFE700  }
0x29: {  	s2 =	smul.u32 $0x1A0, s30;
	_ =	swait.ge @!p0 [sflag:s0], $0x1900  }
0x2a: {  	[sflag:s0] =	ssyncset.done @!p0 $0x0  }
0x2b: {  	s31 =	sshra.s32 s10, $0x2;
	s2 =	sshra.s32 s2, $0x2;
	[sflag:s0] =	ssyncadd.s32 @!p0 $0xFFFFE700  }
0x2c: {  	[tilespmem:s19], [sflag:$0x2] =	stream.indirect.gather [hbm4b:s6+s11], $0x40, s2, s11, $0xb8;
	[tilespmem:$0x16200] =	vst v63  }
0x2d: {  	s10 =	sadd.s32 $0x208, s31  }
0x2e: {  	[tilespmem:s20], [sflag:$0x2] =	stream.indirect.gather [hbm4b:s6+s11], $0x40, s10, s11, $0xb8;
	[tilespmem:$0x16200] =	vst v63  }
0x2f: {  	s2 =	sadd.s32 $0x270, s31  }
0x30: {  	[tilespmem:s21], [sflag:$0x2] =	stream.indirect.gather [hbm4b:s6+s11], $0x40, s2, s11, $0xb8;
	[tilespmem:$0x16200] =	vst v63  }
0x31: {  	s10 =	sadd.s32 $0x2D8, s31  }
0x32: {  	[tilespmem:s22], [sflag:$0x2] =	stream.indirect.gather [hbm4b:s6+s11], $0x40, s10, s11, $0xb8;
	[tilespmem:$0x16200] =	vst v63  }
0x33: {  	_ =	swait.ge [sflag:s23], $0x1900  }
0x34: {  	[sflag:s23] =	ssyncset.done $0x0  }
0x35: {  	[sflag:s23] =	ssyncadd.s32 $0xFFFFE700  }
0x36: {  	_ =	swait.ge [sflag:s23], $0x1900  }
0x37: {  	[sflag:s23] =	ssyncset.done $0x0  }
0x38: {  	[sflag:s23] =	ssyncadd.s32 $0xFFFFE700  }
0x39: {  	_ =	swait.ge [sflag:s23], $0x1900  }
0x3a: {  	[sflag:s23] =	ssyncset.done $0x0  }
0x3b: {  	[sflag:s23] =	ssyncadd.s32 $0xFFFFE700  }
0x3c: {  	_ =	swait.ge [sflag:s23], $0x1900  }
0x3d: {  	[sflag:s23] =	ssyncset.done $0x0  }
0x3e: {  	s0 =	simm.s32 $0x0;
	[sflag:s23] =	ssyncadd.s32 $0xFFFFE700  }
0x3f: {  	v0 =	vld [tilespmem:s0+$0x130F0]  }
0x40: {  	v1 =	vld [tilespmem:s0+$0x13000]  }
0x41: {  	v2 =	vld [tilespmem:s0+$0x13010]  }
0x42: {  	v3 =	vld [tilespmem:s0+$0x13020]  }
0x43: {  	v4 =	vld [tilespmem:s0+$0x13030]  }
0x44: {  	v5 =	vld [tilespmem:s0+$0x13040]  }
0x45: {  	v6 =	vld [tilespmem:s0+$0x13050]  }
0x46: {  	v7 =	vld [tilespmem:s0+$0x13060]  }
0x47: {  	v8 =	vld [tilespmem:s0+$0x13070]  }
0x48: {  	v9 =	vld [tilespmem:s0+$0x13080]  }
0x49: {  	v10 =	vld [tilespmem:s0+$0x13090]  }
0x4a: {  	v11 =	vld [tilespmem:s0+$0x130A0]  }
0x4b: {  	v12 =	vld [tilespmem:s0+$0x130B0]  }
0x4c: {  	v13 =	vld [tilespmem:s0+$0x130C0]  }
0x4d: {  	v14 =	vld [tilespmem:s0+$0x130D0]  }
0x4e: {  	[tilespmem:s0+$0x68F0] =	vst.add.f32.msk $0xffff, v0  }
0x4f: {  	v0 =	vld [tilespmem:s0+$0x130E0]  }
0x50: {  	[tilespmem:s0+$0x6800] =	vst.add.f32.msk $0xffff, v1  }
0x51: {  	[tilespmem:s0+$0x6810] =	vst.add.f32.msk $0xffff, v2  }
0x52: {  	[tilespmem:s0+$0x6820] =	vst.add.f32.msk $0xffff, v3  }
0x53: {  	[tilespmem:s0+$0x6830] =	vst.add.f32.msk $0xffff, v4  }
0x54: {  	[tilespmem:s0+$0x6840] =	vst.add.f32.msk $0xffff, v5  }
0x55: {  	[tilespmem:s0+$0x6850] =	vst.add.f32.msk $0xffff, v6  }
0x56: {  	[tilespmem:s0+$0x6860] =	vst.add.f32.msk $0xffff, v7  }
0x57: {  	[tilespmem:s0+$0x6870] =	vst.add.f32.msk $0xffff, v8  }
0x58: {  	[tilespmem:s0+$0x6880] =	vst.add.f32.msk $0xffff, v9  }
0x59: {  	[tilespmem:s0+$0x6890] =	vst.add.f32.msk $0xffff, v10  }
0x5a: {  	[tilespmem:s0+$0x68A0] =	vst.add.f32.msk $0xffff, v11  }
0x5b: {  	[tilespmem:s0+$0x68B0] =	vst.add.f32.msk $0xffff, v12  }
0x5c: {  	[tilespmem:s0+$0x68C0] =	vst.add.f32.msk $0xffff, v13  }
0x5d: {  	s2 =	simm.s32 $0x0;
	s10 =	simm.s32 $0x400;
	[tilespmem:s0+$0x68D0] =	vst.add.f32.msk $0xffff, v14  }
.LBB2_3:
0x5e: {  	s2 =	sadd.s32 $0x4, s2;
	[tilespmem:s0+$0x68E0] =	vst.add.f32.msk $0xffff, v0;
	s0 =	sshra.s32 s10, $0x2  }
0x5f: {  	v0 =	vld [tilespmem:s0+$0x130F0];
	p0 =	slt.u32 s2, $0x60  }
0x60: {  	v1 =	vld [tilespmem:s0+$0x13000]  }
0x61: {  	v2 =	vld [tilespmem:s0+$0x13010]  }
0x62: {  	v3 =	vld [tilespmem:s0+$0x13020]  }
0x63: {  	v4 =	vld [tilespmem:s0+$0x13030]  }
0x64: {  	[tilespmem:s0+$0x68F0] =	vst.add.f32.msk $0xffff, v0  }
0x65: {  	v5 =	vld [tilespmem:s0+$0x13040]  }
0x66: {  	v6 =	vld [tilespmem:s0+$0x13050]  }
0x67: {  	v7 =	vld [tilespmem:s0+$0x13060]  }
0x68: {  	v8 =	vld [tilespmem:s0+$0x13070]  }
0x69: {  	v9 =	vld [tilespmem:s0+$0x13080]  }
0x6a: {  	v10 =	vld [tilespmem:s0+$0x13090]  }
0x6b: {  	v11 =	vld [tilespmem:s0+$0x130A0]  }
0x6c: {  	v12 =	vld [tilespmem:s0+$0x130B0]  }
0x6d: {  	v13 =	vld [tilespmem:s0+$0x130C0]  }
0x6e: {  	v14 =	vld [tilespmem:s0+$0x130D0]  }
0x6f: {  	v0 =	vld [tilespmem:s0+$0x130E0]  }
0x70: {  	[tilespmem:s0+$0x6800] =	vst.add.f32.msk $0xffff, v1  }
0x71: {  	[tilespmem:s0+$0x6810] =	vst.add.f32.msk $0xffff, v2  }
0x72: {  	[tilespmem:s0+$0x6820] =	vst.add.f32.msk $0xffff, v3  }
0x73: {  	[tilespmem:s0+$0x6830] =	vst.add.f32.msk $0xffff, v4  }
0x74: {  	[tilespmem:s0+$0x6840] =	vst.add.f32.msk $0xffff, v5  }
0x75: {  	[tilespmem:s0+$0x6850] =	vst.add.f32.msk $0xffff, v6  }
0x76: {  	[tilespmem:s0+$0x6860] =	vst.add.f32.msk $0xffff, v7  }
0x77: {  	[tilespmem:s0+$0x6870] =	vst.add.f32.msk $0xffff, v8  }
0x78: {  	[tilespmem:s0+$0x6880] =	vst.add.f32.msk $0xffff, v9  }
.Ltmp0:
0x79: {  	[tilespmem:s0+$0x6890] =	vst.add.f32.msk $0xffff, v10;
	(pc) =	sbr.rel @p0 .LBB2_3-.Ltmp0, $4  }
0x7a: {  	[tilespmem:s0+$0x68A0] =	vst.add.f32.msk $0xffff, v11  }
0x7b: {  	[tilespmem:s0+$0x68B0] =	vst.add.f32.msk $0xffff, v12  }
0x7c: {  	[tilespmem:s0+$0x68C0] =	vst.add.f32.msk $0xffff, v13  }
0x7d: {  	s10 =	sadd.s32 $0x400, s10;
	[tilespmem:s0+$0x68D0] =	vst.add.f32.msk $0xffff, v14  }
0x7e: {  	s1 =	sor.u32 s5, s1  }
0x7f: {  	s2 =	smul.u32 $0x320, s1;
	_ =	sdelay $0x1  }
0x80: {  	[tilespmem:s0+$0x68E0] =	vst.add.f32.msk $0xffff, v0;
	s10 =	simm.s32 $0x0;
	s0 =	simm.s32 $0x0;
	s2 =	sadd.s32 s3, s2  }
0x81: {  	[hbm4b:s2+s10] =	stream.linear.scatter [tilespmem:s12], [sflag:$0x3], $0x1900, $0x38;
	[tilespmem:$0x16200] =	vst v63  }
0x82: {  	v0 =	vld [tilespmem:s0+$0x149F0]  }
0x83: {  	v1 =	vld [tilespmem:s0+$0x14900]  }
0x84: {  	v2 =	vld [tilespmem:s0+$0x14910]  }
0x85: {  	v3 =	vld [tilespmem:s0+$0x14920]  }
0x86: {  	v4 =	vld [tilespmem:s0+$0x14930]  }
0x87: {  	v5 =	vld [tilespmem:s0+$0x14940]  }
0x88: {  	v6 =	vld [tilespmem:s0+$0x14950]  }
0x89: {  	v7 =	vld [tilespmem:s0+$0x14960]  }
0x8a: {  	v8 =	vld [tilespmem:s0+$0x14970]  }
0x8b: {  	v9 =	vld [tilespmem:s0+$0x14980]  }
0x8c: {  	v10 =	vld [tilespmem:s0+$0x14990]  }
0x8d: {  	v11 =	vld [tilespmem:s0+$0x149A0]  }
0x8e: {  	v12 =	vld [tilespmem:s0+$0x149B0]  }
0x8f: {  	v13 =	vld [tilespmem:s0+$0x149C0]  }
0x90: {  	v14 =	vld [tilespmem:s0+$0x149D0]  }
0x91: {  	[tilespmem:s0+$0x81F0] =	vst.add.f32.msk $0xffff, v0  }
0x92: {  	v0 =	vld [tilespmem:s0+$0x149E0]  }
0x93: {  	[tilespmem:s0+$0x8100] =	vst.add.f32.msk $0xffff, v1  }
0x94: {  	[tilespmem:s0+$0x8110] =	vst.add.f32.msk $0xffff, v2  }
0x95: {  	[tilespmem:s0+$0x8120] =	vst.add.f32.msk $0xffff, v3  }
0x96: {  	[tilespmem:s0+$0x8130] =	vst.add.f32.msk $0xffff, v4  }
0x97: {  	[tilespmem:s0+$0x8140] =	vst.add.f32.msk $0xffff, v5  }
0x98: {  	[tilespmem:s0+$0x8150] =	vst.add.f32.msk $0xffff, v6  }
0x99: {  	[tilespmem:s0+$0x8160] =	vst.add.f32.msk $0xffff, v7  }
0x9a: {  	[tilespmem:s0+$0x8170] =	vst.add.f32.msk $0xffff, v8  }
0x9b: {  	[tilespmem:s0+$0x8180] =	vst.add.f32.msk $0xffff, v9  }
0x9c: {  	[tilespmem:s0+$0x8190] =	vst.add.f32.msk $0xffff, v10  }
0x9d: {  	[tilespmem:s0+$0x81A0] =	vst.add.f32.msk $0xffff, v11  }
0x9e: {  	[tilespmem:s0+$0x81B0] =	vst.add.f32.msk $0xffff, v12  }
0x9f: {  	[tilespmem:s0+$0x81C0] =	vst.add.f32.msk $0xffff, v13  }
0xa0: {  	s2 =	simm.s32 $0x0;
	s10 =	simm.s32 $0x400;
	[tilespmem:s0+$0x81D0] =	vst.add.f32.msk $0xffff, v14  }
.LBB2_5:
0xa1: {  	s2 =	sadd.s32 $0x4, s2;
	[tilespmem:s0+$0x81E0] =	vst.add.f32.msk $0xffff, v0;
	s0 =	sshra.s32 s10, $0x2  }
0xa2: {  	v0 =	vld [tilespmem:s0+$0x149F0];
	p0 =	slt.u32 s2, $0x60  }
0xa3: {  	v1 =	vld [tilespmem:s0+$0x14900]  }
0xa4: {  	v2 =	vld [tilespmem:s0+$0x14910]  }
0xa5: {  	v3 =	vld [tilespmem:s0+$0x14920]  }
0xa6: {  	v4 =	vld [tilespmem:s0+$0x14930]  }
0xa7: {  	[tilespmem:s0+$0x81F0] =	vst.add.f32.msk $0xffff, v0  }
0xa8: {  	v5 =	vld [tilespmem:s0+$0x14940]  }
0xa9: {  	v6 =	vld [tilespmem:s0+$0x14950]  }
0xaa: {  	v7 =	vld [tilespmem:s0+$0x14960]  }
0xab: {  	v8 =	vld [tilespmem:s0+$0x14970]  }
0xac: {  	v9 =	vld [tilespmem:s0+$0x14980]  }
0xad: {  	v10 =	vld [tilespmem:s0+$0x14990]  }
0xae: {  	v11 =	vld [tilespmem:s0+$0x149A0]  }
0xaf: {  	v12 =	vld [tilespmem:s0+$0x149B0]  }
0xb0: {  	v13 =	vld [tilespmem:s0+$0x149C0]  }
0xb1: {  	v14 =	vld [tilespmem:s0+$0x149D0]  }
0xb2: {  	v0 =	vld [tilespmem:s0+$0x149E0]  }
0xb3: {  	[tilespmem:s0+$0x8100] =	vst.add.f32.msk $0xffff, v1  }
0xb4: {  	[tilespmem:s0+$0x8110] =	vst.add.f32.msk $0xffff, v2  }
0xb5: {  	[tilespmem:s0+$0x8120] =	vst.add.f32.msk $0xffff, v3  }
0xb6: {  	[tilespmem:s0+$0x8130] =	vst.add.f32.msk $0xffff, v4  }
0xb7: {  	[tilespmem:s0+$0x8140] =	vst.add.f32.msk $0xffff, v5  }
0xb8: {  	[tilespmem:s0+$0x8150] =	vst.add.f32.msk $0xffff, v6  }
0xb9: {  	[tilespmem:s0+$0x8160] =	vst.add.f32.msk $0xffff, v7  }
0xba: {  	[tilespmem:s0+$0x8170] =	vst.add.f32.msk $0xffff, v8  }
0xbb: {  	[tilespmem:s0+$0x8180] =	vst.add.f32.msk $0xffff, v9  }
.Ltmp1:
0xbc: {  	[tilespmem:s0+$0x8190] =	vst.add.f32.msk $0xffff, v10;
	(pc) =	sbr.rel @p0 .LBB2_5-.Ltmp1, $4  }
0xbd: {  	[tilespmem:s0+$0x81A0] =	vst.add.f32.msk $0xffff, v11  }
0xbe: {  	[tilespmem:s0+$0x81B0] =	vst.add.f32.msk $0xffff, v12  }
0xbf: {  	[tilespmem:s0+$0x81C0] =	vst.add.f32.msk $0xffff, v13  }
0xc0: {  	s10 =	sadd.s32 $0x400, s10;
	[tilespmem:s0+$0x81D0] =	vst.add.f32.msk $0xffff, v14  }
0xc1: {  	s1 =	smul.u32 $0x1900, s1;
	_ =	sdelay $0x1  }
0xc2: {  	s1 =	sshrl.u32 s1, $0x3  }
0xc3: {  	s1 =	sadd.s32 s3, s1  }
0xc4: {  	[tilespmem:s0+$0x81E0] =	vst.add.f32.msk $0xffff, v0;
	s2 =	simm.s32 $0x0;
	s0 =	simm.s32 $0x0;
	s10 =	sadd.s32 $0x320, s1  }
0xc5: {  	[hbm4b:s10+s2] =	stream.linear.scatter [tilespmem:s14], [sflag:$0x3], $0x1900, $0x38;
	[tilespmem:$0x16200] =	vst v63  }
0xc6: {  	v0 =	vld [tilespmem:s0+$0x130F0]  }
0xc7: {  	v1 =	vld [tilespmem:s0+$0x13000]  }
0xc8: {  	v2 =	vld [tilespmem:s0+$0x13010]  }
0xc9: {  	v3 =	vld [tilespmem:s0+$0x13020]  }
0xca: {  	v4 =	vld [tilespmem:s0+$0x13030]  }
0xcb: {  	v5 =	vld [tilespmem:s0+$0x13040]  }
0xcc: {  	v6 =	vld [tilespmem:s0+$0x13050]  }
0xcd: {  	v7 =	vld [tilespmem:s0+$0x13060]  }
0xce: {  	v8 =	vld [tilespmem:s0+$0x13070]  }
0xcf: {  	v9 =	vld [tilespmem:s0+$0x13080]  }
0xd0: {  	v10 =	vld [tilespmem:s0+$0x13090]  }
0xd1: {  	v11 =	vld [tilespmem:s0+$0x130A0]  }
0xd2: {  	v12 =	vld [tilespmem:s0+$0x130B0]  }
0xd3: {  	v13 =	vld [tilespmem:s0+$0x130C0]  }
0xd4: {  	v14 =	vld [tilespmem:s0+$0x130D0]  }
0xd5: {  	[tilespmem:s0+$0x9AF0] =	vst.add.f32.msk $0xffff, v0  }
0xd6: {  	v0 =	vld [tilespmem:s0+$0x130E0]  }
0xd7: {  	[tilespmem:s0+$0x9A00] =	vst.add.f32.msk $0xffff, v1  }
0xd8: {  	[tilespmem:s0+$0x9A10] =	vst.add.f32.msk $0xffff, v2  }
0xd9: {  	[tilespmem:s0+$0x9A20] =	vst.add.f32.msk $0xffff, v3  }
0xda: {  	[tilespmem:s0+$0x9A30] =	vst.add.f32.msk $0xffff, v4  }
0xdb: {  	[tilespmem:s0+$0x9A40] =	vst.add.f32.msk $0xffff, v5  }
0xdc: {  	[tilespmem:s0+$0x9A50] =	vst.add.f32.msk $0xffff, v6  }
0xdd: {  	[tilespmem:s0+$0x9A60] =	vst.add.f32.msk $0xffff, v7  }
0xde: {  	[tilespmem:s0+$0x9A70] =	vst.add.f32.msk $0xffff, v8  }
0xdf: {  	[tilespmem:s0+$0x9A80] =	vst.add.f32.msk $0xffff, v9  }
0xe0: {  	[tilespmem:s0+$0x9A90] =	vst.add.f32.msk $0xffff, v10  }
0xe1: {  	[tilespmem:s0+$0x9AA0] =	vst.add.f32.msk $0xffff, v11  }
0xe2: {  	[tilespmem:s0+$0x9AB0] =	vst.add.f32.msk $0xffff, v12  }
0xe3: {  	[tilespmem:s0+$0x9AC0] =	vst.add.f32.msk $0xffff, v13  }
0xe4: {  	s2 =	simm.s32 $0x0;
	s10 =	simm.s32 $0x400;
	[tilespmem:s0+$0x9AD0] =	vst.add.f32.msk $0xffff, v14  }
.LBB2_7:
0xe5: {  	s2 =	sadd.s32 $0x4, s2;
	[tilespmem:s0+$0x9AE0] =	vst.add.f32.msk $0xffff, v0;
	s0 =	sshra.s32 s10, $0x2  }
0xe6: {  	v0 =	vld [tilespmem:s0+$0x130F0];
	p0 =	slt.u32 s2, $0x60  }
0xe7: {  	v1 =	vld [tilespmem:s0+$0x13000]  }
0xe8: {  	v2 =	vld [tilespmem:s0+$0x13010]  }
0xe9: {  	v3 =	vld [tilespmem:s0+$0x13020]  }
0xea: {  	v4 =	vld [tilespmem:s0+$0x13030]  }
0xeb: {  	[tilespmem:s0+$0x9AF0] =	vst.add.f32.msk $0xffff, v0  }
0xec: {  	v5 =	vld [tilespmem:s0+$0x13040]  }
0xed: {  	v6 =	vld [tilespmem:s0+$0x13050]  }
0xee: {  	v7 =	vld [tilespmem:s0+$0x13060]  }
0xef: {  	v8 =	vld [tilespmem:s0+$0x13070]  }
0xf0: {  	v9 =	vld [tilespmem:s0+$0x13080]  }
0xf1: {  	v10 =	vld [tilespmem:s0+$0x13090]  }
0xf2: {  	v11 =	vld [tilespmem:s0+$0x130A0]  }
0xf3: {  	v12 =	vld [tilespmem:s0+$0x130B0]  }
0xf4: {  	v13 =	vld [tilespmem:s0+$0x130C0]  }
0xf5: {  	v14 =	vld [tilespmem:s0+$0x130D0]  }
0xf6: {  	v0 =	vld [tilespmem:s0+$0x130E0]  }
0xf7: {  	[tilespmem:s0+$0x9A00] =	vst.add.f32.msk $0xffff, v1  }
0xf8: {  	[tilespmem:s0+$0x9A10] =	vst.add.f32.msk $0xffff, v2  }
0xf9: {  	[tilespmem:s0+$0x9A20] =	vst.add.f32.msk $0xffff, v3  }
0xfa: {  	[tilespmem:s0+$0x9A30] =	vst.add.f32.msk $0xffff, v4  }
0xfb: {  	[tilespmem:s0+$0x9A40] =	vst.add.f32.msk $0xffff, v5  }
0xfc: {  	[tilespmem:s0+$0x9A50] =	vst.add.f32.msk $0xffff, v6  }
0xfd: {  	[tilespmem:s0+$0x9A60] =	vst.add.f32.msk $0xffff, v7  }
0xfe: {  	[tilespmem:s0+$0x9A70] =	vst.add.f32.msk $0xffff, v8  }
0xff: {  	[tilespmem:s0+$0x9A80] =	vst.add.f32.msk $0xffff, v9  }
.Ltmp2:
0x100: {  	[tilespmem:s0+$0x9A90] =	vst.add.f32.msk $0xffff, v10;
	(pc) =	sbr.rel @p0 .LBB2_7-.Ltmp2, $4  }
0x101: {  	[tilespmem:s0+$0x9AA0] =	vst.add.f32.msk $0xffff, v11  }
0x102: {  	[tilespmem:s0+$0x9AB0] =	vst.add.f32.msk $0xffff, v12  }
0x103: {  	[tilespmem:s0+$0x9AC0] =	vst.add.f32.msk $0xffff, v13  }
0x104: {  	s10 =	sadd.s32 $0x400, s10;
	[tilespmem:s0+$0x9AD0] =	vst.add.f32.msk $0xffff, v14  }
0x105: {  	[tilespmem:s0+$0x9AE0] =	vst.add.f32.msk $0xffff, v0;
	s10 =	sadd.s32 $0x640, s1;
	s2 =	simm.s32 $0x0;
	s0 =	simm.s32 $0x0  }
0x106: {  	[hbm4b:s10+s2] =	stream.linear.scatter [tilespmem:s16], [sflag:$0x3], $0x1900, $0x38;
	[tilespmem:$0x16200] =	vst v63  }
0x107: {  	v0 =	vld [tilespmem:s0+$0x149F0]  }
0x108: {  	v1 =	vld [tilespmem:s0+$0x14900]  }
0x109: {  	v2 =	vld [tilespmem:s0+$0x14910]  }
0x10a: {  	v3 =	vld [tilespmem:s0+$0x14920]  }
0x10b: {  	v4 =	vld [tilespmem:s0+$0x14930]  }
0x10c: {  	v5 =	vld [tilespmem:s0+$0x14940]  }
0x10d: {  	v6 =	vld [tilespmem:s0+$0x14950]  }
0x10e: {  	v7 =	vld [tilespmem:s0+$0x14960]  }
0x10f: {  	v8 =	vld [tilespmem:s0+$0x14970]  }
0x110: {  	v9 =	vld [tilespmem:s0+$0x14980]  }
0x111: {  	v10 =	vld [tilespmem:s0+$0x14990]  }
0x112: {  	v11 =	vld [tilespmem:s0+$0x149A0]  }
0x113: {  	v12 =	vld [tilespmem:s0+$0x149B0]  }
0x114: {  	v13 =	vld [tilespmem:s0+$0x149C0]  }
0x115: {  	v14 =	vld [tilespmem:s0+$0x149D0]  }
0x116: {  	[tilespmem:s0+$0xB3F0] =	vst.add.f32.msk $0xffff, v0  }
0x117: {  	v0 =	vld [tilespmem:s0+$0x149E0]  }
0x118: {  	[tilespmem:s0+$0xB300] =	vst.add.f32.msk $0xffff, v1  }
0x119: {  	[tilespmem:s0+$0xB310] =	vst.add.f32.msk $0xffff, v2  }
0x11a: {  	[tilespmem:s0+$0xB320] =	vst.add.f32.msk $0xffff, v3  }
0x11b: {  	[tilespmem:s0+$0xB330] =	vst.add.f32.msk $0xffff, v4  }
0x11c: {  	[tilespmem:s0+$0xB340] =	vst.add.f32.msk $0xffff, v5  }
0x11d: {  	[tilespmem:s0+$0xB350] =	vst.add.f32.msk $0xffff, v6  }
0x11e: {  	[tilespmem:s0+$0xB360] =	vst.add.f32.msk $0xffff, v7  }
0x11f: {  	[tilespmem:s0+$0xB370] =	vst.add.f32.msk $0xffff, v8  }
0x120: {  	[tilespmem:s0+$0xB380] =	vst.add.f32.msk $0xffff, v9  }
0x121: {  	[tilespmem:s0+$0xB390] =	vst.add.f32.msk $0xffff, v10  }
0x122: {  	[tilespmem:s0+$0xB3A0] =	vst.add.f32.msk $0xffff, v11  }
0x123: {  	[tilespmem:s0+$0xB3B0] =	vst.add.f32.msk $0xffff, v12  }
0x124: {  	[tilespmem:s0+$0xB3C0] =	vst.add.f32.msk $0xffff, v13  }
0x125: {  	s2 =	simm.s32 $0x0;
	s10 =	simm.s32 $0x400;
	[tilespmem:s0+$0xB3D0] =	vst.add.f32.msk $0xffff, v14  }
.LBB2_9:
0x126: {  	s2 =	sadd.s32 $0x4, s2;
	[tilespmem:s0+$0xB3E0] =	vst.add.f32.msk $0xffff, v0;
	s0 =	sshra.s32 s10, $0x2  }
0x127: {  	v0 =	vld [tilespmem:s0+$0x149F0];
	p0 =	slt.u32 s2, $0x60  }
0x128: {  	v1 =	vld [tilespmem:s0+$0x14900]  }
0x129: {  	v2 =	vld [tilespmem:s0+$0x14910]  }
0x12a: {  	v3 =	vld [tilespmem:s0+$0x14920]  }
0x12b: {  	v4 =	vld [tilespmem:s0+$0x14930]  }
0x12c: {  	[tilespmem:s0+$0xB3F0] =	vst.add.f32.msk $0xffff, v0  }
0x12d: {  	v5 =	vld [tilespmem:s0+$0x14940]  }
0x12e: {  	v6 =	vld [tilespmem:s0+$0x14950]  }
0x12f: {  	v7 =	vld [tilespmem:s0+$0x14960]  }
0x130: {  	v8 =	vld [tilespmem:s0+$0x14970]  }
0x131: {  	v9 =	vld [tilespmem:s0+$0x14980]  }
0x132: {  	v10 =	vld [tilespmem:s0+$0x14990]  }
0x133: {  	v11 =	vld [tilespmem:s0+$0x149A0]  }
0x134: {  	v12 =	vld [tilespmem:s0+$0x149B0]  }
0x135: {  	v13 =	vld [tilespmem:s0+$0x149C0]  }
0x136: {  	v14 =	vld [tilespmem:s0+$0x149D0]  }
0x137: {  	v0 =	vld [tilespmem:s0+$0x149E0]  }
0x138: {  	[tilespmem:s0+$0xB300] =	vst.add.f32.msk $0xffff, v1  }
0x139: {  	[tilespmem:s0+$0xB310] =	vst.add.f32.msk $0xffff, v2  }
0x13a: {  	[tilespmem:s0+$0xB320] =	vst.add.f32.msk $0xffff, v3  }
0x13b: {  	[tilespmem:s0+$0xB330] =	vst.add.f32.msk $0xffff, v4  }
0x13c: {  	[tilespmem:s0+$0xB340] =	vst.add.f32.msk $0xffff, v5  }
0x13d: {  	[tilespmem:s0+$0xB350] =	vst.add.f32.msk $0xffff, v6  }
0x13e: {  	[tilespmem:s0+$0xB360] =	vst.add.f32.msk $0xffff, v7  }
0x13f: {  	[tilespmem:s0+$0xB370] =	vst.add.f32.msk $0xffff, v8  }
0x140: {  	[tilespmem:s0+$0xB380] =	vst.add.f32.msk $0xffff, v9  }
.Ltmp3:
0x141: {  	[tilespmem:s0+$0xB390] =	vst.add.f32.msk $0xffff, v10;
	(pc) =	sbr.rel @p0 .LBB2_9-.Ltmp3, $4  }
0x142: {  	[tilespmem:s0+$0xB3A0] =	vst.add.f32.msk $0xffff, v11  }
0x143: {  	[tilespmem:s0+$0xB3B0] =	vst.add.f32.msk $0xffff, v12  }
0x144: {  	[tilespmem:s0+$0xB3C0] =	vst.add.f32.msk $0xffff, v13  }
0x145: {  	s10 =	sadd.s32 $0x400, s10;
	[tilespmem:s0+$0xB3D0] =	vst.add.f32.msk $0xffff, v14  }
0x146: {  	[tilespmem:s0+$0xB3E0] =	vst.add.f32.msk $0xffff, v0;
	s10 =	sadd.s32 $0x960, s1;
	p0 =	seq.s32 s29, $0x1F  }
0x147: {  	[hbm4b:s10+s4] =	stream.linear.scatter [tilespmem:s18], [sflag:$0x3], $0x1900, $0x38;
	[tilespmem:$0x16200] =	vst v63  }
0x148: {  	s0 =	simm.s32 @!p0 $0x3  }
0x149: {  	_ =	swait.ge @!p0 [sflag:s0], $0x1900  }
0x14a: {  	[sflag:s0] =	ssyncset.done @!p0 $0x0  }
0x14b: {  	[sflag:s0] =	ssyncadd.s32 @!p0 $0xFFFFE700  }
0x14c: {  	_ =	swait.ge @!p0 [sflag:s0], $0x1900  }
0x14d: {  	[sflag:s0] =	ssyncset.done @!p0 $0x0  }
0x14e: {  	[sflag:s0] =	ssyncadd.s32 @!p0 $0xFFFFE700  }
0x14f: {  	_ =	swait.ge @!p0 [sflag:s0], $0x1900  }
0x150: {  	[sflag:s0] =	ssyncset.done @!p0 $0x0  }
0x151: {  	[sflag:s0] =	ssyncadd.s32 @!p0 $0xFFFFE700  }
0x152: {  	_ =	swait.ge @!p0 [sflag:s0], $0x1900  }
0x153: {  	s1 =	simm.s32 @!p0 $0x64;
	[sflag:s0] =	ssyncset.done @!p0 $0x0  }
0x154: {  	s2 =	simm.s32 @!p0 $0x6800;
	[sflag:s0] =	ssyncadd.s32 @!p0 $0xFFFFE700;
	s0 =	sadd.s32 @!p0 $0x340, s31  }
0x155: {  	[tilespmem:s2], [sflag:$0x1] =	stream.indirect.gather @!p0 [hbm4b:s6+s1], $0x40, s0, s1, $0xb8;
	[tilespmem:$0x16200] =	vst v63  }
0x156: {  	s0 =	sadd.s32 @!p0 $0x3A8, s31;
	s2 =	simm.s32 @!p0 $0x8100  }
0x157: {  	[tilespmem:s2], [sflag:$0x1] =	stream.indirect.gather @!p0 [hbm4b:s6+s1], $0x40, s0, s1, $0xb8;
	[tilespmem:$0x16200] =	vst v63  }
0x158: {  	s0 =	sadd.s32 @!p0 $0x410, s31;
	s2 =	simm.s32 @!p0 $0x9A00  }
0x159: {  	[tilespmem:s2], [sflag:$0x1] =	stream.indirect.gather @!p0 [hbm4b:s6+s1], $0x40, s0, s1, $0xb8;
	[tilespmem:$0x16200] =	vst v63  }
0x15a: {  	s0 =	sadd.s32 @!p0 $0x478, s31;
	s2 =	simm.s32 @!p0 $0xB300  }
0x15b: {  	[tilespmem:s2], [sflag:$0x1] =	stream.indirect.gather @!p0 [hbm4b:s6+s1], $0x40, s0, s1, $0xb8;
	[tilespmem:$0x16200] =	vst v63  }
0x15c: {  	_ =	swait.ge [sflag:s24], $0x1900  }
0x15d: {  	[sflag:s24] =	ssyncset.done $0x0  }
0x15e: {  	[sflag:s24] =	ssyncadd.s32 $0xFFFFE700  }
0x15f: {  	_ =	swait.ge [sflag:s24], $0x1900  }
0x160: {  	[sflag:s24] =	ssyncset.done $0x0  }
0x161: {  	[sflag:s24] =	ssyncadd.s32 $0xFFFFE700  }
0x162: {  	_ =	swait.ge [sflag:s24], $0x1900  }
0x163: {  	[sflag:s24] =	ssyncset.done $0x0  }
0x164: {  	[sflag:s24] =	ssyncadd.s32 $0xFFFFE700  }
0x165: {  	_ =	swait.ge [sflag:s24], $0x1900  }
0x166: {  	[sflag:s24] =	ssyncset.done $0x0  }
0x167: {  	s0 =	simm.s32 $0x0;
	[sflag:s24] =	ssyncadd.s32 $0xFFFFE700  }
0x168: {  	v0 =	vld [tilespmem:s0+$0x130F0]  }
0x169: {  	v1 =	vld [tilespmem:s0+$0x13000]  }
0x16a: {  	v2 =	vld [tilespmem:s0+$0x13010]  }
0x16b: {  	v3 =	vld [tilespmem:s0+$0x13020]  }
0x16c: {  	v4 =	vld [tilespmem:s0+$0x13030]  }
0x16d: {  	v5 =	vld [tilespmem:s0+$0x13040]  }
0x16e: {  	v6 =	vld [tilespmem:s0+$0x13050]  }
0x16f: {  	v7 =	vld [tilespmem:s0+$0x13060]  }
0x170: {  	v8 =	vld [tilespmem:s0+$0x13070]  }
0x171: {  	v9 =	vld [tilespmem:s0+$0x13080]  }
0x172: {  	v10 =	vld [tilespmem:s0+$0x13090]  }
0x173: {  	v11 =	vld [tilespmem:s0+$0x130A0]  }
0x174: {  	v12 =	vld [tilespmem:s0+$0x130B0]  }
0x175: {  	v13 =	vld [tilespmem:s0+$0x130C0]  }
0x176: {  	v14 =	vld [tilespmem:s0+$0x130D0]  }
0x177: {  	[tilespmem:s0+$0xCCF0] =	vst.add.f32.msk $0xffff, v0  }
0x178: {  	v0 =	vld [tilespmem:s0+$0x130E0]  }
0x179: {  	[tilespmem:s0+$0xCC00] =	vst.add.f32.msk $0xffff, v1  }
0x17a: {  	[tilespmem:s0+$0xCC10] =	vst.add.f32.msk $0xffff, v2  }
0x17b: {  	[tilespmem:s0+$0xCC20] =	vst.add.f32.msk $0xffff, v3  }
0x17c: {  	[tilespmem:s0+$0xCC30] =	vst.add.f32.msk $0xffff, v4  }
0x17d: {  	[tilespmem:s0+$0xCC40] =	vst.add.f32.msk $0xffff, v5  }
0x17e: {  	[tilespmem:s0+$0xCC50] =	vst.add.f32.msk $0xffff, v6  }
0x17f: {  	[tilespmem:s0+$0xCC60] =	vst.add.f32.msk $0xffff, v7  }
0x180: {  	[tilespmem:s0+$0xCC70] =	vst.add.f32.msk $0xffff, v8  }
0x181: {  	[tilespmem:s0+$0xCC80] =	vst.add.f32.msk $0xffff, v9  }
0x182: {  	[tilespmem:s0+$0xCC90] =	vst.add.f32.msk $0xffff, v10  }
0x183: {  	[tilespmem:s0+$0xCCA0] =	vst.add.f32.msk $0xffff, v11  }
0x184: {  	[tilespmem:s0+$0xCCB0] =	vst.add.f32.msk $0xffff, v12  }
0x185: {  	[tilespmem:s0+$0xCCC0] =	vst.add.f32.msk $0xffff, v13  }
0x186: {  	s1 =	simm.s32 $0x0;
	s2 =	simm.s32 $0x400;
	[tilespmem:s0+$0xCCD0] =	vst.add.f32.msk $0xffff, v14  }
.LBB2_11:
0x187: {  	s1 =	sadd.s32 $0x4, s1;
	[tilespmem:s0+$0xCCE0] =	vst.add.f32.msk $0xffff, v0;
	s0 =	sshra.s32 s2, $0x2  }
0x188: {  	v0 =	vld [tilespmem:s0+$0x130F0];
	p0 =	slt.u32 s1, $0x60  }
0x189: {  	v1 =	vld [tilespmem:s0+$0x13000]  }
0x18a: {  	v2 =	vld [tilespmem:s0+$0x13010]  }
0x18b: {  	v3 =	vld [tilespmem:s0+$0x13020]  }
0x18c: {  	v4 =	vld [tilespmem:s0+$0x13030]  }
0x18d: {  	[tilespmem:s0+$0xCCF0] =	vst.add.f32.msk $0xffff, v0  }
0x18e: {  	v5 =	vld [tilespmem:s0+$0x13040]  }
0x18f: {  	v6 =	vld [tilespmem:s0+$0x13050]  }
0x190: {  	v7 =	vld [tilespmem:s0+$0x13060]  }
0x191: {  	v8 =	vld [tilespmem:s0+$0x13070]  }
0x192: {  	v9 =	vld [tilespmem:s0+$0x13080]  }
0x193: {  	v10 =	vld [tilespmem:s0+$0x13090]  }
0x194: {  	v11 =	vld [tilespmem:s0+$0x130A0]  }
0x195: {  	v12 =	vld [tilespmem:s0+$0x130B0]  }
0x196: {  	v13 =	vld [tilespmem:s0+$0x130C0]  }
0x197: {  	v14 =	vld [tilespmem:s0+$0x130D0]  }
0x198: {  	v0 =	vld [tilespmem:s0+$0x130E0]  }
0x199: {  	[tilespmem:s0+$0xCC00] =	vst.add.f32.msk $0xffff, v1  }
0x19a: {  	[tilespmem:s0+$0xCC10] =	vst.add.f32.msk $0xffff, v2  }
0x19b: {  	[tilespmem:s0+$0xCC20] =	vst.add.f32.msk $0xffff, v3  }
0x19c: {  	[tilespmem:s0+$0xCC30] =	vst.add.f32.msk $0xffff, v4  }
0x19d: {  	[tilespmem:s0+$0xCC40] =	vst.add.f32.msk $0xffff, v5  }
0x19e: {  	[tilespmem:s0+$0xCC50] =	vst.add.f32.msk $0xffff, v6  }
0x19f: {  	[tilespmem:s0+$0xCC60] =	vst.add.f32.msk $0xffff, v7  }
0x1a0: {  	[tilespmem:s0+$0xCC70] =	vst.add.f32.msk $0xffff, v8  }
0x1a1: {  	[tilespmem:s0+$0xCC80] =	vst.add.f32.msk $0xffff, v9  }
.Ltmp4:
0x1a2: {  	[tilespmem:s0+$0xCC90] =	vst.add.f32.msk $0xffff, v10;
	(pc) =	sbr.rel @p0 .LBB2_11-.Ltmp4, $4  }
0x1a3: {  	[tilespmem:s0+$0xCCA0] =	vst.add.f32.msk $0xffff, v11  }
0x1a4: {  	[tilespmem:s0+$0xCCB0] =	vst.add.f32.msk $0xffff, v12  }
0x1a5: {  	[tilespmem:s0+$0xCCC0] =	vst.add.f32.msk $0xffff, v13  }
0x1a6: {  	s2 =	sadd.s32 $0x400, s2;
	[tilespmem:s0+$0xCCD0] =	vst.add.f32.msk $0xffff, v14  }
0x1a7: {  	s1 =	sor.u32 s5, s30  }
0x1a8: {  	s2 =	smul.u32 $0x320, s1;
	_ =	sdelay $0x1  }
0x1a9: {  	[tilespmem:s0+$0xCCE0] =	vst.add.f32.msk $0xffff, v0;
	s31 =	simm.s32 $0x0;
	s0 =	simm.s32 $0x0;
	s30 =	sadd.s32 s3, s2  }
0x1aa: {  	[hbm4b:s30+s31] =	stream.linear.scatter [tilespmem:s19], [sflag:$0x4], $0x1900, $0x38;
	[tilespmem:$0x16200] =	vst v63  }
0x1ab: {  	v0 =	vld [tilespmem:s0+$0x149F0]  }
0x1ac: {  	v1 =	vld [tilespmem:s0+$0x14900]  }
0x1ad: {  	v2 =	vld [tilespmem:s0+$0x14910]  }
0x1ae: {  	v3 =	vld [tilespmem:s0+$0x14920]  }
0x1af: {  	v4 =	vld [tilespmem:s0+$0x14930]  }
0x1b0: {  	v5 =	vld [tilespmem:s0+$0x14940]  }
0x1b1: {  	v6 =	vld [tilespmem:s0+$0x14950]  }
0x1b2: {  	v7 =	vld [tilespmem:s0+$0x14960]  }
0x1b3: {  	v8 =	vld [tilespmem:s0+$0x14970]  }
0x1b4: {  	v9 =	vld [tilespmem:s0+$0x14980]  }
0x1b5: {  	v10 =	vld [tilespmem:s0+$0x14990]  }
0x1b6: {  	v11 =	vld [tilespmem:s0+$0x149A0]  }
0x1b7: {  	v12 =	vld [tilespmem:s0+$0x149B0]  }
0x1b8: {  	v13 =	vld [tilespmem:s0+$0x149C0]  }
0x1b9: {  	v14 =	vld [tilespmem:s0+$0x149D0]  }
0x1ba: {  	[tilespmem:s0+$0xE5F0] =	vst.add.f32.msk $0xffff, v0  }
0x1bb: {  	v0 =	vld [tilespmem:s0+$0x149E0]  }
0x1bc: {  	[tilespmem:s0+$0xE500] =	vst.add.f32.msk $0xffff, v1  }
0x1bd: {  	[tilespmem:s0+$0xE510] =	vst.add.f32.msk $0xffff, v2  }
0x1be: {  	[tilespmem:s0+$0xE520] =	vst.add.f32.msk $0xffff, v3  }
0x1bf: {  	[tilespmem:s0+$0xE530] =	vst.add.f32.msk $0xffff, v4  }
0x1c0: {  	[tilespmem:s0+$0xE540] =	vst.add.f32.msk $0xffff, v5  }
0x1c1: {  	[tilespmem:s0+$0xE550] =	vst.add.f32.msk $0xffff, v6  }
0x1c2: {  	[tilespmem:s0+$0xE560] =	vst.add.f32.msk $0xffff, v7  }
0x1c3: {  	[tilespmem:s0+$0xE570] =	vst.add.f32.msk $0xffff, v8  }
0x1c4: {  	[tilespmem:s0+$0xE580] =	vst.add.f32.msk $0xffff, v9  }
0x1c5: {  	[tilespmem:s0+$0xE590] =	vst.add.f32.msk $0xffff, v10  }
0x1c6: {  	[tilespmem:s0+$0xE5A0] =	vst.add.f32.msk $0xffff, v11  }
0x1c7: {  	[tilespmem:s0+$0xE5B0] =	vst.add.f32.msk $0xffff, v12  }
0x1c8: {  	[tilespmem:s0+$0xE5C0] =	vst.add.f32.msk $0xffff, v13  }
0x1c9: {  	s10 =	simm.s32 $0x400;
	s2 =	simm.s32 $0x0;
	[tilespmem:s0+$0xE5D0] =	vst.add.f32.msk $0xffff, v14  }
.LBB2_13:
0x1ca: {  	s2 =	sadd.s32 $0x4, s2;
	[tilespmem:s0+$0xE5E0] =	vst.add.f32.msk $0xffff, v0;
	s0 =	sshra.s32 s10, $0x2  }
0x1cb: {  	v0 =	vld [tilespmem:s0+$0x149F0];
	p0 =	slt.u32 s2, $0x60  }
0x1cc: {  	v1 =	vld [tilespmem:s0+$0x14900]  }
0x1cd: {  	v2 =	vld [tilespmem:s0+$0x14910]  }
0x1ce: {  	v3 =	vld [tilespmem:s0+$0x14920]  }
0x1cf: {  	v4 =	vld [tilespmem:s0+$0x14930]  }
0x1d0: {  	[tilespmem:s0+$0xE5F0] =	vst.add.f32.msk $0xffff, v0  }
0x1d1: {  	v5 =	vld [tilespmem:s0+$0x14940]  }
0x1d2: {  	v6 =	vld [tilespmem:s0+$0x14950]  }
0x1d3: {  	v7 =	vld [tilespmem:s0+$0x14960]  }
0x1d4: {  	v8 =	vld [tilespmem:s0+$0x14970]  }
0x1d5: {  	v9 =	vld [tilespmem:s0+$0x14980]  }
0x1d6: {  	v10 =	vld [tilespmem:s0+$0x14990]  }
0x1d7: {  	v11 =	vld [tilespmem:s0+$0x149A0]  }
0x1d8: {  	v12 =	vld [tilespmem:s0+$0x149B0]  }
0x1d9: {  	v13 =	vld [tilespmem:s0+$0x149C0]  }
0x1da: {  	v14 =	vld [tilespmem:s0+$0x149D0]  }
0x1db: {  	v0 =	vld [tilespmem:s0+$0x149E0]  }
0x1dc: {  	[tilespmem:s0+$0xE500] =	vst.add.f32.msk $0xffff, v1  }
0x1dd: {  	[tilespmem:s0+$0xE510] =	vst.add.f32.msk $0xffff, v2  }
0x1de: {  	[tilespmem:s0+$0xE520] =	vst.add.f32.msk $0xffff, v3  }
0x1df: {  	[tilespmem:s0+$0xE530] =	vst.add.f32.msk $0xffff, v4  }
0x1e0: {  	[tilespmem:s0+$0xE540] =	vst.add.f32.msk $0xffff, v5  }
0x1e1: {  	[tilespmem:s0+$0xE550] =	vst.add.f32.msk $0xffff, v6  }
0x1e2: {  	[tilespmem:s0+$0xE560] =	vst.add.f32.msk $0xffff, v7  }
0x1e3: {  	[tilespmem:s0+$0xE570] =	vst.add.f32.msk $0xffff, v8  }
0x1e4: {  	[tilespmem:s0+$0xE580] =	vst.add.f32.msk $0xffff, v9  }
.Ltmp5:
0x1e5: {  	[tilespmem:s0+$0xE590] =	vst.add.f32.msk $0xffff, v10;
	(pc) =	sbr.rel @p0 .LBB2_13-.Ltmp5, $4  }
0x1e6: {  	[tilespmem:s0+$0xE5A0] =	vst.add.f32.msk $0xffff, v11  }
0x1e7: {  	[tilespmem:s0+$0xE5B0] =	vst.add.f32.msk $0xffff, v12  }
0x1e8: {  	[tilespmem:s0+$0xE5C0] =	vst.add.f32.msk $0xffff, v13  }
0x1e9: {  	s10 =	sadd.s32 $0x400, s10;
	[tilespmem:s0+$0xE5D0] =	vst.add.f32.msk $0xffff, v14  }
0x1ea: {  	s1 =	smul.u32 $0x1900, s1;
	_ =	sdelay $0x1  }
0x1eb: {  	s1 =	sshrl.u32 s1, $0x3  }
0x1ec: {  	s1 =	sadd.s32 s3, s1  }
0x1ed: {  	[tilespmem:s0+$0xE5E0] =	vst.add.f32.msk $0xffff, v0;
	s2 =	simm.s32 $0x0;
	s0 =	simm.s32 $0x0;
	s31 =	sadd.s32 $0x320, s1  }
0x1ee: {  	[hbm4b:s31+s2] =	stream.linear.scatter [tilespmem:s20], [sflag:$0x4], $0x1900, $0x38;
	[tilespmem:$0x16200] =	vst v63  }
0x1ef: {  	v0 =	vld [tilespmem:s0+$0x130F0]  }
0x1f0: {  	v1 =	vld [tilespmem:s0+$0x13000]  }
0x1f1: {  	v2 =	vld [tilespmem:s0+$0x13010]  }
0x1f2: {  	v3 =	vld [tilespmem:s0+$0x13020]  }
0x1f3: {  	v4 =	vld [tilespmem:s0+$0x13030]  }
0x1f4: {  	v5 =	vld [tilespmem:s0+$0x13040]  }
0x1f5: {  	v6 =	vld [tilespmem:s0+$0x13050]  }
0x1f6: {  	v7 =	vld [tilespmem:s0+$0x13060]  }
0x1f7: {  	v8 =	vld [tilespmem:s0+$0x13070]  }
0x1f8: {  	v9 =	vld [tilespmem:s0+$0x13080]  }
0x1f9: {  	v10 =	vld [tilespmem:s0+$0x13090]  }
0x1fa: {  	v11 =	vld [tilespmem:s0+$0x130A0]  }
0x1fb: {  	v12 =	vld [tilespmem:s0+$0x130B0]  }
0x1fc: {  	v13 =	vld [tilespmem:s0+$0x130C0]  }
0x1fd: {  	v14 =	vld [tilespmem:s0+$0x130D0]  }
0x1fe: {  	[tilespmem:s0+$0xFEF0] =	vst.add.f32.msk $0xffff, v0  }
0x1ff: {  	v0 =	vld [tilespmem:s0+$0x130E0]  }
0x200: {  	[tilespmem:s0+$0xFE00] =	vst.add.f32.msk $0xffff, v1  }
0x201: {  	[tilespmem:s0+$0xFE10] =	vst.add.f32.msk $0xffff, v2  }
0x202: {  	[tilespmem:s0+$0xFE20] =	vst.add.f32.msk $0xffff, v3  }
0x203: {  	[tilespmem:s0+$0xFE30] =	vst.add.f32.msk $0xffff, v4  }
0x204: {  	[tilespmem:s0+$0xFE40] =	vst.add.f32.msk $0xffff, v5  }
0x205: {  	[tilespmem:s0+$0xFE50] =	vst.add.f32.msk $0xffff, v6  }
0x206: {  	[tilespmem:s0+$0xFE60] =	vst.add.f32.msk $0xffff, v7  }
0x207: {  	[tilespmem:s0+$0xFE70] =	vst.add.f32.msk $0xffff, v8  }
0x208: {  	[tilespmem:s0+$0xFE80] =	vst.add.f32.msk $0xffff, v9  }
0x209: {  	[tilespmem:s0+$0xFE90] =	vst.add.f32.msk $0xffff, v10  }
0x20a: {  	[tilespmem:s0+$0xFEA0] =	vst.add.f32.msk $0xffff, v11  }
0x20b: {  	[tilespmem:s0+$0xFEB0] =	vst.add.f32.msk $0xffff, v12  }
0x20c: {  	[tilespmem:s0+$0xFEC0] =	vst.add.f32.msk $0xffff, v13  }
0x20d: {  	s10 =	simm.s32 $0x400;
	s2 =	simm.s32 $0x0;
	[tilespmem:s0+$0xFED0] =	vst.add.f32.msk $0xffff, v14  }
.LBB2_15:
0x20e: {  	s2 =	sadd.s32 $0x4, s2;
	[tilespmem:s0+$0xFEE0] =	vst.add.f32.msk $0xffff, v0;
	s0 =	sshra.s32 s10, $0x2  }
0x20f: {  	v0 =	vld [tilespmem:s0+$0x130F0];
	p0 =	slt.u32 s2, $0x60  }
0x210: {  	v1 =	vld [tilespmem:s0+$0x13000]  }
0x211: {  	v2 =	vld [tilespmem:s0+$0x13010]  }
0x212: {  	v3 =	vld [tilespmem:s0+$0x13020]  }
0x213: {  	v4 =	vld [tilespmem:s0+$0x13030]  }
0x214: {  	[tilespmem:s0+$0xFEF0] =	vst.add.f32.msk $0xffff, v0  }
0x215: {  	v5 =	vld [tilespmem:s0+$0x13040]  }
0x216: {  	v6 =	vld [tilespmem:s0+$0x13050]  }
0x217: {  	v7 =	vld [tilespmem:s0+$0x13060]  }
0x218: {  	v8 =	vld [tilespmem:s0+$0x13070]  }
0x219: {  	v9 =	vld [tilespmem:s0+$0x13080]  }
0x21a: {  	v10 =	vld [tilespmem:s0+$0x13090]  }
0x21b: {  	v11 =	vld [tilespmem:s0+$0x130A0]  }
0x21c: {  	v12 =	vld [tilespmem:s0+$0x130B0]  }
0x21d: {  	v13 =	vld [tilespmem:s0+$0x130C0]  }
0x21e: {  	v14 =	vld [tilespmem:s0+$0x130D0]  }
0x21f: {  	v0 =	vld [tilespmem:s0+$0x130E0]  }
0x220: {  	[tilespmem:s0+$0xFE00] =	vst.add.f32.msk $0xffff, v1  }
0x221: {  	[tilespmem:s0+$0xFE10] =	vst.add.f32.msk $0xffff, v2  }
0x222: {  	[tilespmem:s0+$0xFE20] =	vst.add.f32.msk $0xffff, v3  }
0x223: {  	[tilespmem:s0+$0xFE30] =	vst.add.f32.msk $0xffff, v4  }
0x224: {  	[tilespmem:s0+$0xFE40] =	vst.add.f32.msk $0xffff, v5  }
0x225: {  	[tilespmem:s0+$0xFE50] =	vst.add.f32.msk $0xffff, v6  }
0x226: {  	[tilespmem:s0+$0xFE60] =	vst.add.f32.msk $0xffff, v7  }
0x227: {  	[tilespmem:s0+$0xFE70] =	vst.add.f32.msk $0xffff, v8  }
0x228: {  	[tilespmem:s0+$0xFE80] =	vst.add.f32.msk $0xffff, v9  }
.Ltmp6:
0x229: {  	[tilespmem:s0+$0xFE90] =	vst.add.f32.msk $0xffff, v10;
	(pc) =	sbr.rel @p0 .LBB2_15-.Ltmp6, $4  }
0x22a: {  	[tilespmem:s0+$0xFEA0] =	vst.add.f32.msk $0xffff, v11  }
0x22b: {  	[tilespmem:s0+$0xFEB0] =	vst.add.f32.msk $0xffff, v12  }
0x22c: {  	[tilespmem:s0+$0xFEC0] =	vst.add.f32.msk $0xffff, v13  }
0x22d: {  	s10 =	sadd.s32 $0x400, s10;
	[tilespmem:s0+$0xFED0] =	vst.add.f32.msk $0xffff, v14  }
0x22e: {  	[tilespmem:s0+$0xFEE0] =	vst.add.f32.msk $0xffff, v0;
	s31 =	sadd.s32 $0x640, s1;
	s2 =	simm.s32 $0x0;
	s0 =	simm.s32 $0x0  }
0x22f: {  	[hbm4b:s31+s2] =	stream.linear.scatter [tilespmem:s21], [sflag:$0x4], $0x1900, $0x38;
	[tilespmem:$0x16200] =	vst v63  }
0x230: {  	v0 =	vld [tilespmem:s0+$0x149F0]  }
0x231: {  	v1 =	vld [tilespmem:s0+$0x14900]  }
0x232: {  	v2 =	vld [tilespmem:s0+$0x14910]  }
0x233: {  	v3 =	vld [tilespmem:s0+$0x14920]  }
0x234: {  	v4 =	vld [tilespmem:s0+$0x14930]  }
0x235: {  	v5 =	vld [tilespmem:s0+$0x14940]  }
0x236: {  	v6 =	vld [tilespmem:s0+$0x14950]  }
0x237: {  	v7 =	vld [tilespmem:s0+$0x14960]  }
0x238: {  	v8 =	vld [tilespmem:s0+$0x14970]  }
0x239: {  	v9 =	vld [tilespmem:s0+$0x14980]  }
0x23a: {  	v10 =	vld [tilespmem:s0+$0x14990]  }
0x23b: {  	v11 =	vld [tilespmem:s0+$0x149A0]  }
0x23c: {  	v12 =	vld [tilespmem:s0+$0x149B0]  }
0x23d: {  	v13 =	vld [tilespmem:s0+$0x149C0]  }
0x23e: {  	v14 =	vld [tilespmem:s0+$0x149D0]  }
0x23f: {  	[tilespmem:s0+$0x117F0] =	vst.add.f32.msk $0xffff, v0  }
0x240: {  	v0 =	vld [tilespmem:s0+$0x149E0]  }
0x241: {  	[tilespmem:s0+$0x11700] =	vst.add.f32.msk $0xffff, v1  }
0x242: {  	[tilespmem:s0+$0x11710] =	vst.add.f32.msk $0xffff, v2  }
0x243: {  	[tilespmem:s0+$0x11720] =	vst.add.f32.msk $0xffff, v3  }
0x244: {  	[tilespmem:s0+$0x11730] =	vst.add.f32.msk $0xffff, v4  }
0x245: {  	[tilespmem:s0+$0x11740] =	vst.add.f32.msk $0xffff, v5  }
0x246: {  	[tilespmem:s0+$0x11750] =	vst.add.f32.msk $0xffff, v6  }
0x247: {  	[tilespmem:s0+$0x11760] =	vst.add.f32.msk $0xffff, v7  }
0x248: {  	[tilespmem:s0+$0x11770] =	vst.add.f32.msk $0xffff, v8  }
0x249: {  	[tilespmem:s0+$0x11780] =	vst.add.f32.msk $0xffff, v9  }
0x24a: {  	[tilespmem:s0+$0x11790] =	vst.add.f32.msk $0xffff, v10  }
0x24b: {  	[tilespmem:s0+$0x117A0] =	vst.add.f32.msk $0xffff, v11  }
0x24c: {  	[tilespmem:s0+$0x117B0] =	vst.add.f32.msk $0xffff, v12  }
0x24d: {  	[tilespmem:s0+$0x117C0] =	vst.add.f32.msk $0xffff, v13  }
0x24e: {  	s10 =	simm.s32 $0x400;
	s2 =	simm.s32 $0x0;
	[tilespmem:s0+$0x117D0] =	vst.add.f32.msk $0xffff, v14  }
.LBB2_17:
0x24f: {  	s2 =	sadd.s32 $0x4, s2;
	[tilespmem:s0+$0x117E0] =	vst.add.f32.msk $0xffff, v0;
	s0 =	sshra.s32 s10, $0x2  }
0x250: {  	v0 =	vld [tilespmem:s0+$0x149F0];
	p0 =	slt.u32 s2, $0x60  }
0x251: {  	v1 =	vld [tilespmem:s0+$0x14900]  }
0x252: {  	v2 =	vld [tilespmem:s0+$0x14910]  }
0x253: {  	v3 =	vld [tilespmem:s0+$0x14920]  }
0x254: {  	v4 =	vld [tilespmem:s0+$0x14930]  }
0x255: {  	[tilespmem:s0+$0x117F0] =	vst.add.f32.msk $0xffff, v0  }
0x256: {  	v5 =	vld [tilespmem:s0+$0x14940]  }
0x257: {  	v6 =	vld [tilespmem:s0+$0x14950]  }
0x258: {  	v7 =	vld [tilespmem:s0+$0x14960]  }
0x259: {  	v8 =	vld [tilespmem:s0+$0x14970]  }
0x25a: {  	v9 =	vld [tilespmem:s0+$0x14980]  }
0x25b: {  	v10 =	vld [tilespmem:s0+$0x14990]  }
0x25c: {  	v11 =	vld [tilespmem:s0+$0x149A0]  }
0x25d: {  	v12 =	vld [tilespmem:s0+$0x149B0]  }
0x25e: {  	v13 =	vld [tilespmem:s0+$0x149C0]  }
0x25f: {  	v14 =	vld [tilespmem:s0+$0x149D0]  }
0x260: {  	v0 =	vld [tilespmem:s0+$0x149E0]  }
0x261: {  	[tilespmem:s0+$0x11700] =	vst.add.f32.msk $0xffff, v1  }
0x262: {  	[tilespmem:s0+$0x11710] =	vst.add.f32.msk $0xffff, v2  }
0x263: {  	[tilespmem:s0+$0x11720] =	vst.add.f32.msk $0xffff, v3  }
0x264: {  	[tilespmem:s0+$0x11730] =	vst.add.f32.msk $0xffff, v4  }
0x265: {  	[tilespmem:s0+$0x11740] =	vst.add.f32.msk $0xffff, v5  }
0x266: {  	[tilespmem:s0+$0x11750] =	vst.add.f32.msk $0xffff, v6  }
0x267: {  	[tilespmem:s0+$0x11760] =	vst.add.f32.msk $0xffff, v7  }
0x268: {  	[tilespmem:s0+$0x11770] =	vst.add.f32.msk $0xffff, v8  }
0x269: {  	[tilespmem:s0+$0x11780] =	vst.add.f32.msk $0xffff, v9  }
.Ltmp7:
0x26a: {  	[tilespmem:s0+$0x11790] =	vst.add.f32.msk $0xffff, v10;
	(pc) =	sbr.rel @p0 .LBB2_17-.Ltmp7, $4  }
0x26b: {  	[tilespmem:s0+$0x117A0] =	vst.add.f32.msk $0xffff, v11  }
0x26c: {  	[tilespmem:s0+$0x117B0] =	vst.add.f32.msk $0xffff, v12  }
0x26d: {  	[tilespmem:s0+$0x117C0] =	vst.add.f32.msk $0xffff, v13  }
0x26e: {  	s10 =	sadd.s32 $0x400, s10;
	[tilespmem:s0+$0x117D0] =	vst.add.f32.msk $0xffff, v14  }
0x26f: {  	s29 =	sadd.s32 $0x1, s29  }
0x270: {  	p0 =	sne.s32 s29, $0x20  }
.Ltmp8:
0x271: {  	_ = 	snop;
	(pc) =	sbr.rel @p0 .LBB2_2-.Ltmp8, $3  }
0x272: {  	_ =	sdelay $0x1  }
0x273: {  	[tilespmem:s0+$0x117E0] =	vst.add.f32.msk $0xffff, v0;
	s31 =	sadd.s32 $0x960, s1  }
0x274: {  	[hbm4b:s31+s4] =	stream.linear.scatter [tilespmem:s22], [sflag:$0x4], $0x1900, $0x38;
	[tilespmem:$0x16200] =	vst v63  }
0x275: {  	_ =	swait.ge [sflag:s25], $0x1900  }
0x276: {  	[sflag:s25] =	ssyncset.done $0x0  }
0x277: {  	[sflag:s25] =	ssyncadd.s32 $0xFFFFE700  }
0x278: {  	_ =	swait.ge [sflag:s25], $0x1900  }
0x279: {  	[sflag:s25] =	ssyncset.done $0x0  }
0x27a: {  	[sflag:s25] =	ssyncadd.s32 $0xFFFFE700  }
0x27b: {  	_ =	swait.ge [sflag:s25], $0x1900  }
0x27c: {  	[sflag:s25] =	ssyncset.done $0x0  }
0x27d: {  	[sflag:s25] =	ssyncadd.s32 $0xFFFFE700  }
0x27e: {  	_ =	swait.ge [sflag:s25], $0x1900  }
0x27f: {  	[sflag:s25] =	ssyncset.done $0x0  }
0x280: {  	[sflag:s25] =	ssyncadd.s32 $0xFFFFE700  }
0x281: {  	_ =	swait.ge [sflag:s26], $0x1900  }
0x282: {  	[sflag:s26] =	ssyncset.done $0x0  }
0x283: {  	[sflag:s26] =	ssyncadd.s32 $0xFFFFE700  }
0x284: {  	_ =	swait.ge [sflag:s26], $0x1900  }
0x285: {  	[sflag:s26] =	ssyncset.done $0x0  }
0x286: {  	s28 =	sadd.s32 $0x1, s28;
	[sflag:s26] =	ssyncadd.s32 $0xFFFFE700  }
0x287: {  	p0 =	sne.s32 s28, s8;
	_ =	swait.ge [sflag:s26], $0x1900  }
.Ltmp9:
0x288: {  	[sflag:s26] =	ssyncset.done $0x0;
	(pc) =	sbr.rel @p0 .LBB2_1-.Ltmp9, $4  }
0x289: {  	[sflag:s26] =	ssyncadd.s32 $0xFFFFE700  }
0x28a: {  	_ =	swait.ge [sflag:s26], $0x1900  }
0x28b: {  	[sflag:s26] =	ssyncset.done $0x0  }
0x28c: {  	[sflag:s26] =	ssyncadd.s32 $0xFFFFE700  }
0x28d: {  	_ =	sfence.sel $0x180000  }
0x28e: {  	[bflag:$0x0] =	sbarrier.arrive $0xFFFF  }
0x28f: {  	_ =	strace $0x90000047  }
0x290: {  	s0 =	stileid.u32;
	[bflag:$0x2] =	sbarrier.arrive $0xFFFF  }
0x291: {  	p0 =	sne.s32 s0, $0x0;
	s0 =	rddreg [dreg:$0x3]  }
0x292: {  	s0 =	sadd.s32 @!p0 $0x100000, s0  }
0x293: {  	[sflag:s0] =	ssyncadd.tile.s32 @!p0 $0x1;
	_ =	shalt  }
.Lfunc_end2:
_tile_overlayer_lowered:
.L_overlay_start_2:
0x294: {  	(tag) =	ssettag $0x2  }
0x295: {  	s0 =	rddreg [dreg:$0x0];
	s2 =	stileid.u32  }
0x296: {  	s1 =	rddreg [dreg:$0x1];
	p0 =	sne.s32 s2, $0x0  }
0x297: {  	s3 =	rddreg [dreg:$0x2];
	[bflag:$0x3] =	sbarrier.arrive $0xFFFF;
	s2 =	simm.s32 @!p0 $0x1C05  }
0x298: {  	[timem:s3], [sflag:s2] =	dma.local @!p0 [hbm:s0], s1  }
0x299: {  	s0 =	simm.s32 @!p0 $0x5  }
0x29a: {  	_ =	swait.ge @!p0 [sflag:s0], s1  }
0x29b: {  	s1 =	ssub.s32 @!p0 $0x0, s1;
	[sflag:s0] =	ssyncset.done @!p0 $0x0  }
0x29c: {  	[sflag:s0] =	ssyncadd.s32 @!p0 s1  }
0x29d: {  	[bflag:$0x3] =	sbarrier.arrive $0xFFFF  }
0x29e: {  	_ =	shalt  }

// kernel: sparse-core-data-format-call.cloned.1.call-start
scs
called_computation_lowered:
.L_overlay_start_0:
0x0: {  	s2 =	sld [smem:$0x3FD9]  }
0x1: {  	s3 =	sld [smem:$0x3FFE];
	_ =	sdelay $0x1  }
0x2: {  	s1 =	srdreg.scid  }
0x3: {  	s0 =	sand.u32 $0x1, s1  }
0x4: {  	s18 =	sshll.u32 s0, $0xA;
	s2 =	sadd.s32 s3, s2  }
0x5: {  	s2 =	sadd.s32 s2, s18  }
0x6: {  	[smem:$0x3FC5] =	sst s2  }
0x7: {  	_ = 	snop  }
0x8: {  	s2 =	sld [smem:$0x3FD0];
	(tm) =	ssettm $0x1  }
0x9: {  	s19 =	sld [smem:$0x3FFB];
	_ =	sdelay $0x3  }
0xa: {  	_ =	strace s19  }
0xb: {  	s3 =	sld [smem:$0x3FFC];
	_ =	sdelay $0x3  }
0xc: {  	_ =	strace s3  }
0xd: {  	s3 =	sld [smem:$0x3FFD];
	_ =	sdelay $0x3  }
0xe: {  	_ =	strace s3  }
0xf: {  	_ =	strace $0x8FFFFFFF  }
0x10: {  	s20 =	sld [smem:$0x3FDB];
	_ =	sdelay $0x1  }
0x11: {  	s4 =	simm.s32 $_scs_section_size  }
0x12: {  	s5 =	simm.s32 $_size__tile_overlayer_lowered;
	s6 =	simm.s32 $_tile_overlayer_lowered  }
0x13: {  	s23 =	simm.s32 $0x1BFF;
	s22 =	sshll.u32 s6, $0x1;
	s3 =	sadd.s32 s4, s20  }
0x14: {  	s7 =	simm.s32 $0x0;
	s21 =	sshll.u32 s5, $0x1;
	s5 =	sadd.s32 s22, s3  }
0x15: {  	[timem:s7], [sflag:s23] =	dma.local [hbm:s5], s21  }
0x16: {  	_ =	swait.ge [sflag:s23], s21  }
0x17: {  	s4 =	ssub.s32 $0x0, s21;
	[sflag:s23] =	ssyncset.done $0x0  }
0x18: {  	[sflag:s23] =	ssyncadd.s32 s4;
	_ =	sdelay $0x1  }
0x19: {  	s24 =	simm.s32 $0x1B8B  }
0x1a: {  	_ =	swait.ge [sflag:s24], $0x1  }
0x1b: {  	[sflag:s24] =	ssyncset.done $0x0  }
0x1c: {  	s26 =	simm.s32 $0x1B8E;
	s25 =	sld [smem:$0x3FFE];
	[sflag:s24] =	ssyncadd.s32 $0xFFFFFFFF  }
0x1d: {  	s27 =	simm.s32 $execute0_lowered;
	[smem:$0x3FD2] =	sst s26  }
0x1e: {  	s5 =	sshll.u32 s27, $0x1;
	_ =	strace $0x80000049;
	[dreg:$0x1] =	wrdreg $0xFFFFFFFF  }
0x1f: {  	s28 =	simm.s32 $_size_execute0_lowered;
	s3 =	sadd.s32 s3, s5;
	[dreg:$0x0] =	wrdreg $0x0  }
0x20: {  	s5 =	sshll.u32 s28, $0x1;
	[dreg:$0x2] =	wrdreg s3  }
0x21: {  	[dreg:$0x3] =	wrdreg s5  }
0x22: {  	[dreg:$0x4] =	wrdreg $0xC0  }
0x23: {  	_ =	task [dreg:s7], $0x5FFFF  }
0x24: {  	[dreg:$0x1] =	wrdreg $0xFFFFFFFF  }
0x25: {  	[dreg:$0x0] =	wrdreg $0x60  }
0x26: {  	[dreg:$0x2] =	wrdreg s25  }
0x27: {  	[dreg:$0x3] =	wrdreg s2  }
0x28: {  	[dreg:$0x4] =	wrdreg $0x9  }
0x29: {  	_ =	task.clear_ibuf [dreg:s7], $0x5FFFF;
	_ =	strace $0x90000049  }
0x2a: {  	s29 =	simm.s32 $0x9;
	_ =	strace $0x8000004B  }
0x2b: {  	_ =	swait.ge [sflag:s29], $0x1  }
0x2c: {  	[sflag:s29] =	ssyncadd.s32 $0xFFFFFFFF  }
0x2d: {  	_ =	strace $0x9000004B  }
0x2e: {  	_ =	sfence  }
0x2f: {  	s30 =	sld [smem:$0x0];
	_ =	sdelay $0x2  }
0x30: {  	s31 =	sshll.u32 s1, $0xD;
	s1 =	sshrl.u32 s1, $0x2  }
0x31: {  	s3 =	sand.u32 $0x4000, s31;
	s1 =	sadd.s32 s1, s30  }
0x32: {  	s0 =	sor.u32 s3, s0;
	s1 =	sshll.u32 s1, $0x11  }
0x33: {  	s0 =	sor.u32 s1, s0  }
0x34: {  	s0 =	sadd.s32 $0x8F2B, s0  }
0x35: {  	[sflag:s0] =	ssyncadd.remote.s32 $0x1  }
0x36: {  	_ =	sfence.sel $0xFFFF  }
0x37: {  	[dreg:$0x0] =	wrdreg $0xFFFFFFFF;
	(pc) =	sbr.abs _section_cstart, $3  }
0x38: {  	[dreg:$0x1] =	wrdreg $0xFFFFFFFF  }
0x39: {  	_ =	task.clear_ibuf [dreg:s7], $0x2FFFF;
	_ =	strace $0x9FFFFFFF  }
0x3a: {  	(tm) =	ssettm $0x7FFFFFFF  }
0x3b: {  	_ =	shalt  }
tec
execute0_lowered:
.L_overlay_start_1:
0x0: {  	(tag) =	ssettag $0x1  }
0x1: {  	s0 =	srdreg.scid  }
0x2: {  	s1 =	sshll.u32 s0, $0x4  }
0x3: {  	s0 =	stileid.u32;
	s1 =	sand.u32 $0x10, s1  }
0x4: {  	s1 =	sor.u32 s0, s1  }
0x5: {  	s6 =	rddreg [dreg:$0x0];
	s4 =	simm.s32 $0x1;
	s2 =	sshll.u32 s1, $0x7  }
0x6: {  	s7 =	simm.s32 $0x2;
	s12 =	simm.s32 $0x0;
	s1 =	ssub.s32 $0x2000, s2  }
0x7: {  	s8 =	simm.s32 $0x10000;
	s13 =	simm.s32 $0x0;
	s3 =	sand.u32 $0xF80, s1  }
0x8: {  	s9 =	simm.s32 $0x0;
	s5 =	sshrl.u32 s1, $0xC;
	p0 =	sne.s32 s3, $0x0  }
.Ltmp0:
0x9: {  	s1 =	rddreg [dreg:$0x2];
	s4 =	simm.s32 @!p0 $0x0;
	(pc) =	sbr.rel .LBB1_1-.Ltmp0, $4  }
0xa: {  	s11 =	simm.s32 $0x0;
	s3 =	rddreg [dreg:$0x1];
	s5 =	sadd.s32 s4, s5  }
0xb: {  	_ =	strace $0x8000004A;
	s4 =	simm.s32 $0x1;
	s5 =	smul.u32 $0x64, s5  }
0xc: {  	s6 =	sadd.s32 $0xA00, s6;
	s10 =	smov.u32 s2;
	[sflag:s4] =	ssyncpa.u1 $0x0  }
0xd: {  	p0 =	por $0x0, $0x0;
	[sflag:s7] =	ssyncpa.u1 $0x0;
	s7 =	sor.u32 $0x1, s5  }
.LBB1_4:
0xe: {  	s16 =	sshll.u32 s13, $0x3;
	s17 =	sand.u32 $0x78, s13  }
0xf: {  	s30 =	sand.u32 $0xFC00, s13;
	s12 =	sshll.u32 s12, $0x10;
	s16 =	sand.u32 $0x1C00, s16  }
0x10: {  	[tilespmem:s15+$0x810 ss:$0x81] =	vst.msk $0xffff, v2;
	s31 =	sand.u32 $0x7, s13;
	s16 =	sor.u32 s17, s16;
	s17 =	sadd.s32 s3, s30  }
0x11: {  	[tilespmem:s15+$0x1020 ss:$0x81] =	vst.msk $0xffff, v0;
	s13 =	sshll.u32 s31, $0x12;
	s12 =	sadd.s32 s12, s17;
	s16 =	sshrl.u32 s16, $0x3  }
0x12: {  	[tilespmem:s15+$0x0 ss:$0x81] =	vst.msk $0xffff, v1;
	s13 =	sor.u32 $0x400, s13;
	s12 =	sadd.s32 s16, s12  }
0x13: {  	[hbm4b:s12+s13] =	stream.strided.scatter [tilespmem:s14], [sflag:$0x2], $0x2000, s8, s13, $0x20;
	[tilespmem:$0x8080] =	vst v63  }
.LBB1_5:
0x14: {  	s14 =	sadd.s32 $0x1, s9  }
0x15: {  	s12 =	sadd.s32 $0x1000, s10;
	s16 =	smov.u32 s10;
	p2 =	sgt.s32 s14, $0x63  }
0x16: {  	s16 =	smov.u32 @p2 s12  }
0x17: {  	s14 =	simm.s32 @p2 $0x0;
	p2 =	sgt.s32 s16, $0x1FFF  }
0x18: {  	s16 =	smov.u32 @p2 s2;
	p2 =	sne.s32 s11, s7  }
.Ltmp1:
0x19: {  	p1 =	slt.u32 s11, $0x2;
	(pc) =	sbr.rel @!p2 .LBB1_6-.Ltmp1, $4  }
0x1a: {  	s15 =	simm.s32 @!p1 $0x2  }
0x1b: {  	s13 =	smov.u32 s10;
	p0 =	por !p0, !p0;
	_ =	swait.ge @!p1 [sflag:s15], $0x2000  }
0x1c: {  	s12 =	smov.u32 s9;
	[sflag:s15] =	ssyncset.done @!p1 $0x0;
	s9 =	smov.u32 s14  }
0x1d: {  	s11 =	sadd.s32 $0x1, s11;
	[sflag:s15] =	ssyncadd.s32 @!p1 $0xFFFFE000;
	s10 =	smov.u32 s16  }
.LBB1_1:
0x1e: {  	p1 =	sge.u32 s11, s5  }
0x1f: {  	s14 =	sand.u32 @!p1 $0x1FFFFFF, s9  }
0x20: {  	s15 =	smulhi.u32 @!p1 $0x2762763, s14;
	_ =	sdelay $0x1  }
0x21: {  	s15 =	smul.u32 @!p1 $0x68, s15  }
0x22: {  	s16 =	sxor.u32 @!p1 $0xFFFFFFFF, s11;
	s17 =	smul.u32 @!p1 $0x680, s10  }
0x23: {  	s31 =	sadd.s32 $0xFFFFFFFF, s11;
	s16 =	sshll.u32 @!p1 s16, $0xD;
	s14 =	ssub.s32 @!p1 s14, s15  }
0x24: {  	s15 =	sand.u32 @!p1 $0x2000, s16;
	s16 =	sadd.s32 @!p1 s6, s17;
	s14 =	sshll.u32 @!p1 s14, $0x4  }
0x25: {  	s17 =	simm.s32 @!p1 $0x3400;
	s14 =	sadd.s32 @!p1 s14, s16;
	s16 =	simm.s32 @!p1 $0x40  }
0x26: {  	[tilespmem:s15], [sflag:$0x1] =	stream.strided.gather @!p1 [hbm4b:s14+s16], $0x2000, s17, s16, $0x38;
	[tilespmem:$0x8080] =	vst v63  }
0x27: {  	p1 =	sge.u32 s31, s5  }
.Ltmp2:
0x28: {  	_ = 	snop;
	(pc) =	sbr.rel @p1 .LBB1_5-.Ltmp2, $1  }
0x29: {  	_ =	sdelay $0x3  }
0x2a: {  	s14 =	simm.s32 $0x1  }
0x2b: {  	_ =	swait.ge [sflag:s4], $0x2000;
	s14 =	simm.s32 @!p0 $0x0  }
0x2c: {  	[sflag:s4] =	ssyncset.done $0x0;
	s15 =	sshll.u32 s14, $0xD  }
0x2d: {  	[sflag:s4] =	ssyncadd.s32 $0xFFFFE000;
	s18 =	sor.u32 $0x20, s15  }
0x2e: {  	s14 =	smul.u32 $0x8100, s14;
	v3 =	vld [tilespmem:s18+$0x10]  }
0x2f: {  	s30 =	sand.u32 $0x1, s11;
	v2 =	vld [tilespmem:s18+$0xFFFFFFF0]  }
0x30: {  	s15 =	smul.u32 $0x8100, s30;
	s14 =	sshrl.u32 s14, $0x2;
	v0 =	vld [tilespmem:s18+$0x0]  }
0x31: {  	v1 =	vld [tilespmem:s18+$0xFFFFFFE0];
	s16 =	sor.u32 $0x4000, s14  }
0x32: {  	s31 =	sshrl.u32 s15, $0x2;
	s15 =	sadd.s32 $0x0, s16  }
0x33: {  	s17 =	simm.s32 $0x4;
	s18 =	sadd.s32 $0x40, s18;
	s14 =	sor.u32 $0x4000, s31;
	[tilespmem:s15+$0x1830 ss:$0x81] =	vst.msk $0xffff, v3  }
.LBB1_3:
0x34: {  	v3 =	vld [tilespmem:s18+$0x10];
	p1 =	sne.s32 s17, $0x1FC;
	[tilespmem:s15+$0x810 ss:$0x81] =	vst.msk $0xffff, v2;
	s19 =	smov.u32 s17;
	s17 =	sadd.s32 $0x4, s17  }
.Ltmp3:
0x35: {  	v2 =	vld [tilespmem:s18+$0xFFFFFFF0];
	[tilespmem:s15+$0x1020 ss:$0x81] =	vst.msk $0xffff, v0;
	(pc) =	sbr.rel @p1 .LBB1_3-.Ltmp3, $4  }
0x36: {  	v0 =	vld [tilespmem:s18+$0x0];
	[tilespmem:s15+$0x0 ss:$0x81] =	vst.msk $0xffff, v1  }
0x37: {  	s15 =	sshra.s32 s19, $0x2;
	v1 =	vld [tilespmem:s18+$0xFFFFFFE0]  }
0x38: {  	s15 =	sadd.s32 s15, s16  }
0x39: {  	s18 =	sadd.s32 $0x40, s18;
	[tilespmem:s15+$0x1830 ss:$0x81] =	vst.msk $0xffff, v3  }
.Ltmp4:
0x3a: {  	_ = 	snop;
	(pc) =	sbr.rel .LBB1_4-.Ltmp4, $1  }
0x3b: {  	_ =	sdelay $0x3  }
.LBB1_6:
0x3c: {  	_ =	sfence.sel $0x180000  }
0x3d: {  	s2 =	simm.s32 $0x1;
	[bflag:$0x0] =	sbarrier.arrive $0xFFFF  }
0x3e: {  	s31 =	simm.s32 $0x2;
	[sflag:s2] =	ssyncpa.u1 $0x1  }
0x3f: {  	[sflag:s31] =	ssyncpa.u1 $0x1  }
0x40: {  	p0 =	sne.s32 s0, $0x0;
	_ =	strace $0x9000004A  }
0x41: {  	s0 =	sadd.s32 @!p0 $0x100000, s1;
	[bflag:$0x2] =	sbarrier.arrive $0xFFFF  }
0x42: {  	[sflag:s0] =	ssyncadd.tile.s32 @!p0 $0x1;
	_ =	shalt  }
.Lfunc_end1:
_tile_overlayer_lowered:
.L_overlay_start_2:
0x43: {  	(tag) =	ssettag $0x2  }
0x44: {  	s0 =	rddreg [dreg:$0x0];
	s2 =	stileid.u32  }
0x45: {  	s1 =	rddreg [dreg:$0x1];
	p0 =	sne.s32 s2, $0x0  }
0x46: {  	s3 =	rddreg [dreg:$0x2];
	[bflag:$0x3] =	sbarrier.arrive $0xFFFF;
	s2 =	simm.s32 @!p0 $0x1C01  }
0x47: {  	[timem:s3], [sflag:s2] =	dma.local @!p0 [hbm:s0], s1  }
0x48: {  	s0 =	simm.s32 @!p0 $0x1  }
0x49: {  	_ =	swait.ge @!p0 [sflag:s0], s1  }
0x4a: {  	s1 =	ssub.s32 @!p0 $0x0, s1;
	[sflag:s0] =	ssyncset.done @!p0 $0x0  }
0x4b: {  	[sflag:s0] =	ssyncadd.s32 @!p0 s1  }
0x4c: {  	[bflag:$0x3] =	sbarrier.arrive $0xFFFF  }
0x4d: {  	_ =	shalt  }

</sc_bundles>
